<compile_context>
chip_gen: v7x
topology: tpu7x:2x2x1
jax: 0.10.2.dev20260603
libtpu: 0.0.44.dev20260713+nightly
codegen_flags: <defaults>
</compile_context>

<pallas_src>
import functools

import jax
import jax.numpy as jnp
from jax import lax
from jax.experimental import pallas as pl
from jax.experimental.pallas import tpu as pltpu
from jax.experimental.pallas import tpu_sc as plsc

S, D, F, E = 2048, 768, 1536, 8
EPS = 1e-06
BALANCE_FACTOR = 1e-4
LANES = 128
BS = 256
NBR = (2 * S) // BS + E
NBS = S // BS
NBT = NBR + NBS
CAPR = NBR * BS
DUMP_BLK = NBR
CAPY = CAPR + BS



def _router_body(x_ref, nw_ref, wr_ref, bias_ref,
                 h_ref, i1_ref, i2_ref, w1_ref, w2_ref, loss_ref):
    x = x_ref[...]
    ms = jnp.mean(x * x, axis=1, keepdims=True)
    h = x * lax.rsqrt(ms + EPS) * nw_ref[...]
    nt = (((1,), (1,)), ((), ()))
    logits = lax.dot_general(h, wr_ref[...], nt,
                             preferred_element_type=jnp.float32)
    logits = logits + bias_ref[...]
    m = jnp.max(logits, axis=1, keepdims=True)
    p = jnp.exp(logits - m)
    probs = p / jnp.sum(p, axis=1, keepdims=True)
    lane = lax.broadcasted_iota(jnp.int32, probs.shape, 1)
    p1 = jnp.max(probs, axis=1, keepdims=True)
    i1 = jnp.min(jnp.where(probs == p1, lane, E - 1), axis=1, keepdims=True)
    probs2 = jnp.where(lane == i1, -1.0, probs)
    p2 = jnp.max(probs2, axis=1, keepdims=True)
    i2 = jnp.min(jnp.where(probs2 == p2, lane, E - 1), axis=1, keepdims=True)
    s = p1 + p2
    h_ref[...] = h
    i1_ref[...] = i1
    i2_ref[...] = i2
    w1_ref[...] = p1 / s
    w2_ref[...] = p2 / s
    load = jnp.sum(probs, axis=0, keepdims=True) / S
    tl = 1.0 / E
    ll = tl * (jnp.log(tl) - jnp.log(jnp.maximum(load, 1e-30)))
    loss_ref[...] = jnp.sum(ll, axis=1, keepdims=True) / E * BALANCE_FACTOR



def _sort_body(i1_hbm, i2_hbm, w1_hbm, w2_hbm,
               stok_hbm, sw_hbm, pos_hbm, bexp_hbm, inblk_hbm, outblk_hbm,
               used_hbm,
               ids_v, wv_v, rel_v, stok_v, sw_v, pos_v, startv_v,
               bexp_v, inblk_v, outblk_v, used_v):
    on = (lax.axis_index("c") == 0) & (lax.axis_index("s") == 0)

    @pl.when(on)
    def _():
        pltpu.sync_copy(i1_hbm, ids_v.at[pl.ds(0, S)])
        pltpu.sync_copy(i2_hbm, ids_v.at[pl.ds(S, S)])
        pltpu.sync_copy(w1_hbm, wv_v.at[pl.ds(0, S)])
        pltpu.sync_copy(w2_hbm, wv_v.at[pl.ds(S, S)])
        lane = lax.iota(jnp.int32, 16)

        def p1(i, cnts):
            v = ids_v[pl.ds(i * 16, 16)]
            relv = jnp.zeros(16, jnp.int32)
            new = []
            for e in range(E):
                mi = jnp.where(v == e, 1, 0)
                cs = plsc.cumsum(mi)
                relv = jnp.where(v == e, cnts[e] + cs - 1, relv)
                new.append(cnts[e] + jnp.sum(mi))
            rel_v[pl.ds(i * 16, 16)] = relv
            return tuple(new)

        cnts = lax.fori_loop(0, (2 * S) // 16, p1,
                             tuple(jnp.int32(0) for _ in range(E)))

        li0 = lane
        li1 = lane + 16
        bexp_v[pl.ds(0, 16)] = jnp.full(16, E, jnp.int32)
        bexp_v[pl.ds(16, 16)] = jnp.full(16, E, jnp.int32)
        inblk_v[pl.ds(0, 16)] = jnp.zeros(16, jnp.int32)
        inblk_v[pl.ds(16, 16)] = jnp.zeros(16, jnp.int32)
        outblk_v[pl.ds(0, 16)] = jnp.full(16, DUMP_BLK, jnp.int32)
        outblk_v[pl.ds(16, 16)] = jnp.full(16, DUMP_BLK, jnp.int32)

        blk_off = jnp.int32(0)
        startv = jnp.zeros(16, jnp.int32)
        for e in range(E):
            nb_e = jnp.right_shift(cnts[e] + (BS - 1), 8)
            mslot = li0 < nb_e
            plsc.store_scatter(bexp_v, [blk_off + li0],
                               jnp.full(16, e, jnp.int32), mask=mslot)
            plsc.store_scatter(inblk_v, [blk_off + li0], blk_off + li0,
                               mask=mslot)
            plsc.store_scatter(outblk_v, [blk_off + li0], blk_off + li0,
                               mask=mslot)
            startv = jnp.where(lane == e, blk_off * BS, startv)
            blk_off = blk_off + nb_e
        startv_v[pl.ds(0, 16)] = startv
        used_v[pl.ds(0, 16)] = jnp.zeros(16, jnp.int32) + blk_off * BS

        def init_tok(i, _):
            stok_v[pl.ds(i * 16, 16)] = jnp.zeros(16, jnp.int32)
            return 0

        lax.fori_loop(0, CAPR // 16, init_tok, 0)

        def init_w(i, _):
            sw_v[pl.ds(i * 16, 16)] = jnp.zeros(16, jnp.float32)
            return 0

        lax.fori_loop(0, CAPY // 16, init_w, 0)

        def p2(i, _):
            v = ids_v[pl.ds(i * 16, 16)]
            relv = rel_v[pl.ds(i * 16, 16)]
            offv = plsc.load_gather(startv_v, [v])
            posv = offv + relv
            j = i * 16 + lane
            tok = jnp.where(j >= S, j - S, j)
            plsc.store_scatter(stok_v, [posv], tok)
            plsc.store_scatter(sw_v, [posv], wv_v[pl.ds(i * 16, 16)])
            pos_v[pl.ds(i * 16, 16)] = posv
            return 0

        lax.fori_loop(0, (2 * S) // 16, p2, 0)

        pltpu.sync_copy(stok_v, stok_hbm)
        pltpu.sync_copy(sw_v, sw_hbm)
        pltpu.sync_copy(pos_v, pos_hbm)
        pltpu.sync_copy(bexp_v, bexp_hbm)
        pltpu.sync_copy(inblk_v, inblk_hbm)
        pltpu.sync_copy(outblk_v, outblk_hbm)
        pltpu.sync_copy(used_v, used_hbm)



GCH = 64


def _gather_body(h_hbm, stok_hbm, used_hbm, xs_hbm,
                 uv, idx_v, rows0, rows1, sem0, sem1):
    wid = lax.axis_index("s") * 2 + lax.axis_index("c")
    nch = CAPR // GCH // 32
    pltpu.sync_copy(used_hbm, uv)
    used = jnp.max(uv[pl.ds(0, 16)])
    nact = jnp.clip((used // GCH - wid + 31) // 32, 0, nch)

    def ld(j, _):
        @pl.when(j < nact)
        def _():
            pltpu.sync_copy(stok_hbm.at[pl.ds((wid + j * 32) * GCH, GCH)],
                            idx_v.at[pl.ds(j * GCH, GCH)])
        return 0

    lax.fori_loop(0, nch, ld, 0)

    @pl.when(nact > 0)
    def _():
        pltpu.async_copy(h_hbm.at[idx_v.at[pl.ds(0, GCH)]], rows0, sem0)

    def chunk(k, _):
        even = lax.rem(k, 2) == 0
        nxt = (k + 1) * GCH
        dst = (wid + k * 32) * GCH

        @pl.when(k + 1 < nact)
        def _():
            @pl.when(even)
            def _():
                pltpu.async_copy(h_hbm.at[idx_v.at[pl.ds(nxt, GCH)]],
                                 rows1, sem1)

            @pl.when(jnp.logical_not(even))
            def _():
                pltpu.async_copy(h_hbm.at[idx_v.at[pl.ds(nxt, GCH)]],
                                 rows0, sem0)

        @pl.when(even)
        def _():
            pltpu.make_async_copy(h_hbm.at[idx_v.at[pl.ds(0, GCH)]],
                                  rows0, sem0).wait()
            pltpu.sync_copy(rows0, xs_hbm.at[pl.ds(dst, GCH)])

        @pl.when(jnp.logical_not(even))
        def _():
            pltpu.make_async_copy(h_hbm.at[idx_v.at[pl.ds(0, GCH)]],
                                  rows1, sem1).wait()
            pltpu.sync_copy(rows1, xs_hbm.at[pl.ds(dst, GCH)])
        return 0

    lax.fori_loop(0, nact, chunk, 0)



def _ffn_body(bexp_s, inblk_s, outblk_s,
              xs_ref, sw_ref, ew1_ref, ew3_ref, ew2_ref, y_ref):
    i = pl.program_id(0)
    nt = (((1,), (1,)), ((), ()))

    @pl.when(outblk_s[i] != DUMP_BLK)
    def _():
        xb = xs_ref[...].astype(jnp.bfloat16)
        w1 = ew1_ref[0].astype(jnp.bfloat16)
        w3 = ew3_ref[0].astype(jnp.bfloat16)
        w2 = ew2_ref[0].astype(jnp.bfloat16)
        a = lax.dot_general(xb, w1, nt, preferred_element_type=jnp.float32)
        b = lax.dot_general(xb, w3, nt, preferred_element_type=jnp.float32)
        g = (a * (1.0 / (1.0 + jnp.exp(-a))) * b).astype(jnp.bfloat16)
        y = lax.dot_general(g, w2, nt, preferred_element_type=jnp.float32)
        y_ref[...] = y * sw_ref[...]


def _sffn_body(h_ref, x_ref, w1_ref, w3_ref, w2_ref, y_ref):
    nt = (((1,), (1,)), ((), ()))
    xb = h_ref[...].astype(jnp.bfloat16)
    w1 = w1_ref[...].astype(jnp.bfloat16)
    w3 = w3_ref[...].astype(jnp.bfloat16)
    w2 = w2_ref[...].astype(jnp.bfloat16)
    a = lax.dot_general(xb, w1, nt, preferred_element_type=jnp.float32)
    b = lax.dot_general(xb, w3, nt, preferred_element_type=jnp.float32)
    g = (a * (1.0 / (1.0 + jnp.exp(-a))) * b).astype(jnp.bfloat16)
    y = lax.dot_general(g, w2, nt, preferred_element_type=jnp.float32)
    y_ref[...] = y + x_ref[...]



CCH = 32


def _combine_body(y_hbm, ysh_hbm, pos_hbm, out_hbm,
                  i1v, i2v, r1, r2, rsh, sem):
    wid = lax.axis_index("s") * 2 + lax.axis_index("c")
    per_w = S // 32
    nch = per_w // CCH

    def chunk(k, _):
        tb = wid * per_w + k * CCH
        pltpu.sync_copy(pos_hbm.at[pl.ds(tb, CCH)], i1v)
        pltpu.sync_copy(pos_hbm.at[pl.ds(S + tb, CCH)], i2v)
        cp1 = pltpu.async_copy(y_hbm.at[i1v], r1, sem)
        cp2 = pltpu.async_copy(y_hbm.at[i2v], r2, sem)
        cp3 = pltpu.async_copy(ysh_hbm.at[pl.ds(tb, CCH)], rsh, sem)
        cp1.wait()
        cp2.wait()
        cp3.wait()

        def row(r, _):
            for c in range(D // 16):
                cq = c * 16
                a = (r1[r, pl.ds(cq, 16)] + r2[r, pl.ds(cq, 16)]
                     + rsh[r, pl.ds(cq, 16)])
                r1[r, pl.ds(cq, 16)] = a
            return 0

        lax.fori_loop(0, CCH, row, 0)
        pltpu.sync_copy(r1, out_hbm.at[pl.ds(tb, CCH)])
        return 0

    lax.fori_loop(0, nch, chunk, 0)



@functools.lru_cache(maxsize=None)
def _sc_kernels():
    mesh = plsc.VectorSubcoreMesh(core_axis_name="c", subcore_axis_name="s")
    sort_kernel = pl.kernel(
        _sort_body,
        name="sc_sort",
    out_type=(
        jax.ShapeDtypeStruct((CAPR,), jnp.int32),
        jax.ShapeDtypeStruct((CAPY,), jnp.float32),
        jax.ShapeDtypeStruct((2 * S,), jnp.int32),
        jax.ShapeDtypeStruct((NBT,), jnp.int32),
        jax.ShapeDtypeStruct((NBT,), jnp.int32),
        jax.ShapeDtypeStruct((NBT,), jnp.int32),
        jax.ShapeDtypeStruct((16,), jnp.int32),
    ),
        mesh=mesh,
        compiler_params=pltpu.CompilerParams(needs_layout_passes=False),
        scratch_types=[
            pltpu.VMEM((2 * S,), jnp.int32),
            pltpu.VMEM((2 * S,), jnp.float32),
            pltpu.VMEM((2 * S,), jnp.int32),
            pltpu.VMEM((CAPR,), jnp.int32),
            pltpu.VMEM((CAPY,), jnp.float32),
            pltpu.VMEM((2 * S,), jnp.int32),
            pltpu.VMEM((16,), jnp.int32),
            pltpu.VMEM((NBT,), jnp.int32),
            pltpu.VMEM((NBT,), jnp.int32),
            pltpu.VMEM((NBT,), jnp.int32),
            pltpu.VMEM((16,), jnp.int32),
        ],
    )
    gather_kernel = pl.kernel(
        _gather_body,
    out_type=jax.ShapeDtypeStruct((CAPR, D), jnp.float32),
        mesh=mesh,
        name="sc_gather",
        compiler_params=pltpu.CompilerParams(needs_layout_passes=False),
        scratch_types=[
            pltpu.VMEM((16,), jnp.int32),
            pltpu.VMEM((CAPR // 32,), jnp.int32),
            pltpu.VMEM((GCH, D), jnp.float32),
            pltpu.VMEM((GCH, D), jnp.float32),
            pltpu.SemaphoreType.DMA,
            pltpu.SemaphoreType.DMA,
        ],
    )
    combine_kernel = pl.kernel(
        _combine_body,
    out_type=jax.ShapeDtypeStruct((S, D), jnp.float32),
        mesh=mesh,
        name="sc_combine",
        compiler_params=pltpu.CompilerParams(needs_layout_passes=False),
        scratch_types=[
            pltpu.VMEM((CCH,), jnp.int32),
            pltpu.VMEM((CCH,), jnp.int32),
            pltpu.VMEM((CCH, D), jnp.float32),
            pltpu.VMEM((CCH, D), jnp.float32),
            pltpu.VMEM((CCH, D), jnp.float32),
            pltpu.SemaphoreType.DMA,
        ],
    )
    return sort_kernel, gather_kernel, combine_kernel


@jax.jit
def kernel(hidden_states, norm_weight, router_weight, expert_bias,
           sw1, sw2, sw3, ew1, ew2, ew3):
    x = hidden_states.reshape(S, D)
    nw = norm_weight.reshape(1, D)

    h, i1, i2, w1, w2, loss = pl.pallas_call(
        _router_body,
        name="tc_router",
        out_shape=(
            jax.ShapeDtypeStruct((S, D), jnp.float32),
            jax.ShapeDtypeStruct((S, 1), jnp.int32),
            jax.ShapeDtypeStruct((S, 1), jnp.int32),
            jax.ShapeDtypeStruct((S, 1), jnp.float32),
            jax.ShapeDtypeStruct((S, 1), jnp.float32),
            jax.ShapeDtypeStruct((1, 1), jnp.float32),
        ),
    )(x, nw, router_weight, expert_bias.reshape(1, E))

    sort_kernel, gather_kernel, combine_kernel = _sc_kernels()
    stok, swt, posf, bexp, inblk, outblk, used = sort_kernel(
        i1.reshape(S), i2.reshape(S), w1.reshape(S), w2.reshape(S))
    xs = gather_kernel(h, stok, used)

    ysh = pl.pallas_call(
        _sffn_body,
        name="tc_sffn",
        grid=(NBS,),
        in_specs=[
            pl.BlockSpec((BS, D), lambda i: (i, 0)),
            pl.BlockSpec((BS, D), lambda i: (i, 0)),
            pl.BlockSpec((F, D), lambda i: (0, 0)),
            pl.BlockSpec((F, D), lambda i: (0, 0)),
            pl.BlockSpec((D, F), lambda i: (0, 0)),
        ],
        out_specs=pl.BlockSpec((BS, D), lambda i: (i, 0)),
        out_shape=jax.ShapeDtypeStruct((S, D), jnp.float32),
    )(h, x, sw1, sw3, sw2)

    y = pl.pallas_call(
        _ffn_body,
        name="tc_ffn",
        grid_spec=pltpu.PrefetchScalarGridSpec(
            num_scalar_prefetch=3,
            grid=(NBR,),
            in_specs=[
                pl.BlockSpec((BS, D), lambda i, b, ib, ob: (ib[i], 0)),
                pl.BlockSpec((BS, 1), lambda i, b, ib, ob: (ob[i], 0)),
                pl.BlockSpec((1, F, D),
                             lambda i, b, ib, ob: (jnp.minimum(b[i], E - 1), 0, 0)),
                pl.BlockSpec((1, F, D),
                             lambda i, b, ib, ob: (jnp.minimum(b[i], E - 1), 0, 0)),
                pl.BlockSpec((1, D, F),
                             lambda i, b, ib, ob: (jnp.minimum(b[i], E - 1), 0, 0)),
            ],
            out_specs=pl.BlockSpec((BS, D), lambda i, b, ib, ob: (ob[i], 0)),
        ),
        out_shape=jax.ShapeDtypeStruct((CAPY, D), jnp.float32),
    )(bexp, inblk, outblk, xs, swt.reshape(CAPY, 1), ew1, ew3, ew2)

    out = combine_kernel(y, ysh, posf)
    return out.reshape(1, S, D), loss.reshape(())

# --- scband reference (transcript-rebuilt; emitter-appended) ---
"""Pipeline reference for scband-deep-seek-mini-85504208929569 (READ-ONLY COPY).

The authoritative reference and input builder live on the scoring server;
editing this copy changes nothing except your own understanding.
"""

import jax, jax.numpy as jnp
import numpy as np

B, S, D, F, E, K = 1, 2048, 768, 1536, 8, 2
EPS = 1e-06
BALANCE_FACTOR = 1e-4

def setup_inputs(seed: int = 0) -> dict:
    key = jax.random.key(seed)
    ks = jax.random.split(key, 10)
    std = 0.02
    inp = {
        'hidden_states': jax.random.normal(ks[0], (B, S, D), dtype=jnp.float32),
        'norm_weight': jnp.ones((D,), dtype=jnp.float32),
        'router_weight': jax.random.normal(ks[1], (E, D), dtype=jnp.float32) * std,
        'expert_bias': jnp.zeros((E,), dtype=jnp.float32),
        'sw1': jax.random.normal(ks[2], (F, D), dtype=jnp.float32) * std,
        'sw2': jax.random.normal(ks[3], (D, F), dtype=jnp.float32) * std,
        'sw3': jax.random.normal(ks[4], (F, D), dtype=jnp.float32) * std,
        'ew1': jax.random.normal(ks[5], (E, F, D), dtype=jnp.float32) * std,
        'ew2': jax.random.normal(ks[6], (E, D, F), dtype=jnp.float32) * std,
        'ew3': jax.random.normal(ks[7], (E, F, D), dtype=jnp.float32) * std,
    }
    return inp

def _rmsnorm(x, w):
    return w * (x * jax.lax.rsqrt(jnp.mean(x * x, axis=-1, keepdims=True) + EPS))

def _ffn(z, w1, w2, w3):
    # torch nn.Linear: y = z @ W.T
    return (jax.nn.silu(z @ w1.T) * (z @ w3.T)) @ w2.T

def reference(hidden_states, norm_weight, router_weight, expert_bias, sw1, sw2, sw3, ew1, ew2, ew3):
    residual = hidden_states
    h = _rmsnorm(hidden_states, norm_weight)
    # Router
    router_logits = jnp.einsum('bsd,ed->bse', h, router_weight) + expert_bias[None, None, :]
    router_probs = jax.nn.softmax(router_logits, axis=-1)
    top_k_probs, top_k_indices = jax.lax.top_k(router_probs, K)
    top_k_probs = top_k_probs / jnp.sum(top_k_probs, axis=-1, keepdims=True)
    dispatch_mask = jnp.zeros_like(router_probs)
    b_idx = jnp.arange(B)[:, None, None]
    s_idx = jnp.arange(S)[None, :, None]
    dispatch_mask = dispatch_mask.at[b_idx, s_idx, top_k_indices].set(top_k_probs)
    expert_load = jnp.mean(router_probs, axis=(0, 1))
    target_load = jnp.ones_like(expert_load) / E
    # F.kl_div(expert_load.log(), target_load, reduction='batchmean') = sum(t*(log t - log p)) / E
    balance_loss = jnp.sum(target_load * (jnp.log(target_load) - jnp.log(expert_load))) / E
    balance_loss = balance_loss * BALANCE_FACTOR
    # Shared expert
    shared_output = _ffn(h, sw1, sw2, sw3)
    # Routed experts: dense-compute all experts, weight by dispatch mask (math-equivalent
    # to torch's sparse per-expert gather since mask is zero for unrouted tokens)
    flat_h = h.reshape(-1, D)
    flat_mask = dispatch_mask.reshape(-1, E)
    h1 = jnp.einsum('td,efd->etf', flat_h, ew1)
    h3 = jnp.einsum('td,efd->etf', flat_h, ew3)
    eo = jnp.einsum('etf,edf->etd', jax.nn.silu(h1) * h3, ew2)
    expert_output = jnp.einsum('etd,te->td', eo, flat_mask).reshape(B, S, D)
    output = shared_output + expert_output
    return (output + residual, balance_loss)

if False:  # reference __main__ guard neutralized (emitter)
    out = reference(**setup_inputs())
    print(out[0].shape, out[1])

if __name__ == "__main__":
    import jax
    _d = setup_inputs()
    print(jax.jit(kernel)(*tuple(_d.values())))

</pallas_src>

<mosaic_0001>
#map = affine_map<(d0, d1) -> (0)>
module attributes {stable_mosaic.version = 14 : i64} {
  func.func @sc_sort(%arg0: i32, %arg1: i32, %arg2: memref<2048xi32, #tpu.memory_space<hbm>>, %arg3: memref<2048xi32, #tpu.memory_space<hbm>>, %arg4: memref<2048xf32, #tpu.memory_space<hbm>>, %arg5: memref<2048xf32, #tpu.memory_space<hbm>>, %arg6: memref<6144xi32, #tpu.memory_space<hbm>>, %arg7: memref<6400xf32, #tpu.memory_space<hbm>>, %arg8: memref<4096xi32, #tpu.memory_space<hbm>>, %arg9: memref<32xi32, #tpu.memory_space<hbm>>, %arg10: memref<32xi32, #tpu.memory_space<hbm>>, %arg11: memref<32xi32, #tpu.memory_space<hbm>>, %arg12: memref<16xi32, #tpu.memory_space<hbm>>, %arg13: memref<4096xi32, #tpu.memory_space<vmem>>, %arg14: memref<4096xf32, #tpu.memory_space<vmem>>, %arg15: memref<4096xi32, #tpu.memory_space<vmem>>, %arg16: memref<6144xi32, #tpu.memory_space<vmem>>, %arg17: memref<6400xf32, #tpu.memory_space<vmem>>, %arg18: memref<4096xi32, #tpu.memory_space<vmem>>, %arg19: memref<16xi32, #tpu.memory_space<vmem>>, %arg20: memref<32xi32, #tpu.memory_space<vmem>>, %arg21: memref<32xi32, #tpu.memory_space<vmem>>, %arg22: memref<32xi32, #tpu.memory_space<vmem>>, %arg23: memref<16xi32, #tpu.memory_space<vmem>>) attributes {dimension_semantics = [#tpu.dimension_semantics<core_parallel>, #tpu.dimension_semantics<subcore_parallel>], iteration_bounds = array<i64: 2, 16>, scalar_prefetch = 0 : i64, scratch_operands = 11 : i64, tpu.core_type = #tpu.core_type<sc_vector_subcore>, window_params = [{transform_indices = #map}, {transform_indices = #map}, {transform_indices = #map}, {transform_indices = #map}, {transform_indices = #map}, {transform_indices = #map}, {transform_indices = #map}, {transform_indices = #map}, {transform_indices = #map}, {transform_indices = #map}, {transform_indices = #map}]} {
    %eq3A = arith.constant 0 : i32
    %eq3A_0 = arith.cmpi eq, %arg0, %eq3A : i32
    %eq3A_1 = arith.constant 0 : i32
    %eq3A_2 = arith.cmpi eq, %arg1, %eq3A_1 : i32
    %and3A = arith.andi %eq3A_0, %eq3A_2 : i1
    %convert_element_type3A = arith.extui %and3A : i1 to i32
    %cond3A = arith.constant 0 : i32
    %cond3A_3 = arith.cmpi ne, %convert_element_type3A, %cond3A : i32
    scf.if %cond3A_3 {
      "tpu.region"() ({
        %run_scoped3A = tpu.sem_alloc : memref<!tpu.dma_semaphore, #tpu.memory_space<semaphore_mem>>
        %dma_start3A = arith.constant 0 : i32
        %dma_start3A_285 = tpu.memref_slice %arg13[%dma_start3A] : memref<4096xi32, #tpu.memory_space<vmem>> -> memref<2048xi32, #tpu.memory_space<vmem>>
        %dma_start3A_286 = arith.constant 0 : i32
        %dma_start3A_287 = tpu.memref_slice %arg13[%dma_start3A_286] : memref<4096xi32, #tpu.memory_space<vmem>> -> memref<2048xi32, #tpu.memory_space<vmem>>
        tpu.enqueue_dma source(%arg2 : memref<2048xi32, #tpu.memory_space<hbm>>) target(%dma_start3A_287 : memref<2048xi32, #tpu.memory_space<vmem>>) target_semaphore(%run_scoped3A : memref<!tpu.dma_semaphore, #tpu.memory_space<semaphore_mem>>)
        %dma_wait3A = arith.constant 0 : i32
        %dma_wait3A_288 = tpu.memref_slice %arg13[%dma_wait3A] : memref<4096xi32, #tpu.memory_space<vmem>> -> memref<2048xi32, #tpu.memory_space<vmem>>
        %dma_wait3A_289 = arith.constant 0 : i32
        %dma_wait3A_290 = tpu.memref_slice %arg13[%dma_wait3A_289] : memref<4096xi32, #tpu.memory_space<vmem>> -> memref<2048xi32, #tpu.memory_space<vmem>>
        tpu.wait_dma2 semaphore(%run_scoped3A : memref<!tpu.dma_semaphore, #tpu.memory_space<semaphore_mem>>) src(%arg2 : memref<2048xi32, #tpu.memory_space<hbm>>) dst(%dma_wait3A_290 : memref<2048xi32, #tpu.memory_space<vmem>>)
        tpu.yield
      }) : () -> ()
      "tpu.region"() ({
        %run_scoped3A = tpu.sem_alloc : memref<!tpu.dma_semaphore, #tpu.memory_space<semaphore_mem>>
        %dma_start3A = arith.constant 2048 : i32
        %dma_start3A_285 = tpu.memref_slice %arg13[%dma_start3A] : memref<4096xi32, #tpu.memory_space<vmem>> -> memref<2048xi32, #tpu.memory_space<vmem>>
        %dma_start3A_286 = arith.constant 2048 : i32
        %dma_start3A_287 = tpu.memref_slice %arg13[%dma_start3A_286] : memref<4096xi32, #tpu.memory_space<vmem>> -> memref<2048xi32, #tpu.memory_space<vmem>>
        tpu.enqueue_dma source(%arg3 : memref<2048xi32, #tpu.memory_space<hbm>>) target(%dma_start3A_287 : memref<2048xi32, #tpu.memory_space<vmem>>) target_semaphore(%run_scoped3A : memref<!tpu.dma_semaphore, #tpu.memory_space<semaphore_mem>>)
        %dma_wait3A = arith.constant 2048 : i32
        %dma_wait3A_288 = tpu.memref_slice %arg13[%dma_wait3A] : memref<4096xi32, #tpu.memory_space<vmem>> -> memref<2048xi32, #tpu.memory_space<vmem>>
        %dma_wait3A_289 = arith.constant 2048 : i32
        %dma_wait3A_290 = tpu.memref_slice %arg13[%dma_wait3A_289] : memref<4096xi32, #tpu.memory_space<vmem>> -> memref<2048xi32, #tpu.memory_space<vmem>>
        tpu.wait_dma2 semaphore(%run_scoped3A : memref<!tpu.dma_semaphore, #tpu.memory_space<semaphore_mem>>) src(%arg3 : memref<2048xi32, #tpu.memory_space<hbm>>) dst(%dma_wait3A_290 : memref<2048xi32, #tpu.memory_space<vmem>>)
        tpu.yield
      }) : () -> ()
      "tpu.region"() ({
        %run_scoped3A = tpu.sem_alloc : memref<!tpu.dma_semaphore, #tpu.memory_space<semaphore_mem>>
        %dma_start3A = arith.constant 0 : i32
        %dma_start3A_285 = tpu.memref_slice %arg14[%dma_start3A] : memref<4096xf32, #tpu.memory_space<vmem>> -> memref<2048xf32, #tpu.memory_space<vmem>>
        %dma_start3A_286 = arith.constant 0 : i32
        %dma_start3A_287 = tpu.memref_slice %arg14[%dma_start3A_286] : memref<4096xf32, #tpu.memory_space<vmem>> -> memref<2048xf32, #tpu.memory_space<vmem>>
        tpu.enqueue_dma source(%arg4 : memref<2048xf32, #tpu.memory_space<hbm>>) target(%dma_start3A_287 : memref<2048xf32, #tpu.memory_space<vmem>>) target_semaphore(%run_scoped3A : memref<!tpu.dma_semaphore, #tpu.memory_space<semaphore_mem>>)
        %dma_wait3A = arith.constant 0 : i32
        %dma_wait3A_288 = tpu.memref_slice %arg14[%dma_wait3A] : memref<4096xf32, #tpu.memory_space<vmem>> -> memref<2048xf32, #tpu.memory_space<vmem>>
        %dma_wait3A_289 = arith.constant 0 : i32
        %dma_wait3A_290 = tpu.memref_slice %arg14[%dma_wait3A_289] : memref<4096xf32, #tpu.memory_space<vmem>> -> memref<2048xf32, #tpu.memory_space<vmem>>
        tpu.wait_dma2 semaphore(%run_scoped3A : memref<!tpu.dma_semaphore, #tpu.memory_space<semaphore_mem>>) src(%arg4 : memref<2048xf32, #tpu.memory_space<hbm>>) dst(%dma_wait3A_290 : memref<2048xf32, #tpu.memory_space<vmem>>)
        tpu.yield
      }) : () -> ()
      "tpu.region"() ({
        %run_scoped3A = tpu.sem_alloc : memref<!tpu.dma_semaphore, #tpu.memory_space<semaphore_mem>>
        %dma_start3A = arith.constant 2048 : i32
        %dma_start3A_285 = tpu.memref_slice %arg14[%dma_start3A] : memref<4096xf32, #tpu.memory_space<vmem>> -> memref<2048xf32, #tpu.memory_space<vmem>>
        %dma_start3A_286 = arith.constant 2048 : i32
        %dma_start3A_287 = tpu.memref_slice %arg14[%dma_start3A_286] : memref<4096xf32, #tpu.memory_space<vmem>> -> memref<2048xf32, #tpu.memory_space<vmem>>
        tpu.enqueue_dma source(%arg5 : memref<2048xf32, #tpu.memory_space<hbm>>) target(%dma_start3A_287 : memref<2048xf32, #tpu.memory_space<vmem>>) target_semaphore(%run_scoped3A : memref<!tpu.dma_semaphore, #tpu.memory_space<semaphore_mem>>)
        %dma_wait3A = arith.constant 2048 : i32
        %dma_wait3A_288 = tpu.memref_slice %arg14[%dma_wait3A] : memref<4096xf32, #tpu.memory_space<vmem>> -> memref<2048xf32, #tpu.memory_space<vmem>>
        %dma_wait3A_289 = arith.constant 2048 : i32
        %dma_wait3A_290 = tpu.memref_slice %arg14[%dma_wait3A_289] : memref<4096xf32, #tpu.memory_space<vmem>> -> memref<2048xf32, #tpu.memory_space<vmem>>
        tpu.wait_dma2 semaphore(%run_scoped3A : memref<!tpu.dma_semaphore, #tpu.memory_space<semaphore_mem>>) src(%arg5 : memref<2048xf32, #tpu.memory_space<hbm>>) dst(%dma_wait3A_290 : memref<2048xf32, #tpu.memory_space<vmem>>)
        tpu.yield
      }) : () -> ()
      %iota3A = tpu.iota {dimensions = array<i32: 0>} : vector<16xi32>
      %scan3A = arith.constant 0 : i32
      %scan3A_4 = arith.constant 0 : i32
      %scan3A_5 = arith.constant 0 : i32
      %scan3A_6 = arith.constant 0 : i32
      %scan3A_7 = arith.constant 0 : i32
      %scan3A_8 = arith.constant 0 : i32
      %scan3A_9 = arith.constant 0 : i32
      %scan3A_10 = arith.constant 0 : i32
      %scan3A_11 = arith.constant 0 : i32
      %scan3A_12 = arith.constant 256 : i32
      %scan3A_13 = arith.addi %scan3A_11, %scan3A_12 : i32
      %scan3A_14 = arith.constant 1 : i32
      %scan3A_15:8 = scf.for %scan3A_285 = %scan3A_11 to %scan3A_13 step %scan3A_14 iter_args(%scan3A_286 = %scan3A, %scan3A_287 = %scan3A_4, %scan3A_288 = %scan3A_5, %scan3A_289 = %scan3A_6, %scan3A_290 = %scan3A_7, %scan3A_291 = %scan3A_8, %scan3A_292 = %scan3A_9, %scan3A_293 = %scan3A_10) -> (i32, i32, i32, i32, i32, i32, i32, i32)  : i32 {
        %mul3A_294 = arith.constant 16 : i32
        %mul3A_295 = arith.muli %scan3A_285, %mul3A_294 : i32
        %get3A = arith.index_cast %mul3A_295 : i32 to index
        %get3A_296 = tpu.vector_load %arg13[%get3A] {strides = array<i32>} : memref<4096xi32, #tpu.memory_space<vmem>>, vector<16xi32>,
        %broadcast_in_dim3A_297 = arith.constant 0 : i32
        %broadcast_in_dim3A_298 = vector.broadcast %broadcast_in_dim3A_297 : i32 to vector<16xi32>
        %eq3A_299 = arith.constant 0 : i32
        %eq3A_300 = vector.broadcast %eq3A_299 : i32 to vector<16xi32>
        %eq3A_301 = arith.cmpi eq, %get3A_296, %eq3A_300 : vector<16xi32>
        %jit3A = arith.constant 1 : i32
        %jit3A_302 = arith.constant 0 : i32
        %broadcast_in_dim3A_303 = vector.broadcast %jit3A : i32 to vector<16xi32>
        %broadcast_in_dim3A_304 = vector.broadcast %jit3A_302 : i32 to vector<16xi32>
        %select_n3A_305 = arith.select %eq3A_301, %broadcast_in_dim3A_303, %broadcast_in_dim3A_304 : vector<16xi1>, vector<16xi32>
        %broadcast_in_dim3A_306 = arith.constant true
        %broadcast_in_dim3A_307 = vector.broadcast %broadcast_in_dim3A_306 : i1 to vector<16xi1>
        %masked_cumsum3A = tpu.scan <sum>, %select_n3A_305 masked %broadcast_in_dim3A_307 : vector<16xi32>, vector<16xi1> -> vector<16xi32>
        %eq3A_308 = arith.constant 0 : i32
        %eq3A_309 = vector.broadcast %eq3A_308 : i32 to vector<16xi32>
        %eq3A_310 = arith.cmpi eq, %get3A_296, %eq3A_309 : vector<16xi32>
        %add3A_311 = vector.broadcast %scan3A_286 : i32 to vector<16xi32>
        %add3A_312 = arith.addi %add3A_311, %masked_cumsum3A : vector<16xi32>
        %sub3A = arith.constant 1 : i32
        %sub3A_313 = vector.broadcast %sub3A : i32 to vector<16xi32>
        %sub3A_314 = arith.subi %add3A_312, %sub3A_313 : vector<16xi32>
        %select_n3A_315 = arith.select %eq3A_310, %sub3A_314, %broadcast_in_dim3A_298 : vector<16xi1>, vector<16xi32>
        %reduce_sum3A = arith.constant true
        %reduce_sum3A_316 = vector.broadcast %reduce_sum3A : i1 to vector<16xi1>
        %reduce_sum3A_317 = tpu.scan <sum>, %select_n3A_305 masked %reduce_sum3A_316 : vector<16xi32>, vector<16xi1> -> vector<16xi32>
        %reduce_sum3A_318 = vector.extract %reduce_sum3A_317[15] : i32 from vector<16xi32>
        %add3A_319 = arith.addi %scan3A_286, %reduce_sum3A_318 : i32
        %eq3A_320 = arith.constant 1 : i32
        %eq3A_321 = vector.broadcast %eq3A_320 : i32 to vector<16xi32>
        %eq3A_322 = arith.cmpi eq, %get3A_296, %eq3A_321 : vector<16xi32>
        %jit3A_323 = arith.constant 1 : i32
        %jit3A_324 = arith.constant 0 : i32
        %broadcast_in_dim3A_325 = vector.broadcast %jit3A_323 : i32 to vector<16xi32>
        %broadcast_in_dim3A_326 = vector.broadcast %jit3A_324 : i32 to vector<16xi32>
        %select_n3A_327 = arith.select %eq3A_322, %broadcast_in_dim3A_325, %broadcast_in_dim3A_326 : vector<16xi1>, vector<16xi32>
        %broadcast_in_dim3A_328 = arith.constant true
        %broadcast_in_dim3A_329 = vector.broadcast %broadcast_in_dim3A_328 : i1 to vector<16xi1>
        %masked_cumsum3A_330 = tpu.scan <sum>, %select_n3A_327 masked %broadcast_in_dim3A_329 : vector<16xi32>, vector<16xi1> -> vector<16xi32>
        %eq3A_331 = arith.constant 1 : i32
        %eq3A_332 = vector.broadcast %eq3A_331 : i32 to vector<16xi32>
        %eq3A_333 = arith.cmpi eq, %get3A_296, %eq3A_332 : vector<16xi32>
        %add3A_334 = vector.broadcast %scan3A_287 : i32 to vector<16xi32>
        %add3A_335 = arith.addi %add3A_334, %masked_cumsum3A_330 : vector<16xi32>
        %sub3A_336 = arith.constant 1 : i32
        %sub3A_337 = vector.broadcast %sub3A_336 : i32 to vector<16xi32>
        %sub3A_338 = arith.subi %add3A_335, %sub3A_337 : vector<16xi32>
        %select_n3A_339 = arith.select %eq3A_333, %sub3A_338, %select_n3A_315 : vector<16xi1>, vector<16xi32>
        %reduce_sum3A_340 = arith.constant true
        %reduce_sum3A_341 = vector.broadcast %reduce_sum3A_340 : i1 to vector<16xi1>
        %reduce_sum3A_342 = tpu.scan <sum>, %select_n3A_327 masked %reduce_sum3A_341 : vector<16xi32>, vector<16xi1> -> vector<16xi32>
        %reduce_sum3A_343 = vector.extract %reduce_sum3A_342[15] : i32 from vector<16xi32>
        %add3A_344 = arith.addi %scan3A_287, %reduce_sum3A_343 : i32
        %eq3A_345 = arith.constant 2 : i32
        %eq3A_346 = vector.broadcast %eq3A_345 : i32 to vector<16xi32>
        %eq3A_347 = arith.cmpi eq, %get3A_296, %eq3A_346 : vector<16xi32>
        %jit3A_348 = arith.constant 1 : i32
        %jit3A_349 = arith.constant 0 : i32
        %broadcast_in_dim3A_350 = vector.broadcast %jit3A_348 : i32 to vector<16xi32>
        %broadcast_in_dim3A_351 = vector.broadcast %jit3A_349 : i32 to vector<16xi32>
        %select_n3A_352 = arith.select %eq3A_347, %broadcast_in_dim3A_350, %broadcast_in_dim3A_351 : vector<16xi1>, vector<16xi32>
        %broadcast_in_dim3A_353 = arith.constant true
        %broadcast_in_dim3A_354 = vector.broadcast %broadcast_in_dim3A_353 : i1 to vector<16xi1>
        %masked_cumsum3A_355 = tpu.scan <sum>, %select_n3A_352 masked %broadcast_in_dim3A_354 : vector<16xi32>, vector<16xi1> -> vector<16xi32>
        %eq3A_356 = arith.constant 2 : i32
        %eq3A_357 = vector.broadcast %eq3A_356 : i32 to vector<16xi32>
        %eq3A_358 = arith.cmpi eq, %get3A_296, %eq3A_357 : vector<16xi32>
        %add3A_359 = vector.broadcast %scan3A_288 : i32 to vector<16xi32>
        %add3A_360 = arith.addi %add3A_359, %masked_cumsum3A_355 : vector<16xi32>
        %sub3A_361 = arith.constant 1 : i32
        %sub3A_362 = vector.broadcast %sub3A_361 : i32 to vector<16xi32>
        %sub3A_363 = arith.subi %add3A_360, %sub3A_362 : vector<16xi32>
        %select_n3A_364 = arith.select %eq3A_358, %sub3A_363, %select_n3A_339 : vector<16xi1>, vector<16xi32>
        %reduce_sum3A_365 = arith.constant true
        %reduce_sum3A_366 = vector.broadcast %reduce_sum3A_365 : i1 to vector<16xi1>
        %reduce_sum3A_367 = tpu.scan <sum>, %select_n3A_352 masked %reduce_sum3A_366 : vector<16xi32>, vector<16xi1> -> vector<16xi32>
        %reduce_sum3A_368 = vector.extract %reduce_sum3A_367[15] : i32 from vector<16xi32>
        %add3A_369 = arith.addi %scan3A_288, %reduce_sum3A_368 : i32
        %eq3A_370 = arith.constant 3 : i32
        %eq3A_371 = vector.broadcast %eq3A_370 : i32 to vector<16xi32>
        %eq3A_372 = arith.cmpi eq, %get3A_296, %eq3A_371 : vector<16xi32>
        %jit3A_373 = arith.constant 1 : i32
        %jit3A_374 = arith.constant 0 : i32
        %broadcast_in_dim3A_375 = vector.broadcast %jit3A_373 : i32 to vector<16xi32>
        %broadcast_in_dim3A_376 = vector.broadcast %jit3A_374 : i32 to vector<16xi32>
        %select_n3A_377 = arith.select %eq3A_372, %broadcast_in_dim3A_375, %broadcast_in_dim3A_376 : vector<16xi1>, vector<16xi32>
        %broadcast_in_dim3A_378 = arith.constant true
        %broadcast_in_dim3A_379 = vector.broadcast %broadcast_in_dim3A_378 : i1 to vector<16xi1>
        %masked_cumsum3A_380 = tpu.scan <sum>, %select_n3A_377 masked %broadcast_in_dim3A_379 : vector<16xi32>, vector<16xi1> -> vector<16xi32>
        %eq3A_381 = arith.constant 3 : i32
        %eq3A_382 = vector.broadcast %eq3A_381 : i32 to vector<16xi32>
        %eq3A_383 = arith.cmpi eq, %get3A_296, %eq3A_382 : vector<16xi32>
        %add3A_384 = vector.broadcast %scan3A_289 : i32 to vector<16xi32>
        %add3A_385 = arith.addi %add3A_384, %masked_cumsum3A_380 : vector<16xi32>
        %sub3A_386 = arith.constant 1 : i32
        %sub3A_387 = vector.broadcast %sub3A_386 : i32 to vector<16xi32>
        %sub3A_388 = arith.subi %add3A_385, %sub3A_387 : vector<16xi32>
        %select_n3A_389 = arith.select %eq3A_383, %sub3A_388, %select_n3A_364 : vector<16xi1>, vector<16xi32>
        %reduce_sum3A_390 = arith.constant true
        %reduce_sum3A_391 = vector.broadcast %reduce_sum3A_390 : i1 to vector<16xi1>
        %reduce_sum3A_392 = tpu.scan <sum>, %select_n3A_377 masked %reduce_sum3A_391 : vector<16xi32>, vector<16xi1> -> vector<16xi32>
        %reduce_sum3A_393 = vector.extract %reduce_sum3A_392[15] : i32 from vector<16xi32>
        %add3A_394 = arith.addi %scan3A_289, %reduce_sum3A_393 : i32
        %eq3A_395 = arith.constant 4 : i32
        %eq3A_396 = vector.broadcast %eq3A_395 : i32 to vector<16xi32>
        %eq3A_397 = arith.cmpi eq, %get3A_296, %eq3A_396 : vector<16xi32>
        %jit3A_398 = arith.constant 1 : i32
        %jit3A_399 = arith.constant 0 : i32
        %broadcast_in_dim3A_400 = vector.broadcast %jit3A_398 : i32 to vector<16xi32>
        %broadcast_in_dim3A_401 = vector.broadcast %jit3A_399 : i32 to vector<16xi32>
        %select_n3A_402 = arith.select %eq3A_397, %broadcast_in_dim3A_400, %broadcast_in_dim3A_401 : vector<16xi1>, vector<16xi32>
        %broadcast_in_dim3A_403 = arith.constant true
        %broadcast_in_dim3A_404 = vector.broadcast %broadcast_in_dim3A_403 : i1 to vector<16xi1>
        %masked_cumsum3A_405 = tpu.scan <sum>, %select_n3A_402 masked %broadcast_in_dim3A_404 : vector<16xi32>, vector<16xi1> -> vector<16xi32>
        %eq3A_406 = arith.constant 4 : i32
        %eq3A_407 = vector.broadcast %eq3A_406 : i32 to vector<16xi32>
        %eq3A_408 = arith.cmpi eq, %get3A_296, %eq3A_407 : vector<16xi32>
        %add3A_409 = vector.broadcast %scan3A_290 : i32 to vector<16xi32>
        %add3A_410 = arith.addi %add3A_409, %masked_cumsum3A_405 : vector<16xi32>
        %sub3A_411 = arith.constant 1 : i32
        %sub3A_412 = vector.broadcast %sub3A_411 : i32 to vector<16xi32>
        %sub3A_413 = arith.subi %add3A_410, %sub3A_412 : vector<16xi32>
        %select_n3A_414 = arith.select %eq3A_408, %sub3A_413, %select_n3A_389 : vector<16xi1>, vector<16xi32>
        %reduce_sum3A_415 = arith.constant true
        %reduce_sum3A_416 = vector.broadcast %reduce_sum3A_415 : i1 to vector<16xi1>
        %reduce_sum3A_417 = tpu.scan <sum>, %select_n3A_402 masked %reduce_sum3A_416 : vector<16xi32>, vector<16xi1> -> vector<16xi32>
        %reduce_sum3A_418 = vector.extract %reduce_sum3A_417[15] : i32 from vector<16xi32>
        %add3A_419 = arith.addi %scan3A_290, %reduce_sum3A_418 : i32
        %eq3A_420 = arith.constant 5 : i32
        %eq3A_421 = vector.broadcast %eq3A_420 : i32 to vector<16xi32>
        %eq3A_422 = arith.cmpi eq, %get3A_296, %eq3A_421 : vector<16xi32>
        %jit3A_423 = arith.constant 1 : i32
        %jit3A_424 = arith.constant 0 : i32
        %broadcast_in_dim3A_425 = vector.broadcast %jit3A_423 : i32 to vector<16xi32>
        %broadcast_in_dim3A_426 = vector.broadcast %jit3A_424 : i32 to vector<16xi32>
        %select_n3A_427 = arith.select %eq3A_422, %broadcast_in_dim3A_425, %broadcast_in_dim3A_426 : vector<16xi1>, vector<16xi32>
        %broadcast_in_dim3A_428 = arith.constant true
        %broadcast_in_dim3A_429 = vector.broadcast %broadcast_in_dim3A_428 : i1 to vector<16xi1>
        %masked_cumsum3A_430 = tpu.scan <sum>, %select_n3A_427 masked %broadcast_in_dim3A_429 : vector<16xi32>, vector<16xi1> -> vector<16xi32>
        %eq3A_431 = arith.constant 5 : i32
        %eq3A_432 = vector.broadcast %eq3A_431 : i32 to vector<16xi32>
        %eq3A_433 = arith.cmpi eq, %get3A_296, %eq3A_432 : vector<16xi32>
        %add3A_434 = vector.broadcast %scan3A_291 : i32 to vector<16xi32>
        %add3A_435 = arith.addi %add3A_434, %masked_cumsum3A_430 : vector<16xi32>
        %sub3A_436 = arith.constant 1 : i32
        %sub3A_437 = vector.broadcast %sub3A_436 : i32 to vector<16xi32>
        %sub3A_438 = arith.subi %add3A_435, %sub3A_437 : vector<16xi32>
        %select_n3A_439 = arith.select %eq3A_433, %sub3A_438, %select_n3A_414 : vector<16xi1>, vector<16xi32>
        %reduce_sum3A_440 = arith.constant true
        %reduce_sum3A_441 = vector.broadcast %reduce_sum3A_440 : i1 to vector<16xi1>
        %reduce_sum3A_442 = tpu.scan <sum>, %select_n3A_427 masked %reduce_sum3A_441 : vector<16xi32>, vector<16xi1> -> vector<16xi32>
        %reduce_sum3A_443 = vector.extract %reduce_sum3A_442[15] : i32 from vector<16xi32>
        %add3A_444 = arith.addi %scan3A_291, %reduce_sum3A_443 : i32
        %eq3A_445 = arith.constant 6 : i32
        %eq3A_446 = vector.broadcast %eq3A_445 : i32 to vector<16xi32>
        %eq3A_447 = arith.cmpi eq, %get3A_296, %eq3A_446 : vector<16xi32>
        %jit3A_448 = arith.constant 1 : i32
        %jit3A_449 = arith.constant 0 : i32
        %broadcast_in_dim3A_450 = vector.broadcast %jit3A_448 : i32 to vector<16xi32>
        %broadcast_in_dim3A_451 = vector.broadcast %jit3A_449 : i32 to vector<16xi32>
        %select_n3A_452 = arith.select %eq3A_447, %broadcast_in_dim3A_450, %broadcast_in_dim3A_451 : vector<16xi1>, vector<16xi32>
        %broadcast_in_dim3A_453 = arith.constant true
        %broadcast_in_dim3A_454 = vector.broadcast %broadcast_in_dim3A_453 : i1 to vector<16xi1>
        %masked_cumsum3A_455 = tpu.scan <sum>, %select_n3A_452 masked %broadcast_in_dim3A_454 : vector<16xi32>, vector<16xi1> -> vector<16xi32>
        %eq3A_456 = arith.constant 6 : i32
        %eq3A_457 = vector.broadcast %eq3A_456 : i32 to vector<16xi32>
        %eq3A_458 = arith.cmpi eq, %get3A_296, %eq3A_457 : vector<16xi32>
        %add3A_459 = vector.broadcast %scan3A_292 : i32 to vector<16xi32>
        %add3A_460 = arith.addi %add3A_459, %masked_cumsum3A_455 : vector<16xi32>
        %sub3A_461 = arith.constant 1 : i32
        %sub3A_462 = vector.broadcast %sub3A_461 : i32 to vector<16xi32>
        %sub3A_463 = arith.subi %add3A_460, %sub3A_462 : vector<16xi32>
        %select_n3A_464 = arith.select %eq3A_458, %sub3A_463, %select_n3A_439 : vector<16xi1>, vector<16xi32>
        %reduce_sum3A_465 = arith.constant true
        %reduce_sum3A_466 = vector.broadcast %reduce_sum3A_465 : i1 to vector<16xi1>
        %reduce_sum3A_467 = tpu.scan <sum>, %select_n3A_452 masked %reduce_sum3A_466 : vector<16xi32>, vector<16xi1> -> vector<16xi32>
        %reduce_sum3A_468 = vector.extract %reduce_sum3A_467[15] : i32 from vector<16xi32>
        %add3A_469 = arith.addi %scan3A_292, %reduce_sum3A_468 : i32
        %eq3A_470 = arith.constant 7 : i32
        %eq3A_471 = vector.broadcast %eq3A_470 : i32 to vector<16xi32>
        %eq3A_472 = arith.cmpi eq, %get3A_296, %eq3A_471 : vector<16xi32>
        %jit3A_473 = arith.constant 1 : i32
        %jit3A_474 = arith.constant 0 : i32
        %broadcast_in_dim3A_475 = vector.broadcast %jit3A_473 : i32 to vector<16xi32>
        %broadcast_in_dim3A_476 = vector.broadcast %jit3A_474 : i32 to vector<16xi32>
        %select_n3A_477 = arith.select %eq3A_472, %broadcast_in_dim3A_475, %broadcast_in_dim3A_476 : vector<16xi1>, vector<16xi32>
        %broadcast_in_dim3A_478 = arith.constant true
        %broadcast_in_dim3A_479 = vector.broadcast %broadcast_in_dim3A_478 : i1 to vector<16xi1>
        %masked_cumsum3A_480 = tpu.scan <sum>, %select_n3A_477 masked %broadcast_in_dim3A_479 : vector<16xi32>, vector<16xi1> -> vector<16xi32>
        %eq3A_481 = arith.constant 7 : i32
        %eq3A_482 = vector.broadcast %eq3A_481 : i32 to vector<16xi32>
        %eq3A_483 = arith.cmpi eq, %get3A_296, %eq3A_482 : vector<16xi32>
        %add3A_484 = vector.broadcast %scan3A_293 : i32 to vector<16xi32>
        %add3A_485 = arith.addi %add3A_484, %masked_cumsum3A_480 : vector<16xi32>
        %sub3A_486 = arith.constant 1 : i32
        %sub3A_487 = vector.broadcast %sub3A_486 : i32 to vector<16xi32>
        %sub3A_488 = arith.subi %add3A_485, %sub3A_487 : vector<16xi32>
        %select_n3A_489 = arith.select %eq3A_483, %sub3A_488, %select_n3A_464 : vector<16xi1>, vector<16xi32>
        %reduce_sum3A_490 = arith.constant true
        %reduce_sum3A_491 = vector.broadcast %reduce_sum3A_490 : i1 to vector<16xi1>
        %reduce_sum3A_492 = tpu.scan <sum>, %select_n3A_477 masked %reduce_sum3A_491 : vector<16xi32>, vector<16xi1> -> vector<16xi32>
        %reduce_sum3A_493 = vector.extract %reduce_sum3A_492[15] : i32 from vector<16xi32>
        %add3A_494 = arith.addi %scan3A_293, %reduce_sum3A_493 : i32
        %mul3A_495 = arith.constant 16 : i32
        %mul3A_496 = arith.muli %scan3A_285, %mul3A_495 : i32
        %swap3A_497 = arith.index_cast %mul3A_496 : i32 to index
        %swap3A_498 = tpu.vector_load %arg15[%swap3A_497] {strides = array<i32>} : memref<4096xi32, #tpu.memory_space<vmem>>, vector<16xi32>,
        tpu.vector_store %arg15[%swap3A_497], %select_n3A_489 {strides = array<i32>} : memref<4096xi32, #tpu.memory_space<vmem>>, vector<16xi32>,
        scf.yield %add3A_319, %add3A_344, %add3A_369, %add3A_394, %add3A_419, %add3A_444, %add3A_469, %add3A_494 : i32, i32, i32, i32, i32, i32, i32, i32
      }
      %scan3A_16 = arith.constant 256 : i32
      %add3A = arith.constant 16 : i32
      %add3A_17 = vector.broadcast %add3A : i32 to vector<16xi32>
      %add3A_18 = arith.addi %iota3A, %add3A_17 : vector<16xi32>
      %broadcast_in_dim3A = arith.constant 8 : i32
      %broadcast_in_dim3A_19 = vector.broadcast %broadcast_in_dim3A : i32 to vector<16xi32>
      %swap3A = arith.constant 0 : index
      %swap3A_20 = tpu.vector_load %arg20[%swap3A] {strides = array<i32>} : memref<32xi32, #tpu.memory_space<vmem>>, vector<16xi32>,
      tpu.vector_store %arg20[%swap3A], %broadcast_in_dim3A_19 {strides = array<i32>} : memref<32xi32, #tpu.memory_space<vmem>>, vector<16xi32>,
      %broadcast_in_dim3A_21 = arith.constant 8 : i32
      %broadcast_in_dim3A_22 = vector.broadcast %broadcast_in_dim3A_21 : i32 to vector<16xi32>
      %swap3A_23 = arith.constant 16 : index
      %swap3A_24 = tpu.vector_load %arg20[%swap3A_23] {strides = array<i32>} : memref<32xi32, #tpu.memory_space<vmem>>, vector<16xi32>,
      tpu.vector_store %arg20[%swap3A_23], %broadcast_in_dim3A_22 {strides = array<i32>} : memref<32xi32, #tpu.memory_space<vmem>>, vector<16xi32>,
      %broadcast_in_dim3A_25 = arith.constant 0 : i32
      %broadcast_in_dim3A_26 = vector.broadcast %broadcast_in_dim3A_25 : i32 to vector<16xi32>
      %swap3A_27 = arith.constant 0 : index
      %swap3A_28 = tpu.vector_load %arg21[%swap3A_27] {strides = array<i32>} : memref<32xi32, #tpu.memory_space<vmem>>, vector<16xi32>,
      tpu.vector_store %arg21[%swap3A_27], %broadcast_in_dim3A_26 {strides = array<i32>} : memref<32xi32, #tpu.memory_space<vmem>>, vector<16xi32>,
      %broadcast_in_dim3A_29 = arith.constant 0 : i32
      %broadcast_in_dim3A_30 = vector.broadcast %broadcast_in_dim3A_29 : i32 to vector<16xi32>
      %swap3A_31 = arith.constant 16 : index
      %swap3A_32 = tpu.vector_load %arg21[%swap3A_31] {strides = array<i32>} : memref<32xi32, #tpu.memory_space<vmem>>, vector<16xi32>,
      tpu.vector_store %arg21[%swap3A_31], %broadcast_in_dim3A_30 {strides = array<i32>} : memref<32xi32, #tpu.memory_space<vmem>>, vector<16xi32>,
      %broadcast_in_dim3A_33 = arith.constant 24 : i32
      %broadcast_in_dim3A_34 = vector.broadcast %broadcast_in_dim3A_33 : i32 to vector<16xi32>
      %swap3A_35 = arith.constant 0 : index
      %swap3A_36 = tpu.vector_load %arg22[%swap3A_35] {strides = array<i32>} : memref<32xi32, #tpu.memory_space<vmem>>, vector<16xi32>,
      tpu.vector_store %arg22[%swap3A_35], %broadcast_in_dim3A_34 {strides = array<i32>} : memref<32xi32, #tpu.memory_space<vmem>>, vector<16xi32>,
      %broadcast_in_dim3A_37 = arith.constant 24 : i32
      %broadcast_in_dim3A_38 = vector.broadcast %broadcast_in_dim3A_37 : i32 to vector<16xi32>
      %swap3A_39 = arith.constant 16 : index
      %swap3A_40 = tpu.vector_load %arg22[%swap3A_39] {strides = array<i32>} : memref<32xi32, #tpu.memory_space<vmem>>, vector<16xi32>,
      tpu.vector_store %arg22[%swap3A_39], %broadcast_in_dim3A_38 {strides = array<i32>} : memref<32xi32, #tpu.memory_space<vmem>>, vector<16xi32>,
      %broadcast_in_dim3A_41 = arith.constant 0 : i32
      %broadcast_in_dim3A_42 = vector.broadcast %broadcast_in_dim3A_41 : i32 to vector<16xi32>
      %add3A_43 = arith.constant 255 : i32
      %add3A_44 = arith.addi %scan3A_15#0, %add3A_43 : i32
      %shift_right_arithmetic3A = arith.constant 8 : i32
      %shift_right_arithmetic3A_45 = arith.shrsi %add3A_44, %shift_right_arithmetic3A : i32
      %lt3A = vector.broadcast %shift_right_arithmetic3A_45 : i32 to vector<16xi32>
      %lt3A_46 = arith.cmpi slt, %iota3A, %lt3A : vector<16xi32>
      %add3A_47 = arith.constant 0 : i32
      %add3A_48 = vector.broadcast %add3A_47 : i32 to vector<16xi32>
      %add3A_49 = arith.addi %add3A_48, %iota3A : vector<16xi32>
      %broadcast_in_dim3A_50 = arith.constant 0 : i32
      %broadcast_in_dim3A_51 = vector.broadcast %broadcast_in_dim3A_50 : i32 to vector<16xi32>
      tpu.vector_store_idx %arg20[%add3A_49], %broadcast_in_dim3A_51 masked %lt3A_46 : memref<32xi32, #tpu.memory_space<vmem>>[vector<16xi32>], vector<16xi32>, vector<16xi1>
      %add3A_52 = arith.constant 0 : i32
      %add3A_53 = vector.broadcast %add3A_52 : i32 to vector<16xi32>
      %add3A_54 = arith.addi %add3A_53, %iota3A : vector<16xi32>
      %add3A_55 = arith.constant 0 : i32
      %add3A_56 = vector.broadcast %add3A_55 : i32 to vector<16xi32>
      %add3A_57 = arith.addi %add3A_56, %iota3A : vector<16xi32>
      tpu.vector_store_idx %arg21[%add3A_54], %add3A_57 masked %lt3A_46 : memref<32xi32, #tpu.memory_space<vmem>>[vector<16xi32>], vector<16xi32>, vector<16xi1>
      %add3A_58 = arith.constant 0 : i32
      %add3A_59 = vector.broadcast %add3A_58 : i32 to vector<16xi32>
      %add3A_60 = arith.addi %add3A_59, %iota3A : vector<16xi32>
      %add3A_61 = arith.constant 0 : i32
      %add3A_62 = vector.broadcast %add3A_61 : i32 to vector<16xi32>
      %add3A_63 = arith.addi %add3A_62, %iota3A : vector<16xi32>
      tpu.vector_store_idx %arg22[%add3A_60], %add3A_63 masked %lt3A_46 : memref<32xi32, #tpu.memory_space<vmem>>[vector<16xi32>], vector<16xi32>, vector<16xi1>
      %eq3A_64 = arith.constant 0 : i32
      %eq3A_65 = vector.broadcast %eq3A_64 : i32 to vector<16xi32>
      %eq3A_66 = arith.cmpi eq, %iota3A, %eq3A_65 : vector<16xi32>
      %mul3A = arith.constant 0 : i32
      %mul3A_67 = arith.constant 256 : i32
      %mul3A_68 = arith.muli %mul3A, %mul3A_67 : i32
      %broadcast_in_dim3A_69 = vector.broadcast %mul3A_68 : i32 to vector<16xi32>
      %select_n3A = arith.select %eq3A_66, %broadcast_in_dim3A_69, %broadcast_in_dim3A_42 : vector<16xi1>, vector<16xi32>
      %add3A_70 = arith.constant 0 : i32
      %add3A_71 = arith.addi %add3A_70, %shift_right_arithmetic3A_45 : i32
      %add3A_72 = arith.constant 255 : i32
      %add3A_73 = arith.addi %scan3A_15#1, %add3A_72 : i32
      %shift_right_arithmetic3A_74 = arith.constant 8 : i32
      %shift_right_arithmetic3A_75 = arith.shrsi %add3A_73, %shift_right_arithmetic3A_74 : i32
      %lt3A_76 = vector.broadcast %shift_right_arithmetic3A_75 : i32 to vector<16xi32>
      %lt3A_77 = arith.cmpi slt, %iota3A, %lt3A_76 : vector<16xi32>
      %add3A_78 = vector.broadcast %add3A_71 : i32 to vector<16xi32>
      %add3A_79 = arith.addi %add3A_78, %iota3A : vector<16xi32>
      %broadcast_in_dim3A_80 = arith.constant 1 : i32
      %broadcast_in_dim3A_81 = vector.broadcast %broadcast_in_dim3A_80 : i32 to vector<16xi32>
      tpu.vector_store_idx %arg20[%add3A_79], %broadcast_in_dim3A_81 masked %lt3A_77 : memref<32xi32, #tpu.memory_space<vmem>>[vector<16xi32>], vector<16xi32>, vector<16xi1>
      %add3A_82 = vector.broadcast %add3A_71 : i32 to vector<16xi32>
      %add3A_83 = arith.addi %add3A_82, %iota3A : vector<16xi32>
      %add3A_84 = vector.broadcast %add3A_71 : i32 to vector<16xi32>
      %add3A_85 = arith.addi %add3A_84, %iota3A : vector<16xi32>
      tpu.vector_store_idx %arg21[%add3A_83], %add3A_85 masked %lt3A_77 : memref<32xi32, #tpu.memory_space<vmem>>[vector<16xi32>], vector<16xi32>, vector<16xi1>
      %add3A_86 = vector.broadcast %add3A_71 : i32 to vector<16xi32>
      %add3A_87 = arith.addi %add3A_86, %iota3A : vector<16xi32>
      %add3A_88 = vector.broadcast %add3A_71 : i32 to vector<16xi32>
      %add3A_89 = arith.addi %add3A_88, %iota3A : vector<16xi32>
      tpu.vector_store_idx %arg22[%add3A_87], %add3A_89 masked %lt3A_77 : memref<32xi32, #tpu.memory_space<vmem>>[vector<16xi32>], vector<16xi32>, vector<16xi1>
      %eq3A_90 = arith.constant 1 : i32
      %eq3A_91 = vector.broadcast %eq3A_90 : i32 to vector<16xi32>
      %eq3A_92 = arith.cmpi eq, %iota3A, %eq3A_91 : vector<16xi32>
      %mul3A_93 = arith.constant 256 : i32
      %mul3A_94 = arith.muli %add3A_71, %mul3A_93 : i32
      %broadcast_in_dim3A_95 = vector.broadcast %mul3A_94 : i32 to vector<16xi32>
      %select_n3A_96 = arith.select %eq3A_92, %broadcast_in_dim3A_95, %select_n3A : vector<16xi1>, vector<16xi32>
      %add3A_97 = arith.addi %add3A_71, %shift_right_arithmetic3A_75 : i32
      %add3A_98 = arith.constant 255 : i32
      %add3A_99 = arith.addi %scan3A_15#2, %add3A_98 : i32
      %shift_right_arithmetic3A_100 = arith.constant 8 : i32
      %shift_right_arithmetic3A_101 = arith.shrsi %add3A_99, %shift_right_arithmetic3A_100 : i32
      %lt3A_102 = vector.broadcast %shift_right_arithmetic3A_101 : i32 to vector<16xi32>
      %lt3A_103 = arith.cmpi slt, %iota3A, %lt3A_102 : vector<16xi32>
      %add3A_104 = vector.broadcast %add3A_97 : i32 to vector<16xi32>
      %add3A_105 = arith.addi %add3A_104, %iota3A : vector<16xi32>
      %broadcast_in_dim3A_106 = arith.constant 2 : i32
      %broadcast_in_dim3A_107 = vector.broadcast %broadcast_in_dim3A_106 : i32 to vector<16xi32>
      tpu.vector_store_idx %arg20[%add3A_105], %broadcast_in_dim3A_107 masked %lt3A_103 : memref<32xi32, #tpu.memory_space<vmem>>[vector<16xi32>], vector<16xi32>, vector<16xi1>
      %add3A_108 = vector.broadcast %add3A_97 : i32 to vector<16xi32>
      %add3A_109 = arith.addi %add3A_108, %iota3A : vector<16xi32>
      %add3A_110 = vector.broadcast %add3A_97 : i32 to vector<16xi32>
      %add3A_111 = arith.addi %add3A_110, %iota3A : vector<16xi32>
      tpu.vector_store_idx %arg21[%add3A_109], %add3A_111 masked %lt3A_103 : memref<32xi32, #tpu.memory_space<vmem>>[vector<16xi32>], vector<16xi32>, vector<16xi1>
      %add3A_112 = vector.broadcast %add3A_97 : i32 to vector<16xi32>
      %add3A_113 = arith.addi %add3A_112, %iota3A : vector<16xi32>
      %add3A_114 = vector.broadcast %add3A_97 : i32 to vector<16xi32>
      %add3A_115 = arith.addi %add3A_114, %iota3A : vector<16xi32>
      tpu.vector_store_idx %arg22[%add3A_113], %add3A_115 masked %lt3A_103 : memref<32xi32, #tpu.memory_space<vmem>>[vector<16xi32>], vector<16xi32>, vector<16xi1>
      %eq3A_116 = arith.constant 2 : i32
      %eq3A_117 = vector.broadcast %eq3A_116 : i32 to vector<16xi32>
      %eq3A_118 = arith.cmpi eq, %iota3A, %eq3A_117 : vector<16xi32>
      %mul3A_119 = arith.constant 256 : i32
      %mul3A_120 = arith.muli %add3A_97, %mul3A_119 : i32
      %broadcast_in_dim3A_121 = vector.broadcast %mul3A_120 : i32 to vector<16xi32>
      %select_n3A_122 = arith.select %eq3A_118, %broadcast_in_dim3A_121, %select_n3A_96 : vector<16xi1>, vector<16xi32>
      %add3A_123 = arith.addi %add3A_97, %shift_right_arithmetic3A_101 : i32
      %add3A_124 = arith.constant 255 : i32
      %add3A_125 = arith.addi %scan3A_15#3, %add3A_124 : i32
      %shift_right_arithmetic3A_126 = arith.constant 8 : i32
      %shift_right_arithmetic3A_127 = arith.shrsi %add3A_125, %shift_right_arithmetic3A_126 : i32
      %lt3A_128 = vector.broadcast %shift_right_arithmetic3A_127 : i32 to vector<16xi32>
      %lt3A_129 = arith.cmpi slt, %iota3A, %lt3A_128 : vector<16xi32>
      %add3A_130 = vector.broadcast %add3A_123 : i32 to vector<16xi32>
      %add3A_131 = arith.addi %add3A_130, %iota3A : vector<16xi32>
      %broadcast_in_dim3A_132 = arith.constant 3 : i32
      %broadcast_in_dim3A_133 = vector.broadcast %broadcast_in_dim3A_132 : i32 to vector<16xi32>
      tpu.vector_store_idx %arg20[%add3A_131], %broadcast_in_dim3A_133 masked %lt3A_129 : memref<32xi32, #tpu.memory_space<vmem>>[vector<16xi32>], vector<16xi32>, vector<16xi1>
      %add3A_134 = vector.broadcast %add3A_123 : i32 to vector<16xi32>
      %add3A_135 = arith.addi %add3A_134, %iota3A : vector<16xi32>
      %add3A_136 = vector.broadcast %add3A_123 : i32 to vector<16xi32>
      %add3A_137 = arith.addi %add3A_136, %iota3A : vector<16xi32>
      tpu.vector_store_idx %arg21[%add3A_135], %add3A_137 masked %lt3A_129 : memref<32xi32, #tpu.memory_space<vmem>>[vector<16xi32>], vector<16xi32>, vector<16xi1>
      %add3A_138 = vector.broadcast %add3A_123 : i32 to vector<16xi32>
      %add3A_139 = arith.addi %add3A_138, %iota3A : vector<16xi32>
      %add3A_140 = vector.broadcast %add3A_123 : i32 to vector<16xi32>
      %add3A_141 = arith.addi %add3A_140, %iota3A : vector<16xi32>
      tpu.vector_store_idx %arg22[%add3A_139], %add3A_141 masked %lt3A_129 : memref<32xi32, #tpu.memory_space<vmem>>[vector<16xi32>], vector<16xi32>, vector<16xi1>
      %eq3A_142 = arith.constant 3 : i32
      %eq3A_143 = vector.broadcast %eq3A_142 : i32 to vector<16xi32>
      %eq3A_144 = arith.cmpi eq, %iota3A, %eq3A_143 : vector<16xi32>
      %mul3A_145 = arith.constant 256 : i32
      %mul3A_146 = arith.muli %add3A_123, %mul3A_145 : i32
      %broadcast_in_dim3A_147 = vector.broadcast %mul3A_146 : i32 to vector<16xi32>
      %select_n3A_148 = arith.select %eq3A_144, %broadcast_in_dim3A_147, %select_n3A_122 : vector<16xi1>, vector<16xi32>
      %add3A_149 = arith.addi %add3A_123, %shift_right_arithmetic3A_127 : i32
      %add3A_150 = arith.constant 255 : i32
      %add3A_151 = arith.addi %scan3A_15#4, %add3A_150 : i32
      %shift_right_arithmetic3A_152 = arith.constant 8 : i32
      %shift_right_arithmetic3A_153 = arith.shrsi %add3A_151, %shift_right_arithmetic3A_152 : i32
      %lt3A_154 = vector.broadcast %shift_right_arithmetic3A_153 : i32 to vector<16xi32>
      %lt3A_155 = arith.cmpi slt, %iota3A, %lt3A_154 : vector<16xi32>
      %add3A_156 = vector.broadcast %add3A_149 : i32 to vector<16xi32>
      %add3A_157 = arith.addi %add3A_156, %iota3A : vector<16xi32>
      %broadcast_in_dim3A_158 = arith.constant 4 : i32
      %broadcast_in_dim3A_159 = vector.broadcast %broadcast_in_dim3A_158 : i32 to vector<16xi32>
      tpu.vector_store_idx %arg20[%add3A_157], %broadcast_in_dim3A_159 masked %lt3A_155 : memref<32xi32, #tpu.memory_space<vmem>>[vector<16xi32>], vector<16xi32>, vector<16xi1>
      %add3A_160 = vector.broadcast %add3A_149 : i32 to vector<16xi32>
      %add3A_161 = arith.addi %add3A_160, %iota3A : vector<16xi32>
      %add3A_162 = vector.broadcast %add3A_149 : i32 to vector<16xi32>
      %add3A_163 = arith.addi %add3A_162, %iota3A : vector<16xi32>
      tpu.vector_store_idx %arg21[%add3A_161], %add3A_163 masked %lt3A_155 : memref<32xi32, #tpu.memory_space<vmem>>[vector<16xi32>], vector<16xi32>, vector<16xi1>
      %add3A_164 = vector.broadcast %add3A_149 : i32 to vector<16xi32>
      %add3A_165 = arith.addi %add3A_164, %iota3A : vector<16xi32>
      %add3A_166 = vector.broadcast %add3A_149 : i32 to vector<16xi32>
      %add3A_167 = arith.addi %add3A_166, %iota3A : vector<16xi32>
      tpu.vector_store_idx %arg22[%add3A_165], %add3A_167 masked %lt3A_155 : memref<32xi32, #tpu.memory_space<vmem>>[vector<16xi32>], vector<16xi32>, vector<16xi1>
      %eq3A_168 = arith.constant 4 : i32
      %eq3A_169 = vector.broadcast %eq3A_168 : i32 to vector<16xi32>
      %eq3A_170 = arith.cmpi eq, %iota3A, %eq3A_169 : vector<16xi32>
      %mul3A_171 = arith.constant 256 : i32
      %mul3A_172 = arith.muli %add3A_149, %mul3A_171 : i32
      %broadcast_in_dim3A_173 = vector.broadcast %mul3A_172 : i32 to vector<16xi32>
      %select_n3A_174 = arith.select %eq3A_170, %broadcast_in_dim3A_173, %select_n3A_148 : vector<16xi1>, vector<16xi32>
      %add3A_175 = arith.addi %add3A_149, %shift_right_arithmetic3A_153 : i32
      %add3A_176 = arith.constant 255 : i32
      %add3A_177 = arith.addi %scan3A_15#5, %add3A_176 : i32
      %shift_right_arithmetic3A_178 = arith.constant 8 : i32
      %shift_right_arithmetic3A_179 = arith.shrsi %add3A_177, %shift_right_arithmetic3A_178 : i32
      %lt3A_180 = vector.broadcast %shift_right_arithmetic3A_179 : i32 to vector<16xi32>
      %lt3A_181 = arith.cmpi slt, %iota3A, %lt3A_180 : vector<16xi32>
      %add3A_182 = vector.broadcast %add3A_175 : i32 to vector<16xi32>
      %add3A_183 = arith.addi %add3A_182, %iota3A : vector<16xi32>
      %broadcast_in_dim3A_184 = arith.constant 5 : i32
      %broadcast_in_dim3A_185 = vector.broadcast %broadcast_in_dim3A_184 : i32 to vector<16xi32>
      tpu.vector_store_idx %arg20[%add3A_183], %broadcast_in_dim3A_185 masked %lt3A_181 : memref<32xi32, #tpu.memory_space<vmem>>[vector<16xi32>], vector<16xi32>, vector<16xi1>
      %add3A_186 = vector.broadcast %add3A_175 : i32 to vector<16xi32>
      %add3A_187 = arith.addi %add3A_186, %iota3A : vector<16xi32>
      %add3A_188 = vector.broadcast %add3A_175 : i32 to vector<16xi32>
      %add3A_189 = arith.addi %add3A_188, %iota3A : vector<16xi32>
      tpu.vector_store_idx %arg21[%add3A_187], %add3A_189 masked %lt3A_181 : memref<32xi32, #tpu.memory_space<vmem>>[vector<16xi32>], vector<16xi32>, vector<16xi1>
      %add3A_190 = vector.broadcast %add3A_175 : i32 to vector<16xi32>
      %add3A_191 = arith.addi %add3A_190, %iota3A : vector<16xi32>
      %add3A_192 = vector.broadcast %add3A_175 : i32 to vector<16xi32>
      %add3A_193 = arith.addi %add3A_192, %iota3A : vector<16xi32>
      tpu.vector_store_idx %arg22[%add3A_191], %add3A_193 masked %lt3A_181 : memref<32xi32, #tpu.memory_space<vmem>>[vector<16xi32>], vector<16xi32>, vector<16xi1>
      %eq3A_194 = arith.constant 5 : i32
      %eq3A_195 = vector.broadcast %eq3A_194 : i32 to vector<16xi32>
      %eq3A_196 = arith.cmpi eq, %iota3A, %eq3A_195 : vector<16xi32>
      %mul3A_197 = arith.constant 256 : i32
      %mul3A_198 = arith.muli %add3A_175, %mul3A_197 : i32
      %broadcast_in_dim3A_199 = vector.broadcast %mul3A_198 : i32 to vector<16xi32>
      %select_n3A_200 = arith.select %eq3A_196, %broadcast_in_dim3A_199, %select_n3A_174 : vector<16xi1>, vector<16xi32>
      %add3A_201 = arith.addi %add3A_175, %shift_right_arithmetic3A_179 : i32
      %add3A_202 = arith.constant 255 : i32
      %add3A_203 = arith.addi %scan3A_15#6, %add3A_202 : i32
      %shift_right_arithmetic3A_204 = arith.constant 8 : i32
      %shift_right_arithmetic3A_205 = arith.shrsi %add3A_203, %shift_right_arithmetic3A_204 : i32
      %lt3A_206 = vector.broadcast %shift_right_arithmetic3A_205 : i32 to vector<16xi32>
      %lt3A_207 = arith.cmpi slt, %iota3A, %lt3A_206 : vector<16xi32>
      %add3A_208 = vector.broadcast %add3A_201 : i32 to vector<16xi32>
      %add3A_209 = arith.addi %add3A_208, %iota3A : vector<16xi32>
      %broadcast_in_dim3A_210 = arith.constant 6 : i32
      %broadcast_in_dim3A_211 = vector.broadcast %broadcast_in_dim3A_210 : i32 to vector<16xi32>
      tpu.vector_store_idx %arg20[%add3A_209], %broadcast_in_dim3A_211 masked %lt3A_207 : memref<32xi32, #tpu.memory_space<vmem>>[vector<16xi32>], vector<16xi32>, vector<16xi1>
      %add3A_212 = vector.broadcast %add3A_201 : i32 to vector<16xi32>
      %add3A_213 = arith.addi %add3A_212, %iota3A : vector<16xi32>
      %add3A_214 = vector.broadcast %add3A_201 : i32 to vector<16xi32>
      %add3A_215 = arith.addi %add3A_214, %iota3A : vector<16xi32>
      tpu.vector_store_idx %arg21[%add3A_213], %add3A_215 masked %lt3A_207 : memref<32xi32, #tpu.memory_space<vmem>>[vector<16xi32>], vector<16xi32>, vector<16xi1>
      %add3A_216 = vector.broadcast %add3A_201 : i32 to vector<16xi32>
      %add3A_217 = arith.addi %add3A_216, %iota3A : vector<16xi32>
      %add3A_218 = vector.broadcast %add3A_201 : i32 to vector<16xi32>
      %add3A_219 = arith.addi %add3A_218, %iota3A : vector<16xi32>
      tpu.vector_store_idx %arg22[%add3A_217], %add3A_219 masked %lt3A_207 : memref<32xi32, #tpu.memory_space<vmem>>[vector<16xi32>], vector<16xi32>, vector<16xi1>
      %eq3A_220 = arith.constant 6 : i32
      %eq3A_221 = vector.broadcast %eq3A_220 : i32 to vector<16xi32>
      %eq3A_222 = arith.cmpi eq, %iota3A, %eq3A_221 : vector<16xi32>
      %mul3A_223 = arith.constant 256 : i32
      %mul3A_224 = arith.muli %add3A_201, %mul3A_223 : i32
      %broadcast_in_dim3A_225 = vector.broadcast %mul3A_224 : i32 to vector<16xi32>
      %select_n3A_226 = arith.select %eq3A_222, %broadcast_in_dim3A_225, %select_n3A_200 : vector<16xi1>, vector<16xi32>
      %add3A_227 = arith.addi %add3A_201, %shift_right_arithmetic3A_205 : i32
      %add3A_228 = arith.constant 255 : i32
      %add3A_229 = arith.addi %scan3A_15#7, %add3A_228 : i32
      %shift_right_arithmetic3A_230 = arith.constant 8 : i32
      %shift_right_arithmetic3A_231 = arith.shrsi %add3A_229, %shift_right_arithmetic3A_230 : i32
      %lt3A_232 = vector.broadcast %shift_right_arithmetic3A_231 : i32 to vector<16xi32>
      %lt3A_233 = arith.cmpi slt, %iota3A, %lt3A_232 : vector<16xi32>
      %add3A_234 = vector.broadcast %add3A_227 : i32 to vector<16xi32>
      %add3A_235 = arith.addi %add3A_234, %iota3A : vector<16xi32>
      %broadcast_in_dim3A_236 = arith.constant 7 : i32
      %broadcast_in_dim3A_237 = vector.broadcast %broadcast_in_dim3A_236 : i32 to vector<16xi32>
      tpu.vector_store_idx %arg20[%add3A_235], %broadcast_in_dim3A_237 masked %lt3A_233 : memref<32xi32, #tpu.memory_space<vmem>>[vector<16xi32>], vector<16xi32>, vector<16xi1>
      %add3A_238 = vector.broadcast %add3A_227 : i32 to vector<16xi32>
      %add3A_239 = arith.addi %add3A_238, %iota3A : vector<16xi32>
      %add3A_240 = vector.broadcast %add3A_227 : i32 to vector<16xi32>
      %add3A_241 = arith.addi %add3A_240, %iota3A : vector<16xi32>
      tpu.vector_store_idx %arg21[%add3A_239], %add3A_241 masked %lt3A_233 : memref<32xi32, #tpu.memory_space<vmem>>[vector<16xi32>], vector<16xi32>, vector<16xi1>
      %add3A_242 = vector.broadcast %add3A_227 : i32 to vector<16xi32>
      %add3A_243 = arith.addi %add3A_242, %iota3A : vector<16xi32>
      %add3A_244 = vector.broadcast %add3A_227 : i32 to vector<16xi32>
      %add3A_245 = arith.addi %add3A_244, %iota3A : vector<16xi32>
      tpu.vector_store_idx %arg22[%add3A_243], %add3A_245 masked %lt3A_233 : memref<32xi32, #tpu.memory_space<vmem>>[vector<16xi32>], vector<16xi32>, vector<16xi1>
      %eq3A_246 = arith.constant 7 : i32
      %eq3A_247 = vector.broadcast %eq3A_246 : i32 to vector<16xi32>
      %eq3A_248 = arith.cmpi eq, %iota3A, %eq3A_247 : vector<16xi32>
      %mul3A_249 = arith.constant 256 : i32
      %mul3A_250 = arith.muli %add3A_227, %mul3A_249 : i32
      %broadcast_in_dim3A_251 = vector.broadcast %mul3A_250 : i32 to vector<16xi32>
      %select_n3A_252 = arith.select %eq3A_248, %broadcast_in_dim3A_251, %select_n3A_226 : vector<16xi1>, vector<16xi32>
      %add3A_253 = arith.addi %add3A_227, %shift_right_arithmetic3A_231 : i32
      %swap3A_254 = arith.constant 0 : index
      %swap3A_255 = tpu.vector_load %arg19[%swap3A_254] {strides = array<i32>} : memref<16xi32, #tpu.memory_space<vmem>>, vector<16xi32>,
      tpu.vector_store %arg19[%swap3A_254], %select_n3A_252 {strides = array<i32>} : memref<16xi32, #tpu.memory_space<vmem>>, vector<16xi32>,
      %broadcast_in_dim3A_256 = arith.constant 0 : i32
      %broadcast_in_dim3A_257 = vector.broadcast %broadcast_in_dim3A_256 : i32 to vector<16xi32>
      %mul3A_258 = arith.constant 256 : i32
      %mul3A_259 = arith.muli %add3A_253, %mul3A_258 : i32
      %add3A_260 = vector.broadcast %mul3A_259 : i32 to vector<16xi32>
      %add3A_261 = arith.addi %broadcast_in_dim3A_257, %add3A_260 : vector<16xi32>
      %swap3A_262 = arith.constant 0 : index
      %swap3A_263 = tpu.vector_load %arg23[%swap3A_262] {strides = array<i32>} : memref<16xi32, #tpu.memory_space<vmem>>, vector<16xi32>,
      tpu.vector_store %arg23[%swap3A_262], %add3A_261 {strides = array<i32>} : memref<16xi32, #tpu.memory_space<vmem>>, vector<16xi32>,
      %scan3A_264 = arith.constant 0 : i32
      %scan3A_265 = arith.constant 0 : i32
      %scan3A_266 = arith.constant 384 : i32
      %scan3A_267 = arith.addi %scan3A_265, %scan3A_266 : i32
      %scan3A_268 = arith.constant 1 : i32
      %scan3A_269 = scf.for %scan3A_285 = %scan3A_265 to %scan3A_267 step %scan3A_268 iter_args(%scan3A_286 = %scan3A_264) -> (i32)  : i32 {
        %broadcast_in_dim3A_287 = arith.constant 0 : i32
        %broadcast_in_dim3A_288 = vector.broadcast %broadcast_in_dim3A_287 : i32 to vector<16xi32>
        %mul3A_289 = arith.constant 16 : i32
        %mul3A_290 = arith.muli %scan3A_285, %mul3A_289 : i32
        %swap3A_291 = arith.index_cast %mul3A_290 : i32 to index
        %swap3A_292 = tpu.vector_load %arg16[%swap3A_291] {strides = array<i32>} : memref<6144xi32, #tpu.memory_space<vmem>>, vector<16xi32>,
        tpu.vector_store %arg16[%swap3A_291], %broadcast_in_dim3A_288 {strides = array<i32>} : memref<6144xi32, #tpu.memory_space<vmem>>, vector<16xi32>,
        %scan3A_293 = arith.constant 0 : i32
        scf.yield %scan3A_293 : i32
      }
      %scan3A_270 = arith.constant 384 : i32
      %scan3A_271 = arith.constant 0 : i32
      %scan3A_272 = arith.constant 0 : i32
      %scan3A_273 = arith.constant 400 : i32
      %scan3A_274 = arith.addi %scan3A_272, %scan3A_273 : i32
      %scan3A_275 = arith.constant 1 : i32
      %scan3A_276 = scf.for %scan3A_285 = %scan3A_272 to %scan3A_274 step %scan3A_275 iter_args(%scan3A_286 = %scan3A_271) -> (i32)  : i32 {
        %broadcast_in_dim3A_287 = arith.constant 0.000000e+00 : f32
        %broadcast_in_dim3A_288 = vector.broadcast %broadcast_in_dim3A_287 : f32 to vector<16xf32>
        %mul3A_289 = arith.constant 16 : i32
        %mul3A_290 = arith.muli %scan3A_285, %mul3A_289 : i32
        %swap3A_291 = arith.index_cast %mul3A_290 : i32 to index
        %swap3A_292 = tpu.vector_load %arg17[%swap3A_291] {strides = array<i32>} : memref<6400xf32, #tpu.memory_space<vmem>>, vector<16xf32>,
        tpu.vector_store %arg17[%swap3A_291], %broadcast_in_dim3A_288 {strides = array<i32>} : memref<6400xf32, #tpu.memory_space<vmem>>, vector<16xf32>,
        %scan3A_293 = arith.constant 0 : i32
        scf.yield %scan3A_293 : i32
      }
      %scan3A_277 = arith.constant 400 : i32
      %scan3A_278 = arith.constant 0 : i32
      %scan3A_279 = arith.constant 0 : i32
      %scan3A_280 = arith.constant 256 : i32
      %scan3A_281 = arith.addi %scan3A_279, %scan3A_280 : i32
      %scan3A_282 = arith.constant 1 : i32
      %scan3A_283 = scf.for %scan3A_285 = %scan3A_279 to %scan3A_281 step %scan3A_282 iter_args(%scan3A_286 = %scan3A_278) -> (i32)  : i32 {
        %mul3A_287 = arith.constant 16 : i32
        %mul3A_288 = arith.muli %scan3A_285, %mul3A_287 : i32
        %get3A = arith.index_cast %mul3A_288 : i32 to index
        %get3A_289 = tpu.vector_load %arg13[%get3A] {strides = array<i32>} : memref<4096xi32, #tpu.memory_space<vmem>>, vector<16xi32>,
        %mul3A_290 = arith.constant 16 : i32
        %mul3A_291 = arith.muli %scan3A_285, %mul3A_290 : i32
        %get3A_292 = arith.index_cast %mul3A_291 : i32 to index
        %get3A_293 = tpu.vector_load %arg15[%get3A_292] {strides = array<i32>} : memref<4096xi32, #tpu.memory_space<vmem>>, vector<16xi32>,
        %gather3A = tpu.vector_load_idx %arg19[%get3A_289] : memref<16xi32, #tpu.memory_space<vmem>>[vector<16xi32>], vector<16xi32>,
        %add3A_294 = arith.addi %gather3A, %get3A_293 : vector<16xi32>
        %mul3A_295 = arith.constant 16 : i32
        %mul3A_296 = arith.muli %scan3A_285, %mul3A_295 : i32
        %add3A_297 = vector.broadcast %mul3A_296 : i32 to vector<16xi32>
        %add3A_298 = arith.addi %add3A_297, %iota3A : vector<16xi32>
        %ge3A = arith.constant 2048 : i32
        %ge3A_299 = vector.broadcast %ge3A : i32 to vector<16xi32>
        %ge3A_300 = arith.cmpi sge, %add3A_298, %ge3A_299 : vector<16xi32>
        %sub3A = arith.constant 2048 : i32
        %sub3A_301 = vector.broadcast %sub3A : i32 to vector<16xi32>
        %sub3A_302 = arith.subi %add3A_298, %sub3A_301 : vector<16xi32>
        %select_n3A_303 = arith.select %ge3A_300, %sub3A_302, %add3A_298 : vector<16xi1>, vector<16xi32>
        tpu.vector_store_idx %arg16[%add3A_294], %select_n3A_303 : memref<6144xi32, #tpu.memory_space<vmem>>[vector<16xi32>], vector<16xi32>,
        %mul3A_304 = arith.constant 16 : i32
        %mul3A_305 = arith.muli %scan3A_285, %mul3A_304 : i32
        %get3A_306 = arith.index_cast %mul3A_305 : i32 to index
        %get3A_307 = tpu.vector_load %arg14[%get3A_306] {strides = array<i32>} : memref<4096xf32, #tpu.memory_space<vmem>>, vector<16xf32>,
        tpu.vector_store_idx %arg17[%add3A_294], %get3A_307 : memref<6400xf32, #tpu.memory_space<vmem>>[vector<16xi32>], vector<16xf32>,
        %mul3A_308 = arith.constant 16 : i32
        %mul3A_309 = arith.muli %scan3A_285, %mul3A_308 : i32
        %swap3A_310 = arith.index_cast %mul3A_309 : i32 to index
        %swap3A_311 = tpu.vector_load %arg18[%swap3A_310] {strides = array<i32>} : memref<4096xi32, #tpu.memory_space<vmem>>, vector<16xi32>,
        tpu.vector_store %arg18[%swap3A_310], %add3A_294 {strides = array<i32>} : memref<4096xi32, #tpu.memory_space<vmem>>, vector<16xi32>,
        %scan3A_312 = arith.constant 0 : i32
        scf.yield %scan3A_312 : i32
      }
      %scan3A_284 = arith.constant 256 : i32
      "tpu.region"() ({
        %run_scoped3A = tpu.sem_alloc : memref<!tpu.dma_semaphore, #tpu.memory_space<semaphore_mem>>
        tpu.enqueue_dma source(%arg16 : memref<6144xi32, #tpu.memory_space<vmem>>) target(%arg6 : memref<6144xi32, #tpu.memory_space<hbm>>) target_semaphore(%run_scoped3A : memref<!tpu.dma_semaphore, #tpu.memory_space<semaphore_mem>>)
        tpu.wait_dma2 semaphore(%run_scoped3A : memref<!tpu.dma_semaphore, #tpu.memory_space<semaphore_mem>>) src(%arg16 : memref<6144xi32, #tpu.memory_space<vmem>>) dst(%arg6 : memref<6144xi32, #tpu.memory_space<hbm>>)
        tpu.yield
      }) : () -> ()
      "tpu.region"() ({
        %run_scoped3A = tpu.sem_alloc : memref<!tpu.dma_semaphore, #tpu.memory_space<semaphore_mem>>
        tpu.enqueue_dma source(%arg17 : memref<6400xf32, #tpu.memory_space<vmem>>) target(%arg7 : memref<6400xf32, #tpu.memory_space<hbm>>) target_semaphore(%run_scoped3A : memref<!tpu.dma_semaphore, #tpu.memory_space<semaphore_mem>>)
        tpu.wait_dma2 semaphore(%run_scoped3A : memref<!tpu.dma_semaphore, #tpu.memory_space<semaphore_mem>>) src(%arg17 : memref<6400xf32, #tpu.memory_space<vmem>>) dst(%arg7 : memref<6400xf32, #tpu.memory_space<hbm>>)
        tpu.yield
      }) : () -> ()
      "tpu.region"() ({
        %run_scoped3A = tpu.sem_alloc : memref<!tpu.dma_semaphore, #tpu.memory_space<semaphore_mem>>
        tpu.enqueue_dma source(%arg18 : memref<4096xi32, #tpu.memory_space<vmem>>) target(%arg8 : memref<4096xi32, #tpu.memory_space<hbm>>) target_semaphore(%run_scoped3A : memref<!tpu.dma_semaphore, #tpu.memory_space<semaphore_mem>>)
        tpu.wait_dma2 semaphore(%run_scoped3A : memref<!tpu.dma_semaphore, #tpu.memory_space<semaphore_mem>>) src(%arg18 : memref<4096xi32, #tpu.memory_space<vmem>>) dst(%arg8 : memref<4096xi32, #tpu.memory_space<hbm>>)
        tpu.yield
      }) : () -> ()
      "tpu.region"() ({
        %run_scoped3A = tpu.sem_alloc : memref<!tpu.dma_semaphore, #tpu.memory_space<semaphore_mem>>
        tpu.enqueue_dma source(%arg20 : memref<32xi32, #tpu.memory_space<vmem>>) target(%arg9 : memref<32xi32, #tpu.memory_space<hbm>>) target_semaphore(%run_scoped3A : memref<!tpu.dma_semaphore, #tpu.memory_space<semaphore_mem>>)
        tpu.wait_dma2 semaphore(%run_scoped3A : memref<!tpu.dma_semaphore, #tpu.memory_space<semaphore_mem>>) src(%arg20 : memref<32xi32, #tpu.memory_space<vmem>>) dst(%arg9 : memref<32xi32, #tpu.memory_space<hbm>>)
        tpu.yield
      }) : () -> ()
      "tpu.region"() ({
        %run_scoped3A = tpu.sem_alloc : memref<!tpu.dma_semaphore, #tpu.memory_space<semaphore_mem>>
        tpu.enqueue_dma source(%arg21 : memref<32xi32, #tpu.memory_space<vmem>>) target(%arg10 : memref<32xi32, #tpu.memory_space<hbm>>) target_semaphore(%run_scoped3A : memref<!tpu.dma_semaphore, #tpu.memory_space<semaphore_mem>>)
        tpu.wait_dma2 semaphore(%run_scoped3A : memref<!tpu.dma_semaphore, #tpu.memory_space<semaphore_mem>>) src(%arg21 : memref<32xi32, #tpu.memory_space<vmem>>) dst(%arg10 : memref<32xi32, #tpu.memory_space<hbm>>)
        tpu.yield
      }) : () -> ()
      "tpu.region"() ({
        %run_scoped3A = tpu.sem_alloc : memref<!tpu.dma_semaphore, #tpu.memory_space<semaphore_mem>>
        tpu.enqueue_dma source(%arg22 : memref<32xi32, #tpu.memory_space<vmem>>) target(%arg11 : memref<32xi32, #tpu.memory_space<hbm>>) target_semaphore(%run_scoped3A : memref<!tpu.dma_semaphore, #tpu.memory_space<semaphore_mem>>)
        tpu.wait_dma2 semaphore(%run_scoped3A : memref<!tpu.dma_semaphore, #tpu.memory_space<semaphore_mem>>) src(%arg22 : memref<32xi32, #tpu.memory_space<vmem>>) dst(%arg11 : memref<32xi32, #tpu.memory_space<hbm>>)
        tpu.yield
      }) : () -> ()
      "tpu.region"() ({
        %run_scoped3A = tpu.sem_alloc : memref<!tpu.dma_semaphore, #tpu.memory_space<semaphore_mem>>
        tpu.enqueue_dma source(%arg23 : memref<16xi32, #tpu.memory_space<vmem>>) target(%arg12 : memref<16xi32, #tpu.memory_space<hbm>>) target_semaphore(%run_scoped3A : memref<!tpu.dma_semaphore, #tpu.memory_space<semaphore_mem>>)
        tpu.wait_dma2 semaphore(%run_scoped3A : memref<!tpu.dma_semaphore, #tpu.memory_space<semaphore_mem>>) src(%arg23 : memref<16xi32, #tpu.memory_space<vmem>>) dst(%arg12 : memref<16xi32, #tpu.memory_space<hbm>>)
        tpu.yield
      }) : () -> ()
    } else {
    }
    return
  }
}

#map = affine_map<(d0, d1) -> (0, 0)>
#map1 = affine_map<(d0, d1) -> (0)>
module attributes {stable_mosaic.version = 14 : i64} {
  func.func @sc_gather(%arg0: i32, %arg1: i32, %arg2: memref<2048x768xf32, #tpu.memory_space<hbm>>, %arg3: memref<6144xi32, #tpu.memory_space<hbm>>, %arg4: memref<16xi32, #tpu.memory_space<hbm>>, %arg5: memref<6144x768xf32, #tpu.memory_space<hbm>>, %arg6: memref<16xi32, #tpu.memory_space<vmem>>, %arg7: memref<192xi32, #tpu.memory_space<vmem>>, %arg8: memref<64x768xf32, #tpu.memory_space<vmem>>, %arg9: memref<64x768xf32, #tpu.memory_space<vmem>>, %arg10: memref<!tpu.dma_semaphore, #tpu.memory_space<semaphore_mem>>, %arg11: memref<!tpu.dma_semaphore, #tpu.memory_space<semaphore_mem>>) attributes {dimension_semantics = [#tpu.dimension_semantics<core_parallel>, #tpu.dimension_semantics<subcore_parallel>], iteration_bounds = array<i64: 2, 16>, scalar_prefetch = 0 : i64, scratch_operands = 6 : i64, tpu.core_type = #tpu.core_type<sc_vector_subcore>, window_params = [{transform_indices = #map}, {transform_indices = #map1}, {transform_indices = #map1}, {transform_indices = #map}]} {
    %mul3A = arith.constant 2 : i32
    %mul3A_0 = arith.muli %arg1, %mul3A : i32
    %add3A = arith.addi %mul3A_0, %arg0 : i32
    "tpu.region"() ({
      %run_scoped3A = tpu.sem_alloc : memref<!tpu.dma_semaphore, #tpu.memory_space<semaphore_mem>>
      tpu.enqueue_dma source(%arg4 : memref<16xi32, #tpu.memory_space<hbm>>) target(%arg6 : memref<16xi32, #tpu.memory_space<vmem>>) target_semaphore(%run_scoped3A : memref<!tpu.dma_semaphore, #tpu.memory_space<semaphore_mem>>)
      tpu.wait_dma2 semaphore(%run_scoped3A : memref<!tpu.dma_semaphore, #tpu.memory_space<semaphore_mem>>) src(%arg4 : memref<16xi32, #tpu.memory_space<hbm>>) dst(%arg6 : memref<16xi32, #tpu.memory_space<vmem>>)
      tpu.yield
    }) : () -> ()
    %get3A = arith.constant 0 : index
    %get3A_1 = tpu.vector_load %arg6[%get3A] {strides = array<i32>} : memref<16xi32, #tpu.memory_space<vmem>>, vector<16xi32>,
    %reduce_max3A = arith.constant true
    %reduce_max3A_2 = vector.broadcast %reduce_max3A : i1 to vector<16xi1>
    %reduce_max3A_3 = arith.constant -2147483648 : i32
    %reduce_max3A_4 = vector.broadcast %reduce_max3A_3 : i32 to vector<16xi32>
    %reduce_max3A_5 = arith.xori %get3A_1, %reduce_max3A_4 : vector<16xi32>
    %reduce_max3A_6 = tpu.scan <max>, %reduce_max3A_5 masked %reduce_max3A_2 : vector<16xi32>, vector<16xi1> -> vector<16xi32>
    %reduce_max3A_7 = arith.xori %reduce_max3A_6, %reduce_max3A_4 : vector<16xi32>
    %reduce_max3A_8 = vector.extract %reduce_max3A_7[15] : i32 from vector<16xi32>
    %jit3A = arith.constant 64 : i32
    %div3A = arith.divsi %reduce_max3A_8, %jit3A : i32
    %sign3A = arith.constant 0 : i32
    %sign3A_9 = arith.cmpi sgt, %reduce_max3A_8, %sign3A : i32
    %sign3A_10 = arith.extui %sign3A_9 : i1 to i32
    %sign3A_11 = arith.constant 0 : i32
    %sign3A_12 = arith.cmpi slt, %reduce_max3A_8, %sign3A_11 : i32
    %sign3A_13 = arith.extui %sign3A_12 : i1 to i32
    %sign3A_14 = arith.subi %sign3A_10, %sign3A_13 : i32
    %sign3A_15 = arith.constant 0 : i32
    %sign3A_16 = arith.cmpi sgt, %jit3A, %sign3A_15 : i32
    %sign3A_17 = arith.extui %sign3A_16 : i1 to i32
    %sign3A_18 = arith.constant 0 : i32
    %sign3A_19 = arith.cmpi slt, %jit3A, %sign3A_18 : i32
    %sign3A_20 = arith.extui %sign3A_19 : i1 to i32
    %sign3A_21 = arith.subi %sign3A_17, %sign3A_20 : i32
    %ne3A = arith.cmpi ne, %sign3A_14, %sign3A_21 : i32
    %rem3A = arith.remsi %reduce_max3A_8, %jit3A : i32
    %ne3A_22 = arith.constant 0 : i32
    %ne3A_23 = arith.cmpi ne, %rem3A, %ne3A_22 : i32
    %and3A = arith.andi %ne3A, %ne3A_23 : i1
    %sub3A = arith.constant 1 : i32
    %sub3A_24 = arith.subi %div3A, %sub3A : i32
    %select_n3A = arith.select %and3A, %sub3A_24, %div3A : i32
    %sub3A_25 = arith.subi %select_n3A, %add3A : i32
    %add3A_26 = arith.constant 31 : i32
    %add3A_27 = arith.addi %sub3A_25, %add3A_26 : i32
    %jit3A_28 = arith.constant 32 : i32
    %div3A_29 = arith.divsi %add3A_27, %jit3A_28 : i32
    %sign3A_30 = arith.constant 0 : i32
    %sign3A_31 = arith.cmpi sgt, %add3A_27, %sign3A_30 : i32
    %sign3A_32 = arith.extui %sign3A_31 : i1 to i32
    %sign3A_33 = arith.constant 0 : i32
    %sign3A_34 = arith.cmpi slt, %add3A_27, %sign3A_33 : i32
    %sign3A_35 = arith.extui %sign3A_34 : i1 to i32
    %sign3A_36 = arith.subi %sign3A_32, %sign3A_35 : i32
    %sign3A_37 = arith.constant 0 : i32
    %sign3A_38 = arith.cmpi sgt, %jit3A_28, %sign3A_37 : i32
    %sign3A_39 = arith.extui %sign3A_38 : i1 to i32
    %sign3A_40 = arith.constant 0 : i32
    %sign3A_41 = arith.cmpi slt, %jit3A_28, %sign3A_40 : i32
    %sign3A_42 = arith.extui %sign3A_41 : i1 to i32
    %sign3A_43 = arith.subi %sign3A_39, %sign3A_42 : i32
    %ne3A_44 = arith.cmpi ne, %sign3A_36, %sign3A_43 : i32
    %rem3A_45 = arith.remsi %add3A_27, %jit3A_28 : i32
    %ne3A_46 = arith.constant 0 : i32
    %ne3A_47 = arith.cmpi ne, %rem3A_45, %ne3A_46 : i32
    %and3A_48 = arith.andi %ne3A_44, %ne3A_47 : i1
    %sub3A_49 = arith.constant 1 : i32
    %sub3A_50 = arith.subi %div3A_29, %sub3A_49 : i32
    %select_n3A_51 = arith.select %and3A_48, %sub3A_50, %div3A_29 : i32
    %jit3A_52 = arith.constant 0 : i32
    %jit3A_53 = arith.constant 3 : i32
    %max3A = arith.maxsi %jit3A_52, %select_n3A_51 : i32
    %min3A = arith.minsi %jit3A_53, %max3A : i32
    %scan3A = arith.constant 0 : i32
    %scan3A_54 = arith.constant 0 : i32
    %scan3A_55 = arith.constant 3 : i32
    %scan3A_56 = arith.addi %scan3A_54, %scan3A_55 : i32
    %scan3A_57 = arith.constant 1 : i32
    %scan3A_58 = scf.for %scan3A_73 = %scan3A_54 to %scan3A_56 step %scan3A_57 iter_args(%scan3A_74 = %scan3A) -> (i32)  : i32 {
      %lt3A = arith.cmpi slt, %scan3A_73, %min3A : i32
      %convert_element_type3A_75 = arith.extui %lt3A : i1 to i32
      %cond3A_76 = arith.constant 0 : i32
      %cond3A_77 = arith.cmpi ne, %convert_element_type3A_75, %cond3A_76 : i32
      scf.if %cond3A_77 {
        %mul3A_79 = arith.constant 32 : i32
        %mul3A_80 = arith.muli %scan3A_73, %mul3A_79 : i32
        %add3A_81 = arith.addi %add3A, %mul3A_80 : i32
        %mul3A_82 = arith.constant 64 : i32
        %mul3A_83 = arith.muli %add3A_81, %mul3A_82 : i32
        %mul3A_84 = arith.constant 64 : i32
        %mul3A_85 = arith.muli %scan3A_73, %mul3A_84 : i32
        "tpu.region"() ({
          %run_scoped3A = tpu.sem_alloc : memref<!tpu.dma_semaphore, #tpu.memory_space<semaphore_mem>>
          %dma_start3A = tpu.memref_slice %arg7[%mul3A_85] : memref<192xi32, #tpu.memory_space<vmem>> -> memref<64xi32, #tpu.memory_space<vmem>>
          %dma_start3A_86 = tpu.memref_slice %arg3[%mul3A_83] : memref<6144xi32, #tpu.memory_space<hbm>> -> memref<64xi32, #tpu.memory_space<hbm>>
          %dma_start3A_87 = tpu.memref_slice %arg7[%mul3A_85] : memref<192xi32, #tpu.memory_space<vmem>> -> memref<64xi32, #tpu.memory_space<vmem>>
          %dma_start3A_88 = tpu.memref_slice %arg3[%mul3A_83] : memref<6144xi32, #tpu.memory_space<hbm>> -> memref<64xi32, #tpu.memory_space<hbm>>
          tpu.enqueue_dma source(%dma_start3A_88 : memref<64xi32, #tpu.memory_space<hbm>>) target(%dma_start3A_87 : memref<64xi32, #tpu.memory_space<vmem>>) target_semaphore(%run_scoped3A : memref<!tpu.dma_semaphore, #tpu.memory_space<semaphore_mem>>)
          %dma_wait3A = tpu.memref_slice %arg7[%mul3A_85] : memref<192xi32, #tpu.memory_space<vmem>> -> memref<64xi32, #tpu.memory_space<vmem>>
          %dma_wait3A_89 = tpu.memref_slice %arg3[%mul3A_83] : memref<6144xi32, #tpu.memory_space<hbm>> -> memref<64xi32, #tpu.memory_space<hbm>>
          %dma_wait3A_90 = tpu.memref_slice %arg7[%mul3A_85] : memref<192xi32, #tpu.memory_space<vmem>> -> memref<64xi32, #tpu.memory_space<vmem>>
          %dma_wait3A_91 = tpu.memref_slice %arg3[%mul3A_83] : memref<6144xi32, #tpu.memory_space<hbm>> -> memref<64xi32, #tpu.memory_space<hbm>>
          tpu.wait_dma2 semaphore(%run_scoped3A : memref<!tpu.dma_semaphore, #tpu.memory_space<semaphore_mem>>) src(%dma_wait3A_91 : memref<64xi32, #tpu.memory_space<hbm>>) dst(%dma_wait3A_90 : memref<64xi32, #tpu.memory_space<vmem>>)
          tpu.yield
        }) : () -> ()
      } else {
      }
      %scan3A_78 = arith.constant 0 : i32
      scf.yield %scan3A_78 : i32
    }
    %scan3A_59 = arith.constant 3 : i32
    %gt3A = arith.constant 0 : i32
    %gt3A_60 = arith.cmpi sgt, %min3A, %gt3A : i32
    %convert_element_type3A = arith.extui %gt3A_60 : i1 to i32
    %cond3A = arith.constant 0 : i32
    %cond3A_61 = arith.cmpi ne, %convert_element_type3A, %cond3A : i32
    scf.if %cond3A_61 {
      %dma_start3A = arith.constant 0 : i32
      %dma_start3A_73 = tpu.memref_slice %arg7[%dma_start3A] : memref<192xi32, #tpu.memory_space<vmem>> -> memref<64xi32, #tpu.memory_space<vmem>>
      %dma_start3A_74 = arith.constant 0 : i32
      %dma_start3A_75 = arith.constant 0 : i32
      %dma_start3A_76 = tpu.memref_slice %arg2[%dma_start3A_74, %dma_start3A_75] : memref<2048x768xf32, #tpu.memory_space<hbm>> -> memref<2048x768xf32, #tpu.memory_space<hbm>>
      tpu.enqueue_indirect_dma source(%dma_start3A_76 : memref<2048x768xf32, #tpu.memory_space<hbm>>) target(%arg8 : memref<64x768xf32, #tpu.memory_space<vmem>>) offsets(%dma_start3A_73 : memref<64xi32, #tpu.memory_space<vmem>>) semaphore(%arg10 : memref<!tpu.dma_semaphore, #tpu.memory_space<semaphore_mem>>)
    } else {
    }
    %while3A = arith.constant 0 : i32
    %while3A_62 = arith.constant 0 : i32
    %while3A_63 = arith.subi %min3A, %while3A : i32
    %while3A_64 = arith.addi %while3A, %while3A_63 : i32
    %while3A_65 = arith.constant 1 : i32
    %while3A_66 = arith.divsi %while3A_63, %while3A_65 : i32
    %while3A_67 = arith.muli %while3A_66, %while3A_65 : i32
    %while3A_68 = arith.addi %while3A, %while3A_67 : i32
    %while3A_69 = arith.constant 1 : i32
    %while3A_70 = scf.for %while3A_73 = %while3A to %while3A_68 step %while3A_69 iter_args(%while3A_74 = %while3A_62) -> (i32)  : i32 {
      %rem3A_75 = arith.constant 2 : i32
      %rem3A_76 = arith.remsi %while3A_73, %rem3A_75 : i32
      %eq3A = arith.constant 0 : i32
      %eq3A_77 = arith.cmpi eq, %rem3A_76, %eq3A : i32
      %add3A_78 = arith.constant 1 : i32
      %add3A_79 = arith.addi %while3A_73, %add3A_78 : i32
      %mul3A_80 = arith.constant 64 : i32
      %mul3A_81 = arith.muli %add3A_79, %mul3A_80 : i32
      %mul3A_82 = arith.constant 32 : i32
      %mul3A_83 = arith.muli %while3A_73, %mul3A_82 : i32
      %add3A_84 = arith.addi %add3A, %mul3A_83 : i32
      %mul3A_85 = arith.constant 64 : i32
      %mul3A_86 = arith.muli %add3A_84, %mul3A_85 : i32
      %add3A_87 = arith.constant 1 : i32
      %add3A_88 = arith.addi %while3A_73, %add3A_87 : i32
      %lt3A = arith.cmpi slt, %add3A_88, %min3A : i32
      %convert_element_type3A_89 = arith.extui %lt3A : i1 to i32
      %cond3A_90 = arith.constant 0 : i32
      %cond3A_91 = arith.cmpi ne, %convert_element_type3A_89, %cond3A_90 : i32
      scf.if %cond3A_91 {
        %convert_element_type3A_100 = arith.extui %eq3A_77 : i1 to i32
        %cond3A_101 = arith.constant 0 : i32
        %cond3A_102 = arith.cmpi ne, %convert_element_type3A_100, %cond3A_101 : i32
        scf.if %cond3A_102 {
          %dma_start3A = tpu.memref_slice %arg7[%mul3A_81] : memref<192xi32, #tpu.memory_space<vmem>> -> memref<64xi32, #tpu.memory_space<vmem>>
          %dma_start3A_108 = arith.constant 0 : i32
          %dma_start3A_109 = arith.constant 0 : i32
          %dma_start3A_110 = tpu.memref_slice %arg2[%dma_start3A_108, %dma_start3A_109] : memref<2048x768xf32, #tpu.memory_space<hbm>> -> memref<2048x768xf32, #tpu.memory_space<hbm>>
          tpu.enqueue_indirect_dma source(%dma_start3A_110 : memref<2048x768xf32, #tpu.memory_space<hbm>>) target(%arg9 : memref<64x768xf32, #tpu.memory_space<vmem>>) offsets(%dma_start3A : memref<64xi32, #tpu.memory_space<vmem>>) semaphore(%arg11 : memref<!tpu.dma_semaphore, #tpu.memory_space<semaphore_mem>>)
        } else {
        }
        %not3A_103 = arith.constant true
        %not3A_104 = arith.xori %eq3A_77, %not3A_103 : i1
        %convert_element_type3A_105 = arith.extui %not3A_104 : i1 to i32
        %cond3A_106 = arith.constant 0 : i32
        %cond3A_107 = arith.cmpi ne, %convert_element_type3A_105, %cond3A_106 : i32
        scf.if %cond3A_107 {
          %dma_start3A = tpu.memref_slice %arg7[%mul3A_81] : memref<192xi32, #tpu.memory_space<vmem>> -> memref<64xi32, #tpu.memory_space<vmem>>
          %dma_start3A_108 = arith.constant 0 : i32
          %dma_start3A_109 = arith.constant 0 : i32
          %dma_start3A_110 = tpu.memref_slice %arg2[%dma_start3A_108, %dma_start3A_109] : memref<2048x768xf32, #tpu.memory_space<hbm>> -> memref<2048x768xf32, #tpu.memory_space<hbm>>
          tpu.enqueue_indirect_dma source(%dma_start3A_110 : memref<2048x768xf32, #tpu.memory_space<hbm>>) target(%arg8 : memref<64x768xf32, #tpu.memory_space<vmem>>) offsets(%dma_start3A : memref<64xi32, #tpu.memory_space<vmem>>) semaphore(%arg10 : memref<!tpu.dma_semaphore, #tpu.memory_space<semaphore_mem>>)
        } else {
        }
      } else {
      }
      %convert_element_type3A_92 = arith.extui %eq3A_77 : i1 to i32
      %cond3A_93 = arith.constant 0 : i32
      %cond3A_94 = arith.cmpi ne, %convert_element_type3A_92, %cond3A_93 : i32
      scf.if %cond3A_94 {
        %dma_wait3A = arith.constant 0 : i32
        %dma_wait3A_100 = tpu.memref_slice %arg7[%dma_wait3A] : memref<192xi32, #tpu.memory_space<vmem>> -> memref<64xi32, #tpu.memory_space<vmem>>
        %dma_wait3A_101 = arith.constant 0 : i32
        %dma_wait3A_102 = arith.constant 0 : i32
        %dma_wait3A_103 = tpu.memref_slice %arg2[%dma_wait3A_101, %dma_wait3A_102] : memref<2048x768xf32, #tpu.memory_space<hbm>> -> memref<2048x768xf32, #tpu.memory_space<hbm>>
        tpu.wait_indirect_dma semaphore(%arg10 : memref<!tpu.dma_semaphore, #tpu.memory_space<semaphore_mem>>) src(%dma_wait3A_103 : memref<2048x768xf32, #tpu.memory_space<hbm>>) dst(%arg8 : memref<64x768xf32, #tpu.memory_space<vmem>>)
        "tpu.region"() ({
          %run_scoped3A = tpu.sem_alloc : memref<!tpu.dma_semaphore, #tpu.memory_space<semaphore_mem>>
          %dma_start3A = arith.constant 0 : i32
          %dma_start3A_104 = tpu.memref_slice %arg5[%mul3A_86, %dma_start3A] : memref<6144x768xf32, #tpu.memory_space<hbm>> -> memref<64x768xf32, #tpu.memory_space<hbm>>
          %dma_start3A_105 = arith.constant 0 : i32
          %dma_start3A_106 = tpu.memref_slice %arg5[%mul3A_86, %dma_start3A_105] : memref<6144x768xf32, #tpu.memory_space<hbm>> -> memref<64x768xf32, #tpu.memory_space<hbm>>
          tpu.enqueue_dma source(%arg8 : memref<64x768xf32, #tpu.memory_space<vmem>>) target(%dma_start3A_106 : memref<64x768xf32, #tpu.memory_space<hbm>>) target_semaphore(%run_scoped3A : memref<!tpu.dma_semaphore, #tpu.memory_space<semaphore_mem>>)
          %dma_wait3A_107 = arith.constant 0 : i32
          %dma_wait3A_108 = tpu.memref_slice %arg5[%mul3A_86, %dma_wait3A_107] : memref<6144x768xf32, #tpu.memory_space<hbm>> -> memref<64x768xf32, #tpu.memory_space<hbm>>
          %dma_wait3A_109 = arith.constant 0 : i32
          %dma_wait3A_110 = tpu.memref_slice %arg5[%mul3A_86, %dma_wait3A_109] : memref<6144x768xf32, #tpu.memory_space<hbm>> -> memref<64x768xf32, #tpu.memory_space<hbm>>
          tpu.wait_dma2 semaphore(%run_scoped3A : memref<!tpu.dma_semaphore, #tpu.memory_space<semaphore_mem>>) src(%arg8 : memref<64x768xf32, #tpu.memory_space<vmem>>) dst(%dma_wait3A_110 : memref<64x768xf32, #tpu.memory_space<hbm>>)
          tpu.yield
        }) : () -> ()
      } else {
      }
      %not3A = arith.constant true
      %not3A_95 = arith.xori %eq3A_77, %not3A : i1
      %convert_element_type3A_96 = arith.extui %not3A_95 : i1 to i32
      %cond3A_97 = arith.constant 0 : i32
      %cond3A_98 = arith.cmpi ne, %convert_element_type3A_96, %cond3A_97 : i32
      scf.if %cond3A_98 {
        %dma_wait3A = arith.constant 0 : i32
        %dma_wait3A_100 = tpu.memref_slice %arg7[%dma_wait3A] : memref<192xi32, #tpu.memory_space<vmem>> -> memref<64xi32, #tpu.memory_space<vmem>>
        %dma_wait3A_101 = arith.constant 0 : i32
        %dma_wait3A_102 = arith.constant 0 : i32
        %dma_wait3A_103 = tpu.memref_slice %arg2[%dma_wait3A_101, %dma_wait3A_102] : memref<2048x768xf32, #tpu.memory_space<hbm>> -> memref<2048x768xf32, #tpu.memory_space<hbm>>
        tpu.wait_indirect_dma semaphore(%arg11 : memref<!tpu.dma_semaphore, #tpu.memory_space<semaphore_mem>>) src(%dma_wait3A_103 : memref<2048x768xf32, #tpu.memory_space<hbm>>) dst(%arg9 : memref<64x768xf32, #tpu.memory_space<vmem>>)
        "tpu.region"() ({
          %run_scoped3A = tpu.sem_alloc : memref<!tpu.dma_semaphore, #tpu.memory_space<semaphore_mem>>
          %dma_start3A = arith.constant 0 : i32
          %dma_start3A_104 = tpu.memref_slice %arg5[%mul3A_86, %dma_start3A] : memref<6144x768xf32, #tpu.memory_space<hbm>> -> memref<64x768xf32, #tpu.memory_space<hbm>>
          %dma_start3A_105 = arith.constant 0 : i32
          %dma_start3A_106 = tpu.memref_slice %arg5[%mul3A_86, %dma_start3A_105] : memref<6144x768xf32, #tpu.memory_space<hbm>> -> memref<64x768xf32, #tpu.memory_space<hbm>>
          tpu.enqueue_dma source(%arg9 : memref<64x768xf32, #tpu.memory_space<vmem>>) target(%dma_start3A_106 : memref<64x768xf32, #tpu.memory_space<hbm>>) target_semaphore(%run_scoped3A : memref<!tpu.dma_semaphore, #tpu.memory_space<semaphore_mem>>)
          %dma_wait3A_107 = arith.constant 0 : i32
          %dma_wait3A_108 = tpu.memref_slice %arg5[%mul3A_86, %dma_wait3A_107] : memref<6144x768xf32, #tpu.memory_space<hbm>> -> memref<64x768xf32, #tpu.memory_space<hbm>>
          %dma_wait3A_109 = arith.constant 0 : i32
          %dma_wait3A_110 = tpu.memref_slice %arg5[%mul3A_86, %dma_wait3A_109] : memref<6144x768xf32, #tpu.memory_space<hbm>> -> memref<64x768xf32, #tpu.memory_space<hbm>>
          tpu.wait_dma2 semaphore(%run_scoped3A : memref<!tpu.dma_semaphore, #tpu.memory_space<semaphore_mem>>) src(%arg9 : memref<64x768xf32, #tpu.memory_space<vmem>>) dst(%dma_wait3A_110 : memref<64x768xf32, #tpu.memory_space<hbm>>)
          tpu.yield
        }) : () -> ()
      } else {
      }
      %while3A_99 = arith.constant 0 : i32
      scf.yield %while3A_99 : i32
    }
    %while3A_71 = arith.constant 1 : i32
    %while3A_72 = scf.for %while3A_73 = %while3A_68 to %while3A_64 step %while3A_71 iter_args(%while3A_74 = %while3A_70) -> (i32)  : i32 {
      %rem3A_75 = arith.constant 2 : i32
      %rem3A_76 = arith.remsi %while3A_73, %rem3A_75 : i32
      %eq3A = arith.constant 0 : i32
      %eq3A_77 = arith.cmpi eq, %rem3A_76, %eq3A : i32
      %add3A_78 = arith.constant 1 : i32
      %add3A_79 = arith.addi %while3A_73, %add3A_78 : i32
      %mul3A_80 = arith.constant 64 : i32
      %mul3A_81 = arith.muli %add3A_79, %mul3A_80 : i32
      %mul3A_82 = arith.constant 32 : i32
      %mul3A_83 = arith.muli %while3A_73, %mul3A_82 : i32
      %add3A_84 = arith.addi %add3A, %mul3A_83 : i32
      %mul3A_85 = arith.constant 64 : i32
      %mul3A_86 = arith.muli %add3A_84, %mul3A_85 : i32
      %add3A_87 = arith.constant 1 : i32
      %add3A_88 = arith.addi %while3A_73, %add3A_87 : i32
      %lt3A = arith.cmpi slt, %add3A_88, %min3A : i32
      %convert_element_type3A_89 = arith.extui %lt3A : i1 to i32
      %cond3A_90 = arith.constant 0 : i32
      %cond3A_91 = arith.cmpi ne, %convert_element_type3A_89, %cond3A_90 : i32
      scf.if %cond3A_91 {
        %convert_element_type3A_100 = arith.extui %eq3A_77 : i1 to i32
        %cond3A_101 = arith.constant 0 : i32
        %cond3A_102 = arith.cmpi ne, %convert_element_type3A_100, %cond3A_101 : i32
        scf.if %cond3A_102 {
          %dma_start3A = tpu.memref_slice %arg7[%mul3A_81] : memref<192xi32, #tpu.memory_space<vmem>> -> memref<64xi32, #tpu.memory_space<vmem>>
          %dma_start3A_108 = arith.constant 0 : i32
          %dma_start3A_109 = arith.constant 0 : i32
          %dma_start3A_110 = tpu.memref_slice %arg2[%dma_start3A_108, %dma_start3A_109] : memref<2048x768xf32, #tpu.memory_space<hbm>> -> memref<2048x768xf32, #tpu.memory_space<hbm>>
          tpu.enqueue_indirect_dma source(%dma_start3A_110 : memref<2048x768xf32, #tpu.memory_space<hbm>>) target(%arg9 : memref<64x768xf32, #tpu.memory_space<vmem>>) offsets(%dma_start3A : memref<64xi32, #tpu.memory_space<vmem>>) semaphore(%arg11 : memref<!tpu.dma_semaphore, #tpu.memory_space<semaphore_mem>>)
        } else {
        }
        %not3A_103 = arith.constant true
        %not3A_104 = arith.xori %eq3A_77, %not3A_103 : i1
        %convert_element_type3A_105 = arith.extui %not3A_104 : i1 to i32
        %cond3A_106 = arith.constant 0 : i32
        %cond3A_107 = arith.cmpi ne, %convert_element_type3A_105, %cond3A_106 : i32
        scf.if %cond3A_107 {
          %dma_start3A = tpu.memref_slice %arg7[%mul3A_81] : memref<192xi32, #tpu.memory_space<vmem>> -> memref<64xi32, #tpu.memory_space<vmem>>
          %dma_start3A_108 = arith.constant 0 : i32
          %dma_start3A_109 = arith.constant 0 : i32
          %dma_start3A_110 = tpu.memref_slice %arg2[%dma_start3A_108, %dma_start3A_109] : memref<2048x768xf32, #tpu.memory_space<hbm>> -> memref<2048x768xf32, #tpu.memory_space<hbm>>
          tpu.enqueue_indirect_dma source(%dma_start3A_110 : memref<2048x768xf32, #tpu.memory_space<hbm>>) target(%arg8 : memref<64x768xf32, #tpu.memory_space<vmem>>) offsets(%dma_start3A : memref<64xi32, #tpu.memory_space<vmem>>) semaphore(%arg10 : memref<!tpu.dma_semaphore, #tpu.memory_space<semaphore_mem>>)
        } else {
        }
      } else {
      }
      %convert_element_type3A_92 = arith.extui %eq3A_77 : i1 to i32
      %cond3A_93 = arith.constant 0 : i32
      %cond3A_94 = arith.cmpi ne, %convert_element_type3A_92, %cond3A_93 : i32
      scf.if %cond3A_94 {
        %dma_wait3A = arith.constant 0 : i32
        %dma_wait3A_100 = tpu.memref_slice %arg7[%dma_wait3A] : memref<192xi32, #tpu.memory_space<vmem>> -> memref<64xi32, #tpu.memory_space<vmem>>
        %dma_wait3A_101 = arith.constant 0 : i32
        %dma_wait3A_102 = arith.constant 0 : i32
        %dma_wait3A_103 = tpu.memref_slice %arg2[%dma_wait3A_101, %dma_wait3A_102] : memref<2048x768xf32, #tpu.memory_space<hbm>> -> memref<2048x768xf32, #tpu.memory_space<hbm>>
        tpu.wait_indirect_dma semaphore(%arg10 : memref<!tpu.dma_semaphore, #tpu.memory_space<semaphore_mem>>) src(%dma_wait3A_103 : memref<2048x768xf32, #tpu.memory_space<hbm>>) dst(%arg8 : memref<64x768xf32, #tpu.memory_space<vmem>>)
        "tpu.region"() ({
          %run_scoped3A = tpu.sem_alloc : memref<!tpu.dma_semaphore, #tpu.memory_space<semaphore_mem>>
          %dma_start3A = arith.constant 0 : i32
          %dma_start3A_104 = tpu.memref_slice %arg5[%mul3A_86, %dma_start3A] : memref<6144x768xf32, #tpu.memory_space<hbm>> -> memref<64x768xf32, #tpu.memory_space<hbm>>
          %dma_start3A_105 = arith.constant 0 : i32
          %dma_start3A_106 = tpu.memref_slice %arg5[%mul3A_86, %dma_start3A_105] : memref<6144x768xf32, #tpu.memory_space<hbm>> -> memref<64x768xf32, #tpu.memory_space<hbm>>
          tpu.enqueue_dma source(%arg8 : memref<64x768xf32, #tpu.memory_space<vmem>>) target(%dma_start3A_106 : memref<64x768xf32, #tpu.memory_space<hbm>>) target_semaphore(%run_scoped3A : memref<!tpu.dma_semaphore, #tpu.memory_space<semaphore_mem>>)
          %dma_wait3A_107 = arith.constant 0 : i32
          %dma_wait3A_108 = tpu.memref_slice %arg5[%mul3A_86, %dma_wait3A_107] : memref<6144x768xf32, #tpu.memory_space<hbm>> -> memref<64x768xf32, #tpu.memory_space<hbm>>
          %dma_wait3A_109 = arith.constant 0 : i32
          %dma_wait3A_110 = tpu.memref_slice %arg5[%mul3A_86, %dma_wait3A_109] : memref<6144x768xf32, #tpu.memory_space<hbm>> -> memref<64x768xf32, #tpu.memory_space<hbm>>
          tpu.wait_dma2 semaphore(%run_scoped3A : memref<!tpu.dma_semaphore, #tpu.memory_space<semaphore_mem>>) src(%arg8 : memref<64x768xf32, #tpu.memory_space<vmem>>) dst(%dma_wait3A_110 : memref<64x768xf32, #tpu.memory_space<hbm>>)
          tpu.yield
        }) : () -> ()
      } else {
      }
      %not3A = arith.constant true
      %not3A_95 = arith.xori %eq3A_77, %not3A : i1
      %convert_element_type3A_96 = arith.extui %not3A_95 : i1 to i32
      %cond3A_97 = arith.constant 0 : i32
      %cond3A_98 = arith.cmpi ne, %convert_element_type3A_96, %cond3A_97 : i32
      scf.if %cond3A_98 {
        %dma_wait3A = arith.constant 0 : i32
        %dma_wait3A_100 = tpu.memref_slice %arg7[%dma_wait3A] : memref<192xi32, #tpu.memory_space<vmem>> -> memref<64xi32, #tpu.memory_space<vmem>>
        %dma_wait3A_101 = arith.constant 0 : i32
        %dma_wait3A_102 = arith.constant 0 : i32
        %dma_wait3A_103 = tpu.memref_slice %arg2[%dma_wait3A_101, %dma_wait3A_102] : memref<2048x768xf32, #tpu.memory_space<hbm>> -> memref<2048x768xf32, #tpu.memory_space<hbm>>
        tpu.wait_indirect_dma semaphore(%arg11 : memref<!tpu.dma_semaphore, #tpu.memory_space<semaphore_mem>>) src(%dma_wait3A_103 : memref<2048x768xf32, #tpu.memory_space<hbm>>) dst(%arg9 : memref<64x768xf32, #tpu.memory_space<vmem>>)
        "tpu.region"() ({
          %run_scoped3A = tpu.sem_alloc : memref<!tpu.dma_semaphore, #tpu.memory_space<semaphore_mem>>
          %dma_start3A = arith.constant 0 : i32
          %dma_start3A_104 = tpu.memref_slice %arg5[%mul3A_86, %dma_start3A] : memref<6144x768xf32, #tpu.memory_space<hbm>> -> memref<64x768xf32, #tpu.memory_space<hbm>>
          %dma_start3A_105 = arith.constant 0 : i32
          %dma_start3A_106 = tpu.memref_slice %arg5[%mul3A_86, %dma_start3A_105] : memref<6144x768xf32, #tpu.memory_space<hbm>> -> memref<64x768xf32, #tpu.memory_space<hbm>>
          tpu.enqueue_dma source(%arg9 : memref<64x768xf32, #tpu.memory_space<vmem>>) target(%dma_start3A_106 : memref<64x768xf32, #tpu.memory_space<hbm>>) target_semaphore(%run_scoped3A : memref<!tpu.dma_semaphore, #tpu.memory_space<semaphore_mem>>)
          %dma_wait3A_107 = arith.constant 0 : i32
          %dma_wait3A_108 = tpu.memref_slice %arg5[%mul3A_86, %dma_wait3A_107] : memref<6144x768xf32, #tpu.memory_space<hbm>> -> memref<64x768xf32, #tpu.memory_space<hbm>>
          %dma_wait3A_109 = arith.constant 0 : i32
          %dma_wait3A_110 = tpu.memref_slice %arg5[%mul3A_86, %dma_wait3A_109] : memref<6144x768xf32, #tpu.memory_space<hbm>> -> memref<64x768xf32, #tpu.memory_space<hbm>>
          tpu.wait_dma2 semaphore(%run_scoped3A : memref<!tpu.dma_semaphore, #tpu.memory_space<semaphore_mem>>) src(%arg9 : memref<64x768xf32, #tpu.memory_space<vmem>>) dst(%dma_wait3A_110 : memref<64x768xf32, #tpu.memory_space<hbm>>)
          tpu.yield
        }) : () -> ()
      } else {
      }
      %while3A_99 = arith.constant 0 : i32
      scf.yield %while3A_99 : i32
    }
    return
  }
}

#map = affine_map<(d0, d1) -> (0, 0)>
#map1 = affine_map<(d0, d1) -> (0)>
module attributes {stable_mosaic.version = 14 : i64} {
  func.func @sc_combine(%arg0: i32, %arg1: i32, %arg2: memref<6400x768xf32, #tpu.memory_space<hbm>>, %arg3: memref<2048x768xf32, #tpu.memory_space<hbm>>, %arg4: memref<4096xi32, #tpu.memory_space<hbm>>, %arg5: memref<2048x768xf32, #tpu.memory_space<hbm>>, %arg6: memref<32xi32, #tpu.memory_space<vmem>>, %arg7: memref<32xi32, #tpu.memory_space<vmem>>, %arg8: memref<32x768xf32, #tpu.memory_space<vmem>>, %arg9: memref<32x768xf32, #tpu.memory_space<vmem>>, %arg10: memref<32x768xf32, #tpu.memory_space<vmem>>, %arg11: memref<!tpu.dma_semaphore, #tpu.memory_space<semaphore_mem>>) attributes {dimension_semantics = [#tpu.dimension_semantics<core_parallel>, #tpu.dimension_semantics<subcore_parallel>], iteration_bounds = array<i64: 2, 16>, scalar_prefetch = 0 : i64, scratch_operands = 6 : i64, tpu.core_type = #tpu.core_type<sc_vector_subcore>, window_params = [{transform_indices = #map}, {transform_indices = #map}, {transform_indices = #map1}, {transform_indices = #map}]} {
    %mul3A = arith.constant 2 : i32
    %mul3A_0 = arith.muli %arg1, %mul3A : i32
    %add3A = arith.addi %mul3A_0, %arg0 : i32
    %scan3A = arith.constant 0 : i32
    %scan3A_1 = arith.constant 0 : i32
    %scan3A_2 = arith.constant 2 : i32
    %scan3A_3 = arith.addi %scan3A_1, %scan3A_2 : i32
    %scan3A_4 = arith.constant 1 : i32
    %scan3A_5 = scf.for %scan3A_7 = %scan3A_1 to %scan3A_3 step %scan3A_4 iter_args(%scan3A_8 = %scan3A) -> (i32)  : i32 {
      %mul3A_9 = arith.constant 64 : i32
      %mul3A_10 = arith.muli %add3A, %mul3A_9 : i32
      %mul3A_11 = arith.constant 32 : i32
      %mul3A_12 = arith.muli %scan3A_7, %mul3A_11 : i32
      %add3A_13 = arith.addi %mul3A_10, %mul3A_12 : i32
      "tpu.region"() ({
        %run_scoped3A = tpu.sem_alloc : memref<!tpu.dma_semaphore, #tpu.memory_space<semaphore_mem>>
        %dma_start3A_42 = tpu.memref_slice %arg4[%add3A_13] : memref<4096xi32, #tpu.memory_space<hbm>> -> memref<32xi32, #tpu.memory_space<hbm>>
        %dma_start3A_43 = tpu.memref_slice %arg4[%add3A_13] : memref<4096xi32, #tpu.memory_space<hbm>> -> memref<32xi32, #tpu.memory_space<hbm>>
        tpu.enqueue_dma source(%dma_start3A_43 : memref<32xi32, #tpu.memory_space<hbm>>) target(%arg6 : memref<32xi32, #tpu.memory_space<vmem>>) target_semaphore(%run_scoped3A : memref<!tpu.dma_semaphore, #tpu.memory_space<semaphore_mem>>)
        %dma_wait3A_44 = tpu.memref_slice %arg4[%add3A_13] : memref<4096xi32, #tpu.memory_space<hbm>> -> memref<32xi32, #tpu.memory_space<hbm>>
        %dma_wait3A_45 = tpu.memref_slice %arg4[%add3A_13] : memref<4096xi32, #tpu.memory_space<hbm>> -> memref<32xi32, #tpu.memory_space<hbm>>
        tpu.wait_dma2 semaphore(%run_scoped3A : memref<!tpu.dma_semaphore, #tpu.memory_space<semaphore_mem>>) src(%dma_wait3A_45 : memref<32xi32, #tpu.memory_space<hbm>>) dst(%arg6 : memref<32xi32, #tpu.memory_space<vmem>>)
        tpu.yield
      }) : () -> ()
      %add3A_14 = arith.constant 2048 : i32
      %add3A_15 = arith.addi %add3A_14, %add3A_13 : i32
      "tpu.region"() ({
        %run_scoped3A = tpu.sem_alloc : memref<!tpu.dma_semaphore, #tpu.memory_space<semaphore_mem>>
        %dma_start3A_42 = tpu.memref_slice %arg4[%add3A_15] : memref<4096xi32, #tpu.memory_space<hbm>> -> memref<32xi32, #tpu.memory_space<hbm>>
        %dma_start3A_43 = tpu.memref_slice %arg4[%add3A_15] : memref<4096xi32, #tpu.memory_space<hbm>> -> memref<32xi32, #tpu.memory_space<hbm>>
        tpu.enqueue_dma source(%dma_start3A_43 : memref<32xi32, #tpu.memory_space<hbm>>) target(%arg7 : memref<32xi32, #tpu.memory_space<vmem>>) target_semaphore(%run_scoped3A : memref<!tpu.dma_semaphore, #tpu.memory_space<semaphore_mem>>)
        %dma_wait3A_44 = tpu.memref_slice %arg4[%add3A_15] : memref<4096xi32, #tpu.memory_space<hbm>> -> memref<32xi32, #tpu.memory_space<hbm>>
        %dma_wait3A_45 = tpu.memref_slice %arg4[%add3A_15] : memref<4096xi32, #tpu.memory_space<hbm>> -> memref<32xi32, #tpu.memory_space<hbm>>
        tpu.wait_dma2 semaphore(%run_scoped3A : memref<!tpu.dma_semaphore, #tpu.memory_space<semaphore_mem>>) src(%dma_wait3A_45 : memref<32xi32, #tpu.memory_space<hbm>>) dst(%arg7 : memref<32xi32, #tpu.memory_space<vmem>>)
        tpu.yield
      }) : () -> ()
      %dma_start3A = arith.constant 0 : i32
      %dma_start3A_16 = arith.constant 0 : i32
      %dma_start3A_17 = tpu.memref_slice %arg2[%dma_start3A, %dma_start3A_16] : memref<6400x768xf32, #tpu.memory_space<hbm>> -> memref<6400x768xf32, #tpu.memory_space<hbm>>
      tpu.enqueue_indirect_dma source(%dma_start3A_17 : memref<6400x768xf32, #tpu.memory_space<hbm>>) target(%arg8 : memref<32x768xf32, #tpu.memory_space<vmem>>) offsets(%arg6 : memref<32xi32, #tpu.memory_space<vmem>>) semaphore(%arg11 : memref<!tpu.dma_semaphore, #tpu.memory_space<semaphore_mem>>)
      %dma_start3A_18 = arith.constant 0 : i32
      %dma_start3A_19 = arith.constant 0 : i32
      %dma_start3A_20 = tpu.memref_slice %arg2[%dma_start3A_18, %dma_start3A_19] : memref<6400x768xf32, #tpu.memory_space<hbm>> -> memref<6400x768xf32, #tpu.memory_space<hbm>>
      tpu.enqueue_indirect_dma source(%dma_start3A_20 : memref<6400x768xf32, #tpu.memory_space<hbm>>) target(%arg9 : memref<32x768xf32, #tpu.memory_space<vmem>>) offsets(%arg7 : memref<32xi32, #tpu.memory_space<vmem>>) semaphore(%arg11 : memref<!tpu.dma_semaphore, #tpu.memory_space<semaphore_mem>>)
      %dma_start3A_21 = arith.constant 0 : i32
      %dma_start3A_22 = tpu.memref_slice %arg3[%add3A_13, %dma_start3A_21] : memref<2048x768xf32, #tpu.memory_space<hbm>> -> memref<32x768xf32, #tpu.memory_space<hbm>>
      %dma_start3A_23 = arith.constant 0 : i32
      %dma_start3A_24 = tpu.memref_slice %arg3[%add3A_13, %dma_start3A_23] : memref<2048x768xf32, #tpu.memory_space<hbm>> -> memref<32x768xf32, #tpu.memory_space<hbm>>
      tpu.enqueue_dma source(%dma_start3A_24 : memref<32x768xf32, #tpu.memory_space<hbm>>) target(%arg10 : memref<32x768xf32, #tpu.memory_space<vmem>>) target_semaphore(%arg11 : memref<!tpu.dma_semaphore, #tpu.memory_space<semaphore_mem>>)
      %dma_wait3A = arith.constant 0 : i32
      %dma_wait3A_25 = arith.constant 0 : i32
      %dma_wait3A_26 = tpu.memref_slice %arg2[%dma_wait3A, %dma_wait3A_25] : memref<6400x768xf32, #tpu.memory_space<hbm>> -> memref<6400x768xf32, #tpu.memory_space<hbm>>
      tpu.wait_indirect_dma semaphore(%arg11 : memref<!tpu.dma_semaphore, #tpu.memory_space<semaphore_mem>>) src(%dma_wait3A_26 : memref<6400x768xf32, #tpu.memory_space<hbm>>) dst(%arg8 : memref<32x768xf32, #tpu.memory_space<vmem>>)
      %dma_wait3A_27 = arith.constant 0 : i32
      %dma_wait3A_28 = arith.constant 0 : i32
      %dma_wait3A_29 = tpu.memref_slice %arg2[%dma_wait3A_27, %dma_wait3A_28] : memref<6400x768xf32, #tpu.memory_space<hbm>> -> memref<6400x768xf32, #tpu.memory_space<hbm>>
      tpu.wait_indirect_dma semaphore(%arg11 : memref<!tpu.dma_semaphore, #tpu.memory_space<semaphore_mem>>) src(%dma_wait3A_29 : memref<6400x768xf32, #tpu.memory_space<hbm>>) dst(%arg9 : memref<32x768xf32, #tpu.memory_space<vmem>>)
      %dma_wait3A_30 = arith.constant 0 : i32
      %dma_wait3A_31 = tpu.memref_slice %arg3[%add3A_13, %dma_wait3A_30] : memref<2048x768xf32, #tpu.memory_space<hbm>> -> memref<32x768xf32, #tpu.memory_space<hbm>>
      %dma_wait3A_32 = arith.constant 0 : i32
      %dma_wait3A_33 = tpu.memref_slice %arg3[%add3A_13, %dma_wait3A_32] : memref<2048x768xf32, #tpu.memory_space<hbm>> -> memref<32x768xf32, #tpu.memory_space<hbm>>
      tpu.wait_dma2 semaphore(%arg11 : memref<!tpu.dma_semaphore, #tpu.memory_space<semaphore_mem>>) src(%dma_wait3A_33 : memref<32x768xf32, #tpu.memory_space<hbm>>) dst(%arg10 : memref<32x768xf32, #tpu.memory_space<vmem>>)
      %scan3A_34 = arith.constant 0 : i32
      %scan3A_35 = arith.constant 0 : i32
      %scan3A_36 = arith.constant 32 : i32
      %scan3A_37 = arith.addi %scan3A_35, %scan3A_36 : i32
      %scan3A_38 = arith.constant 1 : i32
      %scan3A_39 = scf.for %scan3A_42 = %scan3A_35 to %scan3A_37 step %scan3A_38 iter_args(%scan3A_43 = %scan3A_34) -> (i32)  : i32 {
        %get3A = arith.index_cast %scan3A_42 : i32 to index
        %get3A_44 = arith.constant 0 : index
        %get3A_45 = tpu.vector_load %arg8[%get3A, %get3A_44] {strides = array<i32>} : memref<32x768xf32, #tpu.memory_space<vmem>>, vector<16xf32>,
        %get3A_46 = arith.index_cast %scan3A_42 : i32 to index
        %get3A_47 = arith.constant 0 : index
        %get3A_48 = tpu.vector_load %arg9[%get3A_46, %get3A_47] {strides = array<i32>} : memref<32x768xf32, #tpu.memory_space<vmem>>, vector<16xf32>,
        %add3A_49 = arith.addf %get3A_45, %get3A_48 : vector<16xf32>
        %get3A_50 = arith.index_cast %scan3A_42 : i32 to index
        %get3A_51 = arith.constant 0 : index
        %get3A_52 = tpu.vector_load %arg10[%get3A_50, %get3A_51] {strides = array<i32>} : memref<32x768xf32, #tpu.memory_space<vmem>>, vector<16xf32>,
        %add3A_53 = arith.addf %add3A_49, %get3A_52 : vector<16xf32>
        %swap3A = arith.index_cast %scan3A_42 : i32 to index
        %swap3A_54 = arith.constant 0 : index
        %swap3A_55 = tpu.vector_load %arg8[%swap3A, %swap3A_54] {strides = array<i32>} : memref<32x768xf32, #tpu.memory_space<vmem>>, vector<16xf32>,
        tpu.vector_store %arg8[%swap3A, %swap3A_54], %add3A_53 {strides = array<i32>} : memref<32x768xf32, #tpu.memory_space<vmem>>, vector<16xf32>,
        %get3A_56 = arith.index_cast %scan3A_42 : i32 to index
        %get3A_57 = arith.constant 16 : index
        %get3A_58 = tpu.vector_load %arg8[%get3A_56, %get3A_57] {strides = array<i32>} : memref<32x768xf32, #tpu.memory_space<vmem>>, vector<16xf32>,
        %get3A_59 = arith.index_cast %scan3A_42 : i32 to index
        %get3A_60 = arith.constant 16 : index
        %get3A_61 = tpu.vector_load %arg9[%get3A_59, %get3A_60] {strides = array<i32>} : memref<32x768xf32, #tpu.memory_space<vmem>>, vector<16xf32>,
        %add3A_62 = arith.addf %get3A_58, %get3A_61 : vector<16xf32>
        %get3A_63 = arith.index_cast %scan3A_42 : i32 to index
        %get3A_64 = arith.constant 16 : index
        %get3A_65 = tpu.vector_load %arg10[%get3A_63, %get3A_64] {strides = array<i32>} : memref<32x768xf32, #tpu.memory_space<vmem>>, vector<16xf32>,
        %add3A_66 = arith.addf %add3A_62, %get3A_65 : vector<16xf32>
        %swap3A_67 = arith.index_cast %scan3A_42 : i32 to index
        %swap3A_68 = arith.constant 16 : index
        %swap3A_69 = tpu.vector_load %arg8[%swap3A_67, %swap3A_68] {strides = array<i32>} : memref<32x768xf32, #tpu.memory_space<vmem>>, vector<16xf32>,
        tpu.vector_store %arg8[%swap3A_67, %swap3A_68], %add3A_66 {strides = array<i32>} : memref<32x768xf32, #tpu.memory_space<vmem>>, vector<16xf32>,
        %get3A_70 = arith.index_cast %scan3A_42 : i32 to index
        %get3A_71 = arith.constant 32 : index
        %get3A_72 = tpu.vector_load %arg8[%get3A_70, %get3A_71] {strides = array<i32>} : memref<32x768xf32, #tpu.memory_space<vmem>>, vector<16xf32>,
        %get3A_73 = arith.index_cast %scan3A_42 : i32 to index
        %get3A_74 = arith.constant 32 : index
        %get3A_75 = tpu.vector_load %arg9[%get3A_73, %get3A_74] {strides = array<i32>} : memref<32x768xf32, #tpu.memory_space<vmem>>, vector<16xf32>,
        %add3A_76 = arith.addf %get3A_72, %get3A_75 : vector<16xf32>
        %get3A_77 = arith.index_cast %scan3A_42 : i32 to index
        %get3A_78 = arith.constant 32 : index
        %get3A_79 = tpu.vector_load %arg10[%get3A_77, %get3A_78] {strides = array<i32>} : memref<32x768xf32, #tpu.memory_space<vmem>>, vector<16xf32>,
        %add3A_80 = arith.addf %add3A_76, %get3A_79 : vector<16xf32>
        %swap3A_81 = arith.index_cast %scan3A_42 : i32 to index
        %swap3A_82 = arith.constant 32 : index
        %swap3A_83 = tpu.vector_load %arg8[%swap3A_81, %swap3A_82] {strides = array<i32>} : memref<32x768xf32, #tpu.memory_space<vmem>>, vector<16xf32>,
        tpu.vector_store %arg8[%swap3A_81, %swap3A_82], %add3A_80 {strides = array<i32>} : memref<32x768xf32, #tpu.memory_space<vmem>>, vector<16xf32>,
        %get3A_84 = arith.index_cast %scan3A_42 : i32 to index
        %get3A_85 = arith.constant 48 : index
        %get3A_86 = tpu.vector_load %arg8[%get3A_84, %get3A_85] {strides = array<i32>} : memref<32x768xf32, #tpu.memory_space<vmem>>, vector<16xf32>,
        %get3A_87 = arith.index_cast %scan3A_42 : i32 to index
        %get3A_88 = arith.constant 48 : index
        %get3A_89 = tpu.vector_load %arg9[%get3A_87, %get3A_88] {strides = array<i32>} : memref<32x768xf32, #tpu.memory_space<vmem>>, vector<16xf32>,
        %add3A_90 = arith.addf %get3A_86, %get3A_89 : vector<16xf32>
        %get3A_91 = arith.index_cast %scan3A_42 : i32 to index
        %get3A_92 = arith.constant 48 : index
        %get3A_93 = tpu.vector_load %arg10[%get3A_91, %get3A_92] {strides = array<i32>} : memref<32x768xf32, #tpu.memory_space<vmem>>, vector<16xf32>,
        %add3A_94 = arith.addf %add3A_90, %get3A_93 : vector<16xf32>
        %swap3A_95 = arith.index_cast %scan3A_42 : i32 to index
        %swap3A_96 = arith.constant 48 : index
        %swap3A_97 = tpu.vector_load %arg8[%swap3A_95, %swap3A_96] {strides = array<i32>} : memref<32x768xf32, #tpu.memory_space<vmem>>, vector<16xf32>,
        tpu.vector_store %arg8[%swap3A_95, %swap3A_96], %add3A_94 {strides = array<i32>} : memref<32x768xf32, #tpu.memory_space<vmem>>, vector<16xf32>,
        %get3A_98 = arith.index_cast %scan3A_42 : i32 to index
        %get3A_99 = arith.constant 64 : index
        %get3A_100 = tpu.vector_load %arg8[%get3A_98, %get3A_99] {strides = array<i32>} : memref<32x768xf32, #tpu.memory_space<vmem>>, vector<16xf32>,
        %get3A_101 = arith.index_cast %scan3A_42 : i32 to index
        %get3A_102 = arith.constant 64 : index
        %get3A_103 = tpu.vector_load %arg9[%get3A_101, %get3A_102] {strides = array<i32>} : memref<32x768xf32, #tpu.memory_space<vmem>>, vector<16xf32>,
        %add3A_104 = arith.addf %get3A_100, %get3A_103 : vector<16xf32>
        %get3A_105 = arith.index_cast %scan3A_42 : i32 to index
        %get3A_106 = arith.constant 64 : index
        %get3A_107 = tpu.vector_load %arg10[%get3A_105, %get3A_106] {strides = array<i32>} : memref<32x768xf32, #tpu.memory_space<vmem>>, vector<16xf32>,
        %add3A_108 = arith.addf %add3A_104, %get3A_107 : vector<16xf32>
        %swap3A_109 = arith.index_cast %scan3A_42 : i32 to index
        %swap3A_110 = arith.constant 64 : index
        %swap3A_111 = tpu.vector_load %arg8[%swap3A_109, %swap3A_110] {strides = array<i32>} : memref<32x768xf32, #tpu.memory_space<vmem>>, vector<16xf32>,
        tpu.vector_store %arg8[%swap3A_109, %swap3A_110], %add3A_108 {strides = array<i32>} : memref<32x768xf32, #tpu.memory_space<vmem>>, vector<16xf32>,
        %get3A_112 = arith.index_cast %scan3A_42 : i32 to index
        %get3A_113 = arith.constant 80 : index
        %get3A_114 = tpu.vector_load %arg8[%get3A_112, %get3A_113] {strides = array<i32>} : memref<32x768xf32, #tpu.memory_space<vmem>>, vector<16xf32>,
        %get3A_115 = arith.index_cast %scan3A_42 : i32 to index
        %get3A_116 = arith.constant 80 : index
        %get3A_117 = tpu.vector_load %arg9[%get3A_115, %get3A_116] {strides = array<i32>} : memref<32x768xf32, #tpu.memory_space<vmem>>, vector<16xf32>,
        %add3A_118 = arith.addf %get3A_114, %get3A_117 : vector<16xf32>
        %get3A_119 = arith.index_cast %scan3A_42 : i32 to index
        %get3A_120 = arith.constant 80 : index
        %get3A_121 = tpu.vector_load %arg10[%get3A_119, %get3A_120] {strides = array<i32>} : memref<32x768xf32, #tpu.memory_space<vmem>>, vector<16xf32>,
        %add3A_122 = arith.addf %add3A_118, %get3A_121 : vector<16xf32>
        %swap3A_123 = arith.index_cast %scan3A_42 : i32 to index
        %swap3A_124 = arith.constant 80 : index
        %swap3A_125 = tpu.vector_load %arg8[%swap3A_123, %swap3A_124] {strides = array<i32>} : memref<32x768xf32, #tpu.memory_space<vmem>>, vector<16xf32>,
        tpu.vector_store %arg8[%swap3A_123, %swap3A_124], %add3A_122 {strides = array<i32>} : memref<32x768xf32, #tpu.memory_space<vmem>>, vector<16xf32>,
        %get3A_126 = arith.index_cast %scan3A_42 : i32 to index
        %get3A_127 = arith.constant 96 : index
        %get3A_128 = tpu.vector_load %arg8[%get3A_126, %get3A_127] {strides = array<i32>} : memref<32x768xf32, #tpu.memory_space<vmem>>, vector<16xf32>,
        %get3A_129 = arith.index_cast %scan3A_42 : i32 to index
        %get3A_130 = arith.constant 96 : index
        %get3A_131 = tpu.vector_load %arg9[%get3A_129, %get3A_130] {strides = array<i32>} : memref<32x768xf32, #tpu.memory_space<vmem>>, vector<16xf32>,
        %add3A_132 = arith.addf %get3A_128, %get3A_131 : vector<16xf32>
        %get3A_133 = arith.index_cast %scan3A_42 : i32 to index
        %get3A_134 = arith.constant 96 : index
        %get3A_135 = tpu.vector_load %arg10[%get3A_133, %get3A_134] {strides = array<i32>} : memref<32x768xf32, #tpu.memory_space<vmem>>, vector<16xf32>,
        %add3A_136 = arith.addf %add3A_132, %get3A_135 : vector<16xf32>
        %swap3A_137 = arith.index_cast %scan3A_42 : i32 to index
        %swap3A_138 = arith.constant 96 : index
        %swap3A_139 = tpu.vector_load %arg8[%swap3A_137, %swap3A_138] {strides = array<i32>} : memref<32x768xf32, #tpu.memory_space<vmem>>, vector<16xf32>,
        tpu.vector_store %arg8[%swap3A_137, %swap3A_138], %add3A_136 {strides = array<i32>} : memref<32x768xf32, #tpu.memory_space<vmem>>, vector<16xf32>,
        %get3A_140 = arith.index_cast %scan3A_42 : i32 to index
        %get3A_141 = arith.constant 112 : index
        %get3A_142 = tpu.vector_load %arg8[%get3A_140, %get3A_141] {strides = array<i32>} : memref<32x768xf32, #tpu.memory_space<vmem>>, vector<16xf32>,
        %get3A_143 = arith.index_cast %scan3A_42 : i32 to index
        %get3A_144 = arith.constant 112 : index
        %get3A_145 = tpu.vector_load %arg9[%get3A_143, %get3A_144] {strides = array<i32>} : memref<32x768xf32, #tpu.memory_space<vmem>>, vector<16xf32>,
        %add3A_146 = arith.addf %get3A_142, %get3A_145 : vector<16xf32>
        %get3A_147 = arith.index_cast %scan3A_42 : i32 to index
        %get3A_148 = arith.constant 112 : index
        %get3A_149 = tpu.vector_load %arg10[%get3A_147, %get3A_148] {strides = array<i32>} : memref<32x768xf32, #tpu.memory_space<vmem>>, vector<16xf32>,
        %add3A_150 = arith.addf %add3A_146, %get3A_149 : vector<16xf32>
        %swap3A_151 = arith.index_cast %scan3A_42 : i32 to index
        %swap3A_152 = arith.constant 112 : index
        %swap3A_153 = tpu.vector_load %arg8[%swap3A_151, %swap3A_152] {strides = array<i32>} : memref<32x768xf32, #tpu.memory_space<vmem>>, vector<16xf32>,
        tpu.vector_store %arg8[%swap3A_151, %swap3A_152], %add3A_150 {strides = array<i32>} : memref<32x768xf32, #tpu.memory_space<vmem>>, vector<16xf32>,
        %get3A_154 = arith.index_cast %scan3A_42 : i32 to index
        %get3A_155 = arith.constant 128 : index
        %get3A_156 = tpu.vector_load %arg8[%get3A_154, %get3A_155] {strides = array<i32>} : memref<32x768xf32, #tpu.memory_space<vmem>>, vector<16xf32>,
        %get3A_157 = arith.index_cast %scan3A_42 : i32 to index
        %get3A_158 = arith.constant 128 : index
        %get3A_159 = tpu.vector_load %arg9[%get3A_157, %get3A_158] {strides = array<i32>} : memref<32x768xf32, #tpu.memory_space<vmem>>, vector<16xf32>,
        %add3A_160 = arith.addf %get3A_156, %get3A_159 : vector<16xf32>
        %get3A_161 = arith.index_cast %scan3A_42 : i32 to index
        %get3A_162 = arith.constant 128 : index
        %get3A_163 = tpu.vector_load %arg10[%get3A_161, %get3A_162] {strides = array<i32>} : memref<32x768xf32, #tpu.memory_space<vmem>>, vector<16xf32>,
        %add3A_164 = arith.addf %add3A_160, %get3A_163 : vector<16xf32>
        %swap3A_165 = arith.index_cast %scan3A_42 : i32 to index
        %swap3A_166 = arith.constant 128 : index
        %swap3A_167 = tpu.vector_load %arg8[%swap3A_165, %swap3A_166] {strides = array<i32>} : memref<32x768xf32, #tpu.memory_space<vmem>>, vector<16xf32>,
        tpu.vector_store %arg8[%swap3A_165, %swap3A_166], %add3A_164 {strides = array<i32>} : memref<32x768xf32, #tpu.memory_space<vmem>>, vector<16xf32>,
        %get3A_168 = arith.index_cast %scan3A_42 : i32 to index
        %get3A_169 = arith.constant 144 : index
        %get3A_170 = tpu.vector_load %arg8[%get3A_168, %get3A_169] {strides = array<i32>} : memref<32x768xf32, #tpu.memory_space<vmem>>, vector<16xf32>,
        %get3A_171 = arith.index_cast %scan3A_42 : i32 to index
        %get3A_172 = arith.constant 144 : index
        %get3A_173 = tpu.vector_load %arg9[%get3A_171, %get3A_172] {strides = array<i32>} : memref<32x768xf32, #tpu.memory_space<vmem>>, vector<16xf32>,
        %add3A_174 = arith.addf %get3A_170, %get3A_173 : vector<16xf32>
        %get3A_175 = arith.index_cast %scan3A_42 : i32 to index
        %get3A_176 = arith.constant 144 : index
        %get3A_177 = tpu.vector_load %arg10[%get3A_175, %get3A_176] {strides = array<i32>} : memref<32x768xf32, #tpu.memory_space<vmem>>, vector<16xf32>,
        %add3A_178 = arith.addf %add3A_174, %get3A_177 : vector<16xf32>
        %swap3A_179 = arith.index_cast %scan3A_42 : i32 to index
        %swap3A_180 = arith.constant 144 : index
        %swap3A_181 = tpu.vector_load %arg8[%swap3A_179, %swap3A_180] {strides = array<i32>} : memref<32x768xf32, #tpu.memory_space<vmem>>, vector<16xf32>,
        tpu.vector_store %arg8[%swap3A_179, %swap3A_180], %add3A_178 {strides = array<i32>} : memref<32x768xf32, #tpu.memory_space<vmem>>, vector<16xf32>,
        %get3A_182 = arith.index_cast %scan3A_42 : i32 to index
        %get3A_183 = arith.constant 160 : index
        %get3A_184 = tpu.vector_load %arg8[%get3A_182, %get3A_183] {strides = array<i32>} : memref<32x768xf32, #tpu.memory_space<vmem>>, vector<16xf32>,
        %get3A_185 = arith.index_cast %scan3A_42 : i32 to index
        %get3A_186 = arith.constant 160 : index
        %get3A_187 = tpu.vector_load %arg9[%get3A_185, %get3A_186] {strides = array<i32>} : memref<32x768xf32, #tpu.memory_space<vmem>>, vector<16xf32>,
        %add3A_188 = arith.addf %get3A_184, %get3A_187 : vector<16xf32>
        %get3A_189 = arith.index_cast %scan3A_42 : i32 to index
        %get3A_190 = arith.constant 160 : index
        %get3A_191 = tpu.vector_load %arg10[%get3A_189, %get3A_190] {strides = array<i32>} : memref<32x768xf32, #tpu.memory_space<vmem>>, vector<16xf32>,
        %add3A_192 = arith.addf %add3A_188, %get3A_191 : vector<16xf32>
        %swap3A_193 = arith.index_cast %scan3A_42 : i32 to index
        %swap3A_194 = arith.constant 160 : index
        %swap3A_195 = tpu.vector_load %arg8[%swap3A_193, %swap3A_194] {strides = array<i32>} : memref<32x768xf32, #tpu.memory_space<vmem>>, vector<16xf32>,
        tpu.vector_store %arg8[%swap3A_193, %swap3A_194], %add3A_192 {strides = array<i32>} : memref<32x768xf32, #tpu.memory_space<vmem>>, vector<16xf32>,
        %get3A_196 = arith.index_cast %scan3A_42 : i32 to index
        %get3A_197 = arith.constant 176 : index
        %get3A_198 = tpu.vector_load %arg8[%get3A_196, %get3A_197] {strides = array<i32>} : memref<32x768xf32, #tpu.memory_space<vmem>>, vector<16xf32>,
        %get3A_199 = arith.index_cast %scan3A_42 : i32 to index
        %get3A_200 = arith.constant 176 : index
        %get3A_201 = tpu.vector_load %arg9[%get3A_199, %get3A_200] {strides = array<i32>} : memref<32x768xf32, #tpu.memory_space<vmem>>, vector<16xf32>,
        %add3A_202 = arith.addf %get3A_198, %get3A_201 : vector<16xf32>
        %get3A_203 = arith.index_cast %scan3A_42 : i32 to index
        %get3A_204 = arith.constant 176 : index
        %get3A_205 = tpu.vector_load %arg10[%get3A_203, %get3A_204] {strides = array<i32>} : memref<32x768xf32, #tpu.memory_space<vmem>>, vector<16xf32>,
        %add3A_206 = arith.addf %add3A_202, %get3A_205 : vector<16xf32>
        %swap3A_207 = arith.index_cast %scan3A_42 : i32 to index
        %swap3A_208 = arith.constant 176 : index
        %swap3A_209 = tpu.vector_load %arg8[%swap3A_207, %swap3A_208] {strides = array<i32>} : memref<32x768xf32, #tpu.memory_space<vmem>>, vector<16xf32>,
        tpu.vector_store %arg8[%swap3A_207, %swap3A_208], %add3A_206 {strides = array<i32>} : memref<32x768xf32, #tpu.memory_space<vmem>>, vector<16xf32>,
        %get3A_210 = arith.index_cast %scan3A_42 : i32 to index
        %get3A_211 = arith.constant 192 : index
        %get3A_212 = tpu.vector_load %arg8[%get3A_210, %get3A_211] {strides = array<i32>} : memref<32x768xf32, #tpu.memory_space<vmem>>, vector<16xf32>,
        %get3A_213 = arith.index_cast %scan3A_42 : i32 to index
        %get3A_214 = arith.constant 192 : index
        %get3A_215 = tpu.vector_load %arg9[%get3A_213, %get3A_214] {strides = array<i32>} : memref<32x768xf32, #tpu.memory_space<vmem>>, vector<16xf32>,
        %add3A_216 = arith.addf %get3A_212, %get3A_215 : vector<16xf32>
        %get3A_217 = arith.index_cast %scan3A_42 : i32 to index
        %get3A_218 = arith.constant 192 : index
        %get3A_219 = tpu.vector_load %arg10[%get3A_217, %get3A_218] {strides = array<i32>} : memref<32x768xf32, #tpu.memory_space<vmem>>, vector<16xf32>,
        %add3A_220 = arith.addf %add3A_216, %get3A_219 : vector<16xf32>
        %swap3A_221 = arith.index_cast %scan3A_42 : i32 to index
        %swap3A_222 = arith.constant 192 : index
        %swap3A_223 = tpu.vector_load %arg8[%swap3A_221, %swap3A_222] {strides = array<i32>} : memref<32x768xf32, #tpu.memory_space<vmem>>, vector<16xf32>,
        tpu.vector_store %arg8[%swap3A_221, %swap3A_222], %add3A_220 {strides = array<i32>} : memref<32x768xf32, #tpu.memory_space<vmem>>, vector<16xf32>,
        %get3A_224 = arith.index_cast %scan3A_42 : i32 to index
        %get3A_225 = arith.constant 208 : index
        %get3A_226 = tpu.vector_load %arg8[%get3A_224, %get3A_225] {strides = array<i32>} : memref<32x768xf32, #tpu.memory_space<vmem>>, vector<16xf32>,
        %get3A_227 = arith.index_cast %scan3A_42 : i32 to index
        %get3A_228 = arith.constant 208 : index
        %get3A_229 = tpu.vector_load %arg9[%get3A_227, %get3A_228] {strides = array<i32>} : memref<32x768xf32, #tpu.memory_space<vmem>>, vector<16xf32>,
        %add3A_230 = arith.addf %get3A_226, %get3A_229 : vector<16xf32>
        %get3A_231 = arith.index_cast %scan3A_42 : i32 to index
        %get3A_232 = arith.constant 208 : index
        %get3A_233 = tpu.vector_load %arg10[%get3A_231, %get3A_232] {strides = array<i32>} : memref<32x768xf32, #tpu.memory_space<vmem>>, vector<16xf32>,
        %add3A_234 = arith.addf %add3A_230, %get3A_233 : vector<16xf32>
        %swap3A_235 = arith.index_cast %scan3A_42 : i32 to index
        %swap3A_236 = arith.constant 208 : index
        %swap3A_237 = tpu.vector_load %arg8[%swap3A_235, %swap3A_236] {strides = array<i32>} : memref<32x768xf32, #tpu.memory_space<vmem>>, vector<16xf32>,
        tpu.vector_store %arg8[%swap3A_235, %swap3A_236], %add3A_234 {strides = array<i32>} : memref<32x768xf32, #tpu.memory_space<vmem>>, vector<16xf32>,
        %get3A_238 = arith.index_cast %scan3A_42 : i32 to index
        %get3A_239 = arith.constant 224 : index
        %get3A_240 = tpu.vector_load %arg8[%get3A_238, %get3A_239] {strides = array<i32>} : memref<32x768xf32, #tpu.memory_space<vmem>>, vector<16xf32>,
        %get3A_241 = arith.index_cast %scan3A_42 : i32 to index
        %get3A_242 = arith.constant 224 : index
        %get3A_243 = tpu.vector_load %arg9[%get3A_241, %get3A_242] {strides = array<i32>} : memref<32x768xf32, #tpu.memory_space<vmem>>, vector<16xf32>,
        %add3A_244 = arith.addf %get3A_240, %get3A_243 : vector<16xf32>
        %get3A_245 = arith.index_cast %scan3A_42 : i32 to index
        %get3A_246 = arith.constant 224 : index
        %get3A_247 = tpu.vector_load %arg10[%get3A_245, %get3A_246] {strides = array<i32>} : memref<32x768xf32, #tpu.memory_space<vmem>>, vector<16xf32>,
        %add3A_248 = arith.addf %add3A_244, %get3A_247 : vector<16xf32>
        %swap3A_249 = arith.index_cast %scan3A_42 : i32 to index
        %swap3A_250 = arith.constant 224 : index
        %swap3A_251 = tpu.vector_load %arg8[%swap3A_249, %swap3A_250] {strides = array<i32>} : memref<32x768xf32, #tpu.memory_space<vmem>>, vector<16xf32>,
        tpu.vector_store %arg8[%swap3A_249, %swap3A_250], %add3A_248 {strides = array<i32>} : memref<32x768xf32, #tpu.memory_space<vmem>>, vector<16xf32>,
        %get3A_252 = arith.index_cast %scan3A_42 : i32 to index
        %get3A_253 = arith.constant 240 : index
        %get3A_254 = tpu.vector_load %arg8[%get3A_252, %get3A_253] {strides = array<i32>} : memref<32x768xf32, #tpu.memory_space<vmem>>, vector<16xf32>,
        %get3A_255 = arith.index_cast %scan3A_42 : i32 to index
        %get3A_256 = arith.constant 240 : index
        %get3A_257 = tpu.vector_load %arg9[%get3A_255, %get3A_256] {strides = array<i32>} : memref<32x768xf32, #tpu.memory_space<vmem>>, vector<16xf32>,
        %add3A_258 = arith.addf %get3A_254, %get3A_257 : vector<16xf32>
        %get3A_259 = arith.index_cast %scan3A_42 : i32 to index
        %get3A_260 = arith.constant 240 : index
        %get3A_261 = tpu.vector_load %arg10[%get3A_259, %get3A_260] {strides = array<i32>} : memref<32x768xf32, #tpu.memory_space<vmem>>, vector<16xf32>,
        %add3A_262 = arith.addf %add3A_258, %get3A_261 : vector<16xf32>
        %swap3A_263 = arith.index_cast %scan3A_42 : i32 to index
        %swap3A_264 = arith.constant 240 : index
        %swap3A_265 = tpu.vector_load %arg8[%swap3A_263, %swap3A_264] {strides = array<i32>} : memref<32x768xf32, #tpu.memory_space<vmem>>, vector<16xf32>,
        tpu.vector_store %arg8[%swap3A_263, %swap3A_264], %add3A_262 {strides = array<i32>} : memref<32x768xf32, #tpu.memory_space<vmem>>, vector<16xf32>,
        %get3A_266 = arith.index_cast %scan3A_42 : i32 to index
        %get3A_267 = arith.constant 256 : index
        %get3A_268 = tpu.vector_load %arg8[%get3A_266, %get3A_267] {strides = array<i32>} : memref<32x768xf32, #tpu.memory_space<vmem>>, vector<16xf32>,
        %get3A_269 = arith.index_cast %scan3A_42 : i32 to index
        %get3A_270 = arith.constant 256 : index
        %get3A_271 = tpu.vector_load %arg9[%get3A_269, %get3A_270] {strides = array<i32>} : memref<32x768xf32, #tpu.memory_space<vmem>>, vector<16xf32>,
        %add3A_272 = arith.addf %get3A_268, %get3A_271 : vector<16xf32>
        %get3A_273 = arith.index_cast %scan3A_42 : i32 to index
        %get3A_274 = arith.constant 256 : index
        %get3A_275 = tpu.vector_load %arg10[%get3A_273, %get3A_274] {strides = array<i32>} : memref<32x768xf32, #tpu.memory_space<vmem>>, vector<16xf32>,
        %add3A_276 = arith.addf %add3A_272, %get3A_275 : vector<16xf32>
        %swap3A_277 = arith.index_cast %scan3A_42 : i32 to index
        %swap3A_278 = arith.constant 256 : index
        %swap3A_279 = tpu.vector_load %arg8[%swap3A_277, %swap3A_278] {strides = array<i32>} : memref<32x768xf32, #tpu.memory_space<vmem>>, vector<16xf32>,
        tpu.vector_store %arg8[%swap3A_277, %swap3A_278], %add3A_276 {strides = array<i32>} : memref<32x768xf32, #tpu.memory_space<vmem>>, vector<16xf32>,
        %get3A_280 = arith.index_cast %scan3A_42 : i32 to index
        %get3A_281 = arith.constant 272 : index
        %get3A_282 = tpu.vector_load %arg8[%get3A_280, %get3A_281] {strides = array<i32>} : memref<32x768xf32, #tpu.memory_space<vmem>>, vector<16xf32>,
        %get3A_283 = arith.index_cast %scan3A_42 : i32 to index
        %get3A_284 = arith.constant 272 : index
        %get3A_285 = tpu.vector_load %arg9[%get3A_283, %get3A_284] {strides = array<i32>} : memref<32x768xf32, #tpu.memory_space<vmem>>, vector<16xf32>,
        %add3A_286 = arith.addf %get3A_282, %get3A_285 : vector<16xf32>
        %get3A_287 = arith.index_cast %scan3A_42 : i32 to index
        %get3A_288 = arith.constant 272 : index
        %get3A_289 = tpu.vector_load %arg10[%get3A_287, %get3A_288] {strides = array<i32>} : memref<32x768xf32, #tpu.memory_space<vmem>>, vector<16xf32>,
        %add3A_290 = arith.addf %add3A_286, %get3A_289 : vector<16xf32>
        %swap3A_291 = arith.index_cast %scan3A_42 : i32 to index
        %swap3A_292 = arith.constant 272 : index
        %swap3A_293 = tpu.vector_load %arg8[%swap3A_291, %swap3A_292] {strides = array<i32>} : memref<32x768xf32, #tpu.memory_space<vmem>>, vector<16xf32>,
        tpu.vector_store %arg8[%swap3A_291, %swap3A_292], %add3A_290 {strides = array<i32>} : memref<32x768xf32, #tpu.memory_space<vmem>>, vector<16xf32>,
        %get3A_294 = arith.index_cast %scan3A_42 : i32 to index
        %get3A_295 = arith.constant 288 : index
        %get3A_296 = tpu.vector_load %arg8[%get3A_294, %get3A_295] {strides = array<i32>} : memref<32x768xf32, #tpu.memory_space<vmem>>, vector<16xf32>,
        %get3A_297 = arith.index_cast %scan3A_42 : i32 to index
        %get3A_298 = arith.constant 288 : index
        %get3A_299 = tpu.vector_load %arg9[%get3A_297, %get3A_298] {strides = array<i32>} : memref<32x768xf32, #tpu.memory_space<vmem>>, vector<16xf32>,
        %add3A_300 = arith.addf %get3A_296, %get3A_299 : vector<16xf32>
        %get3A_301 = arith.index_cast %scan3A_42 : i32 to index
        %get3A_302 = arith.constant 288 : index
        %get3A_303 = tpu.vector_load %arg10[%get3A_301, %get3A_302] {strides = array<i32>} : memref<32x768xf32, #tpu.memory_space<vmem>>, vector<16xf32>,
        %add3A_304 = arith.addf %add3A_300, %get3A_303 : vector<16xf32>
        %swap3A_305 = arith.index_cast %scan3A_42 : i32 to index
        %swap3A_306 = arith.constant 288 : index
        %swap3A_307 = tpu.vector_load %arg8[%swap3A_305, %swap3A_306] {strides = array<i32>} : memref<32x768xf32, #tpu.memory_space<vmem>>, vector<16xf32>,
        tpu.vector_store %arg8[%swap3A_305, %swap3A_306], %add3A_304 {strides = array<i32>} : memref<32x768xf32, #tpu.memory_space<vmem>>, vector<16xf32>,
        %get3A_308 = arith.index_cast %scan3A_42 : i32 to index
        %get3A_309 = arith.constant 304 : index
        %get3A_310 = tpu.vector_load %arg8[%get3A_308, %get3A_309] {strides = array<i32>} : memref<32x768xf32, #tpu.memory_space<vmem>>, vector<16xf32>,
        %get3A_311 = arith.index_cast %scan3A_42 : i32 to index
        %get3A_312 = arith.constant 304 : index
        %get3A_313 = tpu.vector_load %arg9[%get3A_311, %get3A_312] {strides = array<i32>} : memref<32x768xf32, #tpu.memory_space<vmem>>, vector<16xf32>,
        %add3A_314 = arith.addf %get3A_310, %get3A_313 : vector<16xf32>
        %get3A_315 = arith.index_cast %scan3A_42 : i32 to index
        %get3A_316 = arith.constant 304 : index
        %get3A_317 = tpu.vector_load %arg10[%get3A_315, %get3A_316] {strides = array<i32>} : memref<32x768xf32, #tpu.memory_space<vmem>>, vector<16xf32>,
        %add3A_318 = arith.addf %add3A_314, %get3A_317 : vector<16xf32>
        %swap3A_319 = arith.index_cast %scan3A_42 : i32 to index
        %swap3A_320 = arith.constant 304 : index
        %swap3A_321 = tpu.vector_load %arg8[%swap3A_319, %swap3A_320] {strides = array<i32>} : memref<32x768xf32, #tpu.memory_space<vmem>>, vector<16xf32>,
        tpu.vector_store %arg8[%swap3A_319, %swap3A_320], %add3A_318 {strides = array<i32>} : memref<32x768xf32, #tpu.memory_space<vmem>>, vector<16xf32>,
        %get3A_322 = arith.index_cast %scan3A_42 : i32 to index
        %get3A_323 = arith.constant 320 : index
        %get3A_324 = tpu.vector_load %arg8[%get3A_322, %get3A_323] {strides = array<i32>} : memref<32x768xf32, #tpu.memory_space<vmem>>, vector<16xf32>,
        %get3A_325 = arith.index_cast %scan3A_42 : i32 to index
        %get3A_326 = arith.constant 320 : index
        %get3A_327 = tpu.vector_load %arg9[%get3A_325, %get3A_326] {strides = array<i32>} : memref<32x768xf32, #tpu.memory_space<vmem>>, vector<16xf32>,
        %add3A_328 = arith.addf %get3A_324, %get3A_327 : vector<16xf32>
        %get3A_329 = arith.index_cast %scan3A_42 : i32 to index
        %get3A_330 = arith.constant 320 : index
        %get3A_331 = tpu.vector_load %arg10[%get3A_329, %get3A_330] {strides = array<i32>} : memref<32x768xf32, #tpu.memory_space<vmem>>, vector<16xf32>,
        %add3A_332 = arith.addf %add3A_328, %get3A_331 : vector<16xf32>
        %swap3A_333 = arith.index_cast %scan3A_42 : i32 to index
        %swap3A_334 = arith.constant 320 : index
        %swap3A_335 = tpu.vector_load %arg8[%swap3A_333, %swap3A_334] {strides = array<i32>} : memref<32x768xf32, #tpu.memory_space<vmem>>, vector<16xf32>,
        tpu.vector_store %arg8[%swap3A_333, %swap3A_334], %add3A_332 {strides = array<i32>} : memref<32x768xf32, #tpu.memory_space<vmem>>, vector<16xf32>,
        %get3A_336 = arith.index_cast %scan3A_42 : i32 to index
        %get3A_337 = arith.constant 336 : index
        %get3A_338 = tpu.vector_load %arg8[%get3A_336, %get3A_337] {strides = array<i32>} : memref<32x768xf32, #tpu.memory_space<vmem>>, vector<16xf32>,
        %get3A_339 = arith.index_cast %scan3A_42 : i32 to index
        %get3A_340 = arith.constant 336 : index
        %get3A_341 = tpu.vector_load %arg9[%get3A_339, %get3A_340] {strides = array<i32>} : memref<32x768xf32, #tpu.memory_space<vmem>>, vector<16xf32>,
        %add3A_342 = arith.addf %get3A_338, %get3A_341 : vector<16xf32>
        %get3A_343 = arith.index_cast %scan3A_42 : i32 to index
        %get3A_344 = arith.constant 336 : index
        %get3A_345 = tpu.vector_load %arg10[%get3A_343, %get3A_344] {strides = array<i32>} : memref<32x768xf32, #tpu.memory_space<vmem>>, vector<16xf32>,
        %add3A_346 = arith.addf %add3A_342, %get3A_345 : vector<16xf32>
        %swap3A_347 = arith.index_cast %scan3A_42 : i32 to index
        %swap3A_348 = arith.constant 336 : index
        %swap3A_349 = tpu.vector_load %arg8[%swap3A_347, %swap3A_348] {strides = array<i32>} : memref<32x768xf32, #tpu.memory_space<vmem>>, vector<16xf32>,
        tpu.vector_store %arg8[%swap3A_347, %swap3A_348], %add3A_346 {strides = array<i32>} : memref<32x768xf32, #tpu.memory_space<vmem>>, vector<16xf32>,
        %get3A_350 = arith.index_cast %scan3A_42 : i32 to index
        %get3A_351 = arith.constant 352 : index
        %get3A_352 = tpu.vector_load %arg8[%get3A_350, %get3A_351] {strides = array<i32>} : memref<32x768xf32, #tpu.memory_space<vmem>>, vector<16xf32>,
        %get3A_353 = arith.index_cast %scan3A_42 : i32 to index
        %get3A_354 = arith.constant 352 : index
        %get3A_355 = tpu.vector_load %arg9[%get3A_353, %get3A_354] {strides = array<i32>} : memref<32x768xf32, #tpu.memory_space<vmem>>, vector<16xf32>,
        %add3A_356 = arith.addf %get3A_352, %get3A_355 : vector<16xf32>
        %get3A_357 = arith.index_cast %scan3A_42 : i32 to index
        %get3A_358 = arith.constant 352 : index
        %get3A_359 = tpu.vector_load %arg10[%get3A_357, %get3A_358] {strides = array<i32>} : memref<32x768xf32, #tpu.memory_space<vmem>>, vector<16xf32>,
        %add3A_360 = arith.addf %add3A_356, %get3A_359 : vector<16xf32>
        %swap3A_361 = arith.index_cast %scan3A_42 : i32 to index
        %swap3A_362 = arith.constant 352 : index
        %swap3A_363 = tpu.vector_load %arg8[%swap3A_361, %swap3A_362] {strides = array<i32>} : memref<32x768xf32, #tpu.memory_space<vmem>>, vector<16xf32>,
        tpu.vector_store %arg8[%swap3A_361, %swap3A_362], %add3A_360 {strides = array<i32>} : memref<32x768xf32, #tpu.memory_space<vmem>>, vector<16xf32>,
        %get3A_364 = arith.index_cast %scan3A_42 : i32 to index
        %get3A_365 = arith.constant 368 : index
        %get3A_366 = tpu.vector_load %arg8[%get3A_364, %get3A_365] {strides = array<i32>} : memref<32x768xf32, #tpu.memory_space<vmem>>, vector<16xf32>,
        %get3A_367 = arith.index_cast %scan3A_42 : i32 to index
        %get3A_368 = arith.constant 368 : index
        %get3A_369 = tpu.vector_load %arg9[%get3A_367, %get3A_368] {strides = array<i32>} : memref<32x768xf32, #tpu.memory_space<vmem>>, vector<16xf32>,
        %add3A_370 = arith.addf %get3A_366, %get3A_369 : vector<16xf32>
        %get3A_371 = arith.index_cast %scan3A_42 : i32 to index
        %get3A_372 = arith.constant 368 : index
        %get3A_373 = tpu.vector_load %arg10[%get3A_371, %get3A_372] {strides = array<i32>} : memref<32x768xf32, #tpu.memory_space<vmem>>, vector<16xf32>,
        %add3A_374 = arith.addf %add3A_370, %get3A_373 : vector<16xf32>
        %swap3A_375 = arith.index_cast %scan3A_42 : i32 to index
        %swap3A_376 = arith.constant 368 : index
        %swap3A_377 = tpu.vector_load %arg8[%swap3A_375, %swap3A_376] {strides = array<i32>} : memref<32x768xf32, #tpu.memory_space<vmem>>, vector<16xf32>,
        tpu.vector_store %arg8[%swap3A_375, %swap3A_376], %add3A_374 {strides = array<i32>} : memref<32x768xf32, #tpu.memory_space<vmem>>, vector<16xf32>,
        %get3A_378 = arith.index_cast %scan3A_42 : i32 to index
        %get3A_379 = arith.constant 384 : index
        %get3A_380 = tpu.vector_load %arg8[%get3A_378, %get3A_379] {strides = array<i32>} : memref<32x768xf32, #tpu.memory_space<vmem>>, vector<16xf32>,
        %get3A_381 = arith.index_cast %scan3A_42 : i32 to index
        %get3A_382 = arith.constant 384 : index
        %get3A_383 = tpu.vector_load %arg9[%get3A_381, %get3A_382] {strides = array<i32>} : memref<32x768xf32, #tpu.memory_space<vmem>>, vector<16xf32>,
        %add3A_384 = arith.addf %get3A_380, %get3A_383 : vector<16xf32>
        %get3A_385 = arith.index_cast %scan3A_42 : i32 to index
        %get3A_386 = arith.constant 384 : index
        %get3A_387 = tpu.vector_load %arg10[%get3A_385, %get3A_386] {strides = array<i32>} : memref<32x768xf32, #tpu.memory_space<vmem>>, vector<16xf32>,
        %add3A_388 = arith.addf %add3A_384, %get3A_387 : vector<16xf32>
        %swap3A_389 = arith.index_cast %scan3A_42 : i32 to index
        %swap3A_390 = arith.constant 384 : index
        %swap3A_391 = tpu.vector_load %arg8[%swap3A_389, %swap3A_390] {strides = array<i32>} : memref<32x768xf32, #tpu.memory_space<vmem>>, vector<16xf32>,
        tpu.vector_store %arg8[%swap3A_389, %swap3A_390], %add3A_388 {strides = array<i32>} : memref<32x768xf32, #tpu.memory_space<vmem>>, vector<16xf32>,
        %get3A_392 = arith.index_cast %scan3A_42 : i32 to index
        %get3A_393 = arith.constant 400 : index
        %get3A_394 = tpu.vector_load %arg8[%get3A_392, %get3A_393] {strides = array<i32>} : memref<32x768xf32, #tpu.memory_space<vmem>>, vector<16xf32>,
        %get3A_395 = arith.index_cast %scan3A_42 : i32 to index
        %get3A_396 = arith.constant 400 : index
        %get3A_397 = tpu.vector_load %arg9[%get3A_395, %get3A_396] {strides = array<i32>} : memref<32x768xf32, #tpu.memory_space<vmem>>, vector<16xf32>,
        %add3A_398 = arith.addf %get3A_394, %get3A_397 : vector<16xf32>
        %get3A_399 = arith.index_cast %scan3A_42 : i32 to index
        %get3A_400 = arith.constant 400 : index
        %get3A_401 = tpu.vector_load %arg10[%get3A_399, %get3A_400] {strides = array<i32>} : memref<32x768xf32, #tpu.memory_space<vmem>>, vector<16xf32>,
        %add3A_402 = arith.addf %add3A_398, %get3A_401 : vector<16xf32>
        %swap3A_403 = arith.index_cast %scan3A_42 : i32 to index
        %swap3A_404 = arith.constant 400 : index
        %swap3A_405 = tpu.vector_load %arg8[%swap3A_403, %swap3A_404] {strides = array<i32>} : memref<32x768xf32, #tpu.memory_space<vmem>>, vector<16xf32>,
        tpu.vector_store %arg8[%swap3A_403, %swap3A_404], %add3A_402 {strides = array<i32>} : memref<32x768xf32, #tpu.memory_space<vmem>>, vector<16xf32>,
        %get3A_406 = arith.index_cast %scan3A_42 : i32 to index
        %get3A_407 = arith.constant 416 : index
        %get3A_408 = tpu.vector_load %arg8[%get3A_406, %get3A_407] {strides = array<i32>} : memref<32x768xf32, #tpu.memory_space<vmem>>, vector<16xf32>,
        %get3A_409 = arith.index_cast %scan3A_42 : i32 to index
        %get3A_410 = arith.constant 416 : index
        %get3A_411 = tpu.vector_load %arg9[%get3A_409, %get3A_410] {strides = array<i32>} : memref<32x768xf32, #tpu.memory_space<vmem>>, vector<16xf32>,
        %add3A_412 = arith.addf %get3A_408, %get3A_411 : vector<16xf32>
        %get3A_413 = arith.index_cast %scan3A_42 : i32 to index
        %get3A_414 = arith.constant 416 : index
        %get3A_415 = tpu.vector_load %arg10[%get3A_413, %get3A_414] {strides = array<i32>} : memref<32x768xf32, #tpu.memory_space<vmem>>, vector<16xf32>,
        %add3A_416 = arith.addf %add3A_412, %get3A_415 : vector<16xf32>
        %swap3A_417 = arith.index_cast %scan3A_42 : i32 to index
        %swap3A_418 = arith.constant 416 : index
        %swap3A_419 = tpu.vector_load %arg8[%swap3A_417, %swap3A_418] {strides = array<i32>} : memref<32x768xf32, #tpu.memory_space<vmem>>, vector<16xf32>,
        tpu.vector_store %arg8[%swap3A_417, %swap3A_418], %add3A_416 {strides = array<i32>} : memref<32x768xf32, #tpu.memory_space<vmem>>, vector<16xf32>,
        %get3A_420 = arith.index_cast %scan3A_42 : i32 to index
        %get3A_421 = arith.constant 432 : index
        %get3A_422 = tpu.vector_load %arg8[%get3A_420, %get3A_421] {strides = array<i32>} : memref<32x768xf32, #tpu.memory_space<vmem>>, vector<16xf32>,
        %get3A_423 = arith.index_cast %scan3A_42 : i32 to index
        %get3A_424 = arith.constant 432 : index
        %get3A_425 = tpu.vector_load %arg9[%get3A_423, %get3A_424] {strides = array<i32>} : memref<32x768xf32, #tpu.memory_space<vmem>>, vector<16xf32>,
        %add3A_426 = arith.addf %get3A_422, %get3A_425 : vector<16xf32>
        %get3A_427 = arith.index_cast %scan3A_42 : i32 to index
        %get3A_428 = arith.constant 432 : index
        %get3A_429 = tpu.vector_load %arg10[%get3A_427, %get3A_428] {strides = array<i32>} : memref<32x768xf32, #tpu.memory_space<vmem>>, vector<16xf32>,
        %add3A_430 = arith.addf %add3A_426, %get3A_429 : vector<16xf32>
        %swap3A_431 = arith.index_cast %scan3A_42 : i32 to index
        %swap3A_432 = arith.constant 432 : index
        %swap3A_433 = tpu.vector_load %arg8[%swap3A_431, %swap3A_432] {strides = array<i32>} : memref<32x768xf32, #tpu.memory_space<vmem>>, vector<16xf32>,
        tpu.vector_store %arg8[%swap3A_431, %swap3A_432], %add3A_430 {strides = array<i32>} : memref<32x768xf32, #tpu.memory_space<vmem>>, vector<16xf32>,
        %get3A_434 = arith.index_cast %scan3A_42 : i32 to index
        %get3A_435 = arith.constant 448 : index
        %get3A_436 = tpu.vector_load %arg8[%get3A_434, %get3A_435] {strides = array<i32>} : memref<32x768xf32, #tpu.memory_space<vmem>>, vector<16xf32>,
        %get3A_437 = arith.index_cast %scan3A_42 : i32 to index
        %get3A_438 = arith.constant 448 : index
        %get3A_439 = tpu.vector_load %arg9[%get3A_437, %get3A_438] {strides = array<i32>} : memref<32x768xf32, #tpu.memory_space<vmem>>, vector<16xf32>,
        %add3A_440 = arith.addf %get3A_436, %get3A_439 : vector<16xf32>
        %get3A_441 = arith.index_cast %scan3A_42 : i32 to index
        %get3A_442 = arith.constant 448 : index
        %get3A_443 = tpu.vector_load %arg10[%get3A_441, %get3A_442] {strides = array<i32>} : memref<32x768xf32, #tpu.memory_space<vmem>>, vector<16xf32>,
        %add3A_444 = arith.addf %add3A_440, %get3A_443 : vector<16xf32>
        %swap3A_445 = arith.index_cast %scan3A_42 : i32 to index
        %swap3A_446 = arith.constant 448 : index
        %swap3A_447 = tpu.vector_load %arg8[%swap3A_445, %swap3A_446] {strides = array<i32>} : memref<32x768xf32, #tpu.memory_space<vmem>>, vector<16xf32>,
        tpu.vector_store %arg8[%swap3A_445, %swap3A_446], %add3A_444 {strides = array<i32>} : memref<32x768xf32, #tpu.memory_space<vmem>>, vector<16xf32>,
        %get3A_448 = arith.index_cast %scan3A_42 : i32 to index
        %get3A_449 = arith.constant 464 : index
        %get3A_450 = tpu.vector_load %arg8[%get3A_448, %get3A_449] {strides = array<i32>} : memref<32x768xf32, #tpu.memory_space<vmem>>, vector<16xf32>,
        %get3A_451 = arith.index_cast %scan3A_42 : i32 to index
        %get3A_452 = arith.constant 464 : index
        %get3A_453 = tpu.vector_load %arg9[%get3A_451, %get3A_452] {strides = array<i32>} : memref<32x768xf32, #tpu.memory_space<vmem>>, vector<16xf32>,
        %add3A_454 = arith.addf %get3A_450, %get3A_453 : vector<16xf32>
        %get3A_455 = arith.index_cast %scan3A_42 : i32 to index
        %get3A_456 = arith.constant 464 : index
        %get3A_457 = tpu.vector_load %arg10[%get3A_455, %get3A_456] {strides = array<i32>} : memref<32x768xf32, #tpu.memory_space<vmem>>, vector<16xf32>,
        %add3A_458 = arith.addf %add3A_454, %get3A_457 : vector<16xf32>
        %swap3A_459 = arith.index_cast %scan3A_42 : i32 to index
        %swap3A_460 = arith.constant 464 : index
        %swap3A_461 = tpu.vector_load %arg8[%swap3A_459, %swap3A_460] {strides = array<i32>} : memref<32x768xf32, #tpu.memory_space<vmem>>, vector<16xf32>,
        tpu.vector_store %arg8[%swap3A_459, %swap3A_460], %add3A_458 {strides = array<i32>} : memref<32x768xf32, #tpu.memory_space<vmem>>, vector<16xf32>,
        %get3A_462 = arith.index_cast %scan3A_42 : i32 to index
        %get3A_463 = arith.constant 480 : index
        %get3A_464 = tpu.vector_load %arg8[%get3A_462, %get3A_463] {strides = array<i32>} : memref<32x768xf32, #tpu.memory_space<vmem>>, vector<16xf32>,
        %get3A_465 = arith.index_cast %scan3A_42 : i32 to index
        %get3A_466 = arith.constant 480 : index
        %get3A_467 = tpu.vector_load %arg9[%get3A_465, %get3A_466] {strides = array<i32>} : memref<32x768xf32, #tpu.memory_space<vmem>>, vector<16xf32>,
        %add3A_468 = arith.addf %get3A_464, %get3A_467 : vector<16xf32>
        %get3A_469 = arith.index_cast %scan3A_42 : i32 to index
        %get3A_470 = arith.constant 480 : index
        %get3A_471 = tpu.vector_load %arg10[%get3A_469, %get3A_470] {strides = array<i32>} : memref<32x768xf32, #tpu.memory_space<vmem>>, vector<16xf32>,
        %add3A_472 = arith.addf %add3A_468, %get3A_471 : vector<16xf32>
        %swap3A_473 = arith.index_cast %scan3A_42 : i32 to index
        %swap3A_474 = arith.constant 480 : index
        %swap3A_475 = tpu.vector_load %arg8[%swap3A_473, %swap3A_474] {strides = array<i32>} : memref<32x768xf32, #tpu.memory_space<vmem>>, vector<16xf32>,
        tpu.vector_store %arg8[%swap3A_473, %swap3A_474], %add3A_472 {strides = array<i32>} : memref<32x768xf32, #tpu.memory_space<vmem>>, vector<16xf32>,
        %get3A_476 = arith.index_cast %scan3A_42 : i32 to index
        %get3A_477 = arith.constant 496 : index
        %get3A_478 = tpu.vector_load %arg8[%get3A_476, %get3A_477] {strides = array<i32>} : memref<32x768xf32, #tpu.memory_space<vmem>>, vector<16xf32>,
        %get3A_479 = arith.index_cast %scan3A_42 : i32 to index
        %get3A_480 = arith.constant 496 : index
        %get3A_481 = tpu.vector_load %arg9[%get3A_479, %get3A_480] {strides = array<i32>} : memref<32x768xf32, #tpu.memory_space<vmem>>, vector<16xf32>,
        %add3A_482 = arith.addf %get3A_478, %get3A_481 : vector<16xf32>
        %get3A_483 = arith.index_cast %scan3A_42 : i32 to index
        %get3A_484 = arith.constant 496 : index
        %get3A_485 = tpu.vector_load %arg10[%get3A_483, %get3A_484] {strides = array<i32>} : memref<32x768xf32, #tpu.memory_space<vmem>>, vector<16xf32>,
        %add3A_486 = arith.addf %add3A_482, %get3A_485 : vector<16xf32>
        %swap3A_487 = arith.index_cast %scan3A_42 : i32 to index
        %swap3A_488 = arith.constant 496 : index
        %swap3A_489 = tpu.vector_load %arg8[%swap3A_487, %swap3A_488] {strides = array<i32>} : memref<32x768xf32, #tpu.memory_space<vmem>>, vector<16xf32>,
        tpu.vector_store %arg8[%swap3A_487, %swap3A_488], %add3A_486 {strides = array<i32>} : memref<32x768xf32, #tpu.memory_space<vmem>>, vector<16xf32>,
        %get3A_490 = arith.index_cast %scan3A_42 : i32 to index
        %get3A_491 = arith.constant 512 : index
        %get3A_492 = tpu.vector_load %arg8[%get3A_490, %get3A_491] {strides = array<i32>} : memref<32x768xf32, #tpu.memory_space<vmem>>, vector<16xf32>,
        %get3A_493 = arith.index_cast %scan3A_42 : i32 to index
        %get3A_494 = arith.constant 512 : index
        %get3A_495 = tpu.vector_load %arg9[%get3A_493, %get3A_494] {strides = array<i32>} : memref<32x768xf32, #tpu.memory_space<vmem>>, vector<16xf32>,
        %add3A_496 = arith.addf %get3A_492, %get3A_495 : vector<16xf32>
        %get3A_497 = arith.index_cast %scan3A_42 : i32 to index
        %get3A_498 = arith.constant 512 : index
        %get3A_499 = tpu.vector_load %arg10[%get3A_497, %get3A_498] {strides = array<i32>} : memref<32x768xf32, #tpu.memory_space<vmem>>, vector<16xf32>,
        %add3A_500 = arith.addf %add3A_496, %get3A_499 : vector<16xf32>
        %swap3A_501 = arith.index_cast %scan3A_42 : i32 to index
        %swap3A_502 = arith.constant 512 : index
        %swap3A_503 = tpu.vector_load %arg8[%swap3A_501, %swap3A_502] {strides = array<i32>} : memref<32x768xf32, #tpu.memory_space<vmem>>, vector<16xf32>,
        tpu.vector_store %arg8[%swap3A_501, %swap3A_502], %add3A_500 {strides = array<i32>} : memref<32x768xf32, #tpu.memory_space<vmem>>, vector<16xf32>,
        %get3A_504 = arith.index_cast %scan3A_42 : i32 to index
        %get3A_505 = arith.constant 528 : index
        %get3A_506 = tpu.vector_load %arg8[%get3A_504, %get3A_505] {strides = array<i32>} : memref<32x768xf32, #tpu.memory_space<vmem>>, vector<16xf32>,
        %get3A_507 = arith.index_cast %scan3A_42 : i32 to index
        %get3A_508 = arith.constant 528 : index
        %get3A_509 = tpu.vector_load %arg9[%get3A_507, %get3A_508] {strides = array<i32>} : memref<32x768xf32, #tpu.memory_space<vmem>>, vector<16xf32>,
        %add3A_510 = arith.addf %get3A_506, %get3A_509 : vector<16xf32>
        %get3A_511 = arith.index_cast %scan3A_42 : i32 to index
        %get3A_512 = arith.constant 528 : index
        %get3A_513 = tpu.vector_load %arg10[%get3A_511, %get3A_512] {strides = array<i32>} : memref<32x768xf32, #tpu.memory_space<vmem>>, vector<16xf32>,
        %add3A_514 = arith.addf %add3A_510, %get3A_513 : vector<16xf32>
        %swap3A_515 = arith.index_cast %scan3A_42 : i32 to index
        %swap3A_516 = arith.constant 528 : index
        %swap3A_517 = tpu.vector_load %arg8[%swap3A_515, %swap3A_516] {strides = array<i32>} : memref<32x768xf32, #tpu.memory_space<vmem>>, vector<16xf32>,
        tpu.vector_store %arg8[%swap3A_515, %swap3A_516], %add3A_514 {strides = array<i32>} : memref<32x768xf32, #tpu.memory_space<vmem>>, vector<16xf32>,
        %get3A_518 = arith.index_cast %scan3A_42 : i32 to index
        %get3A_519 = arith.constant 544 : index
        %get3A_520 = tpu.vector_load %arg8[%get3A_518, %get3A_519] {strides = array<i32>} : memref<32x768xf32, #tpu.memory_space<vmem>>, vector<16xf32>,
        %get3A_521 = arith.index_cast %scan3A_42 : i32 to index
        %get3A_522 = arith.constant 544 : index
        %get3A_523 = tpu.vector_load %arg9[%get3A_521, %get3A_522] {strides = array<i32>} : memref<32x768xf32, #tpu.memory_space<vmem>>, vector<16xf32>,
        %add3A_524 = arith.addf %get3A_520, %get3A_523 : vector<16xf32>
        %get3A_525 = arith.index_cast %scan3A_42 : i32 to index
        %get3A_526 = arith.constant 544 : index
        %get3A_527 = tpu.vector_load %arg10[%get3A_525, %get3A_526] {strides = array<i32>} : memref<32x768xf32, #tpu.memory_space<vmem>>, vector<16xf32>,
        %add3A_528 = arith.addf %add3A_524, %get3A_527 : vector<16xf32>
        %swap3A_529 = arith.index_cast %scan3A_42 : i32 to index
        %swap3A_530 = arith.constant 544 : index
        %swap3A_531 = tpu.vector_load %arg8[%swap3A_529, %swap3A_530] {strides = array<i32>} : memref<32x768xf32, #tpu.memory_space<vmem>>, vector<16xf32>,
        tpu.vector_store %arg8[%swap3A_529, %swap3A_530], %add3A_528 {strides = array<i32>} : memref<32x768xf32, #tpu.memory_space<vmem>>, vector<16xf32>,
        %get3A_532 = arith.index_cast %scan3A_42 : i32 to index
        %get3A_533 = arith.constant 560 : index
        %get3A_534 = tpu.vector_load %arg8[%get3A_532, %get3A_533] {strides = array<i32>} : memref<32x768xf32, #tpu.memory_space<vmem>>, vector<16xf32>,
        %get3A_535 = arith.index_cast %scan3A_42 : i32 to index
        %get3A_536 = arith.constant 560 : index
        %get3A_537 = tpu.vector_load %arg9[%get3A_535, %get3A_536] {strides = array<i32>} : memref<32x768xf32, #tpu.memory_space<vmem>>, vector<16xf32>,
        %add3A_538 = arith.addf %get3A_534, %get3A_537 : vector<16xf32>
        %get3A_539 = arith.index_cast %scan3A_42 : i32 to index
        %get3A_540 = arith.constant 560 : index
        %get3A_541 = tpu.vector_load %arg10[%get3A_539, %get3A_540] {strides = array<i32>} : memref<32x768xf32, #tpu.memory_space<vmem>>, vector<16xf32>,
        %add3A_542 = arith.addf %add3A_538, %get3A_541 : vector<16xf32>
        %swap3A_543 = arith.index_cast %scan3A_42 : i32 to index
        %swap3A_544 = arith.constant 560 : index
        %swap3A_545 = tpu.vector_load %arg8[%swap3A_543, %swap3A_544] {strides = array<i32>} : memref<32x768xf32, #tpu.memory_space<vmem>>, vector<16xf32>,
        tpu.vector_store %arg8[%swap3A_543, %swap3A_544], %add3A_542 {strides = array<i32>} : memref<32x768xf32, #tpu.memory_space<vmem>>, vector<16xf32>,
        %get3A_546 = arith.index_cast %scan3A_42 : i32 to index
        %get3A_547 = arith.constant 576 : index
        %get3A_548 = tpu.vector_load %arg8[%get3A_546, %get3A_547] {strides = array<i32>} : memref<32x768xf32, #tpu.memory_space<vmem>>, vector<16xf32>,
        %get3A_549 = arith.index_cast %scan3A_42 : i32 to index
        %get3A_550 = arith.constant 576 : index
        %get3A_551 = tpu.vector_load %arg9[%get3A_549, %get3A_550] {strides = array<i32>} : memref<32x768xf32, #tpu.memory_space<vmem>>, vector<16xf32>,
        %add3A_552 = arith.addf %get3A_548, %get3A_551 : vector<16xf32>
        %get3A_553 = arith.index_cast %scan3A_42 : i32 to index
        %get3A_554 = arith.constant 576 : index
        %get3A_555 = tpu.vector_load %arg10[%get3A_553, %get3A_554] {strides = array<i32>} : memref<32x768xf32, #tpu.memory_space<vmem>>, vector<16xf32>,
        %add3A_556 = arith.addf %add3A_552, %get3A_555 : vector<16xf32>
        %swap3A_557 = arith.index_cast %scan3A_42 : i32 to index
        %swap3A_558 = arith.constant 576 : index
        %swap3A_559 = tpu.vector_load %arg8[%swap3A_557, %swap3A_558] {strides = array<i32>} : memref<32x768xf32, #tpu.memory_space<vmem>>, vector<16xf32>,
        tpu.vector_store %arg8[%swap3A_557, %swap3A_558], %add3A_556 {strides = array<i32>} : memref<32x768xf32, #tpu.memory_space<vmem>>, vector<16xf32>,
        %get3A_560 = arith.index_cast %scan3A_42 : i32 to index
        %get3A_561 = arith.constant 592 : index
        %get3A_562 = tpu.vector_load %arg8[%get3A_560, %get3A_561] {strides = array<i32>} : memref<32x768xf32, #tpu.memory_space<vmem>>, vector<16xf32>,
        %get3A_563 = arith.index_cast %scan3A_42 : i32 to index
        %get3A_564 = arith.constant 592 : index
        %get3A_565 = tpu.vector_load %arg9[%get3A_563, %get3A_564] {strides = array<i32>} : memref<32x768xf32, #tpu.memory_space<vmem>>, vector<16xf32>,
        %add3A_566 = arith.addf %get3A_562, %get3A_565 : vector<16xf32>
        %get3A_567 = arith.index_cast %scan3A_42 : i32 to index
        %get3A_568 = arith.constant 592 : index
        %get3A_569 = tpu.vector_load %arg10[%get3A_567, %get3A_568] {strides = array<i32>} : memref<32x768xf32, #tpu.memory_space<vmem>>, vector<16xf32>,
        %add3A_570 = arith.addf %add3A_566, %get3A_569 : vector<16xf32>
        %swap3A_571 = arith.index_cast %scan3A_42 : i32 to index
        %swap3A_572 = arith.constant 592 : index
        %swap3A_573 = tpu.vector_load %arg8[%swap3A_571, %swap3A_572] {strides = array<i32>} : memref<32x768xf32, #tpu.memory_space<vmem>>, vector<16xf32>,
        tpu.vector_store %arg8[%swap3A_571, %swap3A_572], %add3A_570 {strides = array<i32>} : memref<32x768xf32, #tpu.memory_space<vmem>>, vector<16xf32>,
        %get3A_574 = arith.index_cast %scan3A_42 : i32 to index
        %get3A_575 = arith.constant 608 : index
        %get3A_576 = tpu.vector_load %arg8[%get3A_574, %get3A_575] {strides = array<i32>} : memref<32x768xf32, #tpu.memory_space<vmem>>, vector<16xf32>,
        %get3A_577 = arith.index_cast %scan3A_42 : i32 to index
        %get3A_578 = arith.constant 608 : index
        %get3A_579 = tpu.vector_load %arg9[%get3A_577, %get3A_578] {strides = array<i32>} : memref<32x768xf32, #tpu.memory_space<vmem>>, vector<16xf32>,
        %add3A_580 = arith.addf %get3A_576, %get3A_579 : vector<16xf32>
        %get3A_581 = arith.index_cast %scan3A_42 : i32 to index
        %get3A_582 = arith.constant 608 : index
        %get3A_583 = tpu.vector_load %arg10[%get3A_581, %get3A_582] {strides = array<i32>} : memref<32x768xf32, #tpu.memory_space<vmem>>, vector<16xf32>,
        %add3A_584 = arith.addf %add3A_580, %get3A_583 : vector<16xf32>
        %swap3A_585 = arith.index_cast %scan3A_42 : i32 to index
        %swap3A_586 = arith.constant 608 : index
        %swap3A_587 = tpu.vector_load %arg8[%swap3A_585, %swap3A_586] {strides = array<i32>} : memref<32x768xf32, #tpu.memory_space<vmem>>, vector<16xf32>,
        tpu.vector_store %arg8[%swap3A_585, %swap3A_586], %add3A_584 {strides = array<i32>} : memref<32x768xf32, #tpu.memory_space<vmem>>, vector<16xf32>,
        %get3A_588 = arith.index_cast %scan3A_42 : i32 to index
        %get3A_589 = arith.constant 624 : index
        %get3A_590 = tpu.vector_load %arg8[%get3A_588, %get3A_589] {strides = array<i32>} : memref<32x768xf32, #tpu.memory_space<vmem>>, vector<16xf32>,
        %get3A_591 = arith.index_cast %scan3A_42 : i32 to index
        %get3A_592 = arith.constant 624 : index
        %get3A_593 = tpu.vector_load %arg9[%get3A_591, %get3A_592] {strides = array<i32>} : memref<32x768xf32, #tpu.memory_space<vmem>>, vector<16xf32>,
        %add3A_594 = arith.addf %get3A_590, %get3A_593 : vector<16xf32>
        %get3A_595 = arith.index_cast %scan3A_42 : i32 to index
        %get3A_596 = arith.constant 624 : index
        %get3A_597 = tpu.vector_load %arg10[%get3A_595, %get3A_596] {strides = array<i32>} : memref<32x768xf32, #tpu.memory_space<vmem>>, vector<16xf32>,
        %add3A_598 = arith.addf %add3A_594, %get3A_597 : vector<16xf32>
        %swap3A_599 = arith.index_cast %scan3A_42 : i32 to index
        %swap3A_600 = arith.constant 624 : index
        %swap3A_601 = tpu.vector_load %arg8[%swap3A_599, %swap3A_600] {strides = array<i32>} : memref<32x768xf32, #tpu.memory_space<vmem>>, vector<16xf32>,
        tpu.vector_store %arg8[%swap3A_599, %swap3A_600], %add3A_598 {strides = array<i32>} : memref<32x768xf32, #tpu.memory_space<vmem>>, vector<16xf32>,
        %get3A_602 = arith.index_cast %scan3A_42 : i32 to index
        %get3A_603 = arith.constant 640 : index
        %get3A_604 = tpu.vector_load %arg8[%get3A_602, %get3A_603] {strides = array<i32>} : memref<32x768xf32, #tpu.memory_space<vmem>>, vector<16xf32>,
        %get3A_605 = arith.index_cast %scan3A_42 : i32 to index
        %get3A_606 = arith.constant 640 : index
        %get3A_607 = tpu.vector_load %arg9[%get3A_605, %get3A_606] {strides = array<i32>} : memref<32x768xf32, #tpu.memory_space<vmem>>, vector<16xf32>,
        %add3A_608 = arith.addf %get3A_604, %get3A_607 : vector<16xf32>
        %get3A_609 = arith.index_cast %scan3A_42 : i32 to index
        %get3A_610 = arith.constant 640 : index
        %get3A_611 = tpu.vector_load %arg10[%get3A_609, %get3A_610] {strides = array<i32>} : memref<32x768xf32, #tpu.memory_space<vmem>>, vector<16xf32>,
        %add3A_612 = arith.addf %add3A_608, %get3A_611 : vector<16xf32>
        %swap3A_613 = arith.index_cast %scan3A_42 : i32 to index
        %swap3A_614 = arith.constant 640 : index
        %swap3A_615 = tpu.vector_load %arg8[%swap3A_613, %swap3A_614] {strides = array<i32>} : memref<32x768xf32, #tpu.memory_space<vmem>>, vector<16xf32>,
        tpu.vector_store %arg8[%swap3A_613, %swap3A_614], %add3A_612 {strides = array<i32>} : memref<32x768xf32, #tpu.memory_space<vmem>>, vector<16xf32>,
        %get3A_616 = arith.index_cast %scan3A_42 : i32 to index
        %get3A_617 = arith.constant 656 : index
        %get3A_618 = tpu.vector_load %arg8[%get3A_616, %get3A_617] {strides = array<i32>} : memref<32x768xf32, #tpu.memory_space<vmem>>, vector<16xf32>,
        %get3A_619 = arith.index_cast %scan3A_42 : i32 to index
        %get3A_620 = arith.constant 656 : index
        %get3A_621 = tpu.vector_load %arg9[%get3A_619, %get3A_620] {strides = array<i32>} : memref<32x768xf32, #tpu.memory_space<vmem>>, vector<16xf32>,
        %add3A_622 = arith.addf %get3A_618, %get3A_621 : vector<16xf32>
        %get3A_623 = arith.index_cast %scan3A_42 : i32 to index
        %get3A_624 = arith.constant 656 : index
        %get3A_625 = tpu.vector_load %arg10[%get3A_623, %get3A_624] {strides = array<i32>} : memref<32x768xf32, #tpu.memory_space<vmem>>, vector<16xf32>,
        %add3A_626 = arith.addf %add3A_622, %get3A_625 : vector<16xf32>
        %swap3A_627 = arith.index_cast %scan3A_42 : i32 to index
        %swap3A_628 = arith.constant 656 : index
        %swap3A_629 = tpu.vector_load %arg8[%swap3A_627, %swap3A_628] {strides = array<i32>} : memref<32x768xf32, #tpu.memory_space<vmem>>, vector<16xf32>,
        tpu.vector_store %arg8[%swap3A_627, %swap3A_628], %add3A_626 {strides = array<i32>} : memref<32x768xf32, #tpu.memory_space<vmem>>, vector<16xf32>,
        %get3A_630 = arith.index_cast %scan3A_42 : i32 to index
        %get3A_631 = arith.constant 672 : index
        %get3A_632 = tpu.vector_load %arg8[%get3A_630, %get3A_631] {strides = array<i32>} : memref<32x768xf32, #tpu.memory_space<vmem>>, vector<16xf32>,
        %get3A_633 = arith.index_cast %scan3A_42 : i32 to index
        %get3A_634 = arith.constant 672 : index
        %get3A_635 = tpu.vector_load %arg9[%get3A_633, %get3A_634] {strides = array<i32>} : memref<32x768xf32, #tpu.memory_space<vmem>>, vector<16xf32>,
        %add3A_636 = arith.addf %get3A_632, %get3A_635 : vector<16xf32>
        %get3A_637 = arith.index_cast %scan3A_42 : i32 to index
        %get3A_638 = arith.constant 672 : index
        %get3A_639 = tpu.vector_load %arg10[%get3A_637, %get3A_638] {strides = array<i32>} : memref<32x768xf32, #tpu.memory_space<vmem>>, vector<16xf32>,
        %add3A_640 = arith.addf %add3A_636, %get3A_639 : vector<16xf32>
        %swap3A_641 = arith.index_cast %scan3A_42 : i32 to index
        %swap3A_642 = arith.constant 672 : index
        %swap3A_643 = tpu.vector_load %arg8[%swap3A_641, %swap3A_642] {strides = array<i32>} : memref<32x768xf32, #tpu.memory_space<vmem>>, vector<16xf32>,
        tpu.vector_store %arg8[%swap3A_641, %swap3A_642], %add3A_640 {strides = array<i32>} : memref<32x768xf32, #tpu.memory_space<vmem>>, vector<16xf32>,
        %get3A_644 = arith.index_cast %scan3A_42 : i32 to index
        %get3A_645 = arith.constant 688 : index
        %get3A_646 = tpu.vector_load %arg8[%get3A_644, %get3A_645] {strides = array<i32>} : memref<32x768xf32, #tpu.memory_space<vmem>>, vector<16xf32>,
        %get3A_647 = arith.index_cast %scan3A_42 : i32 to index
        %get3A_648 = arith.constant 688 : index
        %get3A_649 = tpu.vector_load %arg9[%get3A_647, %get3A_648] {strides = array<i32>} : memref<32x768xf32, #tpu.memory_space<vmem>>, vector<16xf32>,
        %add3A_650 = arith.addf %get3A_646, %get3A_649 : vector<16xf32>
        %get3A_651 = arith.index_cast %scan3A_42 : i32 to index
        %get3A_652 = arith.constant 688 : index
        %get3A_653 = tpu.vector_load %arg10[%get3A_651, %get3A_652] {strides = array<i32>} : memref<32x768xf32, #tpu.memory_space<vmem>>, vector<16xf32>,
        %add3A_654 = arith.addf %add3A_650, %get3A_653 : vector<16xf32>
        %swap3A_655 = arith.index_cast %scan3A_42 : i32 to index
        %swap3A_656 = arith.constant 688 : index
        %swap3A_657 = tpu.vector_load %arg8[%swap3A_655, %swap3A_656] {strides = array<i32>} : memref<32x768xf32, #tpu.memory_space<vmem>>, vector<16xf32>,
        tpu.vector_store %arg8[%swap3A_655, %swap3A_656], %add3A_654 {strides = array<i32>} : memref<32x768xf32, #tpu.memory_space<vmem>>, vector<16xf32>,
        %get3A_658 = arith.index_cast %scan3A_42 : i32 to index
        %get3A_659 = arith.constant 704 : index
        %get3A_660 = tpu.vector_load %arg8[%get3A_658, %get3A_659] {strides = array<i32>} : memref<32x768xf32, #tpu.memory_space<vmem>>, vector<16xf32>,
        %get3A_661 = arith.index_cast %scan3A_42 : i32 to index
        %get3A_662 = arith.constant 704 : index
        %get3A_663 = tpu.vector_load %arg9[%get3A_661, %get3A_662] {strides = array<i32>} : memref<32x768xf32, #tpu.memory_space<vmem>>, vector<16xf32>,
        %add3A_664 = arith.addf %get3A_660, %get3A_663 : vector<16xf32>
        %get3A_665 = arith.index_cast %scan3A_42 : i32 to index
        %get3A_666 = arith.constant 704 : index
        %get3A_667 = tpu.vector_load %arg10[%get3A_665, %get3A_666] {strides = array<i32>} : memref<32x768xf32, #tpu.memory_space<vmem>>, vector<16xf32>,
        %add3A_668 = arith.addf %add3A_664, %get3A_667 : vector<16xf32>
        %swap3A_669 = arith.index_cast %scan3A_42 : i32 to index
        %swap3A_670 = arith.constant 704 : index
        %swap3A_671 = tpu.vector_load %arg8[%swap3A_669, %swap3A_670] {strides = array<i32>} : memref<32x768xf32, #tpu.memory_space<vmem>>, vector<16xf32>,
        tpu.vector_store %arg8[%swap3A_669, %swap3A_670], %add3A_668 {strides = array<i32>} : memref<32x768xf32, #tpu.memory_space<vmem>>, vector<16xf32>,
        %get3A_672 = arith.index_cast %scan3A_42 : i32 to index
        %get3A_673 = arith.constant 720 : index
        %get3A_674 = tpu.vector_load %arg8[%get3A_672, %get3A_673] {strides = array<i32>} : memref<32x768xf32, #tpu.memory_space<vmem>>, vector<16xf32>,
        %get3A_675 = arith.index_cast %scan3A_42 : i32 to index
        %get3A_676 = arith.constant 720 : index
        %get3A_677 = tpu.vector_load %arg9[%get3A_675, %get3A_676] {strides = array<i32>} : memref<32x768xf32, #tpu.memory_space<vmem>>, vector<16xf32>,
        %add3A_678 = arith.addf %get3A_674, %get3A_677 : vector<16xf32>
        %get3A_679 = arith.index_cast %scan3A_42 : i32 to index
        %get3A_680 = arith.constant 720 : index
        %get3A_681 = tpu.vector_load %arg10[%get3A_679, %get3A_680] {strides = array<i32>} : memref<32x768xf32, #tpu.memory_space<vmem>>, vector<16xf32>,
        %add3A_682 = arith.addf %add3A_678, %get3A_681 : vector<16xf32>
        %swap3A_683 = arith.index_cast %scan3A_42 : i32 to index
        %swap3A_684 = arith.constant 720 : index
        %swap3A_685 = tpu.vector_load %arg8[%swap3A_683, %swap3A_684] {strides = array<i32>} : memref<32x768xf32, #tpu.memory_space<vmem>>, vector<16xf32>,
        tpu.vector_store %arg8[%swap3A_683, %swap3A_684], %add3A_682 {strides = array<i32>} : memref<32x768xf32, #tpu.memory_space<vmem>>, vector<16xf32>,
        %get3A_686 = arith.index_cast %scan3A_42 : i32 to index
        %get3A_687 = arith.constant 736 : index
        %get3A_688 = tpu.vector_load %arg8[%get3A_686, %get3A_687] {strides = array<i32>} : memref<32x768xf32, #tpu.memory_space<vmem>>, vector<16xf32>,
        %get3A_689 = arith.index_cast %scan3A_42 : i32 to index
        %get3A_690 = arith.constant 736 : index
        %get3A_691 = tpu.vector_load %arg9[%get3A_689, %get3A_690] {strides = array<i32>} : memref<32x768xf32, #tpu.memory_space<vmem>>, vector<16xf32>,
        %add3A_692 = arith.addf %get3A_688, %get3A_691 : vector<16xf32>
        %get3A_693 = arith.index_cast %scan3A_42 : i32 to index
        %get3A_694 = arith.constant 736 : index
        %get3A_695 = tpu.vector_load %arg10[%get3A_693, %get3A_694] {strides = array<i32>} : memref<32x768xf32, #tpu.memory_space<vmem>>, vector<16xf32>,
        %add3A_696 = arith.addf %add3A_692, %get3A_695 : vector<16xf32>
        %swap3A_697 = arith.index_cast %scan3A_42 : i32 to index
        %swap3A_698 = arith.constant 736 : index
        %swap3A_699 = tpu.vector_load %arg8[%swap3A_697, %swap3A_698] {strides = array<i32>} : memref<32x768xf32, #tpu.memory_space<vmem>>, vector<16xf32>,
        tpu.vector_store %arg8[%swap3A_697, %swap3A_698], %add3A_696 {strides = array<i32>} : memref<32x768xf32, #tpu.memory_space<vmem>>, vector<16xf32>,
        %get3A_700 = arith.index_cast %scan3A_42 : i32 to index
        %get3A_701 = arith.constant 752 : index
        %get3A_702 = tpu.vector_load %arg8[%get3A_700, %get3A_701] {strides = array<i32>} : memref<32x768xf32, #tpu.memory_space<vmem>>, vector<16xf32>,
        %get3A_703 = arith.index_cast %scan3A_42 : i32 to index
        %get3A_704 = arith.constant 752 : index
        %get3A_705 = tpu.vector_load %arg9[%get3A_703, %get3A_704] {strides = array<i32>} : memref<32x768xf32, #tpu.memory_space<vmem>>, vector<16xf32>,
        %add3A_706 = arith.addf %get3A_702, %get3A_705 : vector<16xf32>
        %get3A_707 = arith.index_cast %scan3A_42 : i32 to index
        %get3A_708 = arith.constant 752 : index
        %get3A_709 = tpu.vector_load %arg10[%get3A_707, %get3A_708] {strides = array<i32>} : memref<32x768xf32, #tpu.memory_space<vmem>>, vector<16xf32>,
        %add3A_710 = arith.addf %add3A_706, %get3A_709 : vector<16xf32>
        %swap3A_711 = arith.index_cast %scan3A_42 : i32 to index
        %swap3A_712 = arith.constant 752 : index
        %swap3A_713 = tpu.vector_load %arg8[%swap3A_711, %swap3A_712] {strides = array<i32>} : memref<32x768xf32, #tpu.memory_space<vmem>>, vector<16xf32>,
        tpu.vector_store %arg8[%swap3A_711, %swap3A_712], %add3A_710 {strides = array<i32>} : memref<32x768xf32, #tpu.memory_space<vmem>>, vector<16xf32>,
        %scan3A_714 = arith.constant 0 : i32
        scf.yield %scan3A_714 : i32
      }
      %scan3A_40 = arith.constant 32 : i32
      "tpu.region"() ({
        %run_scoped3A = tpu.sem_alloc : memref<!tpu.dma_semaphore, #tpu.memory_space<semaphore_mem>>
        %dma_start3A_42 = arith.constant 0 : i32
        %dma_start3A_43 = tpu.memref_slice %arg5[%add3A_13, %dma_start3A_42] : memref<2048x768xf32, #tpu.memory_space<hbm>> -> memref<32x768xf32, #tpu.memory_space<hbm>>
        %dma_start3A_44 = arith.constant 0 : i32
        %dma_start3A_45 = tpu.memref_slice %arg5[%add3A_13, %dma_start3A_44] : memref<2048x768xf32, #tpu.memory_space<hbm>> -> memref<32x768xf32, #tpu.memory_space<hbm>>
        tpu.enqueue_dma source(%arg8 : memref<32x768xf32, #tpu.memory_space<vmem>>) target(%dma_start3A_45 : memref<32x768xf32, #tpu.memory_space<hbm>>) target_semaphore(%run_scoped3A : memref<!tpu.dma_semaphore, #tpu.memory_space<semaphore_mem>>)
        %dma_wait3A_46 = arith.constant 0 : i32
        %dma_wait3A_47 = tpu.memref_slice %arg5[%add3A_13, %dma_wait3A_46] : memref<2048x768xf32, #tpu.memory_space<hbm>> -> memref<32x768xf32, #tpu.memory_space<hbm>>
        %dma_wait3A_48 = arith.constant 0 : i32
        %dma_wait3A_49 = tpu.memref_slice %arg5[%add3A_13, %dma_wait3A_48] : memref<2048x768xf32, #tpu.memory_space<hbm>> -> memref<32x768xf32, #tpu.memory_space<hbm>>
        tpu.wait_dma2 semaphore(%run_scoped3A : memref<!tpu.dma_semaphore, #tpu.memory_space<semaphore_mem>>) src(%arg8 : memref<32x768xf32, #tpu.memory_space<vmem>>) dst(%dma_wait3A_49 : memref<32x768xf32, #tpu.memory_space<hbm>>)
        tpu.yield
      }) : () -> ()
      %scan3A_41 = arith.constant 0 : i32
      scf.yield %scan3A_41 : i32
    }
    %scan3A_6 = arith.constant 2 : i32
    return
  }
}

module attributes {stable_mosaic.version = 14 : i64} {
  func.func @tc_router(%arg0: memref<2048x768xf32, #tpu.memory_space<vmem>>, %arg1: memref<1x768xf32, #tpu.memory_space<vmem>>, %arg2: memref<8x768xf32, #tpu.memory_space<vmem>>, %arg3: memref<1x8xf32, #tpu.memory_space<vmem>>, %arg4: memref<2048x768xf32, #tpu.memory_space<vmem>>, %arg5: memref<2048x1xi32, #tpu.memory_space<vmem>>, %arg6: memref<2048x1xi32, #tpu.memory_space<vmem>>, %arg7: memref<2048x1xf32, #tpu.memory_space<vmem>>, %arg8: memref<2048x1xf32, #tpu.memory_space<vmem>>, %arg9: memref<1x1xf32, #tpu.memory_space<vmem>>) attributes {dimension_semantics = [], scalar_prefetch = 0 : i64, scratch_operands = 0 : i64, tpu.core_type = #tpu.core_type<tc>} {
    %get3A = arith.constant 0 : index
    %get3A_0 = arith.constant 0 : index
    %get3A_1 = vector.load %arg0[%get3A, %get3A_0] : memref<2048x768xf32, #tpu.memory_space<vmem>>, vector<2048x768xf32>
    %mul3A = arith.mulf %get3A_1, %get3A_1 : vector<2048x768xf32>
    %reduce_sum3A = arith.constant dense<0.000000e+00> : vector<2048xf32>
    %reduce_sum3A_2 = vector.multi_reduction <add>, %mul3A, %reduce_sum3A [1] : vector<2048x768xf32> to vector<2048xf32>
    %broadcast_in_dim3A = vector.shape_cast %reduce_sum3A_2 : vector<2048xf32> to vector<2048x1xf32>
    %div3A = arith.constant 7.680000e+02 : f32
    %div3A_3 = vector.broadcast %div3A : f32 to vector<2048x1xf32>
    %div3A_4 = arith.divf %broadcast_in_dim3A, %div3A_3 : vector<2048x1xf32>
    %add3A = arith.constant 9.99999997E-7 : f32
    %add3A_5 = vector.broadcast %add3A : f32 to vector<2048x1xf32>
    %add3A_6 = arith.addf %div3A_4, %add3A_5 : vector<2048x1xf32>
    %rsqrt3A = math.rsqrt %add3A_6 : vector<2048x1xf32>
    %mul3A_7 = vector.broadcast %rsqrt3A : vector<2048x1xf32> to vector<2048x768xf32>
    %mul3A_8 = arith.mulf %get3A_1, %mul3A_7 : vector<2048x768xf32>
    %get3A_9 = arith.constant 0 : index
    %get3A_10 = arith.constant 0 : index
    %get3A_11 = vector.load %arg1[%get3A_9, %get3A_10] : memref<1x768xf32, #tpu.memory_space<vmem>>, vector<1x768xf32>
    %mul3A_12 = vector.broadcast %get3A_11 : vector<1x768xf32> to vector<2048x768xf32>
    %mul3A_13 = arith.mulf %mul3A_8, %mul3A_12 : vector<2048x768xf32>
    %get3A_14 = arith.constant 0 : index
    %get3A_15 = arith.constant 0 : index
    %get3A_16 = vector.load %arg2[%get3A_14, %get3A_15] : memref<8x768xf32, #tpu.memory_space<vmem>>, vector<8x768xf32>
    %dot_general3A = arith.constant dense<0.000000e+00> : vector<2048x8xf32>
    %dot_general3A_17 = tpu.matmul %mul3A_13, %get3A_16, %dot_general3A {dimension_numbers = #tpu.dot_dimension_numbers<[1], [1], [0], [0], [0, 0, 1, 0], [], []>, transpose_lhs_hint = false} : vector<2048x768xf32>, vector<8x768xf32>, vector<2048x8xf32> -> vector<2048x8xf32>
    %get3A_18 = arith.constant 0 : index
    %get3A_19 = arith.constant 0 : index
    %get3A_20 = vector.load %arg3[%get3A_18, %get3A_19] : memref<1x8xf32, #tpu.memory_space<vmem>>, vector<1x8xf32>
    %add3A_21 = vector.broadcast %get3A_20 : vector<1x8xf32> to vector<2048x8xf32>
    %add3A_22 = arith.addf %dot_general3A_17, %add3A_21 : vector<2048x8xf32>
    %reduce_max3A = arith.constant dense<0xFF800000> : vector<2048xf32>
    %reduce_max3A_23 = vector.multi_reduction <maximumf>, %add3A_22, %reduce_max3A [1] : vector<2048x8xf32> to vector<2048xf32>
    %broadcast_in_dim3A_24 = vector.shape_cast %reduce_max3A_23 : vector<2048xf32> to vector<2048x1xf32>
    %sub3A = vector.broadcast %broadcast_in_dim3A_24 : vector<2048x1xf32> to vector<2048x8xf32>
    %sub3A_25 = arith.subf %add3A_22, %sub3A : vector<2048x8xf32>
    %exp3A = math.exp %sub3A_25 : vector<2048x8xf32>
    %reduce_sum3A_26 = arith.constant dense<0.000000e+00> : vector<2048xf32>
    %reduce_sum3A_27 = vector.multi_reduction <add>, %exp3A, %reduce_sum3A_26 [1] : vector<2048x8xf32> to vector<2048xf32>
    %broadcast_in_dim3A_28 = vector.shape_cast %reduce_sum3A_27 : vector<2048xf32> to vector<2048x1xf32>
    %div3A_29 = vector.broadcast %broadcast_in_dim3A_28 : vector<2048x1xf32> to vector<2048x8xf32>
    %div3A_30 = arith.divf %exp3A, %div3A_29 : vector<2048x8xf32>
    %iota3A = tpu.iota {dimensions = array<i32: 1>} : vector<2048x8xi32>
    %reduce_max3A_31 = arith.constant dense<0xFF800000> : vector<2048xf32>
    %reduce_max3A_32 = vector.multi_reduction <maximumf>, %div3A_30, %reduce_max3A_31 [1] : vector<2048x8xf32> to vector<2048xf32>
    %broadcast_in_dim3A_33 = vector.shape_cast %reduce_max3A_32 : vector<2048xf32> to vector<2048x1xf32>
    %eq3A = vector.broadcast %broadcast_in_dim3A_33 : vector<2048x1xf32> to vector<2048x8xf32>
    %eq3A_34 = arith.cmpf oeq, %div3A_30, %eq3A : vector<2048x8xf32>
    %jit3A = arith.constant 7 : i32
    %broadcast_in_dim3A_35 = vector.broadcast %jit3A : i32 to vector<2048x8xi32>
    %select_n3A = arith.select %eq3A_34, %iota3A, %broadcast_in_dim3A_35 : vector<2048x8xi1>, vector<2048x8xi32>
    %reduce_min3A = arith.constant dense<2147483647> : vector<2048xi32>
    %reduce_min3A_36 = vector.multi_reduction <minsi>, %select_n3A, %reduce_min3A [1] : vector<2048x8xi32> to vector<2048xi32>
    %broadcast_in_dim3A_37 = vector.shape_cast %reduce_min3A_36 : vector<2048xi32> to vector<2048x1xi32>
    %eq3A_38 = vector.broadcast %broadcast_in_dim3A_37 : vector<2048x1xi32> to vector<2048x8xi32>
    %eq3A_39 = arith.cmpi eq, %iota3A, %eq3A_38 : vector<2048x8xi32>
    %jit3A_40 = arith.constant -1.000000e+00 : f32
    %broadcast_in_dim3A_41 = vector.broadcast %jit3A_40 : f32 to vector<2048x8xf32>
    %select_n3A_42 = arith.select %eq3A_39, %broadcast_in_dim3A_41, %div3A_30 : vector<2048x8xi1>, vector<2048x8xf32>
    %reduce_max3A_43 = arith.constant dense<0xFF800000> : vector<2048xf32>
    %reduce_max3A_44 = vector.multi_reduction <maximumf>, %select_n3A_42, %reduce_max3A_43 [1] : vector<2048x8xf32> to vector<2048xf32>
    %broadcast_in_dim3A_45 = vector.shape_cast %reduce_max3A_44 : vector<2048xf32> to vector<2048x1xf32>
    %eq3A_46 = vector.broadcast %broadcast_in_dim3A_45 : vector<2048x1xf32> to vector<2048x8xf32>
    %eq3A_47 = arith.cmpf oeq, %select_n3A_42, %eq3A_46 : vector<2048x8xf32>
    %jit3A_48 = arith.constant 7 : i32
    %broadcast_in_dim3A_49 = vector.broadcast %jit3A_48 : i32 to vector<2048x8xi32>
    %select_n3A_50 = arith.select %eq3A_47, %iota3A, %broadcast_in_dim3A_49 : vector<2048x8xi1>, vector<2048x8xi32>
    %reduce_min3A_51 = arith.constant dense<2147483647> : vector<2048xi32>
    %reduce_min3A_52 = vector.multi_reduction <minsi>, %select_n3A_50, %reduce_min3A_51 [1] : vector<2048x8xi32> to vector<2048xi32>
    %broadcast_in_dim3A_53 = vector.shape_cast %reduce_min3A_52 : vector<2048xi32> to vector<2048x1xi32>
    %add3A_54 = arith.addf %broadcast_in_dim3A_33, %broadcast_in_dim3A_45 : vector<2048x1xf32>
    %swap3A = arith.constant 0 : index
    %swap3A_55 = arith.constant 0 : index
    %swap3A_56 = vector.load %arg4[%swap3A, %swap3A_55] : memref<2048x768xf32, #tpu.memory_space<vmem>>, vector<2048x768xf32>
    tpu.vector_store %arg4[%swap3A, %swap3A_55], %mul3A_13 {strides = array<i32>} : memref<2048x768xf32, #tpu.memory_space<vmem>>, vector<2048x768xf32>,
    %swap3A_57 = arith.constant 0 : index
    %swap3A_58 = arith.constant 0 : index
    %swap3A_59 = vector.load %arg5[%swap3A_57, %swap3A_58] : memref<2048x1xi32, #tpu.memory_space<vmem>>, vector<2048x1xi32>
    tpu.vector_store %arg5[%swap3A_57, %swap3A_58], %broadcast_in_dim3A_37 {strides = array<i32>} : memref<2048x1xi32, #tpu.memory_space<vmem>>, vector<2048x1xi32>,
    %swap3A_60 = arith.constant 0 : index
    %swap3A_61 = arith.constant 0 : index
    %swap3A_62 = vector.load %arg6[%swap3A_60, %swap3A_61] : memref<2048x1xi32, #tpu.memory_space<vmem>>, vector<2048x1xi32>
    tpu.vector_store %arg6[%swap3A_60, %swap3A_61], %broadcast_in_dim3A_53 {strides = array<i32>} : memref<2048x1xi32, #tpu.memory_space<vmem>>, vector<2048x1xi32>,
    %div3A_63 = arith.divf %broadcast_in_dim3A_33, %add3A_54 : vector<2048x1xf32>
    %swap3A_64 = arith.constant 0 : index
    %swap3A_65 = arith.constant 0 : index
    %swap3A_66 = vector.load %arg7[%swap3A_64, %swap3A_65] : memref<2048x1xf32, #tpu.memory_space<vmem>>, vector<2048x1xf32>
    tpu.vector_store %arg7[%swap3A_64, %swap3A_65], %div3A_63 {strides = array<i32>} : memref<2048x1xf32, #tpu.memory_space<vmem>>, vector<2048x1xf32>,
    %div3A_67 = arith.divf %broadcast_in_dim3A_45, %add3A_54 : vector<2048x1xf32>
    %swap3A_68 = arith.constant 0 : index
    %swap3A_69 = arith.constant 0 : index
    %swap3A_70 = vector.load %arg8[%swap3A_68, %swap3A_69] : memref<2048x1xf32, #tpu.memory_space<vmem>>, vector<2048x1xf32>
    tpu.vector_store %arg8[%swap3A_68, %swap3A_69], %div3A_67 {strides = array<i32>} : memref<2048x1xf32, #tpu.memory_space<vmem>>, vector<2048x1xf32>,
    %reduce_sum3A_71 = arith.constant dense<0.000000e+00> : vector<8xf32>
    %reduce_sum3A_72 = vector.multi_reduction <add>, %div3A_30, %reduce_sum3A_71 [0] : vector<2048x8xf32> to vector<8xf32>
    %broadcast_in_dim3A_73 = vector.shape_cast %reduce_sum3A_72 : vector<8xf32> to vector<1x8xf32>
    %div3A_74 = arith.constant 2.048000e+03 : f32
    %div3A_75 = vector.broadcast %div3A_74 : f32 to vector<1x8xf32>
    %div3A_76 = arith.divf %broadcast_in_dim3A_73, %div3A_75 : vector<1x8xf32>
    %log3A = arith.constant 1.250000e-01 : f32
    %log3A_77 = math.log %log3A : f32
    %max3A = arith.constant 1.000000e-30 : f32
    %max3A_78 = vector.broadcast %max3A : f32 to vector<1x8xf32>
    %max3A_79 = arith.maximumf %div3A_76, %max3A_78 : vector<1x8xf32>
    %log3A_80 = math.log %max3A_79 : vector<1x8xf32>
    %sub3A_81 = vector.broadcast %log3A_77 : f32 to vector<1x8xf32>
    %sub3A_82 = arith.subf %sub3A_81, %log3A_80 : vector<1x8xf32>
    %mul3A_83 = arith.constant 1.250000e-01 : f32
    %mul3A_84 = vector.broadcast %mul3A_83 : f32 to vector<1x8xf32>
    %mul3A_85 = arith.mulf %mul3A_84, %sub3A_82 : vector<1x8xf32>
    %reduce_sum3A_86 = arith.constant dense<0.000000e+00> : vector<1xf32>
    %reduce_sum3A_87 = vector.multi_reduction <add>, %mul3A_85, %reduce_sum3A_86 [1] : vector<1x8xf32> to vector<1xf32>
    %broadcast_in_dim3A_88 = vector.shape_cast %reduce_sum3A_87 : vector<1xf32> to vector<1x1xf32>
    %div3A_89 = arith.constant 8.000000e+00 : f32
    %div3A_90 = vector.broadcast %div3A_89 : f32 to vector<1x1xf32>
    %div3A_91 = arith.divf %broadcast_in_dim3A_88, %div3A_90 : vector<1x1xf32>
    %mul3A_92 = arith.constant 9.99999974E-5 : f32
    %mul3A_93 = vector.broadcast %mul3A_92 : f32 to vector<1x1xf32>
    %mul3A_94 = arith.mulf %div3A_91, %mul3A_93 : vector<1x1xf32>
    %swap3A_95 = arith.constant 0 : index
    %swap3A_96 = arith.constant 0 : index
    %swap3A_97 = vector.load %arg9[%swap3A_95, %swap3A_96] : memref<1x1xf32, #tpu.memory_space<vmem>>, vector<1x1xf32>
    tpu.vector_store %arg9[%swap3A_95, %swap3A_96], %mul3A_94 {strides = array<i32>} : memref<1x1xf32, #tpu.memory_space<vmem>>, vector<1x1xf32>,
    return
  }
}

module attributes {stable_mosaic.version = 14 : i64} {
  func.func @tc_sffn(%arg0: i32, %arg1: memref<256x768xf32, #tpu.memory_space<vmem>>, %arg2: memref<256x768xf32, #tpu.memory_space<vmem>>, %arg3: memref<1536x768xf32, #tpu.memory_space<vmem>>, %arg4: memref<1536x768xf32, #tpu.memory_space<vmem>>, %arg5: memref<768x1536xf32, #tpu.memory_space<vmem>>, %arg6: memref<256x768xf32, #tpu.memory_space<vmem>>) attributes {dimension_semantics = [#tpu.dimension_semantics<arbitrary>], iteration_bounds = array<i64: 8>, scalar_prefetch = 0 : i64, scratch_operands = 0 : i64, tpu.core_type = #tpu.core_type<tc>, window_params = [{transform_indices = @transform_0, window_bounds = array<i64: 256, 768>}, {transform_indices = @transform_1, window_bounds = array<i64: 256, 768>}, {pipeline_mode = #tpu.pipeline_mode<synchronous>, transform_indices = @transform_2, window_bounds = array<i64: 1536, 768>}, {pipeline_mode = #tpu.pipeline_mode<synchronous>, transform_indices = @transform_3, window_bounds = array<i64: 1536, 768>}, {pipeline_mode = #tpu.pipeline_mode<synchronous>, transform_indices = @transform_4, window_bounds = array<i64: 768, 1536>}, {transform_indices = @transform_5, window_bounds = array<i64: 256, 768>}]} {
    %get3A = arith.constant 0 : index
    %get3A_0 = arith.constant 0 : index
    %get3A_1 = vector.load %arg1[%get3A, %get3A_0] : memref<256x768xf32, #tpu.memory_space<vmem>>, vector<256x768xf32>
    %convert_element_type3A = arith.truncf %get3A_1 : vector<256x768xf32> to vector<256x768xbf16>
    %get3A_2 = arith.constant 0 : index
    %get3A_3 = arith.constant 0 : index
    %get3A_4 = vector.load %arg3[%get3A_2, %get3A_3] : memref<1536x768xf32, #tpu.memory_space<vmem>>, vector<1536x768xf32>
    %convert_element_type3A_5 = arith.truncf %get3A_4 : vector<1536x768xf32> to vector<1536x768xbf16>
    %get3A_6 = arith.constant 0 : index
    %get3A_7 = arith.constant 0 : index
    %get3A_8 = vector.load %arg4[%get3A_6, %get3A_7] : memref<1536x768xf32, #tpu.memory_space<vmem>>, vector<1536x768xf32>
    %convert_element_type3A_9 = arith.truncf %get3A_8 : vector<1536x768xf32> to vector<1536x768xbf16>
    %get3A_10 = arith.constant 0 : index
    %get3A_11 = arith.constant 0 : index
    %get3A_12 = vector.load %arg5[%get3A_10, %get3A_11] : memref<768x1536xf32, #tpu.memory_space<vmem>>, vector<768x1536xf32>
    %convert_element_type3A_13 = arith.truncf %get3A_12 : vector<768x1536xf32> to vector<768x1536xbf16>
    %dot_general3A = arith.constant dense<0.000000e+00> : vector<256x1536xf32>
    %dot_general3A_14 = tpu.matmul %convert_element_type3A, %convert_element_type3A_5, %dot_general3A {dimension_numbers = #tpu.dot_dimension_numbers<[1], [1], [0], [0], [0, 0, 1, 0], [], []>, transpose_lhs_hint = false} : vector<256x768xbf16>, vector<1536x768xbf16>, vector<256x1536xf32> -> vector<256x1536xf32>
    %dot_general3A_15 = arith.constant dense<0.000000e+00> : vector<256x1536xf32>
    %dot_general3A_16 = tpu.matmul %convert_element_type3A, %convert_element_type3A_9, %dot_general3A_15 {dimension_numbers = #tpu.dot_dimension_numbers<[1], [1], [0], [0], [0, 0, 1, 0], [], []>, transpose_lhs_hint = false} : vector<256x768xbf16>, vector<1536x768xbf16>, vector<256x1536xf32> -> vector<256x1536xf32>
    %neg3A = arith.constant 0.000000e+00 : f32
    %neg3A_17 = vector.broadcast %neg3A : f32 to vector<256x1536xf32>
    %neg3A_18 = arith.subf %neg3A_17, %dot_general3A_14 : vector<256x1536xf32>
    %exp3A = math.exp %neg3A_18 : vector<256x1536xf32>
    %add3A = arith.constant 1.000000e+00 : f32
    %add3A_19 = vector.broadcast %add3A : f32 to vector<256x1536xf32>
    %add3A_20 = arith.addf %add3A_19, %exp3A : vector<256x1536xf32>
    %div3A = arith.constant 1.000000e+00 : f32
    %div3A_21 = vector.broadcast %div3A : f32 to vector<256x1536xf32>
    %div3A_22 = arith.divf %div3A_21, %add3A_20 : vector<256x1536xf32>
    %mul3A = arith.mulf %dot_general3A_14, %div3A_22 : vector<256x1536xf32>
    %mul3A_23 = arith.mulf %mul3A, %dot_general3A_16 : vector<256x1536xf32>
    %convert_element_type3A_24 = arith.truncf %mul3A_23 : vector<256x1536xf32> to vector<256x1536xbf16>
    %dot_general3A_25 = arith.constant dense<0.000000e+00> : vector<256x768xf32>
    %dot_general3A_26 = tpu.matmul %convert_element_type3A_24, %convert_element_type3A_13, %dot_general3A_25 {dimension_numbers = #tpu.dot_dimension_numbers<[1], [1], [0], [0], [0, 0, 1, 0], [], []>, transpose_lhs_hint = false} : vector<256x1536xbf16>, vector<768x1536xbf16>, vector<256x768xf32> -> vector<256x768xf32>
    %get3A_27 = arith.constant 0 : index
    %get3A_28 = arith.constant 0 : index
    %get3A_29 = vector.load %arg2[%get3A_27, %get3A_28] : memref<256x768xf32, #tpu.memory_space<vmem>>, vector<256x768xf32>
    %add3A_30 = arith.addf %dot_general3A_26, %get3A_29 : vector<256x768xf32>
    %swap3A = arith.constant 0 : index
    %swap3A_31 = arith.constant 0 : index
    %swap3A_32 = vector.load %arg6[%swap3A, %swap3A_31] : memref<256x768xf32, #tpu.memory_space<vmem>>, vector<256x768xf32>
    tpu.vector_store %arg6[%swap3A, %swap3A_31], %add3A_30 {strides = array<i32>} : memref<256x768xf32, #tpu.memory_space<vmem>>, vector<256x768xf32>,
    return
  }
  func.func @transform_0(%arg0: i32) -> (i32, i32) {
    %c0_i32 = arith.constant 0 : i32
    %c0_i32_0 = arith.constant 0 : i32
    return %arg0, %c0_i32 : i32, i32
  }
  func.func @transform_1(%arg0: i32) -> (i32, i32) {
    %c0_i32 = arith.constant 0 : i32
    %c0_i32_0 = arith.constant 0 : i32
    return %arg0, %c0_i32 : i32, i32
  }
  func.func @transform_2(%arg0: i32) -> (i32, i32) {
    %c0_i32 = arith.constant 0 : i32
    %c0_i32_0 = arith.constant 0 : i32
    %c0_i32_1 = arith.constant 0 : i32
    return %c0_i32, %c0_i32_0 : i32, i32
  }
  func.func @transform_3(%arg0: i32) -> (i32, i32) {
    %c0_i32 = arith.constant 0 : i32
    %c0_i32_0 = arith.constant 0 : i32
    %c0_i32_1 = arith.constant 0 : i32
    return %c0_i32, %c0_i32_0 : i32, i32
  }
  func.func @transform_4(%arg0: i32) -> (i32, i32) {
    %c0_i32 = arith.constant 0 : i32
    %c0_i32_0 = arith.constant 0 : i32
    %c0_i32_1 = arith.constant 0 : i32
    return %c0_i32, %c0_i32_0 : i32, i32
  }
  func.func @transform_5(%arg0: i32) -> (i32, i32) {
    %c0_i32 = arith.constant 0 : i32
    %c0_i32_0 = arith.constant 0 : i32
    return %arg0, %c0_i32 : i32, i32
  }
}

module attributes {stable_mosaic.version = 14 : i64} {
  func.func @tc_ffn(%arg0: i32, %arg1: memref<32xi32, #tpu.memory_space<smem>>, %arg2: memref<32xi32, #tpu.memory_space<smem>>, %arg3: memref<32xi32, #tpu.memory_space<smem>>, %arg4: memref<256x768xf32, #tpu.memory_space<vmem>>, %arg5: memref<256x1xf32, #tpu.memory_space<vmem>>, %arg6: memref<1x1536x768xf32, #tpu.memory_space<vmem>>, %arg7: memref<1x1536x768xf32, #tpu.memory_space<vmem>>, %arg8: memref<1x768x1536xf32, #tpu.memory_space<vmem>>, %arg9: memref<256x768xf32, #tpu.memory_space<vmem>>) attributes {dimension_semantics = [#tpu.dimension_semantics<arbitrary>], iteration_bounds = array<i64: 24>, scalar_prefetch = 3 : i64, scratch_operands = 0 : i64, tpu.core_type = #tpu.core_type<tc>, window_params = [{transform_indices = @transform_0, window_bounds = array<i64: 256, 768>}, {transform_indices = @transform_1, window_bounds = array<i64: 256, 1>}, {transform_indices = @transform_2, window_bounds = array<i64: 1, 1536, 768>}, {transform_indices = @transform_3, window_bounds = array<i64: 1, 1536, 768>}, {transform_indices = @transform_4, window_bounds = array<i64: 1, 768, 1536>}, {transform_indices = @transform_5, window_bounds = array<i64: 256, 768>}]} {
    %get3A = arith.index_cast %arg0 : i32 to index
    %get3A_0 = memref.load %arg3[%get3A] : memref<32xi32, #tpu.memory_space<smem>>
    %ne3A = arith.constant 24 : i32
    %ne3A_1 = arith.cmpi ne, %get3A_0, %ne3A : i32
    %convert_element_type3A = arith.extui %ne3A_1 : i1 to i32
    %cond3A = arith.constant 0 : i32
    %cond3A_2 = arith.cmpi ne, %convert_element_type3A, %cond3A : i32
    scf.if %cond3A_2 {
      %get3A_3 = arith.constant 0 : index
      %get3A_4 = arith.constant 0 : index
      %get3A_5 = vector.load %arg4[%get3A_3, %get3A_4] : memref<256x768xf32, #tpu.memory_space<vmem>>, vector<256x768xf32>
      %convert_element_type3A_6 = arith.truncf %get3A_5 : vector<256x768xf32> to vector<256x768xbf16>
      %get3A_7 = arith.constant 0 : index
      %get3A_8 = arith.constant 0 : index
      %get3A_9 = arith.constant 0 : index
      %get3A_10 = vector.load %arg6[%get3A_7, %get3A_8, %get3A_9] : memref<1x1536x768xf32, #tpu.memory_space<vmem>>, vector<1x1536x768xf32>
      %get3A_11 = vector.shape_cast %get3A_10 : vector<1x1536x768xf32> to vector<1536x768xf32>
      %convert_element_type3A_12 = arith.truncf %get3A_11 : vector<1536x768xf32> to vector<1536x768xbf16>
      %get3A_13 = arith.constant 0 : index
      %get3A_14 = arith.constant 0 : index
      %get3A_15 = arith.constant 0 : index
      %get3A_16 = vector.load %arg7[%get3A_13, %get3A_14, %get3A_15] : memref<1x1536x768xf32, #tpu.memory_space<vmem>>, vector<1x1536x768xf32>
      %get3A_17 = vector.shape_cast %get3A_16 : vector<1x1536x768xf32> to vector<1536x768xf32>
      %convert_element_type3A_18 = arith.truncf %get3A_17 : vector<1536x768xf32> to vector<1536x768xbf16>
      %get3A_19 = arith.constant 0 : index
      %get3A_20 = arith.constant 0 : index
      %get3A_21 = arith.constant 0 : index
      %get3A_22 = vector.load %arg8[%get3A_19, %get3A_20, %get3A_21] : memref<1x768x1536xf32, #tpu.memory_space<vmem>>, vector<1x768x1536xf32>
      %get3A_23 = vector.shape_cast %get3A_22 : vector<1x768x1536xf32> to vector<768x1536xf32>
      %convert_element_type3A_24 = arith.truncf %get3A_23 : vector<768x1536xf32> to vector<768x1536xbf16>
      %dot_general3A = arith.constant dense<0.000000e+00> : vector<256x1536xf32>
      %dot_general3A_25 = tpu.matmul %convert_element_type3A_6, %convert_element_type3A_12, %dot_general3A {dimension_numbers = #tpu.dot_dimension_numbers<[1], [1], [0], [0], [0, 0, 1, 0], [], []>, transpose_lhs_hint = false} : vector<256x768xbf16>, vector<1536x768xbf16>, vector<256x1536xf32> -> vector<256x1536xf32>
      %dot_general3A_26 = arith.constant dense<0.000000e+00> : vector<256x1536xf32>
      %dot_general3A_27 = tpu.matmul %convert_element_type3A_6, %convert_element_type3A_18, %dot_general3A_26 {dimension_numbers = #tpu.dot_dimension_numbers<[1], [1], [0], [0], [0, 0, 1, 0], [], []>, transpose_lhs_hint = false} : vector<256x768xbf16>, vector<1536x768xbf16>, vector<256x1536xf32> -> vector<256x1536xf32>
      %neg3A = arith.constant 0.000000e+00 : f32
      %neg3A_28 = vector.broadcast %neg3A : f32 to vector<256x1536xf32>
      %neg3A_29 = arith.subf %neg3A_28, %dot_general3A_25 : vector<256x1536xf32>
      %exp3A = math.exp %neg3A_29 : vector<256x1536xf32>
      %add3A = arith.constant 1.000000e+00 : f32
      %add3A_30 = vector.broadcast %add3A : f32 to vector<256x1536xf32>
      %add3A_31 = arith.addf %add3A_30, %exp3A : vector<256x1536xf32>
      %div3A = arith.constant 1.000000e+00 : f32
      %div3A_32 = vector.broadcast %div3A : f32 to vector<256x1536xf32>
      %div3A_33 = arith.divf %div3A_32, %add3A_31 : vector<256x1536xf32>
      %mul3A = arith.mulf %dot_general3A_25, %div3A_33 : vector<256x1536xf32>
      %mul3A_34 = arith.mulf %mul3A, %dot_general3A_27 : vector<256x1536xf32>
      %convert_element_type3A_35 = arith.truncf %mul3A_34 : vector<256x1536xf32> to vector<256x1536xbf16>
      %dot_general3A_36 = arith.constant dense<0.000000e+00> : vector<256x768xf32>
      %dot_general3A_37 = tpu.matmul %convert_element_type3A_35, %convert_element_type3A_24, %dot_general3A_36 {dimension_numbers = #tpu.dot_dimension_numbers<[1], [1], [0], [0], [0, 0, 1, 0], [], []>, transpose_lhs_hint = false} : vector<256x1536xbf16>, vector<768x1536xbf16>, vector<256x768xf32> -> vector<256x768xf32>
      %get3A_38 = arith.constant 0 : index
      %get3A_39 = arith.constant 0 : index
      %get3A_40 = vector.load %arg5[%get3A_38, %get3A_39] : memref<256x1xf32, #tpu.memory_space<vmem>>, vector<256x1xf32>
      %mul3A_41 = vector.broadcast %get3A_40 : vector<256x1xf32> to vector<256x768xf32>
      %mul3A_42 = arith.mulf %dot_general3A_37, %mul3A_41 : vector<256x768xf32>
      %swap3A = arith.constant 0 : index
      %swap3A_43 = arith.constant 0 : index
      %swap3A_44 = vector.load %arg9[%swap3A, %swap3A_43] : memref<256x768xf32, #tpu.memory_space<vmem>>, vector<256x768xf32>
      tpu.vector_store %arg9[%swap3A, %swap3A_43], %mul3A_42 {strides = array<i32>} : memref<256x768xf32, #tpu.memory_space<vmem>>, vector<256x768xf32>,
    } else {
    }
    return
  }
  func.func @transform_0(%arg0: i32, %arg1: memref<32xi32, #tpu.memory_space<smem>>, %arg2: memref<32xi32, #tpu.memory_space<smem>>, %arg3: memref<32xi32, #tpu.memory_space<smem>>) -> (i32, i32) {
    %get3A = arith.index_cast %arg0 : i32 to index
    %get3A_0 = memref.load %arg2[%get3A] : memref<32xi32, #tpu.memory_space<smem>>
    %c0_i32 = arith.constant 0 : i32
    %c0_i32_1 = arith.constant 0 : i32
    return %get3A_0, %c0_i32 : i32, i32
  }
  func.func @transform_1(%arg0: i32, %arg1: memref<32xi32, #tpu.memory_space<smem>>, %arg2: memref<32xi32, #tpu.memory_space<smem>>, %arg3: memref<32xi32, #tpu.memory_space<smem>>) -> (i32, i32) {
    %get3A = arith.index_cast %arg0 : i32 to index
    %get3A_0 = memref.load %arg3[%get3A] : memref<32xi32, #tpu.memory_space<smem>>
    %c0_i32 = arith.constant 0 : i32
    %c0_i32_1 = arith.constant 0 : i32
    return %get3A_0, %c0_i32 : i32, i32
  }
  func.func @transform_2(%arg0: i32, %arg1: memref<32xi32, #tpu.memory_space<smem>>, %arg2: memref<32xi32, #tpu.memory_space<smem>>, %arg3: memref<32xi32, #tpu.memory_space<smem>>) -> (i32, i32, i32) {
    %get3A = arith.index_cast %arg0 : i32 to index
    %get3A_0 = memref.load %arg1[%get3A] : memref<32xi32, #tpu.memory_space<smem>>
    %min3A = arith.constant 7 : i32
    %min3A_1 = arith.minsi %get3A_0, %min3A : i32
    %c0_i32 = arith.constant 0 : i32
    %c0_i32_2 = arith.constant 0 : i32
    %c0_i32_3 = arith.constant 0 : i32
    return %min3A_1, %c0_i32, %c0_i32_2 : i32, i32, i32
  }
  func.func @transform_3(%arg0: i32, %arg1: memref<32xi32, #tpu.memory_space<smem>>, %arg2: memref<32xi32, #tpu.memory_space<smem>>, %arg3: memref<32xi32, #tpu.memory_space<smem>>) -> (i32, i32, i32) {
    %get3A = arith.index_cast %arg0 : i32 to index
    %get3A_0 = memref.load %arg1[%get3A] : memref<32xi32, #tpu.memory_space<smem>>
    %min3A = arith.constant 7 : i32
    %min3A_1 = arith.minsi %get3A_0, %min3A : i32
    %c0_i32 = arith.constant 0 : i32
    %c0_i32_2 = arith.constant 0 : i32
    %c0_i32_3 = arith.constant 0 : i32
    return %min3A_1, %c0_i32, %c0_i32_2 : i32, i32, i32
  }
  func.func @transform_4(%arg0: i32, %arg1: memref<32xi32, #tpu.memory_space<smem>>, %arg2: memref<32xi32, #tpu.memory_space<smem>>, %arg3: memref<32xi32, #tpu.memory_space<smem>>) -> (i32, i32, i32) {
    %get3A = arith.index_cast %arg0 : i32 to index
    %get3A_0 = memref.load %arg1[%get3A] : memref<32xi32, #tpu.memory_space<smem>>
    %min3A = arith.constant 7 : i32
    %min3A_1 = arith.minsi %get3A_0, %min3A : i32
    %c0_i32 = arith.constant 0 : i32
    %c0_i32_2 = arith.constant 0 : i32
    %c0_i32_3 = arith.constant 0 : i32
    return %min3A_1, %c0_i32, %c0_i32_2 : i32, i32, i32
  }
  func.func @transform_5(%arg0: i32, %arg1: memref<32xi32, #tpu.memory_space<smem>>, %arg2: memref<32xi32, #tpu.memory_space<smem>>, %arg3: memref<32xi32, #tpu.memory_space<smem>>) -> (i32, i32) {
    %get3A = arith.index_cast %arg0 : i32 to index
    %get3A_0 = memref.load %arg3[%get3A] : memref<32xi32, #tpu.memory_space<smem>>
    %c0_i32 = arith.constant 0 : i32
    %c0_i32_1 = arith.constant 0 : i32
    return %get3A_0, %c0_i32 : i32, i32
  }
}

</mosaic_0001>

<sc_bundles>
// kernel: sc_combine.3.cloned.1.call-start
scs
__scs_entry_jumppad:
0x0: {  	(pc) =	sbr.rel $0x88, $3  }
0x1: {  	(tag) =	ssettag $0x0;
	lr =	simm.s32 $0x1  }
0x2: {  	[smem:$0x3F97] =	sst lr;
	_ =	strace $0xD0000000  }
0x3: {  	_ = 	snop  }
0x4: {  	_ = 	snop  }
0x5: {  	_ = 	snop  }
0x6: {  	_ = 	snop  }
0x7: {  	_ = 	snop  }
__scs_overlays_trampoline_lowered:
0x8: {  	[smem:$0x3FA6] =	sst s0  }
0x9: {  	[smem:$0x3FA7] =	sst s1  }
0xa: {  	[smem:$0x3FA8] =	sst s2  }
0xb: {  	[smem:$0x3FA9] =	sst s3  }
0xc: {  	[smem:$0x3FAA] =	sst s4  }
0xd: {  	[smem:$0x3FAB] =	sst s5  }
0xe: {  	[smem:$0x3FAC] =	sst s6  }
0xf: {  	[smem:$0x3FAD] =	sst s7  }
0x10: {  	[smem:$0x3FAE] =	sst s8  }
0x11: {  	[smem:$0x3FAF] =	sst s9;
	s0 =	simm.s32 @!p0 $0x0  }
0x12: {  	s1 =	sld [smem:$0x3F95];
	s0 =	simm.s32 @p0 $0x1  }
0x13: {  	[smem:$0x3FB0] =	sst s0;
	s0 =	simm.s32 @!p1 $0x0  }
0x14: {  	s2 =	sld [smem:$0x3F94];
	s0 =	simm.s32 @p1 $0x1  }
0x15: {  	[smem:$0x3FB1] =	sst s0;
	s0 =	simm.s32 @!p2 $0x0  }
0x16: {  	s3 =	sld [smem:$0x3FDB];
	s0 =	simm.s32 @p2 $0x1  }
0x17: {  	s4 =	simm.s32 $0x1BF5;
	[smem:$0x3FB3] =	sst s0  }
0x18: {  	s0 =	sld [smem:$0x3F96];
	_ =	swait.ge [sflag:s4], $0x0  }
0x19: {  	s7 =	sld [smem:$0x3F97]  }
0x1a: {  	s8 =	sadd.s32 $0xFFFFE003, lr  }
0x1b: {  	s9 =	sadd.s32 $0xFFFFFEF7, lr;
	s5 =	simm.s32 $0xFFFFFFFF;
	p2 =	slt.u32 s8, $0xFFFFF086  }
0x1c: {  	p1 =	slt.u32 s9, $0xF7A;
	s5 =	simm.s32 @!p2 $0x0  }
0x1d: {  	s5 =	simm.s32 @p1 $0x1;
	p0 =	seq.s32 s7, s2  }
0x1e: {  	s7 =	smul.u32 @!p0 $0xF7A, s2;
	p2 =	seq.s32 @!p0 s5, $0x0  }
0x1f: {  	s9 =	smul.u32 $0xF7A, s1;
	s8 =	simm.s32 @!p0 $0x1BF5;
	p2 =	por !p2, p0  }
0x20: {  	[sflag:s8] =	ssyncset.s32 @!p0 $0xFFFFF086;
	s6 =	sadd.s32 @!p0 s3, s7;
	s7 =	simm.s32 @!p0 $0x108  }
0x21: {  	s3 =	sadd.s32 s3, s9;
	s6 =	sadd.s32 @!p0 $0x88, s6;
	s7 =	simm.s32 @p2 $0x1082  }
0x22: {  	[simem:s7], [sflag:s8] =	dma.local @!p0 [hbm:s6], $0xF7A  }
0x23: {  	s9 =	sor.u32 $0xD0000000, s2;
	s6 =	simm.s32 $0x108;
	_ =	swait.ge @!p0 [sflag:s8], $0x0  }
0x24: {  	s3 =	sadd.s32 $0x88, s3;
	s6 =	simm.s32 @!p1 $0x1082;
	[sflag:s4] =	ssyncset.s32 $0xFFFFF086  }
0x25: {  	[simem:s6], [sflag:s4] =	dma.local [hbm:s3], $0xF7A  }
0x26: {  	[smem:$0x3F97] =	sst s1;
	(tag) =	ssettag s2;
	_ =	strace s9  }
0x27: {  	s1 =	sld [smem:$0x3FA7]  }
0x28: {  	s2 =	sld [smem:$0x3FA8]  }
0x29: {  	s4 =	sld [smem:$0x3FAA]  }
0x2a: {  	p0 =	seq.s32 s5, $0x0;
	s5 =	sld [smem:$0x3FAB]  }
0x2b: {  	s6 =	sld [smem:$0x3FAC]  }
0x2c: {  	s7 =	sld [smem:$0x3FAD]  }
0x2d: {  	s3 =	simm.s32 $0x108;
	s8 =	sld [smem:$0x3FAE]  }
0x2e: {  	s3 =	simm.s32 @!p0 $0x1082;
	s9 =	sld [smem:$0x3FAF]  }
0x2f: {  	lr =	sadd.s32 s0, s3;
	s0 =	sld [smem:$0x3FA6]  }
0x30: {  	s3 =	sld [smem:$0x3FA9]  }
0x31: {  	[smem:$0x3FB2] =	sst s10  }
0x32: {  	s10 =	sld [smem:$0x3FB0];
	_ =	sdelay $0x3  }
0x33: {  	p0 =	seq.s32 s10, $0x1;
	s10 =	sld [smem:$0x3FB2];
	_ =	sdelay $0x3  }
0x34: {  	[smem:$0x3FB2] =	sst s10  }
0x35: {  	s10 =	sld [smem:$0x3FB1];
	_ =	sdelay $0x3  }
0x36: {  	p1 =	seq.s32 s10, $0x1;
	s10 =	sld [smem:$0x3FB2];
	_ =	sdelay $0x3  }
0x37: {  	[smem:$0x3FB2] =	sst s10  }
0x38: {  	s10 =	sld [smem:$0x3FB3]  }
0x39: {  	_ = 	snop;
	(pc) =	sbr.ind lr, $3  }
0x3a: {  	_ = 	snop  }
0x3b: {  	_ = 	snop  }
0x3c: {  	p2 =	seq.s32 s10, $0x1;
	s10 =	sld [smem:$0x3FB2]  }
0x3d: {  	_ =	shalt  }
0x3e: {  	_ =	shalt  }
0x3f: {  	_ =	shalt  }
0x40: {  	_ =	shalt  }
0x41: {  	_ =	shalt  }
0x42: {  	_ =	shalt  }
0x43: {  	_ =	shalt  }
0x44: {  	_ =	shalt  }
0x45: {  	_ =	shalt  }
0x46: {  	_ =	shalt  }
0x47: {  	_ =	shalt  }
0x48: {  	_ =	shalt  }
0x49: {  	_ =	shalt  }
0x4a: {  	_ =	shalt  }
0x4b: {  	_ =	shalt  }
0x4c: {  	_ =	shalt  }
0x4d: {  	_ =	shalt  }
0x4e: {  	_ =	shalt  }
0x4f: {  	_ =	shalt  }
0x50: {  	_ =	shalt  }
0x51: {  	_ =	shalt  }
0x52: {  	_ =	shalt  }
0x53: {  	_ =	shalt  }
0x54: {  	_ =	shalt  }
0x55: {  	_ =	shalt  }
0x56: {  	_ =	shalt  }
0x57: {  	_ =	shalt  }
0x58: {  	_ =	shalt  }
0x59: {  	_ =	shalt  }
0x5a: {  	_ =	shalt  }
0x5b: {  	_ =	shalt  }
0x5c: {  	_ =	shalt  }
0x5d: {  	_ =	shalt  }
0x5e: {  	_ =	shalt  }
0x5f: {  	_ =	shalt  }
0x60: {  	_ =	shalt  }
0x61: {  	_ =	shalt  }
0x62: {  	_ =	shalt  }
0x63: {  	_ =	shalt  }
0x64: {  	_ =	shalt  }
0x65: {  	_ =	shalt  }
0x66: {  	_ =	shalt  }
0x67: {  	_ =	shalt  }
0x68: {  	_ =	shalt  }
0x69: {  	_ =	shalt  }
0x6a: {  	_ =	shalt  }
0x6b: {  	_ =	shalt  }
0x6c: {  	_ =	shalt  }
0x6d: {  	_ =	shalt  }
0x6e: {  	_ =	shalt  }
0x6f: {  	_ =	shalt  }
0x70: {  	_ =	shalt  }
0x71: {  	_ =	shalt  }
0x72: {  	_ =	shalt  }
0x73: {  	_ =	shalt  }
0x74: {  	_ =	shalt  }
0x75: {  	_ =	shalt  }
0x76: {  	_ =	shalt  }
0x77: {  	_ =	shalt  }
0x78: {  	_ =	shalt  }
0x79: {  	_ =	shalt  }
0x7a: {  	_ =	shalt  }
0x7b: {  	_ =	shalt  }
0x7c: {  	_ =	shalt  }
0x7d: {  	_ =	shalt  }
0x7e: {  	_ =	shalt  }
0x7f: {  	_ =	shalt  }
0x80: {  	_ =	shalt  }
0x81: {  	_ =	shalt  }
0x82: {  	_ =	shalt  }
0x83: {  	_ =	shalt  }
0x84: {  	_ =	shalt  }
0x85: {  	_ =	shalt  }
0x86: {  	_ =	shalt  }
0x87: {  	_ =	shalt  }
.Lfunc_end0:
.L_simem_size_0:
called_computation.2_lowered:
.L_overlay_start_0:
0x88: {  	s2 =	sld [smem:$0x3FD9]  }
0x89: {  	s3 =	sld [smem:$0x3FFE];
	_ =	sdelay $0x1  }
0x8a: {  	s1 =	srdreg.scid  }
0x8b: {  	s0 =	sand.u32 $0x1, s1  }
0x8c: {  	s14 =	sshll.u32 s0, $0xA;
	s2 =	sadd.s32 s3, s2  }
0x8d: {  	s2 =	sadd.s32 s2, s14  }
0x8e: {  	[smem:$0x3FBE] =	sst s2  }
0x8f: {  	_ = 	snop  }
0x90: {  	s2 =	sld [smem:$0x3FD0];
	_ =	sdelay $0x2  }
0x91: {  	s15 =	simm.s32 $0xA;
	s4 =	simm.s32 $0x10  }
0x92: {  	[smem:s4], [sflag:s15] =	dma.local [hbm:s2], $0x1  }
0x93: {  	_ =	swait.eq [sflag:s15], $0x1  }
0x94: {  	[sflag:s15] =	ssyncset.done $0x0  }
0x95: {  	[sflag:s15] =	ssyncadd.s32 $0xFFFFFFFF  }
0x96: {  	s16 =	sld [smem:$0x10];
	(tm) =	ssettm $0x1  }
0x97: {  	s17 =	sld [smem:$0x3FFB];
	_ =	sdelay $0x3  }
0x98: {  	_ =	strace s17  }
0x99: {  	s3 =	sld [smem:$0x3FFC];
	_ =	sdelay $0x3  }
0x9a: {  	_ =	strace s3  }
0x9b: {  	s3 =	sld [smem:$0x3FFD];
	_ =	sdelay $0x3  }
0x9c: {  	_ =	strace s3  }
0x9d: {  	_ =	strace $0x8FFFFFFF  }
0x9e: {  	s18 =	sld [smem:$0x3FDB];
	_ =	sdelay $0x1  }
0x9f: {  	s19 =	simm.s32 $_scs_section_size  }
0xa0: {  	s5 =	simm.s32 $_size__tile_overlayer_lowered;
	s6 =	simm.s32 $_tile_overlayer_lowered  }
0xa1: {  	s22 =	simm.s32 $0x1BFF;
	s21 =	sshll.u32 s6, $0x1;
	s3 =	sadd.s32 s19, s18  }
0xa2: {  	s7 =	simm.s32 $0x0;
	s20 =	sshll.u32 s5, $0x1;
	s5 =	sadd.s32 s21, s3  }
0xa3: {  	[timem:s7], [sflag:s22] =	dma.local [hbm:s5], s20  }
0xa4: {  	_ =	swait.ge [sflag:s22], s20  }
0xa5: {  	s4 =	ssub.s32 $0x0, s20;
	[sflag:s22] =	ssyncset.done $0x0  }
0xa6: {  	[sflag:s22] =	ssyncadd.s32 s4;
	_ =	sdelay $0x1  }
0xa7: {  	s23 =	simm.s32 $0x1B8B  }
0xa8: {  	_ =	swait.ge [sflag:s23], $0x1  }
0xa9: {  	[sflag:s23] =	ssyncset.done $0x0  }
0xaa: {  	s25 =	simm.s32 $0x1B8E;
	s24 =	sld [smem:$0x3FFE];
	[sflag:s23] =	ssyncadd.s32 $0xFFFFFFFF  }
0xab: {  	s26 =	simm.s32 $execute0_lowered;
	[smem:$0x3FD2] =	sst s25  }
0xac: {  	s5 =	sshll.u32 s26, $0x1;
	_ =	strace $0x8000004C;
	[dreg:$0x1] =	wrdreg $0xFFFFFFFF  }
0xad: {  	s28 =	simm.s32 $_size_execute0_lowered;
	s3 =	sadd.s32 s3, s5;
	[dreg:$0x0] =	wrdreg $0x0  }
0xae: {  	s5 =	sshll.u32 s28, $0x1;
	[dreg:$0x2] =	wrdreg s3  }
0xaf: {  	[dreg:$0x3] =	wrdreg s5  }
0xb0: {  	[dreg:$0x4] =	wrdreg $0xC0  }
0xb1: {  	_ =	task [dreg:s7], $0x5FFFF  }
0xb2: {  	[dreg:$0x1] =	wrdreg $0xFFFFFFFF  }
0xb3: {  	[dreg:$0x0] =	wrdreg $0x60  }
0xb4: {  	[dreg:$0x2] =	wrdreg s24  }
0xb5: {  	[dreg:$0x3] =	wrdreg s16  }
0xb6: {  	[dreg:$0x4] =	wrdreg $0x9  }
0xb7: {  	_ =	task.clear_ibuf [dreg:s7], $0x5FFFF;
	_ =	strace $0x9000004C  }
0xb8: {  	s29 =	simm.s32 $0x9;
	_ =	strace $0x8000004E  }
0xb9: {  	_ =	swait.ge [sflag:s29], $0x1  }
0xba: {  	[sflag:s29] =	ssyncadd.s32 $0xFFFFFFFF  }
0xbb: {  	_ =	strace $0x9000004E  }
0xbc: {  	_ =	sfence  }
0xbd: {  	s30 =	sld [smem:$0x0];
	_ =	sdelay $0x2  }
0xbe: {  	s31 =	sshll.u32 s1, $0xD;
	s1 =	sshrl.u32 s1, $0x2  }
0xbf: {  	s3 =	sand.u32 $0x4000, s31;
	s1 =	sadd.s32 s1, s30  }
0xc0: {  	s0 =	sor.u32 s3, s0;
	s1 =	sshll.u32 s1, $0x11  }
0xc1: {  	s0 =	sor.u32 s1, s0  }
0xc2: {  	s0 =	sadd.s32 $0x8F2B, s0  }
0xc3: {  	[sflag:s0] =	ssyncadd.remote.s32 $0x1  }
0xc4: {  	_ =	sfence.sel $0xFFFF  }
0xc5: {  	[dreg:$0x0] =	wrdreg $0xFFFFFFFF;
	(pc) =	sbr.abs _section_cstart, $3  }
0xc6: {  	[dreg:$0x1] =	wrdreg $0xFFFFFFFF  }
0xc7: {  	_ =	task.clear_ibuf [dreg:s7], $0x2FFFF;
	_ =	strace $0x9FFFFFFF  }
0xc8: {  	(tm) =	ssettm $0x7FFFFFFF  }
0xc9: {  	_ =	shalt  }
tec
execute0_lowered:
.L_overlay_start_1:
0x0: {  	(tag) =	ssettag $0x1  }
0x1: {  	s0 =	rddreg [dreg:$0x0]  }
0x2: {  	s1 =	simm.s32 $0x0;
	s25 =	srdreg.scid;
	s6 =	stileid.u32  }
0x3: {  	s12 =	simm.s32 $0x2;
	s14 =	simm.s32 $0x100;
	s24 =	simm.s32 $0x5100  }
0x4: {  	s28 =	simm.s32 $0x6900;
	s29 =	simm.s32 $0x7100;
	s30 =	simm.s32 $0x7900  }
0x5: {  	s31 =	simm.s32 $0x8100;
	s11 =	simm.s32 $0x9900;
	s13 =	simm.s32 $0xB100  }
0x6: {  	s15 =	simm.s32 $0xB900;
	s16 =	simm.s32 $0xC100;
	s17 =	simm.s32 $0x1  }
0x7: {  	s19 =	simm.s32 $0x0;
	[smem:$0x7FF] =	sst s1;
	s4 =	sadd.s32 $0xC4200, s0  }
0x8: {  	s1 =	sand.u32 $0x1, s25;
	s5 =	sadd.s32 $0x94200, s0;
	s7 =	sshll.u32 s6, $0x4  }
0x9: {  	s6 =	sadd.s32 $0x4000, s0;
	s8 =	sadd.s32 $0x4100, s0;
	s9 =	sadd.s32 $0xC4300, s0  }
0xa: {  	v0 =	vlaneseq.u32;
	s10 =	sadd.s32 $0xC4400, s0;
	s25 =	simm.s32 $0x5900;
	s2 =	ssub.s32 $0x2, s1  }
0xb: {  	s0 =	simm.s32 $0x8900;
	v1 =	vand.u32 $0x7, v0;
	v63 =	vshrl.u32 v0, $0x3;
	s1 =	sshll.u32 s1, $0x3;
	s3 =	sshrl.u32 s2, $0x1  }
0xc: {  	v0 =	vor.u32 $0x8, v0;
	_ =	strace $0x8000004D;
	[tilespmem:$0x1FFD0] =	vst v1;
	v1 =	vmul.u32 $0x8, v63;
	s7 =	sor.u32 s1, s7;
	s2 =	ssub.s32 s2, s3  }
0xd: {  	[tilespmem:$0x1FFF0] =	vst v0;
	s1 =	simm.s32 $0xA100;
	s3 =	simm.s32 $0x9100;
	s26 =	smax.u32 s2, $0x1  }
0xe: {  	vm0 =	vmmov $0xffff;
	[tilespmem:$0x1FFE0] =	vst v1;
	s2 =	simm.s32 $0xA900;
	[dreg:$0x3] =	wrdreg s26;
	s26 =	simm.s32 $0x6100  }
.LBB2_1:
0xf: {  	[dreg:$0x4] =	wrdreg s19;
	p1 =	por $0x1, $0x1;
	s18 =	simm.s32 $0x0  }
.LBB2_2:
0x10: {  	s19 =	sor.u32 s7, s18  }
0x11: {  	s18 =	simm.s32 $0x0;
	s20 =	sadd.s32 s6, s19  }
0x12: {  	[tilespmem:s18], [sflag:$0x2] =	stream.linear.gather [hbm4b:s20+s18], $0x20, $0x38;
	[tilespmem:$0x12100] =	vst v63  }
0x13: {  	_ =	swait.ge [sflag:s12], $0x20  }
0x14: {  	[sflag:s12] =	ssyncset.done $0x0  }
0x15: {  	s21 =	simm.s32 $0x80;
	s23 =	sadd.s32 s19, s8;
	[sflag:s12] =	ssyncadd.s32 $0xFFFFFFE0  }
0x16: {  	[tilespmem:s21], [sflag:$0x2] =	stream.linear.gather [hbm4b:s23+s18], $0x20, $0x38;
	[tilespmem:$0x12100] =	vst v63  }
0x17: {  	_ =	swait.ge [sflag:s12], $0x20  }
0x18: {  	[sflag:s12] =	ssyncset.done $0x0  }
0x19: {  	[sflag:s12] =	ssyncadd.s32 $0xFFFFFFE0  }
0x1a: {  	v0 =	vld [tilespmem:$0x0];
	_ =	sdelay $0x3  }
0x1b: {  	v2 =	vld [tilespmem:$0x1FFD0]  }
0x1c: {  	v1 =	vshrl.u32 v0, $0x3  }
0x1d: {  	v3 =	vld [tilespmem:$0x1FFE0];
	v1 =	vmul.u32 $0x30, v1  }
0x1e: {  	v0 =	vand.u32 $0x7, v0  }
0x1f: {  	v0 =	vor.u32 v0, v1  }
0x20: {  	v1 =	vperm.xlane v0, v2  }
0x21: {  	v4 =	vld [tilespmem:$0x1FFF0]  }
0x22: {  	v1 =	vadd.s32 v3, v1;
	_ =	sdelay $0x3  }
0x23: {  	v0 =	vperm.xlane v0, v4  }
0x24: {  	[tilespmem:s14], [sflag:$0x1] =	stream.indirect_vreg.gather [hbm4b:s4+s18], $0x80, v1, vm0, $0xb8;
	[tilespmem:$0x12100] =	vst v63  }
0x25: {  	s21 =	simm.s32 $0x900;
	v0 =	vadd.s32 v3, v0  }
0x26: {  	[tilespmem:s21], [sflag:$0x1] =	stream.indirect_vreg.gather [hbm4b:s9+s18], $0x80, v1, vm0, $0xb8;
	[tilespmem:$0x12100] =	vst v63  }
0x27: {  	s22 =	simm.s32 $0x1100  }
0x28: {  	[tilespmem:s22], [sflag:$0x1] =	stream.indirect_vreg.gather [hbm4b:s10+s18], $0x80, v1, vm0, $0xb8;
	[tilespmem:$0x12100] =	vst v63  }
0x29: {  	s23 =	simm.s32 $0x1900  }
0x2a: {  	[tilespmem:s23], [sflag:$0x1] =	stream.indirect_vreg.gather [hbm4b:s4+s18], $0x80, v0, vm0, $0xb8;
	[tilespmem:$0x12100] =	vst v63  }
0x2b: {  	s21 =	simm.s32 $0x2100  }
0x2c: {  	[tilespmem:s21], [sflag:$0x1] =	stream.indirect_vreg.gather [hbm4b:s9+s18], $0x80, v0, vm0, $0xb8;
	[tilespmem:$0x12100] =	vst v63  }
0x2d: {  	s22 =	simm.s32 $0x2900  }
0x2e: {  	[tilespmem:s22], [sflag:$0x1] =	stream.indirect_vreg.gather [hbm4b:s10+s18], $0x80, v0, vm0, $0xb8;
	[tilespmem:$0x12100] =	vst v63  }
0x2f: {  	v0 =	vld [tilespmem:$0x10];
	_ =	sdelay $0x4  }
0x30: {  	v1 =	vshrl.u32 v0, $0x3  }
0x31: {  	v1 =	vmul.u32 $0x30, v1  }
0x32: {  	v0 =	vand.u32 $0x7, v0  }
0x33: {  	v0 =	vor.u32 v0, v1  }
0x34: {  	v1 =	vperm.xlane v0, v2;
	_ =	sdelay $0x1  }
0x35: {  	v1 =	vadd.s32 v3, v1;
	_ =	sdelay $0x3  }
0x36: {  	s23 =	simm.s32 $0x3100;
	v0 =	vperm.xlane v0, v4  }
0x37: {  	[tilespmem:s23], [sflag:$0x1] =	stream.indirect_vreg.gather [hbm4b:s4+s18], $0x80, v1, vm0, $0xb8;
	[tilespmem:$0x12100] =	vst v63  }
0x38: {  	s21 =	simm.s32 $0x3900;
	v0 =	vadd.s32 v3, v0  }
0x39: {  	[tilespmem:s21], [sflag:$0x1] =	stream.indirect_vreg.gather [hbm4b:s9+s18], $0x80, v1, vm0, $0xb8;
	[tilespmem:$0x12100] =	vst v63  }
0x3a: {  	s22 =	simm.s32 $0x4100  }
0x3b: {  	[tilespmem:s22], [sflag:$0x1] =	stream.indirect_vreg.gather [hbm4b:s10+s18], $0x80, v1, vm0, $0xb8;
	[tilespmem:$0x12100] =	vst v63  }
0x3c: {  	s23 =	simm.s32 $0x4900  }
0x3d: {  	[tilespmem:s23], [sflag:$0x1] =	stream.indirect_vreg.gather [hbm4b:s4+s18], $0x80, v0, vm0, $0xb8;
	[tilespmem:$0x12100] =	vst v63  }
0x3e: {  	_ = 	snop  }
0x3f: {  	[tilespmem:s24], [sflag:$0x1] =	stream.indirect_vreg.gather [hbm4b:s9+s18], $0x80, v0, vm0, $0xb8;
	[tilespmem:$0x12100] =	vst v63  }
0x40: {  	_ = 	snop  }
0x41: {  	[tilespmem:s25], [sflag:$0x1] =	stream.indirect_vreg.gather [hbm4b:s10+s18], $0x80, v0, vm0, $0xb8;
	[tilespmem:$0x12100] =	vst v63  }
0x42: {  	v0 =	vld [tilespmem:$0x80];
	_ =	sdelay $0x4  }
0x43: {  	v1 =	vshrl.u32 v0, $0x3  }
0x44: {  	v1 =	vmul.u32 $0x30, v1  }
0x45: {  	v0 =	vand.u32 $0x7, v0  }
0x46: {  	v0 =	vor.u32 v0, v1  }
0x47: {  	v1 =	vperm.xlane v0, v2;
	_ =	sdelay $0x1  }
0x48: {  	v1 =	vadd.s32 v3, v1;
	_ =	sdelay $0x3  }
0x49: {  	v0 =	vperm.xlane v0, v4  }
0x4a: {  	[tilespmem:s26], [sflag:$0x1] =	stream.indirect_vreg.gather [hbm4b:s4+s18], $0x80, v1, vm0, $0xb8;
	[tilespmem:$0x12100] =	vst v63  }
0x4b: {  	v0 =	vadd.s32 v3, v0  }
0x4c: {  	[tilespmem:s28], [sflag:$0x1] =	stream.indirect_vreg.gather [hbm4b:s9+s18], $0x80, v1, vm0, $0xb8;
	[tilespmem:$0x12100] =	vst v63  }
0x4d: {  	_ = 	snop  }
0x4e: {  	[tilespmem:s29], [sflag:$0x1] =	stream.indirect_vreg.gather [hbm4b:s10+s18], $0x80, v1, vm0, $0xb8;
	[tilespmem:$0x12100] =	vst v63  }
0x4f: {  	_ = 	snop  }
0x50: {  	[tilespmem:s30], [sflag:$0x1] =	stream.indirect_vreg.gather [hbm4b:s4+s18], $0x80, v0, vm0, $0xb8;
	[tilespmem:$0x12100] =	vst v63  }
0x51: {  	_ = 	snop  }
0x52: {  	[tilespmem:s31], [sflag:$0x1] =	stream.indirect_vreg.gather [hbm4b:s9+s18], $0x80, v0, vm0, $0xb8;
	[tilespmem:$0x12100] =	vst v63  }
0x53: {  	_ = 	snop  }
0x54: {  	[tilespmem:s0], [sflag:$0x1] =	stream.indirect_vreg.gather [hbm4b:s10+s18], $0x80, v0, vm0, $0xb8;
	[tilespmem:$0x12100] =	vst v63  }
0x55: {  	v0 =	vld [tilespmem:$0x90];
	_ =	sdelay $0x4  }
0x56: {  	v1 =	vshrl.u32 v0, $0x3  }
0x57: {  	v1 =	vmul.u32 $0x30, v1  }
0x58: {  	v0 =	vand.u32 $0x7, v0  }
0x59: {  	v0 =	vor.u32 v0, v1  }
0x5a: {  	v1 =	vperm.xlane v0, v2;
	_ =	sdelay $0x1  }
0x5b: {  	v1 =	vadd.s32 v3, v1;
	_ =	sdelay $0x3  }
0x5c: {  	v0 =	vperm.xlane v0, v4  }
0x5d: {  	[tilespmem:s3], [sflag:$0x1] =	stream.indirect_vreg.gather [hbm4b:s4+s18], $0x80, v1, vm0, $0xb8;
	[tilespmem:$0x12100] =	vst v63  }
0x5e: {  	v0 =	vadd.s32 v3, v0  }
0x5f: {  	[tilespmem:s11], [sflag:$0x1] =	stream.indirect_vreg.gather [hbm4b:s9+s18], $0x80, v1, vm0, $0xb8;
	[tilespmem:$0x12100] =	vst v63  }
0x60: {  	_ = 	snop  }
0x61: {  	[tilespmem:s1], [sflag:$0x1] =	stream.indirect_vreg.gather [hbm4b:s10+s18], $0x80, v1, vm0, $0xb8;
	[tilespmem:$0x12100] =	vst v63  }
0x62: {  	_ = 	snop  }
0x63: {  	[tilespmem:s2], [sflag:$0x1] =	stream.indirect_vreg.gather [hbm4b:s4+s18], $0x80, v0, vm0, $0xb8;
	[tilespmem:$0x12100] =	vst v63  }
0x64: {  	_ = 	snop  }
0x65: {  	[tilespmem:s13], [sflag:$0x1] =	stream.indirect_vreg.gather [hbm4b:s9+s18], $0x80, v0, vm0, $0xb8;
	[tilespmem:$0x12100] =	vst v63  }
0x66: {  	s19 =	smul.u32 $0x300, s19  }
0x67: {  	[tilespmem:s15], [sflag:$0x1] =	stream.indirect_vreg.gather [hbm4b:s10+s18], $0x80, v0, vm0, $0xb8;
	[tilespmem:$0x12100] =	vst v63  }
0x68: {  	s21 =	sadd.s32 s5, s19  }
0x69: {  	[tilespmem:s16], [sflag:$0x1] =	stream.linear.gather [hbm4b:s21+s18], $0x6000, $0x38;
	[tilespmem:$0x12100] =	vst v63  }
0x6a: {  	_ =	swait.ge [sflag:s17], $0x6000  }
0x6b: {  	[sflag:s17] =	ssyncset.done $0x0  }
0x6c: {  	[sflag:s17] =	ssyncadd.s32 $0xFFFFA000  }
0x6d: {  	_ =	swait.ge [sflag:s17], $0x6000  }
0x6e: {  	[sflag:s17] =	ssyncset.done $0x0  }
0x6f: {  	s22 =	simm.s32 $0x0;
	[sflag:s17] =	ssyncadd.s32 $0xFFFFA000  }
0x70: {  	s20 =	smul.u32 $0x1800, s22;
	_ =	swait.ge [sflag:s17], $0x6000  }
0x71: {  	s23 =	sand.u32 $0x380, s18;
	[sflag:s17] =	ssyncset.done $0x0  }
0x72: {  	s20 =	sor.u32 s23, s20;
	[sflag:s17] =	ssyncadd.s32 $0xFFFFA000  }
0x73: {  	v0 =	vld [tilespmem:s20+$0xC570];
	_ =	sdelay $0x4  }
0x74: {  	[tilespmem:$0x1FE00] =	vst v0;
	v0 =	vld [tilespmem:s20+$0xC900];
	_ =	sdelay $0x4  }
0x75: {  	[tilespmem:$0x1FE10] =	vst v0;
	v0 =	vld [tilespmem:s20+$0xC910];
	_ =	sdelay $0x4  }
0x76: {  	[tilespmem:$0x1FE20] =	vst v0;
	v0 =	vld [tilespmem:s20+$0xC920];
	_ =	sdelay $0x4  }
0x77: {  	[tilespmem:$0x1FE30] =	vst v0;
	v0 =	vld [tilespmem:s20+$0xC930];
	_ =	sdelay $0x4  }
0x78: {  	[tilespmem:$0x1FE40] =	vst v0;
	v0 =	vld [tilespmem:s20+$0xC940];
	_ =	sdelay $0x4  }
0x79: {  	[tilespmem:$0x1FE50] =	vst v0;
	v0 =	vld [tilespmem:s20+$0xC950];
	_ =	sdelay $0x4  }
0x7a: {  	[tilespmem:$0x1FE60] =	vst v0;
	v0 =	vld [tilespmem:s20+$0xC960];
	_ =	sdelay $0x4  }
0x7b: {  	[tilespmem:$0x1FE70] =	vst v0;
	v0 =	vld [tilespmem:s20+$0xC970];
	_ =	sdelay $0x4  }
0x7c: {  	[tilespmem:$0x1FE80] =	vst v0;
	v0 =	vld [tilespmem:s20+$0xCD00];
	_ =	sdelay $0x4  }
0x7d: {  	[tilespmem:$0x1FE90] =	vst v0;
	v0 =	vld [tilespmem:s20+$0xCD10];
	_ =	sdelay $0x4  }
0x7e: {  	[tilespmem:$0x1FEA0] =	vst v0;
	v0 =	vld [tilespmem:s20+$0xCD20];
	_ =	sdelay $0x4  }
0x7f: {  	[tilespmem:$0x1FEB0] =	vst v0;
	v0 =	vld [tilespmem:s20+$0xCD30];
	_ =	sdelay $0x4  }
0x80: {  	[tilespmem:$0x1FEC0] =	vst v0;
	v0 =	vld [tilespmem:s20+$0xCD40];
	_ =	sdelay $0x4  }
0x81: {  	[tilespmem:$0x1FED0] =	vst v0;
	v0 =	vld [tilespmem:s20+$0xCD50];
	_ =	sdelay $0x4  }
0x82: {  	[tilespmem:$0x1FEE0] =	vst v0;
	v0 =	vld [tilespmem:s20+$0xCD60];
	_ =	sdelay $0x4  }
0x83: {  	[tilespmem:$0x1FEF0] =	vst v0;
	v0 =	vld [tilespmem:s20+$0xCD70];
	_ =	sdelay $0x4  }
0x84: {  	[tilespmem:$0x1FF10] =	vst v0;
	v0 =	vld [tilespmem:s20+$0xD100];
	_ =	sdelay $0x4  }
0x85: {  	[tilespmem:$0x1FF30] =	vst v0;
	v0 =	vld [tilespmem:s20+$0xD110];
	_ =	sdelay $0x4  }
0x86: {  	[tilespmem:$0x1FF50] =	vst v0;
	v0 =	vld [tilespmem:s20+$0xD120];
	_ =	sdelay $0x4  }
0x87: {  	[tilespmem:$0x1FF70] =	vst v0;
	v0 =	vld [tilespmem:s20+$0xD130];
	_ =	sdelay $0x4  }
0x88: {  	[tilespmem:$0x1FF90] =	vst v0;
	v0 =	vld [tilespmem:s20+$0xD140];
	_ =	sdelay $0x4  }
0x89: {  	[tilespmem:$0x1FFB0] =	vst v0;
	v0 =	vld [tilespmem:s20+$0xD150];
	_ =	sdelay $0x4  }
0x8a: {  	[tilespmem:$0x1FDB0] =	vst v0;
	v0 =	vld [tilespmem:s20+$0xD160];
	_ =	sdelay $0x4  }
0x8b: {  	[tilespmem:$0x1FDC0] =	vst v0;
	v0 =	vld [tilespmem:s20+$0xD170];
	_ =	sdelay $0x4  }
0x8c: {  	[tilespmem:$0x1FDD0] =	vst v0;
	v0 =	vld [tilespmem:s20+$0xD500];
	_ =	sdelay $0x4  }
0x8d: {  	[tilespmem:$0x1FDE0] =	vst v0;
	v0 =	vld [tilespmem:s20+$0xD510];
	_ =	sdelay $0x4  }
0x8e: {  	[tilespmem:$0x1FDF0] =	vst v0;
	v0 =	vld [tilespmem:s20+$0x7100];
	_ =	sdelay $0x4  }
0x8f: {  	[tilespmem:$0x1FF00] =	vst v0;
	v0 =	vld [tilespmem:s20+$0x7110];
	_ =	sdelay $0x4  }
0x90: {  	[tilespmem:$0x1FF20] =	vst v0;
	v0 =	vld [tilespmem:s20+$0x7120];
	_ =	sdelay $0x1  }
0x91: {  	v14 =	vld [tilespmem:s20+$0xC100]  }
0x92: {  	v53 =	vld [tilespmem:s20+$0xC110]  }
0x93: {  	v54 =	vld [tilespmem:s20+$0xC120]  }
0x94: {  	[tilespmem:$0x1FF40] =	vst v0;
	v0 =	vld [tilespmem:s20+$0x7130]  }
0x95: {  	v55 =	vld [tilespmem:s20+$0xC130]  }
0x96: {  	v56 =	vld [tilespmem:s20+$0xC140]  }
0x97: {  	v57 =	vld [tilespmem:s20+$0xC150]  }
0x98: {  	v58 =	vld [tilespmem:s20+$0xC160]  }
0x99: {  	[tilespmem:$0x1FF60] =	vst v0;
	v0 =	vld [tilespmem:s20+$0x7140]  }
0x9a: {  	v59 =	vld [tilespmem:s20+$0xC170]  }
0x9b: {  	v60 =	vld [tilespmem:s20+$0xC500]  }
0x9c: {  	v61 =	vld [tilespmem:s20+$0xC510]  }
0x9d: {  	v51 =	vld [tilespmem:s20+$0xC520]  }
0x9e: {  	[tilespmem:$0x1FF80] =	vst v0;
	v0 =	vld [tilespmem:s20+$0x7150]  }
0x9f: {  	v37 =	vld [tilespmem:s20+$0xC530]  }
0xa0: {  	v38 =	vld [tilespmem:s20+$0xC540]  }
0xa1: {  	v41 =	vld [tilespmem:s20+$0xC550]  }
0xa2: {  	v62 =	vld [tilespmem:s20+$0x6100]  }
0xa3: {  	[tilespmem:$0x1FFA0] =	vst v0;
	v0 =	vld [tilespmem:s20+$0x7160]  }
0xa4: {  	v63 =	vld [tilespmem:s20+$0x6110]  }
0xa5: {  	v5 =	vld [tilespmem:s20+$0x6120]  }
0xa6: {  	v6 =	vld [tilespmem:s20+$0x6130]  }
0xa7: {  	v7 =	vld [tilespmem:s20+$0x6140]  }
0xa8: {  	[tilespmem:$0x1FFC0] =	vst v0;
	v0 =	vld [tilespmem:s20+$0x100]  }
0xa9: {  	v1 =	vld [tilespmem:s20+$0x110]  }
0xaa: {  	v2 =	vld [tilespmem:s20+$0x120]  }
0xab: {  	v3 =	vld [tilespmem:s20+$0x130]  }
0xac: {  	v8 =	vld [tilespmem:s20+$0x6150]  }
0xad: {  	v0 =	vadd.f32 v62, v0;
	v62 =	vld [tilespmem:s20+$0x150]  }
0xae: {  	v22 =	vld [tilespmem:s20+$0x6170];
	v1 =	vadd.f32 v63, v1  }
0xaf: {  	v2 =	vadd.f32 v5, v2;
	v5 =	vld [tilespmem:s20+$0x170]  }
0xb0: {  	v4 =	vld [tilespmem:s20+$0x140];
	v3 =	vadd.f32 v6, v3;
	v1 =	vadd.f32 v53, v1  }
0xb1: {  	v21 =	vld [tilespmem:s20+$0x6160]  }
0xb2: {  	v63 =	vld [tilespmem:s20+$0x160];
	[tilespmem:s20+$0x110] =	vst v1;
	v1 =	vadd.f32 v55, v3;
	v3 =	vadd.f32 v8, v62  }
0xb3: {  	v39 =	vld [tilespmem:s20+$0xC560];
	v0 =	vadd.f32 v14, v0  }
0xb4: {  	v23 =	vld [tilespmem:s20+$0x6500];
	[tilespmem:s20+$0x130] =	vst v1;
	v1 =	vadd.f32 v57, v3;
	v3 =	vadd.f32 v22, v5  }
0xb5: {  	v24 =	vld [tilespmem:s20+$0x6510];
	[tilespmem:s20+$0x100] =	vst v0;
	v0 =	vadd.f32 v54, v2;
	v2 =	vadd.f32 v7, v4  }
0xb6: {  	v25 =	vld [tilespmem:s20+$0x6520];
	[tilespmem:s20+$0x150] =	vst v1;
	v1 =	vadd.f32 v59, v3  }
0xb7: {  	v27 =	vld [tilespmem:s20+$0x6540];
	[tilespmem:s20+$0x120] =	vst v0;
	v0 =	vadd.f32 v56, v2;
	v2 =	vadd.f32 v21, v63  }
0xb8: {  	[tilespmem:s20+$0x170] =	vst v1;
	v1 =	vld [tilespmem:s20+$0x540]  }
0xb9: {  	v26 =	vld [tilespmem:s20+$0x6530];
	[tilespmem:s20+$0x140] =	vst v0;
	v0 =	vadd.f32 v58, v2  }
0xba: {  	v28 =	vld [tilespmem:s20+$0x6550]  }
0xbb: {  	[tilespmem:s20+$0x160] =	vst v0;
	v0 =	vld [tilespmem:s20+$0x530]  }
0xbc: {  	v4 =	vld [tilespmem:s20+$0x500]  }
0xbd: {  	v29 =	vld [tilespmem:s20+$0x6560];
	v1 =	vadd.f32 v27, v1  }
0xbe: {  	v30 =	vld [tilespmem:s20+$0x6570]  }
0xbf: {  	v9 =	vld [tilespmem:s20+$0x6950];
	v1 =	vadd.f32 v38, v1  }
0xc0: {  	v6 =	vld [tilespmem:s20+$0x510];
	v0 =	vadd.f32 v26, v0  }
0xc1: {  	v4 =	vadd.f32 v23, v4;
	[tilespmem:s20+$0x540] =	vst v1;
	v1 =	vld [tilespmem:s20+$0x950]  }
0xc2: {  	v35 =	vld [tilespmem:s20+$0x6940];
	v0 =	vadd.f32 v37, v0  }
0xc3: {  	v2 =	vld [tilespmem:s20+$0x520];
	v4 =	vadd.f32 v60, v4  }
0xc4: {  	[tilespmem:s20+$0x530] =	vst v0;
	v0 =	vld [tilespmem:s20+$0x940]  }
0xc5: {  	[tilespmem:s20+$0x500] =	vst v4;
	v4 =	vld [tilespmem:s20+$0x550]  }
0xc6: {  	v3 =	vadd.f32 v24, v6;
	v1 =	vadd.f32 v9, v1;
	v9 =	vld [tilespmem:$0x1FE50]  }
0xc7: {  	v31 =	vld [tilespmem:s20+$0x6900]  }
0xc8: {  	v32 =	vld [tilespmem:s20+$0x6910];
	v3 =	vadd.f32 v61, v3  }
0xc9: {  	v33 =	vld [tilespmem:s20+$0x6920];
	v0 =	vadd.f32 v35, v0  }
0xca: {  	[tilespmem:s20+$0x510] =	vst v3;
	v3 =	vld [tilespmem:s20+$0x560];
	v4 =	vadd.f32 v28, v4  }
0xcb: {  	v2 =	vadd.f32 v25, v2;
	v0 =	vadd.f32 v9, v0;
	v9 =	vld [tilespmem:$0x1FE60]  }
0xcc: {  	v34 =	vld [tilespmem:s20+$0x6930];
	v4 =	vadd.f32 v41, v4  }
0xcd: {  	v10 =	vld [tilespmem:s20+$0x6960];
	v2 =	vadd.f32 v51, v2  }
0xce: {  	[tilespmem:s20+$0x550] =	vst v4;
	v4 =	vld [tilespmem:s20+$0x960]  }
0xcf: {  	[tilespmem:s20+$0x520] =	vst v2;
	v2 =	vld [tilespmem:s20+$0x570];
	v3 =	vadd.f32 v29, v3  }
0xd0: {  	v1 =	vadd.f32 v9, v1;
	v9 =	vld [tilespmem:$0x1FE70]  }
0xd1: {  	v21 =	vld [tilespmem:$0x1FE00];
	v3 =	vadd.f32 v39, v3  }
0xd2: {  	v11 =	vld [tilespmem:s20+$0x6970]  }
0xd3: {  	[tilespmem:s20+$0x560] =	vst v3;
	v3 =	vld [tilespmem:s20+$0x970];
	v4 =	vadd.f32 v10, v4  }
0xd4: {  	v5 =	vld [tilespmem:s20+$0x900];
	v2 =	vadd.f32 v30, v2  }
0xd5: {  	v4 =	vadd.f32 v9, v4;
	v9 =	vld [tilespmem:$0x1FE80]  }
0xd6: {  	v2 =	vadd.f32 v21, v2;
	v21 =	vld [tilespmem:$0x1FE10]  }
0xd7: {  	v12 =	vld [tilespmem:s20+$0x6D00]  }
0xd8: {  	[tilespmem:s20+$0x570] =	vst v2;
	v2 =	vld [tilespmem:s20+$0xD00];
	v3 =	vadd.f32 v11, v3  }
0xd9: {  	v6 =	vld [tilespmem:s20+$0x910];
	v5 =	vadd.f32 v31, v5  }
0xda: {  	v3 =	vadd.f32 v9, v3;
	v9 =	vld [tilespmem:$0x1FE90]  }
0xdb: {  	v5 =	vadd.f32 v21, v5;
	v21 =	vld [tilespmem:$0x1FE20]  }
0xdc: {  	v36 =	vld [tilespmem:s20+$0x6D10]  }
0xdd: {  	[tilespmem:s20+$0x900] =	vst v5;
	v5 =	vld [tilespmem:s20+$0xD10];
	v2 =	vadd.f32 v12, v2  }
0xde: {  	v7 =	vld [tilespmem:s20+$0x920];
	v6 =	vadd.f32 v32, v6  }
0xdf: {  	v2 =	vadd.f32 v9, v2;
	v9 =	vld [tilespmem:$0x1FEA0]  }
0xe0: {  	v6 =	vadd.f32 v21, v6;
	v21 =	vld [tilespmem:$0x1FE30]  }
0xe1: {  	v52 =	vld [tilespmem:s20+$0x6D20]  }
0xe2: {  	[tilespmem:s20+$0x910] =	vst v6;
	v6 =	vld [tilespmem:s20+$0xD20];
	v5 =	vadd.f32 v36, v5  }
0xe3: {  	v8 =	vld [tilespmem:s20+$0x930];
	v7 =	vadd.f32 v33, v7  }
0xe4: {  	v5 =	vadd.f32 v9, v5;
	v9 =	vld [tilespmem:$0x1FEB0]  }
0xe5: {  	v7 =	vadd.f32 v21, v7;
	v21 =	vld [tilespmem:$0x1FE40]  }
0xe6: {  	v49 =	vld [tilespmem:s20+$0x6D30]  }
0xe7: {  	[tilespmem:s20+$0x920] =	vst v7;
	v7 =	vld [tilespmem:s20+$0xD30];
	v6 =	vadd.f32 v52, v6  }
0xe8: {  	v8 =	vadd.f32 v34, v8  }
0xe9: {  	v6 =	vadd.f32 v9, v6;
	v9 =	vld [tilespmem:$0x1FEC0]  }
0xea: {  	v8 =	vadd.f32 v21, v8  }
0xeb: {  	v47 =	vld [tilespmem:s20+$0x6D40]  }
0xec: {  	[tilespmem:s20+$0x930] =	vst v8;
	v8 =	vld [tilespmem:s20+$0xD40];
	v7 =	vadd.f32 v49, v7;
	_ =	sdelay $0x1  }
0xed: {  	v7 =	vadd.f32 v9, v7;
	v9 =	vld [tilespmem:$0x1FED0];
	_ =	sdelay $0x1  }
0xee: {  	v45 =	vld [tilespmem:s20+$0x6D50]  }
0xef: {  	[tilespmem:s20+$0x940] =	vst v0;
	v0 =	vld [tilespmem:s20+$0xD50];
	v8 =	vadd.f32 v47, v8;
	_ =	sdelay $0x1  }
0xf0: {  	v8 =	vadd.f32 v9, v8;
	v9 =	vld [tilespmem:$0x1FEE0];
	_ =	sdelay $0x2  }
0xf1: {  	v0 =	vadd.f32 v45, v0;
	_ =	sdelay $0x1  }
0xf2: {  	v0 =	vadd.f32 v9, v0  }
0xf3: {  	[tilespmem:s20+$0x970] =	vst v3;
	v3 =	vld [tilespmem:s20+$0x1100]  }
0xf4: {  	[tilespmem:s20+$0xD50] =	vst v0;
	v0 =	vld [tilespmem:$0x1FF00];
	_ =	sdelay $0x1  }
0xf5: {  	v40 =	vld [tilespmem:s20+$0x6D70]  }
0xf6: {  	[tilespmem:s20+$0x960] =	vst v4;
	v4 =	vld [tilespmem:s20+$0xD70];
	_ =	sdelay $0x1  }
0xf7: {  	v0 =	vadd.f32 v0, v3;
	v3 =	vld [tilespmem:$0x1FF10];
	_ =	sdelay $0x2  }
0xf8: {  	v4 =	vadd.f32 v40, v4;
	_ =	sdelay $0x1  }
0xf9: {  	v48 =	vld [tilespmem:s20+$0xD520];
	v3 =	vadd.f32 v3, v4  }
0xfa: {  	[tilespmem:s20+$0xD10] =	vst v5;
	v5 =	vld [tilespmem:s20+$0x1120]  }
0xfb: {  	[tilespmem:s20+$0xD70] =	vst v3;
	v3 =	vld [tilespmem:$0x1FF40]  }
0xfc: {  	v46 =	vld [tilespmem:s20+$0xD530]  }
0xfd: {  	[tilespmem:s20+$0xD00] =	vst v2;
	v2 =	vld [tilespmem:s20+$0x1110]  }
0xfe: {  	v4 =	vld [tilespmem:$0x1FF20]  }
0xff: {  	v44 =	vld [tilespmem:s20+$0xD540]  }
0x100: {  	v3 =	vadd.f32 v3, v5;
	v5 =	vld [tilespmem:$0x1FF50]  }
0x101: {  	v42 =	vld [tilespmem:s20+$0xD550]  }
0x102: {  	v43 =	vld [tilespmem:s20+$0x6D60]  }
0x103: {  	v20 =	vld [tilespmem:s20+$0x7170];
	v4 =	vadd.f32 v4, v2  }
0x104: {  	[tilespmem:s20+$0xD20] =	vst v6;
	v6 =	vld [tilespmem:s20+$0x1130]  }
0x105: {  	v4 =	vadd.f32 v5, v4;
	v5 =	vld [tilespmem:$0x1FF60]  }
0x106: {  	v19 =	vld [tilespmem:s20+$0x7500]  }
0x107: {  	v18 =	vld [tilespmem:s20+$0x7510]  }
0x108: {  	[tilespmem:s20+$0xD30] =	vst v7;
	v7 =	vld [tilespmem:s20+$0x1140]  }
0x109: {  	[tilespmem:s20+$0x1110] =	vst v4;
	v4 =	vld [tilespmem:$0x1FF80]  }
0x10a: {  	v5 =	vadd.f32 v5, v6;
	v6 =	vld [tilespmem:$0x1FF70]  }
0x10b: {  	v17 =	vld [tilespmem:s20+$0x7520]  }
0x10c: {  	v16 =	vld [tilespmem:s20+$0x7530]  }
0x10d: {  	[tilespmem:s20+$0x950] =	vst v1;
	v1 =	vld [tilespmem:s20+$0xD60]  }
0x10e: {  	[tilespmem:s20+$0xD40] =	vst v8;
	v8 =	vld [tilespmem:$0x1FEF0]  }
0x10f: {  	v3 =	vadd.f32 v6, v3;
	v6 =	vadd.f32 v4, v7;
	v7 =	vld [tilespmem:$0x1FF90]  }
0x110: {  	v15 =	vld [tilespmem:s20+$0x7540]  }
0x111: {  	v13 =	vld [tilespmem:s20+$0x7550]  }
0x112: {  	v1 =	vadd.f32 v43, v1;
	v21 =	vld [tilespmem:s20+$0x1150]  }
0x113: {  	[tilespmem:s20+$0x1120] =	vst v3;
	v3 =	vld [tilespmem:$0x1FFB0]  }
0x114: {  	v1 =	vadd.f32 v8, v1;
	v8 =	vadd.f32 v7, v5;
	v5 =	vld [tilespmem:$0x1FFA0]  }
0x115: {  	v2 =	vld [tilespmem:$0x1FF30]  }
0x116: {  	v50 =	vld [tilespmem:s20+$0x7560]  }
0x117: {  	v14 =	vld [tilespmem:s20+$0x7570]  }
0x118: {  	v22 =	vld [tilespmem:s20+$0x1160]  }
0x119: {  	v5 =	vadd.f32 v5, v21;
	v21 =	vadd.f32 v3, v6;
	v3 =	vld [tilespmem:$0x1FFC0]  }
0x11a: {  	[tilespmem:s20+$0xD60] =	vst v1;
	v1 =	vld [tilespmem:s20+$0x1170];
	v0 =	vadd.f32 v2, v0  }
0x11b: {  	v2 =	vld [tilespmem:s20+$0x1500]  }
0x11c: {  	[tilespmem:s20+$0x1100] =	vst v0;
	v0 =	vld [tilespmem:s20+$0x1510]  }
0x11d: {  	v4 =	vld [tilespmem:s20+$0x1520]  }
0x11e: {  	p0 =	por p1, p1;
	s21 =	simm.s32 $0x1;
	v6 =	vadd.f32 v3, v22;
	v3 =	vld [tilespmem:s20+$0x1530]  }
.LBB2_3:
0x11f: {  	v7 =	vld [tilespmem:$0x1FDB0];
	_ =	sdelay $0x4  }
0x120: {  	v5 =	vadd.f32 v7, v5  }
0x121: {  	[tilespmem:s20+$0x1130] =	vst v8;
	v8 =	vld [tilespmem:$0x1FDC0]  }
0x122: {  	[tilespmem:s20+$0x1150] =	vst v5;
	v5 =	vld [tilespmem:$0x1FDD0];
	_ =	sdelay $0x2  }
0x123: {  	v1 =	vadd.f32 v20, v1  }
0x124: {  	v6 =	vadd.f32 v8, v6  }
0x125: {  	v1 =	vadd.f32 v5, v1  }
0x126: {  	[tilespmem:s20+$0x1160] =	vst v6;
	v6 =	vld [tilespmem:$0x1FDE0]  }
0x127: {  	[tilespmem:s20+$0x1170] =	vst v1;
	v1 =	vld [tilespmem:$0x1FDF0]  }
0x128: {  	v7 =	vld [tilespmem:s20+$0x1540]  }
0x129: {  	v2 =	vadd.f32 v19, v2;
	v8 =	vld [tilespmem:s20+$0x1550]  }
0x12a: {  	s22 =	sshrl.u32 s21, $0x3;
	v0 =	vadd.f32 v18, v0;
	v5 =	vld [tilespmem:s20+$0x1560]  }
0x12b: {  	s18 =	sadd.s32 $0x80, s18;
	s22 =	smul.u32 $0x1800, s22;
	v4 =	vadd.f32 v17, v4;
	v2 =	vadd.f32 v6, v2;
	v6 =	vld [tilespmem:s20+$0x1570]  }
0x12c: {  	[tilespmem:s20+$0x1140] =	vst v21;
	s23 =	sand.u32 $0x380, s18;
	v0 =	vadd.f32 v1, v0;
	v1 =	vadd.f32 v16, v3;
	v3 =	vld [tilespmem:s20+$0xD560]  }
0x12d: {  	s22 =	sor.u32 s23, s22;
	[tilespmem:s20+$0x1500] =	vst v2;
	v2 =	vadd.f32 v48, v4;
	v4 =	vadd.f32 v15, v7;
	v7 =	vld [tilespmem:s20+$0xD570]  }
0x12e: {  	v53 =	vld [tilespmem:s22+$0xC100];
	[tilespmem:s20+$0x1510] =	vst v0;
	v0 =	vadd.f32 v46, v1;
	v1 =	vadd.f32 v13, v8  }
0x12f: {  	v55 =	vld [tilespmem:s22+$0xC110];
	[tilespmem:s20+$0x1520] =	vst v2;
	v2 =	vadd.f32 v44, v4;
	v4 =	vadd.f32 v50, v5  }
0x130: {  	v56 =	vld [tilespmem:s22+$0xC120];
	[tilespmem:s20+$0x1530] =	vst v0;
	v0 =	vadd.f32 v42, v1;
	v1 =	vadd.f32 v14, v6  }
0x131: {  	v57 =	vld [tilespmem:s22+$0xC130];
	[tilespmem:s20+$0x1540] =	vst v2;
	v2 =	vadd.f32 v3, v4  }
0x132: {  	v54 =	vld [tilespmem:s22+$0xC140];
	[tilespmem:s20+$0x1550] =	vst v0;
	v0 =	vadd.f32 v7, v1  }
0x133: {  	v52 =	vld [tilespmem:s22+$0xC150];
	[tilespmem:s20+$0x1560] =	vst v2  }
0x134: {  	v51 =	vld [tilespmem:s22+$0xC160];
	[tilespmem:s20+$0x1570] =	vst v0;
	s20 =	smov.u32 s22  }
0x135: {  	v0 =	vld [tilespmem:s20+$0xC170];
	_ =	sdelay $0x4  }
0x136: {  	[tilespmem:$0x1FBD0] =	vst v0;
	v0 =	vld [tilespmem:s20+$0xC500];
	_ =	sdelay $0x4  }
0x137: {  	[tilespmem:$0x1FBE0] =	vst v0;
	v0 =	vld [tilespmem:s20+$0xC510];
	_ =	sdelay $0x4  }
0x138: {  	[tilespmem:$0x1FBF0] =	vst v0;
	v0 =	vld [tilespmem:s20+$0xC520];
	_ =	sdelay $0x4  }
0x139: {  	[tilespmem:$0x1FC00] =	vst v0;
	v0 =	vld [tilespmem:s20+$0xC530];
	_ =	sdelay $0x4  }
0x13a: {  	[tilespmem:$0x1FC10] =	vst v0;
	v0 =	vld [tilespmem:s20+$0xC540];
	_ =	sdelay $0x4  }
0x13b: {  	[tilespmem:$0x1FC20] =	vst v0;
	v0 =	vld [tilespmem:s20+$0xC550];
	_ =	sdelay $0x4  }
0x13c: {  	[tilespmem:$0x1FC30] =	vst v0;
	v0 =	vld [tilespmem:s20+$0xC560];
	_ =	sdelay $0x3  }
0x13d: {  	v49 =	vld [tilespmem:s20+$0xD520]  }
0x13e: {  	[tilespmem:$0x1FC40] =	vst v0;
	v0 =	vld [tilespmem:s20+$0xC570]  }
0x13f: {  	v48 =	vld [tilespmem:s20+$0xD530]  }
0x140: {  	v47 =	vld [tilespmem:s20+$0xD540]  }
0x141: {  	v46 =	vld [tilespmem:s20+$0xD550]  }
0x142: {  	v36 =	vld [tilespmem:s20+$0x6100]  }
0x143: {  	[tilespmem:$0x1FC50] =	vst v0;
	v0 =	vld [tilespmem:s20+$0xC900]  }
0x144: {  	v9 =	vld [tilespmem:s20+$0x6110]  }
0x145: {  	v37 =	vld [tilespmem:s20+$0x6120]  }
0x146: {  	v10 =	vld [tilespmem:s20+$0x6130]  }
0x147: {  	v38 =	vld [tilespmem:s20+$0x6140]  }
0x148: {  	[tilespmem:$0x1FC60] =	vst v0;
	v0 =	vld [tilespmem:s20+$0xC910]  }
0x149: {  	v11 =	vld [tilespmem:s20+$0x6150]  }
0x14a: {  	v39 =	vld [tilespmem:s20+$0x6160]  }
0x14b: {  	v12 =	vld [tilespmem:s20+$0x6170]  }
0x14c: {  	v40 =	vld [tilespmem:s20+$0x6500]  }
0x14d: {  	[tilespmem:$0x1FC70] =	vst v0;
	v0 =	vld [tilespmem:s20+$0xC920]  }
0x14e: {  	v35 =	vld [tilespmem:s20+$0x6510]  }
0x14f: {  	v8 =	vld [tilespmem:s20+$0x6520]  }
0x150: {  	v34 =	vld [tilespmem:s20+$0x6530]  }
0x151: {  	v7 =	vld [tilespmem:s20+$0x6540]  }
0x152: {  	[tilespmem:$0x1FC80] =	vst v0;
	v0 =	vld [tilespmem:s20+$0xC930]  }
0x153: {  	v33 =	vld [tilespmem:s20+$0x6550]  }
0x154: {  	v41 =	vld [tilespmem:s20+$0x100]  }
0x155: {  	v42 =	vld [tilespmem:s20+$0x110]  }
0x156: {  	v44 =	vld [tilespmem:s20+$0x130]  }
0x157: {  	[tilespmem:$0x1FC90] =	vst v0;
	v0 =	vld [tilespmem:s20+$0xC940]  }
0x158: {  	v6 =	vld [tilespmem:s20+$0x6560]  }
0x159: {  	v32 =	vld [tilespmem:s20+$0x6570]  }
0x15a: {  	v36 =	vadd.f32 v36, v41;
	v41 =	vld [tilespmem:s20+$0x150];
	v9 =	vadd.f32 v9, v42  }
0x15b: {  	v43 =	vld [tilespmem:s20+$0x120]  }
0x15c: {  	v10 =	vadd.f32 v10, v44;
	v9 =	vadd.f32 v55, v9;
	[tilespmem:$0x1FCA0] =	vst v0;
	v0 =	vld [tilespmem:s20+$0xC950]  }
0x15d: {  	v5 =	vld [tilespmem:s20+$0x6900]  }
0x15e: {  	v4 =	vld [tilespmem:s20+$0x6910];
	[tilespmem:s20+$0x110] =	vst v9;
	v9 =	vadd.f32 v57, v10  }
0x15f: {  	v31 =	vld [tilespmem:s20+$0x6920];
	v10 =	vadd.f32 v11, v41  }
0x160: {  	v37 =	vadd.f32 v37, v43;
	v43 =	vld [tilespmem:s20+$0x170];
	[tilespmem:s20+$0x130] =	vst v9  }
0x161: {  	v9 =	vadd.f32 v52, v10;
	[tilespmem:$0x1FCB0] =	vst v0;
	v0 =	vld [tilespmem:s20+$0xC960]  }
0x162: {  	v30 =	vld [tilespmem:s20+$0x6930]  }
0x163: {  	[tilespmem:s20+$0x150] =	vst v9;
	v9 =	vld [tilespmem:$0x1FBD0]  }
0x164: {  	v29 =	vld [tilespmem:s20+$0x6940]  }
0x165: {  	v28 =	vld [tilespmem:s20+$0x6950]  }
0x166: {  	v10 =	vadd.f32 v12, v43;
	[tilespmem:$0x1FCC0] =	vst v0;
	v0 =	vld [tilespmem:s20+$0xC970]  }
0x167: {  	v27 =	vld [tilespmem:s20+$0x6960]  }
0x168: {  	v26 =	vld [tilespmem:s20+$0x6970];
	v9 =	vadd.f32 v9, v10  }
0x169: {  	v36 =	vadd.f32 v53, v36;
	v53 =	vld [tilespmem:s20+$0x510]  }
0x16a: {  	[tilespmem:s20+$0x170] =	vst v9;
	v9 =	vld [tilespmem:$0x1FBF0]  }
0x16b: {  	[tilespmem:$0x1FCD0] =	vst v0;
	v0 =	vld [tilespmem:s20+$0xCD00]  }
0x16c: {  	v25 =	vld [tilespmem:s20+$0x6D00]  }
0x16d: {  	v42 =	vld [tilespmem:s20+$0x160]  }
0x16e: {  	v24 =	vld [tilespmem:s20+$0x6D10];
	v10 =	vadd.f32 v35, v53  }
0x16f: {  	v56 =	vadd.f32 v56, v37;
	v57 =	vld [tilespmem:s20+$0x530]  }
0x170: {  	v9 =	vadd.f32 v9, v10;
	[tilespmem:$0x1FCE0] =	vst v0;
	v0 =	vld [tilespmem:s20+$0xCD10]  }
0x171: {  	v23 =	vld [tilespmem:s20+$0x6D20];
	[tilespmem:s20+$0x120] =	vst v56  }
0x172: {  	v56 =	vadd.f32 v39, v42;
	[tilespmem:s20+$0x510] =	vst v9;
	v9 =	vld [tilespmem:$0x1FC10]  }
0x173: {  	v11 =	vld [tilespmem:s20+$0x520]  }
0x174: {  	v42 =	vmovc v46;
	v46 =	vmov v48;
	v48 =	vmov v49;
	v49 =	vadd.f32 v51, v56;
	v56 =	vld [tilespmem:$0x1FC00]  }
0x175: {  	v10 =	vadd.f32 v34, v57;
	[tilespmem:$0x1FCF0] =	vst v0;
	v0 =	vld [tilespmem:s20+$0xCD20]  }
0x176: {  	v22 =	vld [tilespmem:s20+$0x6D30]  }
0x177: {  	v12 =	vld [tilespmem:s20+$0x540];
	v9 =	vadd.f32 v9, v10  }
0x178: {  	v52 =	vld [tilespmem:s20+$0x550];
	v8 =	vadd.f32 v8, v11  }
0x179: {  	[tilespmem:s20+$0x530] =	vst v9;
	v9 =	vld [tilespmem:$0x1FC30]  }
0x17a: {  	v8 =	vadd.f32 v56, v8;
	[tilespmem:$0x1FD00] =	vst v0;
	v0 =	vld [tilespmem:s20+$0xCD30]  }
0x17b: {  	v21 =	vld [tilespmem:s20+$0x6D40]  }
0x17c: {  	[tilespmem:s20+$0x520] =	vst v8;
	v8 =	vld [tilespmem:$0x1FC20]  }
0x17d: {  	v45 =	vld [tilespmem:s20+$0x140];
	v10 =	vadd.f32 v33, v52  }
0x17e: {  	v11 =	vld [tilespmem:s20+$0x570]  }
0x17f: {  	v7 =	vadd.f32 v7, v12;
	v9 =	vadd.f32 v9, v10;
	[tilespmem:$0x1FD10] =	vst v0;
	v0 =	vld [tilespmem:s20+$0xCD40]  }
0x180: {  	v3 =	vld [tilespmem:s20+$0x6D50]  }
0x181: {  	v7 =	vadd.f32 v8, v7;
	[tilespmem:s20+$0x550] =	vst v9;
	v9 =	vld [tilespmem:$0x1FC50]  }
0x182: {  	v45 =	vadd.f32 v38, v45;
	v53 =	vld [tilespmem:s20+$0x560]  }
0x183: {  	[tilespmem:s20+$0x540] =	vst v7;
	v7 =	vld [tilespmem:$0x1FC40]  }
0x184: {  	v55 =	vadd.f32 v54, v45;
	v10 =	vadd.f32 v32, v11;
	[tilespmem:$0x1FD20] =	vst v0;
	v0 =	vld [tilespmem:s20+$0xCD50]  }
0x185: {  	v1 =	vld [tilespmem:s20+$0x6D60]  }
0x186: {  	[tilespmem:s20+$0x140] =	vst v55;
	v55 =	vld [tilespmem:s20+$0x900];
	v9 =	vadd.f32 v9, v10  }
0x187: {  	v12 =	vld [tilespmem:s20+$0x910];
	v6 =	vadd.f32 v6, v53  }
0x188: {  	[tilespmem:s20+$0x570] =	vst v9;
	v9 =	vld [tilespmem:$0x1FC70]  }
0x189: {  	v6 =	vadd.f32 v7, v6;
	[tilespmem:$0x1FD30] =	vst v0;
	v0 =	vld [tilespmem:s20+$0xCD60]  }
0x18a: {  	v2 =	vld [tilespmem:s20+$0x6D70]  }
0x18b: {  	[tilespmem:s20+$0x560] =	vst v6;
	v6 =	vld [tilespmem:$0x1FC60]  }
0x18c: {  	v63 =	vld [tilespmem:s20+$0x7110];
	v4 =	vadd.f32 v4, v12  }
0x18d: {  	v8 =	vld [tilespmem:s20+$0x930]  }
0x18e: {  	v5 =	vadd.f32 v5, v55;
	v4 =	vadd.f32 v9, v4;
	[tilespmem:$0x1FD40] =	vst v0;
	v0 =	vld [tilespmem:s20+$0xCD70]  }
0x18f: {  	v62 =	vld [tilespmem:s20+$0x7120]  }
0x190: {  	v5 =	vadd.f32 v6, v5;
	[tilespmem:s20+$0x910] =	vst v4;
	v4 =	vld [tilespmem:$0x1FC90]  }
0x191: {  	v57 =	vld [tilespmem:s20+$0x920]  }
0x192: {  	[tilespmem:s20+$0x900] =	vst v5;
	v5 =	vld [tilespmem:$0x1FC80]  }
0x193: {  	v8 =	vadd.f32 v30, v8;
	[tilespmem:$0x1FD50] =	vst v0;
	v0 =	vld [tilespmem:s20+$0xD100]  }
0x194: {  	v61 =	vld [tilespmem:s20+$0x7130]  }
0x195: {  	v11 =	vld [tilespmem:s20+$0x940];
	v4 =	vadd.f32 v4, v8  }
0x196: {  	v7 =	vld [tilespmem:s20+$0x950];
	v6 =	vadd.f32 v31, v57  }
0x197: {  	[tilespmem:s20+$0x930] =	vst v4;
	v4 =	vld [tilespmem:$0x1FCB0]  }
0x198: {  	v5 =	vadd.f32 v5, v6;
	[tilespmem:$0x1FD60] =	vst v0;
	v0 =	vld [tilespmem:s20+$0xD110]  }
0x199: {  	v60 =	vld [tilespmem:s20+$0x7140]  }
0x19a: {  	[tilespmem:s20+$0x920] =	vst v5;
	v5 =	vld [tilespmem:$0x1FCA0]  }
0x19b: {  	v59 =	vld [tilespmem:s20+$0x7150];
	v7 =	vadd.f32 v28, v7  }
0x19c: {  	v12 =	vld [tilespmem:s20+$0x970]  }
0x19d: {  	v6 =	vadd.f32 v29, v11;
	v4 =	vadd.f32 v4, v7;
	[tilespmem:$0x1FD70] =	vst v0;
	v0 =	vld [tilespmem:s20+$0xD120]  }
0x19e: {  	v58 =	vld [tilespmem:s20+$0x7160]  }
0x19f: {  	v5 =	vadd.f32 v5, v6;
	[tilespmem:s20+$0x950] =	vst v4;
	v4 =	vld [tilespmem:$0x1FCD0]  }
0x1a0: {  	v10 =	vld [tilespmem:s20+$0x960]  }
0x1a1: {  	[tilespmem:s20+$0x940] =	vst v5;
	v5 =	vld [tilespmem:$0x1FCC0]  }
0x1a2: {  	v7 =	vadd.f32 v26, v12;
	[tilespmem:$0x1FD80] =	vst v0;
	v0 =	vld [tilespmem:s20+$0xD130]  }
0x1a3: {  	v20 =	vld [tilespmem:s20+$0x7170]  }
0x1a4: {  	v9 =	vld [tilespmem:s20+$0xD00];
	v4 =	vadd.f32 v4, v7  }
0x1a5: {  	v11 =	vld [tilespmem:s20+$0xD10];
	v6 =	vadd.f32 v27, v10  }
0x1a6: {  	[tilespmem:s20+$0x970] =	vst v4;
	v4 =	vld [tilespmem:$0x1FCF0]  }
0x1a7: {  	v5 =	vadd.f32 v5, v6;
	[tilespmem:$0x1FD90] =	vst v0;
	v0 =	vld [tilespmem:s20+$0xD140]  }
0x1a8: {  	v19 =	vld [tilespmem:s20+$0x7500]  }
0x1a9: {  	[tilespmem:s20+$0x960] =	vst v5;
	v5 =	vld [tilespmem:$0x1FCE0]  }
0x1aa: {  	v18 =	vld [tilespmem:s20+$0x7510];
	v7 =	vadd.f32 v24, v11  }
0x1ab: {  	v10 =	vld [tilespmem:s20+$0xD30]  }
0x1ac: {  	v6 =	vadd.f32 v25, v9;
	v4 =	vadd.f32 v4, v7;
	[tilespmem:$0x1FDA0] =	vst v0;
	v0 =	vld [tilespmem:s20+$0xD150]  }
0x1ad: {  	v17 =	vld [tilespmem:s20+$0x7520]  }
0x1ae: {  	v5 =	vadd.f32 v5, v6;
	[tilespmem:s20+$0xD10] =	vst v4;
	v4 =	vld [tilespmem:$0x1FD10]  }
0x1af: {  	v8 =	vld [tilespmem:s20+$0xD20]  }
0x1b0: {  	[tilespmem:s20+$0xD00] =	vst v5;
	v5 =	vld [tilespmem:$0x1FD00]  }
0x1b1: {  	v7 =	vadd.f32 v22, v10;
	[tilespmem:$0x1FDB0] =	vst v0;
	v0 =	vld [tilespmem:s20+$0xD160]  }
0x1b2: {  	v16 =	vld [tilespmem:s20+$0x7530]  }
0x1b3: {  	v9 =	vld [tilespmem:s20+$0xD50];
	v4 =	vadd.f32 v4, v7  }
0x1b4: {  	v12 =	vld [tilespmem:s20+$0xD40];
	v6 =	vadd.f32 v23, v8  }
0x1b5: {  	[tilespmem:s20+$0xD30] =	vst v4;
	v4 =	vld [tilespmem:$0x1FD30]  }
0x1b6: {  	v5 =	vadd.f32 v5, v6;
	[tilespmem:$0x1FDC0] =	vst v0;
	v0 =	vld [tilespmem:s20+$0xD170]  }
0x1b7: {  	v15 =	vld [tilespmem:s20+$0x7540]  }
0x1b8: {  	v3 =	vadd.f32 v3, v9;
	[tilespmem:s20+$0xD20] =	vst v5;
	v5 =	vld [tilespmem:$0x1FD20]  }
0x1b9: {  	v13 =	vld [tilespmem:s20+$0x7550]  }
0x1ba: {  	v8 =	vld [tilespmem:s20+$0xD70];
	v3 =	vadd.f32 v4, v3  }
0x1bb: {  	v6 =	vadd.f32 v21, v12;
	[tilespmem:$0x1FDD0] =	vst v0;
	v0 =	vld [tilespmem:s20+$0xD500]  }
0x1bc: {  	[tilespmem:s20+$0xD50] =	vst v3;
	v3 =	vld [tilespmem:$0x1FD50]  }
0x1bd: {  	v50 =	vld [tilespmem:s20+$0x7560];
	v5 =	vadd.f32 v5, v6  }
0x1be: {  	v11 =	vld [tilespmem:s20+$0xD60]  }
0x1bf: {  	v2 =	vadd.f32 v2, v8;
	[tilespmem:s20+$0xD40] =	vst v5;
	v5 =	vld [tilespmem:$0x1FD40]  }
0x1c0: {  	[tilespmem:$0x1FDE0] =	vst v0;
	v0 =	vld [tilespmem:s20+$0xD510]  }
0x1c1: {  	v12 =	vld [tilespmem:s20+$0x1110];
	v2 =	vadd.f32 v3, v2  }
0x1c2: {  	v14 =	vld [tilespmem:s20+$0x7570]  }
0x1c3: {  	v1 =	vadd.f32 v1, v11;
	[tilespmem:s20+$0xD70] =	vst v2;
	v2 =	vld [tilespmem:$0x1FD70]  }
0x1c4: {  	v10 =	vld [tilespmem:s20+$0x1100]  }
0x1c5: {  	v1 =	vadd.f32 v5, v1;
	[tilespmem:$0x1FDF0] =	vst v0;
	v0 =	vld [tilespmem:s20+$0x7100]  }
0x1c6: {  	v44 =	vld [tilespmem:s20+$0x500];
	v3 =	vadd.f32 v63, v12  }
0x1c7: {  	[tilespmem:s20+$0xD60] =	vst v1;
	v1 =	vld [tilespmem:$0x1FD60]  }
0x1c8: {  	v6 =	vld [tilespmem:s20+$0x1130];
	v3 =	vadd.f32 v2, v3  }
0x1c9: {  	v54 =	vld [tilespmem:$0x1FBE0]  }
0x1ca: {  	[tilespmem:s20+$0x1110] =	vst v3;
	v3 =	vld [tilespmem:$0x1FD90];
	v0 =	vadd.f32 v0, v10  }
0x1cb: {  	v9 =	vld [tilespmem:s20+$0x1160]  }
0x1cc: {  	v7 =	vld [tilespmem:s20+$0x1120];
	v0 =	vadd.f32 v1, v0  }
0x1cd: {  	v4 =	vld [tilespmem:s20+$0x1140];
	v6 =	vadd.f32 v61, v6  }
0x1ce: {  	[tilespmem:s20+$0x1100] =	vst v0;
	v0 =	vld [tilespmem:$0x1FD80]  }
0x1cf: {  	v8 =	vadd.f32 v3, v6;
	v3 =	vld [tilespmem:$0x1FDA0]  }
0x1d0: {  	p1 =	sne.s32 s21, $0x1F;
	v51 =	vadd.f32 v40, v44;
	v5 =	vld [tilespmem:s20+$0x1150]  }
.Ltmp0:
0x1d1: {  	v7 =	vadd.f32 v62, v7;
	v2 =	vld [tilespmem:s20+$0x1500];
	(pc) =	sbr.rel @p1 .LBB2_3-.Ltmp0, $4  }
0x1d2: {  	[tilespmem:s20+$0x100] =	vst v36;
	v36 =	vadd.f32 v54, v51;
	v10 =	vadd.f32 v60, v4;
	v4 =	vld [tilespmem:s20+$0x1520]  }
0x1d3: {  	[tilespmem:s20+$0x160] =	vst v49;
	v1 =	vld [tilespmem:s20+$0x1170];
	v7 =	vadd.f32 v0, v7  }
0x1d4: {  	[tilespmem:s20+$0x500] =	vst v36;
	v21 =	vadd.f32 v3, v10;
	v3 =	vld [tilespmem:s20+$0x1530]  }
0x1d5: {  	s21 =	sadd.s32 $0x1, s21;
	v44 =	vmov v47;
	v5 =	vadd.f32 v59, v5;
	v6 =	vadd.f32 v58, v9;
	v0 =	vld [tilespmem:s20+$0x1510];
	[tilespmem:s20+$0x1120] =	vst v7  }
0x1d6: {  	v40 =	vld [tilespmem:$0x1FDB0]  }
0x1d7: {  	v9 =	vld [tilespmem:$0x1FDC0]  }
0x1d8: {  	v45 =	vld [tilespmem:$0x1FDD0]  }
0x1d9: {  	v49 =	vld [tilespmem:$0x1FDE0]  }
0x1da: {  	v7 =	vld [tilespmem:s20+$0x1540]  }
0x1db: {  	[tilespmem:s20+$0x1130] =	vst v8;
	v53 =	vld [tilespmem:$0x1FDF0];
	v1 =	vadd.f32 v20, v1;
	v5 =	vadd.f32 v40, v5  }
0x1dc: {  	[tilespmem:s20+$0x1140] =	vst v21;
	v41 =	vld [tilespmem:s20+$0x1550];
	v2 =	vadd.f32 v19, v2;
	v6 =	vadd.f32 v9, v6  }
0x1dd: {  	v43 =	vld [tilespmem:s20+$0x1560];
	v3 =	vadd.f32 v16, v3;
	v1 =	vadd.f32 v45, v1;
	[tilespmem:s20+$0x1150] =	vst v5  }
0x1de: {  	v47 =	vld [tilespmem:s20+$0x1570];
	v0 =	vadd.f32 v18, v0;
	v2 =	vadd.f32 v49, v2;
	[tilespmem:s20+$0x1160] =	vst v6  }
0x1df: {  	v52 =	vld [tilespmem:s20+$0xD560];
	v51 =	vadd.f32 v17, v4;
	v56 =	vadd.f32 v46, v3;
	[tilespmem:s20+$0x1170] =	vst v1  }
0x1e0: {  	v55 =	vld [tilespmem:s20+$0xD570];
	v54 =	vadd.f32 v15, v7;
	v0 =	vadd.f32 v53, v0;
	[tilespmem:s20+$0x1500] =	vst v2  }
0x1e1: {  	v57 =	vadd.f32 v13, v41;
	v1 =	vadd.f32 v48, v51;
	[tilespmem:s20+$0x1530] =	vst v56  }
0x1e2: {  	v59 =	vadd.f32 v50, v43;
	v58 =	vadd.f32 v44, v54;
	[tilespmem:s20+$0x1510] =	vst v0  }
0x1e3: {  	v61 =	vadd.f32 v14, v47;
	v60 =	vadd.f32 v42, v57;
	[tilespmem:s20+$0x1520] =	vst v1  }
0x1e4: {  	v62 =	vadd.f32 v52, v59;
	[tilespmem:s20+$0x1540] =	vst v58  }
0x1e5: {  	v63 =	vadd.f32 v55, v61;
	[tilespmem:s20+$0x1550] =	vst v60  }
0x1e6: {  	s18 =	rddreg [dreg:$0x1];
	[tilespmem:s20+$0x1560] =	vst v62  }
.Ltmp1:
0x1e7: {  	s23 =	simm.s32 $0x0;
	s18 =	sadd.s32 s18, s19;
	[tilespmem:s20+$0x1570] =	vst v63;
	(pc) =	sbr.rel @p0 .LBB2_2-.Ltmp1, $4  }
0x1e8: {  	[hbm4b:s18+s23] =	stream.linear.scatter [tilespmem:s14], [sflag:$0x2], $0x6000, $0x38;
	[tilespmem:$0x12100] =	vst v63  }
0x1e9: {  	_ =	swait.ge [sflag:s12], $0x6000  }
0x1ea: {  	[sflag:s12] =	ssyncset.done $0x0  }
0x1eb: {  	p1 =	por $0x0, $0x0;
	s18 =	simm.s32 $0x4;
	[sflag:s12] =	ssyncadd.s32 $0xFFFFA000  }
0x1ec: {  	s19 =	rddreg [dreg:$0x4]  }
0x1ed: {  	s18 =	rddreg [dreg:$0x3];
	s19 =	sadd.s32 $0x1, s19  }
0x1ee: {  	p0 =	sne.s32 s19, s18  }
.Ltmp2:
0x1ef: {  	_ = 	snop;
	(pc) =	sbr.rel @p0 .LBB2_1-.Ltmp2, $1  }
0x1f0: {  	_ =	sdelay $0x3  }
0x1f1: {  	_ =	sfence.sel $0x180000  }
0x1f2: {  	[bflag:$0x0] =	sbarrier.arrive $0xFFFF  }
0x1f3: {  	_ =	strace $0x9000004D  }
0x1f4: {  	s0 =	stileid.u32;
	[bflag:$0x2] =	sbarrier.arrive $0xFFFF  }
0x1f5: {  	p0 =	sne.s32 s0, $0x0;
	s0 =	rddreg [dreg:$0x2]  }
0x1f6: {  	s0 =	sadd.s32 @!p0 $0x100000, s0  }
0x1f7: {  	[sflag:s0] =	ssyncadd.tile.s32 @!p0 $0x1;
	_ =	shalt  }
.Lfunc_end2:
_tile_overlayer_lowered:
.L_overlay_start_2:
0x1f8: {  	(tag) =	ssettag $0x2  }
0x1f9: {  	s0 =	rddreg [dreg:$0x0];
	s2 =	stileid.u32  }
0x1fa: {  	s1 =	rddreg [dreg:$0x1];
	p0 =	sne.s32 s2, $0x0  }
0x1fb: {  	s3 =	rddreg [dreg:$0x2];
	[bflag:$0x3] =	sbarrier.arrive $0xFFFF;
	s2 =	simm.s32 @!p0 $0x1C02  }
0x1fc: {  	[timem:s3], [sflag:s2] =	dma.local @!p0 [hbm:s0], s1  }
0x1fd: {  	s0 =	simm.s32 @!p0 $0x2  }
0x1fe: {  	_ =	swait.ge @!p0 [sflag:s0], s1  }
0x1ff: {  	s1 =	ssub.s32 @!p0 $0x0, s1;
	[sflag:s0] =	ssyncset.done @!p0 $0x0  }
0x200: {  	[sflag:s0] =	ssyncadd.s32 @!p0 s1  }
0x201: {  	[bflag:$0x3] =	sbarrier.arrive $0xFFFF  }
0x202: {  	_ =	shalt  }

// kernel: sc_gather.3.cloned.1.call-start
scs
__scs_entry_jumppad:
0x0: {  	(pc) =	sbr.rel $0x88, $3  }
0x1: {  	(tag) =	ssettag $0x0;
	lr =	simm.s32 $0x1  }
0x2: {  	[smem:$0x3F97] =	sst lr;
	_ =	strace $0xD0000000  }
0x3: {  	_ = 	snop  }
0x4: {  	_ = 	snop  }
0x5: {  	_ = 	snop  }
0x6: {  	_ = 	snop  }
0x7: {  	_ = 	snop  }
__scs_overlays_trampoline_lowered:
0x8: {  	[smem:$0x3FA6] =	sst s0  }
0x9: {  	[smem:$0x3FA7] =	sst s1  }
0xa: {  	[smem:$0x3FA8] =	sst s2  }
0xb: {  	[smem:$0x3FA9] =	sst s3  }
0xc: {  	[smem:$0x3FAA] =	sst s4  }
0xd: {  	[smem:$0x3FAB] =	sst s5  }
0xe: {  	[smem:$0x3FAC] =	sst s6  }
0xf: {  	[smem:$0x3FAD] =	sst s7  }
0x10: {  	[smem:$0x3FAE] =	sst s8  }
0x11: {  	[smem:$0x3FAF] =	sst s9;
	s0 =	simm.s32 @!p0 $0x0  }
0x12: {  	s1 =	sld [smem:$0x3F95];
	s0 =	simm.s32 @p0 $0x1  }
0x13: {  	[smem:$0x3FB0] =	sst s0;
	s0 =	simm.s32 @!p1 $0x0  }
0x14: {  	s2 =	sld [smem:$0x3F94];
	s0 =	simm.s32 @p1 $0x1  }
0x15: {  	[smem:$0x3FB1] =	sst s0;
	s0 =	simm.s32 @!p2 $0x0  }
0x16: {  	s3 =	sld [smem:$0x3FDB];
	s0 =	simm.s32 @p2 $0x1  }
0x17: {  	s4 =	simm.s32 $0x1BF5;
	[smem:$0x3FB3] =	sst s0  }
0x18: {  	s0 =	sld [smem:$0x3F96];
	_ =	swait.ge [sflag:s4], $0x0  }
0x19: {  	s7 =	sld [smem:$0x3F97]  }
0x1a: {  	s8 =	sadd.s32 $0xFFFFE003, lr  }
0x1b: {  	s9 =	sadd.s32 $0xFFFFFEF7, lr;
	s5 =	simm.s32 $0xFFFFFFFF;
	p2 =	slt.u32 s8, $0xFFFFF086  }
0x1c: {  	p1 =	slt.u32 s9, $0xF7A;
	s5 =	simm.s32 @!p2 $0x0  }
0x1d: {  	s5 =	simm.s32 @p1 $0x1;
	p0 =	seq.s32 s7, s2  }
0x1e: {  	s7 =	smul.u32 @!p0 $0xF7A, s2;
	p2 =	seq.s32 @!p0 s5, $0x0  }
0x1f: {  	s9 =	smul.u32 $0xF7A, s1;
	s8 =	simm.s32 @!p0 $0x1BF5;
	p2 =	por !p2, p0  }
0x20: {  	[sflag:s8] =	ssyncset.s32 @!p0 $0xFFFFF086;
	s6 =	sadd.s32 @!p0 s3, s7;
	s7 =	simm.s32 @!p0 $0x108  }
0x21: {  	s3 =	sadd.s32 s3, s9;
	s6 =	sadd.s32 @!p0 $0x88, s6;
	s7 =	simm.s32 @p2 $0x1082  }
0x22: {  	[simem:s7], [sflag:s8] =	dma.local @!p0 [hbm:s6], $0xF7A  }
0x23: {  	s9 =	sor.u32 $0xD0000000, s2;
	s6 =	simm.s32 $0x108;
	_ =	swait.ge @!p0 [sflag:s8], $0x0  }
0x24: {  	s3 =	sadd.s32 $0x88, s3;
	s6 =	simm.s32 @!p1 $0x1082;
	[sflag:s4] =	ssyncset.s32 $0xFFFFF086  }
0x25: {  	[simem:s6], [sflag:s4] =	dma.local [hbm:s3], $0xF7A  }
0x26: {  	[smem:$0x3F97] =	sst s1;
	(tag) =	ssettag s2;
	_ =	strace s9  }
0x27: {  	s1 =	sld [smem:$0x3FA7]  }
0x28: {  	s2 =	sld [smem:$0x3FA8]  }
0x29: {  	s4 =	sld [smem:$0x3FAA]  }
0x2a: {  	p0 =	seq.s32 s5, $0x0;
	s5 =	sld [smem:$0x3FAB]  }
0x2b: {  	s6 =	sld [smem:$0x3FAC]  }
0x2c: {  	s7 =	sld [smem:$0x3FAD]  }
0x2d: {  	s3 =	simm.s32 $0x108;
	s8 =	sld [smem:$0x3FAE]  }
0x2e: {  	s3 =	simm.s32 @!p0 $0x1082;
	s9 =	sld [smem:$0x3FAF]  }
0x2f: {  	lr =	sadd.s32 s0, s3;
	s0 =	sld [smem:$0x3FA6]  }
0x30: {  	s3 =	sld [smem:$0x3FA9]  }
0x31: {  	[smem:$0x3FB2] =	sst s10  }
0x32: {  	s10 =	sld [smem:$0x3FB0];
	_ =	sdelay $0x3  }
0x33: {  	p0 =	seq.s32 s10, $0x1;
	s10 =	sld [smem:$0x3FB2];
	_ =	sdelay $0x3  }
0x34: {  	[smem:$0x3FB2] =	sst s10  }
0x35: {  	s10 =	sld [smem:$0x3FB1];
	_ =	sdelay $0x3  }
0x36: {  	p1 =	seq.s32 s10, $0x1;
	s10 =	sld [smem:$0x3FB2];
	_ =	sdelay $0x3  }
0x37: {  	[smem:$0x3FB2] =	sst s10  }
0x38: {  	s10 =	sld [smem:$0x3FB3]  }
0x39: {  	_ = 	snop;
	(pc) =	sbr.ind lr, $3  }
0x3a: {  	_ = 	snop  }
0x3b: {  	_ = 	snop  }
0x3c: {  	p2 =	seq.s32 s10, $0x1;
	s10 =	sld [smem:$0x3FB2]  }
0x3d: {  	_ =	shalt  }
0x3e: {  	_ =	shalt  }
0x3f: {  	_ =	shalt  }
0x40: {  	_ =	shalt  }
0x41: {  	_ =	shalt  }
0x42: {  	_ =	shalt  }
0x43: {  	_ =	shalt  }
0x44: {  	_ =	shalt  }
0x45: {  	_ =	shalt  }
0x46: {  	_ =	shalt  }
0x47: {  	_ =	shalt  }
0x48: {  	_ =	shalt  }
0x49: {  	_ =	shalt  }
0x4a: {  	_ =	shalt  }
0x4b: {  	_ =	shalt  }
0x4c: {  	_ =	shalt  }
0x4d: {  	_ =	shalt  }
0x4e: {  	_ =	shalt  }
0x4f: {  	_ =	shalt  }
0x50: {  	_ =	shalt  }
0x51: {  	_ =	shalt  }
0x52: {  	_ =	shalt  }
0x53: {  	_ =	shalt  }
0x54: {  	_ =	shalt  }
0x55: {  	_ =	shalt  }
0x56: {  	_ =	shalt  }
0x57: {  	_ =	shalt  }
0x58: {  	_ =	shalt  }
0x59: {  	_ =	shalt  }
0x5a: {  	_ =	shalt  }
0x5b: {  	_ =	shalt  }
0x5c: {  	_ =	shalt  }
0x5d: {  	_ =	shalt  }
0x5e: {  	_ =	shalt  }
0x5f: {  	_ =	shalt  }
0x60: {  	_ =	shalt  }
0x61: {  	_ =	shalt  }
0x62: {  	_ =	shalt  }
0x63: {  	_ =	shalt  }
0x64: {  	_ =	shalt  }
0x65: {  	_ =	shalt  }
0x66: {  	_ =	shalt  }
0x67: {  	_ =	shalt  }
0x68: {  	_ =	shalt  }
0x69: {  	_ =	shalt  }
0x6a: {  	_ =	shalt  }
0x6b: {  	_ =	shalt  }
0x6c: {  	_ =	shalt  }
0x6d: {  	_ =	shalt  }
0x6e: {  	_ =	shalt  }
0x6f: {  	_ =	shalt  }
0x70: {  	_ =	shalt  }
0x71: {  	_ =	shalt  }
0x72: {  	_ =	shalt  }
0x73: {  	_ =	shalt  }
0x74: {  	_ =	shalt  }
0x75: {  	_ =	shalt  }
0x76: {  	_ =	shalt  }
0x77: {  	_ =	shalt  }
0x78: {  	_ =	shalt  }
0x79: {  	_ =	shalt  }
0x7a: {  	_ =	shalt  }
0x7b: {  	_ =	shalt  }
0x7c: {  	_ =	shalt  }
0x7d: {  	_ =	shalt  }
0x7e: {  	_ =	shalt  }
0x7f: {  	_ =	shalt  }
0x80: {  	_ =	shalt  }
0x81: {  	_ =	shalt  }
0x82: {  	_ =	shalt  }
0x83: {  	_ =	shalt  }
0x84: {  	_ =	shalt  }
0x85: {  	_ =	shalt  }
0x86: {  	_ =	shalt  }
0x87: {  	_ =	shalt  }
.Lfunc_end0:
.L_simem_size_0:
called_computation.1_lowered:
.L_overlay_start_0:
0x88: {  	s2 =	sld [smem:$0x3FD9]  }
0x89: {  	s3 =	sld [smem:$0x3FFE];
	_ =	sdelay $0x1  }
0x8a: {  	s1 =	srdreg.scid  }
0x8b: {  	s0 =	sand.u32 $0x1, s1  }
0x8c: {  	s14 =	sshll.u32 s0, $0xA;
	s2 =	sadd.s32 s3, s2  }
0x8d: {  	s2 =	sadd.s32 s2, s14  }
0x8e: {  	[smem:$0x3FBE] =	sst s2  }
0x8f: {  	_ = 	snop  }
0x90: {  	s2 =	sld [smem:$0x3FD0];
	_ =	sdelay $0x2  }
0x91: {  	s15 =	simm.s32 $0xA;
	s4 =	simm.s32 $0x10  }
0x92: {  	[smem:s4], [sflag:s15] =	dma.local [hbm:s2], $0x1  }
0x93: {  	_ =	swait.eq [sflag:s15], $0x1  }
0x94: {  	[sflag:s15] =	ssyncset.done $0x0  }
0x95: {  	[sflag:s15] =	ssyncadd.s32 $0xFFFFFFFF  }
0x96: {  	s16 =	sld [smem:$0x10];
	(tm) =	ssettm $0x1  }
0x97: {  	s17 =	sld [smem:$0x3FFB];
	_ =	sdelay $0x3  }
0x98: {  	_ =	strace s17  }
0x99: {  	s3 =	sld [smem:$0x3FFC];
	_ =	sdelay $0x3  }
0x9a: {  	_ =	strace s3  }
0x9b: {  	s3 =	sld [smem:$0x3FFD];
	_ =	sdelay $0x3  }
0x9c: {  	_ =	strace s3  }
0x9d: {  	_ =	strace $0x8FFFFFFF  }
0x9e: {  	s18 =	sld [smem:$0x3FDB];
	_ =	sdelay $0x1  }
0x9f: {  	s19 =	simm.s32 $_scs_section_size  }
0xa0: {  	s5 =	simm.s32 $_size__tile_overlayer_lowered;
	s6 =	simm.s32 $_tile_overlayer_lowered  }
0xa1: {  	s22 =	simm.s32 $0x1BFF;
	s21 =	sshll.u32 s6, $0x1;
	s3 =	sadd.s32 s19, s18  }
0xa2: {  	s7 =	simm.s32 $0x0;
	s20 =	sshll.u32 s5, $0x1;
	s5 =	sadd.s32 s21, s3  }
0xa3: {  	[timem:s7], [sflag:s22] =	dma.local [hbm:s5], s20  }
0xa4: {  	_ =	swait.ge [sflag:s22], s20  }
0xa5: {  	s4 =	ssub.s32 $0x0, s20;
	[sflag:s22] =	ssyncset.done $0x0  }
0xa6: {  	[sflag:s22] =	ssyncadd.s32 s4;
	_ =	sdelay $0x1  }
0xa7: {  	s23 =	simm.s32 $0x1B8B  }
0xa8: {  	_ =	swait.ge [sflag:s23], $0x1  }
0xa9: {  	[sflag:s23] =	ssyncset.done $0x0  }
0xaa: {  	s25 =	simm.s32 $0x1B8E;
	s24 =	sld [smem:$0x3FFE];
	[sflag:s23] =	ssyncadd.s32 $0xFFFFFFFF  }
0xab: {  	s26 =	simm.s32 $execute0_lowered;
	[smem:$0x3FD2] =	sst s25  }
0xac: {  	s5 =	sshll.u32 s26, $0x1;
	_ =	strace $0x80000049;
	[dreg:$0x1] =	wrdreg $0xFFFFFFFF  }
0xad: {  	s28 =	simm.s32 $_size_execute0_lowered;
	s3 =	sadd.s32 s3, s5;
	[dreg:$0x0] =	wrdreg $0x0  }
0xae: {  	s5 =	sshll.u32 s28, $0x1;
	[dreg:$0x2] =	wrdreg s3  }
0xaf: {  	[dreg:$0x3] =	wrdreg s5  }
0xb0: {  	[dreg:$0x4] =	wrdreg $0xC0  }
0xb1: {  	_ =	task [dreg:s7], $0x5FFFF  }
0xb2: {  	[dreg:$0x1] =	wrdreg $0xFFFFFFFF  }
0xb3: {  	[dreg:$0x0] =	wrdreg $0x60  }
0xb4: {  	[dreg:$0x2] =	wrdreg s16  }
0xb5: {  	[dreg:$0x3] =	wrdreg s24  }
0xb6: {  	[dreg:$0x4] =	wrdreg $0x9  }
0xb7: {  	_ =	task.clear_ibuf [dreg:s7], $0x5FFFF;
	_ =	strace $0x90000049  }
0xb8: {  	s29 =	simm.s32 $0x9;
	_ =	strace $0x8000004B  }
0xb9: {  	_ =	swait.ge [sflag:s29], $0x1  }
0xba: {  	[sflag:s29] =	ssyncadd.s32 $0xFFFFFFFF  }
0xbb: {  	_ =	strace $0x9000004B  }
0xbc: {  	_ =	sfence  }
0xbd: {  	s30 =	sld [smem:$0x0];
	_ =	sdelay $0x2  }
0xbe: {  	s31 =	sshll.u32 s1, $0xD;
	s1 =	sshrl.u32 s1, $0x2  }
0xbf: {  	s3 =	sand.u32 $0x4000, s31;
	s1 =	sadd.s32 s1, s30  }
0xc0: {  	s0 =	sor.u32 s3, s0;
	s1 =	sshll.u32 s1, $0x11  }
0xc1: {  	s0 =	sor.u32 s1, s0  }
0xc2: {  	s0 =	sadd.s32 $0x8F2B, s0  }
0xc3: {  	[sflag:s0] =	ssyncadd.remote.s32 $0x1  }
0xc4: {  	_ =	sfence.sel $0xFFFF  }
0xc5: {  	[dreg:$0x0] =	wrdreg $0xFFFFFFFF;
	(pc) =	sbr.abs _section_cstart, $3  }
0xc6: {  	[dreg:$0x1] =	wrdreg $0xFFFFFFFF  }
0xc7: {  	_ =	task.clear_ibuf [dreg:s7], $0x2FFFF;
	_ =	strace $0x9FFFFFFF  }
0xc8: {  	(tm) =	ssettm $0x7FFFFFFF  }
0xc9: {  	_ =	shalt  }
tec
execute0_lowered:
.L_overlay_start_1:
0x0: {  	(tag) =	ssettag $0x1  }
0x1: {  	s2 =	rddreg [dreg:$0x0];
	s0 =	srdreg.scid  }
0x2: {  	s7 =	stileid.u32;
	s1 =	rddreg [dreg:$0x1]  }
0x3: {  	s3 =	simm.s32 $0x0;
	s15 =	simm.s32 $0x1;
	s17 =	simm.s32 $0x180  }
0x4: {  	s28 =	simm.s32 $0x5180;
	s29 =	simm.s32 $0x5980;
	s30 =	simm.s32 $0x6180  }
0x5: {  	s31 =	simm.s32 $0x6980;
	s16 =	simm.s32 $0x8180;
	s11 =	simm.s32 $0x9180  }
0x6: {  	s12 =	simm.s32 $0x9980;
	s13 =	simm.s32 $0xA180;
	s10 =	simm.s32 $0xB980  }
0x7: {  	s14 =	simm.s32 $0xC180;
	s21 =	simm.s32 $0x17180;
	s18 =	simm.s32 $0x17980  }
0x8: {  	s0 =	sand.u32 $0x1, s0;
	s4 =	sshll.u32 s7, $0x1;
	[smem:$0x7FF] =	sst s3  }
0x9: {  	s6 =	sadd.s32 $0x3800, s1;
	s8 =	sadd.s32 $0x100, s2;
	s9 =	sadd.s32 $0x200, s2  }
0xa: {  	s26 =	sshll.u32 s7, $0x7;
	s7 =	simm.s32 $0x8980;
	s4 =	sor.u32 s0, s4  }
0xb: {  	s5 =	ssub.s32 $0x2, s0;
	s0 =	sshll.u32 s0, $0x6;
	[dreg:$0x3] =	wrdreg s4  }
0xc: {  	s4 =	sshll.u32 s4, $0x3;
	s22 =	sshrl.u32 s5, $0x1;
	s0 =	sor.u32 s0, s26  }
0xd: {  	_ =	strace $0x8000004A;
	s4 =	sadd.s32 s4, s1;
	[dreg:$0x4] =	wrdreg s6  }
0xe: {  	s6 =	sadd.s32 $0x4200, s1;
	s1 =	ssub.s32 s5, s22;
	[dreg:$0x9] =	wrdreg s0  }
.Ltmp0:
0xf: {  	s0 =	simm.s32 $0x7980;
	s23 =	sadd.s32 $0x3400, s4;
	(pc) =	sbr.rel .LBB2_1-.Ltmp0, $4  }
0x10: {  	s5 =	simm.s32 $0xA980;
	s1 =	smax.u32 s1, $0x1;
	[dreg:$0x5] =	wrdreg s23  }
0x11: {  	v2 =	vlaneseq.u32;
	s22 =	simm.s32 $0x2;
	s24 =	sadd.s32 $0x3500, s4;
	[dreg:$0x6] =	wrdreg s1  }
0x12: {  	vm0 =	vmmov $0xffff;
	v1 =	vshrl.u32 v2, $0x3;
	v0 =	vand.u32 $0x7, v2;
	s25 =	sadd.s32 $0x3600, s4;
	s4 =	simm.s32 $0xB180;
	[dreg:$0x7] =	wrdreg s24  }
0x13: {  	v2 =	vor.u32 $0x8, v2;
	v1 =	vmul.u32 $0x8, v1;
	v3 =	vor.u32 $0x8, v0;
	[dreg:$0x8] =	wrdreg s25;
	s1 =	simm.s32 $0x7180;
	s23 =	simm.s32 $0x0  }
.LBB2_11:
0x14: {  	s23 =	sadd.s32 $0x1, s23;
	s19 =	rddreg [dreg:$0x6]  }
0x15: {  	p0 =	sne.s32 s23, s19  }
.Ltmp1:
0x16: {  	_ = 	snop;
	(pc) =	sbr.rel @!p0 .LBB2_12-.Ltmp1, $1  }
0x17: {  	_ =	sdelay $0x3  }
.LBB2_1:
0x18: {  	s19 =	rddreg [dreg:$0x4];
	s25 =	simm.s32 $0x3  }
0x19: {  	[tilespmem:s3], [sflag:$0x3] =	stream.linear.gather [hbm4b:s19+s3], $0x80, $0x38;
	[tilespmem:$0x18180] =	vst v63  }
0x1a: {  	_ =	swait.ge [sflag:s25], $0x80  }
0x1b: {  	[sflag:s25] =	ssyncset.done $0x0  }
0x1c: {  	[sflag:s25] =	ssyncadd.s32 $0xFFFFFF80  }
0x1d: {  	v4 =	vld [tilespmem:$0x0];
	_ =	sdelay $0x4  }
0x1e: {  	v4 =	vxor.u32 $0x80000000, v4  }
0x1f: {  	(xrf0) =	vmax.scan.msk.u32 $0xffff, v4;
	_ =	sdelay $0x5  }
0x20: {  	v4, _, _ =	vpop (xrf0)  }
0x21: {  	(v2sf) =	vpush v4, $0xF;
	_ =	sdelay $0xe  }
0x22: {  	s26 =	spop (v2sf)  }
0x23: {  	s20 =	sxor.u32 $0x80000000, s26;
	p1 =	sgt.s32 s26, $0xFFFFFFFF  }
0x24: {  	s19 =	sand.u32 $0x3F, s26;
	s24 =	sshra.s32 s20, $0x1F;
	p0 =	slt.s32 s20, $0x1  }
0x25: {  	p4 =	sne.s32 s19, $0x0;
	s24 =	sshrl.u32 s24, $0x1A;
	p0 =	por p1, p0  }
0x26: {  	s26 =	rddreg [dreg:$0x3];
	s25 =	sadd.s32 s24, s20;
	p0 =	por !p4, !p0  }
0x27: {  	s20 =	simm.s32 $0x1;
	s19 =	sshra.s32 s25, $0x6;
	p0 =	por !p0, !p0  }
0x28: {  	s19 =	ssub.s32 s19, s26;
	s20 =	simm.s32 @!p0 $0x0  }
0x29: {  	s19 =	ssub.s32 s19, s20  }
0x2a: {  	s20 =	sadd.s32 $0x1F, s19  }
0x2b: {  	s25 =	sand.u32 $0x1F, s20  }
0x2c: {  	p5 =	slt.s32 s19, $0xFFFFFFE2;
	s26 =	sshra.s32 s20, $0x1F;
	p6 =	sne.s32 s25, $0x0  }
0x2d: {  	s19 =	sshrl.u32 s26, $0x1B;
	p0 =	por !p5, !p6  }
0x2e: {  	s19 =	sadd.s32 s19, s20;
	s20 =	simm.s32 $0x1;
	p0 =	por !p0, !p0  }
0x2f: {  	s19 =	sshra.s32 s19, $0x5;
	s20 =	simm.s32 @!p0 $0x0  }
0x30: {  	s19 =	ssub.s32 s19, s20  }
0x31: {  	p0 =	slt.s32 s19, $0x1  }
.Ltmp2:
0x32: {  	_ = 	snop;
	(pc) =	sbr.rel @p0 .LBB2_11-.Ltmp2, $1  }
0x33: {  	_ =	sdelay $0x3  }
0x34: {  	s20 =	rddreg [dreg:$0x5];
	s24 =	simm.s32 $0x80;
	s25 =	simm.s32 $0x3  }
0x35: {  	[tilespmem:s24], [sflag:$0x3] =	stream.linear.gather [hbm4b:s20+s3], $0x40, $0x38;
	[tilespmem:$0x18180] =	vst v63  }
0x36: {  	p0 =	seq.s32 s19, $0x1;
	_ =	swait.ge [sflag:s25], $0x40  }
0x37: {  	s20 =	simm.s32 @!p0 $0x0;
	[sflag:s25] =	ssyncset.done $0x0  }
0x38: {  	s24 =	simm.s32 @!p0 $0xC0;
	[sflag:s25] =	ssyncadd.s32 $0xFFFFFFC0;
	s25 =	rddreg [dreg:$0x7]  }
0x39: {  	[tilespmem:s24], [sflag:$0x3] =	stream.linear.gather @!p0 [hbm4b:s25+s20], $0x40, $0x38;
	[tilespmem:$0x18180] =	vst v63  }
0x3a: {  	p1 =	slt.u32 @!p0 s19, $0x3;
	s20 =	simm.s32 @!p0 $0x3  }
0x3b: {  	p1 =	por p1, p0;
	_ =	swait.ge @!p0 [sflag:s20], $0x40  }
0x3c: {  	s24 =	simm.s32 @!p1 $0x100;
	[sflag:s20] =	ssyncset.done @!p0 $0x0  }
0x3d: {  	s25 =	rddreg [dreg:$0x8];
	[sflag:s20] =	ssyncadd.s32 @!p0 $0xFFFFFFC0;
	s20 =	simm.s32 @!p1 $0x0  }
0x3e: {  	[tilespmem:s24], [sflag:$0x3] =	stream.linear.gather @!p1 [hbm4b:s25+s20], $0x40, $0x38;
	[tilespmem:$0x18180] =	vst v63  }
0x3f: {  	s20 =	simm.s32 @!p1 $0x3  }
0x40: {  	_ =	swait.ge @!p1 [sflag:s20], $0x40  }
0x41: {  	[sflag:s20] =	ssyncset.done @!p1 $0x0  }
0x42: {  	[sflag:s20] =	ssyncadd.s32 @!p1 $0xFFFFFFC0  }
0x43: {  	v4 =	vld [tilespmem:$0x80];
	_ =	sdelay $0x4  }
0x44: {  	v5 =	vshrl.u32 v4, $0x3  }
0x45: {  	v5 =	vmul.u32 $0x30, v5  }
0x46: {  	v4 =	vand.u32 $0x7, v4  }
0x47: {  	v4 =	vor.u32 v4, v5  }
0x48: {  	v5 =	vperm.xlane v4, v0;
	_ =	sdelay $0x1  }
0x49: {  	v5 =	vadd.s32 v1, v5;
	_ =	sdelay $0x3  }
0x4a: {  	s24 =	simm.s32 $0x0;
	v4 =	vperm.xlane v4, v2  }
0x4b: {  	[tilespmem:s17], [sflag:$0x1] =	stream.indirect_vreg.gather [hbm4b:s2+s24], $0x80, v5, vm0, $0xb8;
	[tilespmem:$0x18180] =	vst v63  }
0x4c: {  	s26 =	simm.s32 $0x980;
	v4 =	vadd.s32 v1, v4  }
0x4d: {  	[tilespmem:s26], [sflag:$0x1] =	stream.indirect_vreg.gather [hbm4b:s8+s24], $0x80, v5, vm0, $0xb8;
	[tilespmem:$0x18180] =	vst v63  }
0x4e: {  	s25 =	simm.s32 $0x1180  }
0x4f: {  	[tilespmem:s25], [sflag:$0x1] =	stream.indirect_vreg.gather [hbm4b:s9+s24], $0x80, v5, vm0, $0xb8;
	[tilespmem:$0x18180] =	vst v63  }
0x50: {  	s26 =	simm.s32 $0x1980  }
0x51: {  	[tilespmem:s26], [sflag:$0x1] =	stream.indirect_vreg.gather [hbm4b:s2+s24], $0x80, v4, vm0, $0xb8;
	[tilespmem:$0x18180] =	vst v63  }
0x52: {  	s25 =	simm.s32 $0x2180  }
0x53: {  	[tilespmem:s25], [sflag:$0x1] =	stream.indirect_vreg.gather [hbm4b:s8+s24], $0x80, v4, vm0, $0xb8;
	[tilespmem:$0x18180] =	vst v63  }
0x54: {  	s26 =	simm.s32 $0x2980  }
0x55: {  	[tilespmem:s26], [sflag:$0x1] =	stream.indirect_vreg.gather [hbm4b:s9+s24], $0x80, v4, vm0, $0xb8;
	[tilespmem:$0x18180] =	vst v63  }
0x56: {  	v4 =	vld [tilespmem:$0x90];
	_ =	sdelay $0x4  }
0x57: {  	v5 =	vshrl.u32 v4, $0x3  }
0x58: {  	v5 =	vmul.u32 $0x30, v5  }
0x59: {  	v4 =	vand.u32 $0x7, v4  }
0x5a: {  	v4 =	vor.u32 v4, v5  }
0x5b: {  	v5 =	vperm.xlane v4, v0;
	_ =	sdelay $0x1  }
0x5c: {  	v5 =	vadd.s32 v1, v5;
	_ =	sdelay $0x3  }
0x5d: {  	s25 =	simm.s32 $0x3180;
	v4 =	vperm.xlane v4, v2  }
0x5e: {  	[tilespmem:s25], [sflag:$0x1] =	stream.indirect_vreg.gather [hbm4b:s2+s24], $0x80, v5, vm0, $0xb8;
	[tilespmem:$0x18180] =	vst v63  }
0x5f: {  	s26 =	simm.s32 $0x3980;
	v4 =	vadd.s32 v1, v4  }
0x60: {  	[tilespmem:s26], [sflag:$0x1] =	stream.indirect_vreg.gather [hbm4b:s8+s24], $0x80, v5, vm0, $0xb8;
	[tilespmem:$0x18180] =	vst v63  }
0x61: {  	s25 =	simm.s32 $0x4180  }
0x62: {  	[tilespmem:s25], [sflag:$0x1] =	stream.indirect_vreg.gather [hbm4b:s9+s24], $0x80, v5, vm0, $0xb8;
	[tilespmem:$0x18180] =	vst v63  }
0x63: {  	s26 =	simm.s32 $0x4980  }
0x64: {  	[tilespmem:s26], [sflag:$0x1] =	stream.indirect_vreg.gather [hbm4b:s2+s24], $0x80, v4, vm0, $0xb8;
	[tilespmem:$0x18180] =	vst v63  }
0x65: {  	_ = 	snop  }
0x66: {  	[tilespmem:s28], [sflag:$0x1] =	stream.indirect_vreg.gather [hbm4b:s8+s24], $0x80, v4, vm0, $0xb8;
	[tilespmem:$0x18180] =	vst v63  }
0x67: {  	_ = 	snop  }
0x68: {  	[tilespmem:s29], [sflag:$0x1] =	stream.indirect_vreg.gather [hbm4b:s9+s24], $0x80, v4, vm0, $0xb8;
	[tilespmem:$0x18180] =	vst v63  }
0x69: {  	v4 =	vld [tilespmem:$0xA0];
	_ =	sdelay $0x4  }
0x6a: {  	v5 =	vshrl.u32 v4, $0x3  }
0x6b: {  	v5 =	vmul.u32 $0x30, v5  }
0x6c: {  	v4 =	vand.u32 $0x7, v4  }
0x6d: {  	v4 =	vor.u32 v4, v5  }
0x6e: {  	v5 =	vperm.xlane v4, v0;
	_ =	sdelay $0x1  }
0x6f: {  	v5 =	vadd.s32 v1, v5;
	_ =	sdelay $0x3  }
0x70: {  	v4 =	vperm.xlane v4, v2  }
0x71: {  	[tilespmem:s30], [sflag:$0x1] =	stream.indirect_vreg.gather [hbm4b:s2+s24], $0x80, v5, vm0, $0xb8;
	[tilespmem:$0x18180] =	vst v63  }
0x72: {  	v4 =	vadd.s32 v1, v4  }
0x73: {  	[tilespmem:s31], [sflag:$0x1] =	stream.indirect_vreg.gather [hbm4b:s8+s24], $0x80, v5, vm0, $0xb8;
	[tilespmem:$0x18180] =	vst v63  }
0x74: {  	_ = 	snop  }
0x75: {  	[tilespmem:s1], [sflag:$0x1] =	stream.indirect_vreg.gather [hbm4b:s9+s24], $0x80, v5, vm0, $0xb8;
	[tilespmem:$0x18180] =	vst v63  }
0x76: {  	_ = 	snop  }
0x77: {  	[tilespmem:s0], [sflag:$0x1] =	stream.indirect_vreg.gather [hbm4b:s2+s24], $0x80, v4, vm0, $0xb8;
	[tilespmem:$0x18180] =	vst v63  }
0x78: {  	_ = 	snop  }
0x79: {  	[tilespmem:s16], [sflag:$0x1] =	stream.indirect_vreg.gather [hbm4b:s8+s24], $0x80, v4, vm0, $0xb8;
	[tilespmem:$0x18180] =	vst v63  }
0x7a: {  	_ = 	snop  }
0x7b: {  	[tilespmem:s7], [sflag:$0x1] =	stream.indirect_vreg.gather [hbm4b:s9+s24], $0x80, v4, vm0, $0xb8;
	[tilespmem:$0x18180] =	vst v63  }
0x7c: {  	v4 =	vld [tilespmem:$0xB0];
	_ =	sdelay $0x4  }
0x7d: {  	v5 =	vshrl.u32 v4, $0x3  }
0x7e: {  	v5 =	vmul.u32 $0x30, v5  }
0x7f: {  	v4 =	vand.u32 $0x7, v4  }
0x80: {  	v4 =	vor.u32 v4, v5  }
0x81: {  	v5 =	vperm.xlane v4, v0;
	_ =	sdelay $0x1  }
0x82: {  	v5 =	vadd.s32 v1, v5;
	_ =	sdelay $0x3  }
0x83: {  	v4 =	vperm.xlane v4, v2  }
0x84: {  	[tilespmem:s11], [sflag:$0x1] =	stream.indirect_vreg.gather [hbm4b:s2+s24], $0x80, v5, vm0, $0xb8;
	[tilespmem:$0x18180] =	vst v63  }
0x85: {  	v4 =	vadd.s32 v1, v4  }
0x86: {  	[tilespmem:s12], [sflag:$0x1] =	stream.indirect_vreg.gather [hbm4b:s8+s24], $0x80, v5, vm0, $0xb8;
	[tilespmem:$0x18180] =	vst v63  }
0x87: {  	_ = 	snop  }
0x88: {  	[tilespmem:s13], [sflag:$0x1] =	stream.indirect_vreg.gather [hbm4b:s9+s24], $0x80, v5, vm0, $0xb8;
	[tilespmem:$0x18180] =	vst v63  }
0x89: {  	_ = 	snop  }
0x8a: {  	[tilespmem:s5], [sflag:$0x1] =	stream.indirect_vreg.gather [hbm4b:s2+s24], $0x80, v4, vm0, $0xb8;
	[tilespmem:$0x18180] =	vst v63  }
.Ltmp3:
0x8b: {  	_ = 	snop;
	(pc) =	sbr.rel .LBB2_3-.Ltmp3, $4  }
0x8c: {  	s20 =	smin.u32 @!p0 s19, $0x3  }
0x8d: {  	[tilespmem:s4], [sflag:$0x1] =	stream.indirect_vreg.gather [hbm4b:s8+s24], $0x80, v4, vm0, $0xb8;
	[tilespmem:$0x18180] =	vst v63  }
0x8e: {  	s19 =	rddreg [dreg:$0x9];
	s20 =	simm.s32 @p0 $0x1;
	s25 =	simm.s32 $0xF0  }
0x8f: {  	[tilespmem:s10], [sflag:$0x1] =	stream.indirect_vreg.gather [hbm4b:s9+s24], $0x80, v4, vm0, $0xb8;
	[tilespmem:$0x18180] =	vst v63  }
.LBB2_8:
0x90: {  	_ =	sdelay $0x3  }
0x91: {  	[tilespmem:s17], [sflag:$0x1] =	stream.indirect_vreg.gather [hbm4b:s2+s3], $0x80, v5, vm0, $0xb8;
	[tilespmem:$0x18180] =	vst v63  }
0x92: {  	s26 =	simm.s32 $0x980  }
0x93: {  	[tilespmem:s26], [sflag:$0x1] =	stream.indirect_vreg.gather [hbm4b:s8+s3], $0x80, v5, vm0, $0xb8;
	[tilespmem:$0x18180] =	vst v63  }
0x94: {  	s26 =	simm.s32 $0x1180  }
0x95: {  	[tilespmem:s26], [sflag:$0x1] =	stream.indirect_vreg.gather [hbm4b:s9+s3], $0x80, v5, vm0, $0xb8;
	[tilespmem:$0x18180] =	vst v63  }
0x96: {  	s26 =	simm.s32 $0x1980  }
0x97: {  	[tilespmem:s26], [sflag:$0x1] =	stream.indirect_vreg.gather [hbm4b:s2+s3], $0x80, v4, vm0, $0xb8;
	[tilespmem:$0x18180] =	vst v63  }
0x98: {  	s26 =	simm.s32 $0x2180  }
0x99: {  	[tilespmem:s26], [sflag:$0x1] =	stream.indirect_vreg.gather [hbm4b:s8+s3], $0x80, v4, vm0, $0xb8;
	[tilespmem:$0x18180] =	vst v63  }
0x9a: {  	s26 =	simm.s32 $0x2980  }
0x9b: {  	[tilespmem:s26], [sflag:$0x1] =	stream.indirect_vreg.gather [hbm4b:s9+s3], $0x80, v4, vm0, $0xb8;
	[tilespmem:$0x18180] =	vst v63  }
0x9c: {  	v4 =	vld [tilespmem:s25+$0xFFFFFFE0];
	_ =	sdelay $0x4  }
0x9d: {  	v5 =	vshrl.u32 v4, $0x3  }
0x9e: {  	v5 =	vmul.u32 $0x30, v5  }
0x9f: {  	v4 =	vand.u32 $0x7, v4  }
0xa0: {  	v4 =	vor.u32 v4, v5  }
0xa1: {  	v5 =	vperm.xlane v4, v0;
	_ =	sdelay $0x1  }
0xa2: {  	v5 =	vadd.s32 v1, v5;
	_ =	sdelay $0x3  }
0xa3: {  	s26 =	simm.s32 $0x3180;
	v4 =	vperm.xlane v4, v3  }
0xa4: {  	[tilespmem:s26], [sflag:$0x1] =	stream.indirect_vreg.gather [hbm4b:s2+s3], $0x80, v5, vm0, $0xb8;
	[tilespmem:$0x18180] =	vst v63  }
0xa5: {  	v4 =	vadd.s32 v1, v4;
	s26 =	simm.s32 $0x3980  }
0xa6: {  	[tilespmem:s26], [sflag:$0x1] =	stream.indirect_vreg.gather [hbm4b:s8+s3], $0x80, v5, vm0, $0xb8;
	[tilespmem:$0x18180] =	vst v63  }
0xa7: {  	s26 =	simm.s32 $0x4180  }
0xa8: {  	[tilespmem:s26], [sflag:$0x1] =	stream.indirect_vreg.gather [hbm4b:s9+s3], $0x80, v5, vm0, $0xb8;
	[tilespmem:$0x18180] =	vst v63  }
0xa9: {  	s26 =	simm.s32 $0x4980  }
0xaa: {  	[tilespmem:s26], [sflag:$0x1] =	stream.indirect_vreg.gather [hbm4b:s2+s3], $0x80, v4, vm0, $0xb8;
	[tilespmem:$0x18180] =	vst v63  }
0xab: {  	_ = 	snop  }
0xac: {  	[tilespmem:s28], [sflag:$0x1] =	stream.indirect_vreg.gather [hbm4b:s8+s3], $0x80, v4, vm0, $0xb8;
	[tilespmem:$0x18180] =	vst v63  }
0xad: {  	_ = 	snop  }
0xae: {  	[tilespmem:s29], [sflag:$0x1] =	stream.indirect_vreg.gather [hbm4b:s9+s3], $0x80, v4, vm0, $0xb8;
	[tilespmem:$0x18180] =	vst v63  }
0xaf: {  	v4 =	vld [tilespmem:s25+$0xFFFFFFF0];
	_ =	sdelay $0x4  }
0xb0: {  	v5 =	vshrl.u32 v4, $0x3  }
0xb1: {  	v5 =	vmul.u32 $0x30, v5  }
0xb2: {  	v4 =	vand.u32 $0x7, v4  }
0xb3: {  	v4 =	vor.u32 v4, v5  }
0xb4: {  	v5 =	vperm.xlane v4, v0;
	_ =	sdelay $0x1  }
0xb5: {  	v5 =	vadd.s32 v1, v5;
	_ =	sdelay $0x3  }
0xb6: {  	v4 =	vperm.xlane v4, v3  }
0xb7: {  	[tilespmem:s30], [sflag:$0x1] =	stream.indirect_vreg.gather [hbm4b:s2+s3], $0x80, v5, vm0, $0xb8;
	[tilespmem:$0x18180] =	vst v63  }
0xb8: {  	v4 =	vadd.s32 v1, v4  }
0xb9: {  	[tilespmem:s31], [sflag:$0x1] =	stream.indirect_vreg.gather [hbm4b:s8+s3], $0x80, v5, vm0, $0xb8;
	[tilespmem:$0x18180] =	vst v63  }
0xba: {  	_ = 	snop  }
0xbb: {  	[tilespmem:s1], [sflag:$0x1] =	stream.indirect_vreg.gather [hbm4b:s9+s3], $0x80, v5, vm0, $0xb8;
	[tilespmem:$0x18180] =	vst v63  }
0xbc: {  	_ = 	snop  }
0xbd: {  	[tilespmem:s0], [sflag:$0x1] =	stream.indirect_vreg.gather [hbm4b:s2+s3], $0x80, v4, vm0, $0xb8;
	[tilespmem:$0x18180] =	vst v63  }
0xbe: {  	_ = 	snop  }
0xbf: {  	[tilespmem:s16], [sflag:$0x1] =	stream.indirect_vreg.gather [hbm4b:s8+s3], $0x80, v4, vm0, $0xb8;
	[tilespmem:$0x18180] =	vst v63  }
0xc0: {  	_ = 	snop  }
0xc1: {  	[tilespmem:s7], [sflag:$0x1] =	stream.indirect_vreg.gather [hbm4b:s9+s3], $0x80, v4, vm0, $0xb8;
	[tilespmem:$0x18180] =	vst v63  }
0xc2: {  	v4 =	vld [tilespmem:s25+$0x0];
	_ =	sdelay $0x4  }
0xc3: {  	v5 =	vshrl.u32 v4, $0x3  }
0xc4: {  	v5 =	vmul.u32 $0x30, v5  }
0xc5: {  	v4 =	vand.u32 $0x7, v4  }
0xc6: {  	v4 =	vor.u32 v4, v5  }
0xc7: {  	v5 =	vperm.xlane v4, v0;
	_ =	sdelay $0x1  }
0xc8: {  	v5 =	vadd.s32 v1, v5;
	_ =	sdelay $0x3  }
0xc9: {  	v4 =	vperm.xlane v4, v3  }
0xca: {  	[tilespmem:s11], [sflag:$0x1] =	stream.indirect_vreg.gather [hbm4b:s2+s3], $0x80, v5, vm0, $0xb8;
	[tilespmem:$0x18180] =	vst v63  }
0xcb: {  	v4 =	vadd.s32 v1, v4  }
0xcc: {  	[tilespmem:s12], [sflag:$0x1] =	stream.indirect_vreg.gather [hbm4b:s8+s3], $0x80, v5, vm0, $0xb8;
	[tilespmem:$0x18180] =	vst v63  }
0xcd: {  	_ = 	snop  }
0xce: {  	[tilespmem:s13], [sflag:$0x1] =	stream.indirect_vreg.gather [hbm4b:s9+s3], $0x80, v5, vm0, $0xb8;
	[tilespmem:$0x18180] =	vst v63  }
0xcf: {  	_ = 	snop  }
0xd0: {  	[tilespmem:s5], [sflag:$0x1] =	stream.indirect_vreg.gather [hbm4b:s2+s3], $0x80, v4, vm0, $0xb8;
	[tilespmem:$0x18180] =	vst v63  }
0xd1: {  	_ = 	snop  }
0xd2: {  	[tilespmem:s4], [sflag:$0x1] =	stream.indirect_vreg.gather [hbm4b:s8+s3], $0x80, v4, vm0, $0xb8;
	[tilespmem:$0x18180] =	vst v63  }
0xd3: {  	_ = 	snop  }
0xd4: {  	[tilespmem:s10], [sflag:$0x1] =	stream.indirect_vreg.gather [hbm4b:s9+s3], $0x80, v4, vm0, $0xb8;
	[tilespmem:$0x18180] =	vst v63  }
.LBB2_9:
0xd5: {  	s26 =	sshrl.u32 s19, $0x3  }
0xd6: {  	_ =	swait.ge [sflag:s22], $0xC000;
	s26 =	smul.u32 $0x300, s26  }
0xd7: {  	[sflag:s22] =	ssyncset.done $0x0  }
0xd8: {  	[sflag:s22] =	ssyncadd.s32 $0xFFFF4000;
	s26 =	sadd.s32 s6, s26  }
0xd9: {  	[hbm4b:s26+s3] =	stream.linear.scatter [tilespmem:s14], [sflag:$0x3], $0xC000, $0x38;
	[tilespmem:$0x18180] =	vst v63  }
0xda: {  	s26 =	simm.s32 $0x3  }
.LBB2_10:
0xdb: {  	p0 =	sne.s32 s20, s24  }
.Ltmp4:
0xdc: {  	_ = 	snop;
	(pc) =	sbr.rel @!p0 .LBB2_11-.Ltmp4, $4  }
0xdd: {  	_ = 	snop  }
0xde: {  	_ =	swait.ge [sflag:s26], $0xC000  }
0xdf: {  	[sflag:s26] =	ssyncset.done $0x0  }
0xe0: {  	s19 =	sadd.s32 $0x800, s19;
	s25 =	sadd.s32 $0x40, s25;
	[sflag:s26] =	ssyncadd.s32 $0xFFFF4000  }
.LBB2_3:
0xe1: {  	s26 =	sand.u32 $0x1, s24;
	s24 =	sadd.s32 $0x1, s24  }
0xe2: {  	p1 =	sge.u32 s24, s20  }
.Ltmp5:
0xe3: {  	_ = 	snop;
	(pc) =	sbr.rel @p1 .LBB2_6-.Ltmp5, $2  }
0xe4: {  	_ =	sdelay $0x2  }
0xe5: {  	p0 =	sne.s32 s26, $0x0  }
0xe6: {  	v4 =	vld [tilespmem:s25+$0xFFFFFFD0];
	_ =	sdelay $0x4  }
0xe7: {  	v5 =	vshrl.u32 v4, $0x3  }
0xe8: {  	v5 =	vmul.u32 $0x30, v5  }
.Ltmp6:
0xe9: {  	v4 =	vand.u32 $0x7, v4;
	(pc) =	sbr.rel @p0 .LBB2_8-.Ltmp6, $3  }
0xea: {  	v4 =	vor.u32 v4, v5  }
0xeb: {  	v5 =	vperm.xlane v4, v0;
	v4 =	vperm.xlane v4, v3;
	_ =	sdelay $0x1  }
0xec: {  	v5 =	vadd.s32 v1, v5;
	v4 =	vadd.s32 v1, v4  }
0xed: {  	_ =	sdelay $0x3  }
0xee: {  	[tilespmem:s14], [sflag:$0x2] =	stream.indirect_vreg.gather [hbm4b:s2+s3], $0x80, v5, vm0, $0xb8;
	[tilespmem:$0x18180] =	vst v63  }
0xef: {  	s26 =	simm.s32 $0xC980  }
0xf0: {  	[tilespmem:s26], [sflag:$0x2] =	stream.indirect_vreg.gather [hbm4b:s8+s3], $0x80, v5, vm0, $0xb8;
	[tilespmem:$0x18180] =	vst v63  }
0xf1: {  	s26 =	simm.s32 $0xD180  }
0xf2: {  	[tilespmem:s26], [sflag:$0x2] =	stream.indirect_vreg.gather [hbm4b:s9+s3], $0x80, v5, vm0, $0xb8;
	[tilespmem:$0x18180] =	vst v63  }
0xf3: {  	s26 =	simm.s32 $0xD980  }
0xf4: {  	[tilespmem:s26], [sflag:$0x2] =	stream.indirect_vreg.gather [hbm4b:s2+s3], $0x80, v4, vm0, $0xb8;
	[tilespmem:$0x18180] =	vst v63  }
0xf5: {  	s26 =	simm.s32 $0xE180  }
0xf6: {  	[tilespmem:s26], [sflag:$0x2] =	stream.indirect_vreg.gather [hbm4b:s8+s3], $0x80, v4, vm0, $0xb8;
	[tilespmem:$0x18180] =	vst v63  }
0xf7: {  	s26 =	simm.s32 $0xE980  }
0xf8: {  	[tilespmem:s26], [sflag:$0x2] =	stream.indirect_vreg.gather [hbm4b:s9+s3], $0x80, v4, vm0, $0xb8;
	[tilespmem:$0x18180] =	vst v63  }
0xf9: {  	v4 =	vld [tilespmem:s25+$0xFFFFFFE0];
	_ =	sdelay $0x4  }
0xfa: {  	v5 =	vshrl.u32 v4, $0x3  }
0xfb: {  	v5 =	vmul.u32 $0x30, v5  }
0xfc: {  	v4 =	vand.u32 $0x7, v4  }
0xfd: {  	v4 =	vor.u32 v4, v5  }
0xfe: {  	v5 =	vperm.xlane v4, v0;
	_ =	sdelay $0x1  }
0xff: {  	v5 =	vadd.s32 v1, v5;
	_ =	sdelay $0x3  }
0x100: {  	s26 =	simm.s32 $0xF180;
	v4 =	vperm.xlane v4, v3  }
0x101: {  	[tilespmem:s26], [sflag:$0x2] =	stream.indirect_vreg.gather [hbm4b:s2+s3], $0x80, v5, vm0, $0xb8;
	[tilespmem:$0x18180] =	vst v63  }
0x102: {  	v4 =	vadd.s32 v1, v4;
	s26 =	simm.s32 $0xF980  }
0x103: {  	[tilespmem:s26], [sflag:$0x2] =	stream.indirect_vreg.gather [hbm4b:s8+s3], $0x80, v5, vm0, $0xb8;
	[tilespmem:$0x18180] =	vst v63  }
0x104: {  	s26 =	simm.s32 $0x10180  }
0x105: {  	[tilespmem:s26], [sflag:$0x2] =	stream.indirect_vreg.gather [hbm4b:s9+s3], $0x80, v5, vm0, $0xb8;
	[tilespmem:$0x18180] =	vst v63  }
0x106: {  	s26 =	simm.s32 $0x10980  }
0x107: {  	[tilespmem:s26], [sflag:$0x2] =	stream.indirect_vreg.gather [hbm4b:s2+s3], $0x80, v4, vm0, $0xb8;
	[tilespmem:$0x18180] =	vst v63  }
0x108: {  	s26 =	simm.s32 $0x11180  }
0x109: {  	[tilespmem:s26], [sflag:$0x2] =	stream.indirect_vreg.gather [hbm4b:s8+s3], $0x80, v4, vm0, $0xb8;
	[tilespmem:$0x18180] =	vst v63  }
0x10a: {  	s26 =	simm.s32 $0x11980  }
0x10b: {  	[tilespmem:s26], [sflag:$0x2] =	stream.indirect_vreg.gather [hbm4b:s9+s3], $0x80, v4, vm0, $0xb8;
	[tilespmem:$0x18180] =	vst v63  }
0x10c: {  	v4 =	vld [tilespmem:s25+$0xFFFFFFF0];
	_ =	sdelay $0x4  }
0x10d: {  	v5 =	vshrl.u32 v4, $0x3  }
0x10e: {  	v5 =	vmul.u32 $0x30, v5  }
0x10f: {  	v4 =	vand.u32 $0x7, v4  }
0x110: {  	v4 =	vor.u32 v4, v5  }
0x111: {  	v5 =	vperm.xlane v4, v0;
	_ =	sdelay $0x1  }
0x112: {  	v5 =	vadd.s32 v1, v5;
	_ =	sdelay $0x3  }
0x113: {  	s26 =	simm.s32 $0x12180;
	v4 =	vperm.xlane v4, v3  }
0x114: {  	[tilespmem:s26], [sflag:$0x2] =	stream.indirect_vreg.gather [hbm4b:s2+s3], $0x80, v5, vm0, $0xb8;
	[tilespmem:$0x18180] =	vst v63  }
0x115: {  	v4 =	vadd.s32 v1, v4;
	s26 =	simm.s32 $0x12980  }
0x116: {  	[tilespmem:s26], [sflag:$0x2] =	stream.indirect_vreg.gather [hbm4b:s8+s3], $0x80, v5, vm0, $0xb8;
	[tilespmem:$0x18180] =	vst v63  }
0x117: {  	s26 =	simm.s32 $0x13180  }
0x118: {  	[tilespmem:s26], [sflag:$0x2] =	stream.indirect_vreg.gather [hbm4b:s9+s3], $0x80, v5, vm0, $0xb8;
	[tilespmem:$0x18180] =	vst v63  }
0x119: {  	s26 =	simm.s32 $0x13980  }
0x11a: {  	[tilespmem:s26], [sflag:$0x2] =	stream.indirect_vreg.gather [hbm4b:s2+s3], $0x80, v4, vm0, $0xb8;
	[tilespmem:$0x18180] =	vst v63  }
0x11b: {  	s26 =	simm.s32 $0x14180  }
0x11c: {  	[tilespmem:s26], [sflag:$0x2] =	stream.indirect_vreg.gather [hbm4b:s8+s3], $0x80, v4, vm0, $0xb8;
	[tilespmem:$0x18180] =	vst v63  }
0x11d: {  	s26 =	simm.s32 $0x14980  }
0x11e: {  	[tilespmem:s26], [sflag:$0x2] =	stream.indirect_vreg.gather [hbm4b:s9+s3], $0x80, v4, vm0, $0xb8;
	[tilespmem:$0x18180] =	vst v63  }
0x11f: {  	v4 =	vld [tilespmem:s25+$0x0];
	_ =	sdelay $0x4  }
0x120: {  	v5 =	vshrl.u32 v4, $0x3  }
0x121: {  	v5 =	vmul.u32 $0x30, v5  }
0x122: {  	v4 =	vand.u32 $0x7, v4  }
0x123: {  	v4 =	vor.u32 v4, v5  }
0x124: {  	v5 =	vperm.xlane v4, v0;
	_ =	sdelay $0x1  }
0x125: {  	v5 =	vadd.s32 v1, v5;
	_ =	sdelay $0x3  }
0x126: {  	s26 =	simm.s32 $0x15180;
	v4 =	vperm.xlane v4, v3  }
0x127: {  	[tilespmem:s26], [sflag:$0x2] =	stream.indirect_vreg.gather [hbm4b:s2+s3], $0x80, v5, vm0, $0xb8;
	[tilespmem:$0x18180] =	vst v63  }
0x128: {  	v4 =	vadd.s32 v1, v4;
	s26 =	simm.s32 $0x15980  }
0x129: {  	[tilespmem:s26], [sflag:$0x2] =	stream.indirect_vreg.gather [hbm4b:s8+s3], $0x80, v5, vm0, $0xb8;
	[tilespmem:$0x18180] =	vst v63  }
0x12a: {  	s26 =	simm.s32 $0x16180  }
0x12b: {  	[tilespmem:s26], [sflag:$0x2] =	stream.indirect_vreg.gather [hbm4b:s9+s3], $0x80, v5, vm0, $0xb8;
	[tilespmem:$0x18180] =	vst v63  }
0x12c: {  	s26 =	simm.s32 $0x16980  }
0x12d: {  	[tilespmem:s26], [sflag:$0x2] =	stream.indirect_vreg.gather [hbm4b:s2+s3], $0x80, v4, vm0, $0xb8;
	[tilespmem:$0x18180] =	vst v63  }
.Ltmp7:
0x12e: {  	_ = 	snop;
	(pc) =	sbr.rel .LBB2_7-.Ltmp7, $4  }
0x12f: {  	_ = 	snop  }
0x130: {  	[tilespmem:s21], [sflag:$0x2] =	stream.indirect_vreg.gather [hbm4b:s8+s3], $0x80, v4, vm0, $0xb8;
	[tilespmem:$0x18180] =	vst v63  }
0x131: {  	_ = 	snop  }
0x132: {  	[tilespmem:s18], [sflag:$0x2] =	stream.indirect_vreg.gather [hbm4b:s9+s3], $0x80, v4, vm0, $0xb8;
	[tilespmem:$0x18180] =	vst v63  }
.LBB2_6:
.Ltmp8:
0x133: {  	(pc) =	sbr.rel @p0 .LBB2_9-.Ltmp8, $1  }
0x134: {  	_ =	sdelay $0x3  }
.LBB2_7:
0x135: {  	s26 =	sshrl.u32 s19, $0x3  }
0x136: {  	s26 =	smul.u32 $0x300, s26  }
.Ltmp9:
0x137: {  	_ =	swait.ge [sflag:s15], $0xC000;
	(pc) =	sbr.rel .LBB2_10-.Ltmp9, $4  }
0x138: {  	[sflag:s15] =	ssyncset.done $0x0  }
0x139: {  	[sflag:s15] =	ssyncadd.s32 $0xFFFF4000;
	s26 =	sadd.s32 s6, s26  }
0x13a: {  	[hbm4b:s26+s3] =	stream.linear.scatter [tilespmem:s17], [sflag:$0x4], $0xC000, $0x38;
	[tilespmem:$0x18180] =	vst v63  }
0x13b: {  	s26 =	simm.s32 $0x4  }
.LBB2_12:
0x13c: {  	_ =	sfence.sel $0x180000  }
0x13d: {  	[bflag:$0x0] =	sbarrier.arrive $0xFFFF  }
0x13e: {  	_ =	strace $0x9000004A  }
0x13f: {  	s0 =	stileid.u32;
	[bflag:$0x2] =	sbarrier.arrive $0xFFFF  }
0x140: {  	p0 =	sne.s32 s0, $0x0;
	s0 =	rddreg [dreg:$0x2]  }
0x141: {  	s0 =	sadd.s32 @!p0 $0x100000, s0  }
0x142: {  	[sflag:s0] =	ssyncadd.tile.s32 @!p0 $0x1;
	_ =	shalt  }
.Lfunc_end2:
_tile_overlayer_lowered:
.L_overlay_start_2:
0x143: {  	(tag) =	ssettag $0x2  }
0x144: {  	s0 =	rddreg [dreg:$0x0];
	s2 =	stileid.u32  }
0x145: {  	s1 =	rddreg [dreg:$0x1];
	p0 =	sne.s32 s2, $0x0  }
0x146: {  	s3 =	rddreg [dreg:$0x2];
	[bflag:$0x3] =	sbarrier.arrive $0xFFFF;
	s2 =	simm.s32 @!p0 $0x1C03  }
0x147: {  	[timem:s3], [sflag:s2] =	dma.local @!p0 [hbm:s0], s1  }
0x148: {  	s0 =	simm.s32 @!p0 $0x3  }
0x149: {  	_ =	swait.ge @!p0 [sflag:s0], s1  }
0x14a: {  	s1 =	ssub.s32 @!p0 $0x0, s1;
	[sflag:s0] =	ssyncset.done @!p0 $0x0  }
0x14b: {  	[sflag:s0] =	ssyncadd.s32 @!p0 s1  }
0x14c: {  	[bflag:$0x3] =	sbarrier.arrive $0xFFFF  }
0x14d: {  	_ =	shalt  }

// kernel: sc_sort.3.cloned.1.call-start
scs
__scs_entry_jumppad:
0x0: {  	(pc) =	sbr.rel $0x88, $3  }
0x1: {  	(tag) =	ssettag $0x0;
	lr =	simm.s32 $0x1  }
0x2: {  	[smem:$0x3F97] =	sst lr;
	_ =	strace $0xD0000000  }
0x3: {  	_ = 	snop  }
0x4: {  	_ = 	snop  }
0x5: {  	_ = 	snop  }
0x6: {  	_ = 	snop  }
0x7: {  	_ = 	snop  }
__scs_overlays_trampoline_lowered:
0x8: {  	[smem:$0x3FA6] =	sst s0  }
0x9: {  	[smem:$0x3FA7] =	sst s1  }
0xa: {  	[smem:$0x3FA8] =	sst s2  }
0xb: {  	[smem:$0x3FA9] =	sst s3  }
0xc: {  	[smem:$0x3FAA] =	sst s4  }
0xd: {  	[smem:$0x3FAB] =	sst s5  }
0xe: {  	[smem:$0x3FAC] =	sst s6  }
0xf: {  	[smem:$0x3FAD] =	sst s7  }
0x10: {  	[smem:$0x3FAE] =	sst s8  }
0x11: {  	[smem:$0x3FAF] =	sst s9;
	s0 =	simm.s32 @!p0 $0x0  }
0x12: {  	s1 =	sld [smem:$0x3F95];
	s0 =	simm.s32 @p0 $0x1  }
0x13: {  	[smem:$0x3FB0] =	sst s0;
	s0 =	simm.s32 @!p1 $0x0  }
0x14: {  	s2 =	sld [smem:$0x3F94];
	s0 =	simm.s32 @p1 $0x1  }
0x15: {  	[smem:$0x3FB1] =	sst s0;
	s0 =	simm.s32 @!p2 $0x0  }
0x16: {  	s3 =	sld [smem:$0x3FDB];
	s0 =	simm.s32 @p2 $0x1  }
0x17: {  	s4 =	simm.s32 $0x1BF5;
	[smem:$0x3FB3] =	sst s0  }
0x18: {  	s0 =	sld [smem:$0x3F96];
	_ =	swait.ge [sflag:s4], $0x0  }
0x19: {  	s7 =	sld [smem:$0x3F97]  }
0x1a: {  	s8 =	sadd.s32 $0xFFFFE003, lr  }
0x1b: {  	s9 =	sadd.s32 $0xFFFFFEF7, lr;
	s5 =	simm.s32 $0xFFFFFFFF;
	p2 =	slt.u32 s8, $0xFFFFF086  }
0x1c: {  	p1 =	slt.u32 s9, $0xF7A;
	s5 =	simm.s32 @!p2 $0x0  }
0x1d: {  	s5 =	simm.s32 @p1 $0x1;
	p0 =	seq.s32 s7, s2  }
0x1e: {  	s7 =	smul.u32 @!p0 $0xF7A, s2;
	p2 =	seq.s32 @!p0 s5, $0x0  }
0x1f: {  	s9 =	smul.u32 $0xF7A, s1;
	s8 =	simm.s32 @!p0 $0x1BF5;
	p2 =	por !p2, p0  }
0x20: {  	[sflag:s8] =	ssyncset.s32 @!p0 $0xFFFFF086;
	s6 =	sadd.s32 @!p0 s3, s7;
	s7 =	simm.s32 @!p0 $0x108  }
0x21: {  	s3 =	sadd.s32 s3, s9;
	s6 =	sadd.s32 @!p0 $0x88, s6;
	s7 =	simm.s32 @p2 $0x1082  }
0x22: {  	[simem:s7], [sflag:s8] =	dma.local @!p0 [hbm:s6], $0xF7A  }
0x23: {  	s9 =	sor.u32 $0xD0000000, s2;
	s6 =	simm.s32 $0x108;
	_ =	swait.ge @!p0 [sflag:s8], $0x0  }
0x24: {  	s3 =	sadd.s32 $0x88, s3;
	s6 =	simm.s32 @!p1 $0x1082;
	[sflag:s4] =	ssyncset.s32 $0xFFFFF086  }
0x25: {  	[simem:s6], [sflag:s4] =	dma.local [hbm:s3], $0xF7A  }
0x26: {  	[smem:$0x3F97] =	sst s1;
	(tag) =	ssettag s2;
	_ =	strace s9  }
0x27: {  	s1 =	sld [smem:$0x3FA7]  }
0x28: {  	s2 =	sld [smem:$0x3FA8]  }
0x29: {  	s4 =	sld [smem:$0x3FAA]  }
0x2a: {  	p0 =	seq.s32 s5, $0x0;
	s5 =	sld [smem:$0x3FAB]  }
0x2b: {  	s6 =	sld [smem:$0x3FAC]  }
0x2c: {  	s7 =	sld [smem:$0x3FAD]  }
0x2d: {  	s3 =	simm.s32 $0x108;
	s8 =	sld [smem:$0x3FAE]  }
0x2e: {  	s3 =	simm.s32 @!p0 $0x1082;
	s9 =	sld [smem:$0x3FAF]  }
0x2f: {  	lr =	sadd.s32 s0, s3;
	s0 =	sld [smem:$0x3FA6]  }
0x30: {  	s3 =	sld [smem:$0x3FA9]  }
0x31: {  	[smem:$0x3FB2] =	sst s10  }
0x32: {  	s10 =	sld [smem:$0x3FB0];
	_ =	sdelay $0x3  }
0x33: {  	p0 =	seq.s32 s10, $0x1;
	s10 =	sld [smem:$0x3FB2];
	_ =	sdelay $0x3  }
0x34: {  	[smem:$0x3FB2] =	sst s10  }
0x35: {  	s10 =	sld [smem:$0x3FB1];
	_ =	sdelay $0x3  }
0x36: {  	p1 =	seq.s32 s10, $0x1;
	s10 =	sld [smem:$0x3FB2];
	_ =	sdelay $0x3  }
0x37: {  	[smem:$0x3FB2] =	sst s10  }
0x38: {  	s10 =	sld [smem:$0x3FB3]  }
0x39: {  	_ = 	snop;
	(pc) =	sbr.ind lr, $3  }
0x3a: {  	_ = 	snop  }
0x3b: {  	_ = 	snop  }
0x3c: {  	p2 =	seq.s32 s10, $0x1;
	s10 =	sld [smem:$0x3FB2]  }
0x3d: {  	_ =	shalt  }
0x3e: {  	_ =	shalt  }
0x3f: {  	_ =	shalt  }
0x40: {  	_ =	shalt  }
0x41: {  	_ =	shalt  }
0x42: {  	_ =	shalt  }
0x43: {  	_ =	shalt  }
0x44: {  	_ =	shalt  }
0x45: {  	_ =	shalt  }
0x46: {  	_ =	shalt  }
0x47: {  	_ =	shalt  }
0x48: {  	_ =	shalt  }
0x49: {  	_ =	shalt  }
0x4a: {  	_ =	shalt  }
0x4b: {  	_ =	shalt  }
0x4c: {  	_ =	shalt  }
0x4d: {  	_ =	shalt  }
0x4e: {  	_ =	shalt  }
0x4f: {  	_ =	shalt  }
0x50: {  	_ =	shalt  }
0x51: {  	_ =	shalt  }
0x52: {  	_ =	shalt  }
0x53: {  	_ =	shalt  }
0x54: {  	_ =	shalt  }
0x55: {  	_ =	shalt  }
0x56: {  	_ =	shalt  }
0x57: {  	_ =	shalt  }
0x58: {  	_ =	shalt  }
0x59: {  	_ =	shalt  }
0x5a: {  	_ =	shalt  }
0x5b: {  	_ =	shalt  }
0x5c: {  	_ =	shalt  }
0x5d: {  	_ =	shalt  }
0x5e: {  	_ =	shalt  }
0x5f: {  	_ =	shalt  }
0x60: {  	_ =	shalt  }
0x61: {  	_ =	shalt  }
0x62: {  	_ =	shalt  }
0x63: {  	_ =	shalt  }
0x64: {  	_ =	shalt  }
0x65: {  	_ =	shalt  }
0x66: {  	_ =	shalt  }
0x67: {  	_ =	shalt  }
0x68: {  	_ =	shalt  }
0x69: {  	_ =	shalt  }
0x6a: {  	_ =	shalt  }
0x6b: {  	_ =	shalt  }
0x6c: {  	_ =	shalt  }
0x6d: {  	_ =	shalt  }
0x6e: {  	_ =	shalt  }
0x6f: {  	_ =	shalt  }
0x70: {  	_ =	shalt  }
0x71: {  	_ =	shalt  }
0x72: {  	_ =	shalt  }
0x73: {  	_ =	shalt  }
0x74: {  	_ =	shalt  }
0x75: {  	_ =	shalt  }
0x76: {  	_ =	shalt  }
0x77: {  	_ =	shalt  }
0x78: {  	_ =	shalt  }
0x79: {  	_ =	shalt  }
0x7a: {  	_ =	shalt  }
0x7b: {  	_ =	shalt  }
0x7c: {  	_ =	shalt  }
0x7d: {  	_ =	shalt  }
0x7e: {  	_ =	shalt  }
0x7f: {  	_ =	shalt  }
0x80: {  	_ =	shalt  }
0x81: {  	_ =	shalt  }
0x82: {  	_ =	shalt  }
0x83: {  	_ =	shalt  }
0x84: {  	_ =	shalt  }
0x85: {  	_ =	shalt  }
0x86: {  	_ =	shalt  }
0x87: {  	_ =	shalt  }
.Lfunc_end0:
.L_simem_size_0:
called_computation_lowered:
.L_overlay_start_0:
0x88: {  	s2 =	sld [smem:$0x3FD9]  }
0x89: {  	s3 =	sld [smem:$0x3FFE];
	_ =	sdelay $0x1  }
0x8a: {  	s1 =	srdreg.scid  }
0x8b: {  	s0 =	sand.u32 $0x1, s1  }
0x8c: {  	s16 =	sshll.u32 s0, $0xA;
	s2 =	sadd.s32 s3, s2  }
0x8d: {  	s2 =	sadd.s32 s2, s16  }
0x8e: {  	[smem:$0x3FBE] =	sst s2  }
0x8f: {  	_ = 	snop  }
0x90: {  	(tm) =	ssettm $0x1  }
0x91: {  	s17 =	sld [smem:$0x3FFB];
	_ =	sdelay $0x3  }
0x92: {  	_ =	strace s17  }
0x93: {  	s2 =	sld [smem:$0x3FFC];
	_ =	sdelay $0x3  }
0x94: {  	_ =	strace s2  }
0x95: {  	s2 =	sld [smem:$0x3FFD];
	_ =	sdelay $0x3  }
0x96: {  	_ =	strace s2  }
0x97: {  	_ =	strace $0x8FFFFFFF  }
0x98: {  	s18 =	sld [smem:$0x3FDB];
	_ =	sdelay $0x1  }
0x99: {  	s19 =	simm.s32 $_scs_section_size  }
0x9a: {  	s4 =	simm.s32 $_size__tile_overlayer_lowered;
	s5 =	simm.s32 $_tile_overlayer_lowered  }
0x9b: {  	s22 =	simm.s32 $0x1BFF;
	s21 =	sshll.u32 s5, $0x1;
	s2 =	sadd.s32 s19, s18  }
0x9c: {  	s6 =	simm.s32 $0x0;
	s20 =	sshll.u32 s4, $0x1;
	s4 =	sadd.s32 s21, s2  }
0x9d: {  	[timem:s6], [sflag:s22] =	dma.local [hbm:s4], s20  }
0x9e: {  	_ =	swait.ge [sflag:s22], s20  }
0x9f: {  	s3 =	ssub.s32 $0x0, s20;
	[sflag:s22] =	ssyncset.done $0x0  }
0xa0: {  	[sflag:s22] =	ssyncadd.s32 s3;
	_ =	sdelay $0x1  }
0xa1: {  	s23 =	simm.s32 $0x1B8B  }
0xa2: {  	_ =	swait.ge [sflag:s23], $0x1  }
0xa3: {  	[sflag:s23] =	ssyncset.done $0x0  }
0xa4: {  	s25 =	simm.s32 $0x1B8E;
	s24 =	sld [smem:$0x3FFE];
	[sflag:s23] =	ssyncadd.s32 $0xFFFFFFFF  }
0xa5: {  	s26 =	simm.s32 $execute0_lowered;
	[smem:$0x3FD2] =	sst s25  }
0xa6: {  	s4 =	sshll.u32 s26, $0x1;
	_ =	strace $0x80000046;
	[dreg:$0x1] =	wrdreg $0xFFFFFFFF  }
0xa7: {  	s28 =	simm.s32 $_size_execute0_lowered;
	s2 =	sadd.s32 s2, s4;
	[dreg:$0x0] =	wrdreg $0x0  }
0xa8: {  	s4 =	sshll.u32 s28, $0x1;
	[dreg:$0x2] =	wrdreg s2  }
0xa9: {  	[dreg:$0x3] =	wrdreg s4  }
0xaa: {  	[dreg:$0x4] =	wrdreg $0xC0  }
0xab: {  	_ =	task [dreg:s6], $0x5FFFF  }
0xac: {  	[dreg:$0x1] =	wrdreg $0xFFFFFFFF  }
0xad: {  	[dreg:$0x0] =	wrdreg $0x60  }
0xae: {  	[dreg:$0x2] =	wrdreg s24  }
0xaf: {  	[dreg:$0x3] =	wrdreg $0x9  }
0xb0: {  	_ =	task.clear_ibuf [dreg:s6], $0x4FFFF;
	_ =	strace $0x90000046  }
0xb1: {  	s29 =	simm.s32 $0x9;
	_ =	strace $0x80000048  }
0xb2: {  	_ =	swait.ge [sflag:s29], $0x1  }
0xb3: {  	[sflag:s29] =	ssyncadd.s32 $0xFFFFFFFF  }
0xb4: {  	_ =	strace $0x90000048  }
0xb5: {  	_ =	sfence  }
0xb6: {  	s30 =	sld [smem:$0x0];
	_ =	sdelay $0x2  }
0xb7: {  	s31 =	sshll.u32 s1, $0xD;
	s1 =	sshrl.u32 s1, $0x2  }
0xb8: {  	s3 =	sand.u32 $0x4000, s31;
	s1 =	sadd.s32 s1, s30  }
0xb9: {  	s0 =	sor.u32 s3, s0;
	s1 =	sshll.u32 s1, $0x11  }
0xba: {  	s0 =	sor.u32 s1, s0  }
0xbb: {  	s0 =	sadd.s32 $0x8F2B, s0  }
0xbc: {  	[sflag:s0] =	ssyncadd.remote.s32 $0x1  }
0xbd: {  	_ =	sfence.sel $0xFFFF  }
0xbe: {  	[dreg:$0x0] =	wrdreg $0xFFFFFFFF;
	(pc) =	sbr.abs _section_cstart, $3  }
0xbf: {  	[dreg:$0x1] =	wrdreg $0xFFFFFFFF  }
0xc0: {  	_ =	task.clear_ibuf [dreg:s6], $0x2FFFF;
	_ =	strace $0x9FFFFFFF  }
0xc1: {  	(tm) =	ssettm $0x7FFFFFFF  }
tec
execute0_lowered:
.L_overlay_start_1:
0x0: {  	(tag) =	ssettag $0x1  }
0x1: {  	s0 =	srdreg.scid  }
0x2: {  	s2 =	stileid.u32;
	s1 =	sand.u32 $0x1, s0  }
0x3: {  	s2 =	sor.u32 s2, s1  }
0x4: {  	p0 =	sne.s32 s2, $0x0  }
.Ltmp0:
0x5: {  	_ = 	snop;
	(pc) =	sbr.rel @p0 .LBB2_11-.Ltmp0, $2  }
0x6: {  	_ =	sdelay $0x2  }
0x7: {  	s0 =	rddreg [dreg:$0x0];
	_ =	strace $0x80000047  }
0x8: {  	s2 =	sadd.s32 $0x2800, s0  }
0x9: {  	s25 =	sadd.s32 $0x2A00, s0;
	s26 =	sadd.s32 $0x2C00, s0;
	s29 =	sadd.s32 $0x2E00, s0  }
0xa: {  	s30 =	sadd.s32 $0x3400, s0;
	s7 =	sadd.s32 $0x3000, s0;
	s8 =	sadd.s32 $0x4000, s0  }
0xb: {  	s9 =	sadd.s32 $0x3A00, s0;
	s10 =	sadd.s32 $0x3C00, s0;
	s1 =	ssub.s32 $0x2, s1;
	v0 =	vimm.s32 $0x0;
	v1 =	vimm.s32 $0x8  }
0xc: {  	s11 =	sadd.s32 $0x3E00, s0;
	s12 =	sadd.s32 $0x3800, s0;
	v2 =	vimm.s32 $0x18;
	v3 =	vlaneseq.u32;
	v4 =	vimm.s32 $0x1;
	s14 =	simm.s32 $0x0  }
0xd: {  	s15 =	simm.s32 $0x1;
	v5 =	vimm.s32 $0x2;
	v6 =	vimm.s32 $0x3;
	v7 =	vimm.s32 $0x4;
	s19 =	simm.s32 $0x7180;
	[dreg:$0x2] =	wrdreg s2  }
0xe: {  	v8 =	vimm.s32 $0x5;
	v9 =	vimm.s32 $0x6;
	v10 =	vimm.s32 $0x7;
	s20 =	simm.s32 $0x7200;
	s21 =	simm.s32 $0x7280;
	[dreg:$0x3] =	wrdreg s25  }
0xf: {  	vm0 =	vcmask $0x704;
	vm1 =	vcmask $0xB08;
	vm2 =	vcmask $0xF0C;
	s22 =	simm.s32 $0x7100;
	s23 =	simm.s32 $0x3000;
	[dreg:$0x4] =	wrdreg s26  }
0x10: {  	vm3 =	vcmask $0x1310;
	vm4 =	vcmask $0x1714;
	vm5 =	vcmask $0x1B18;
	s24 =	simm.s32 $0x4800;
	[dreg:$0x5] =	wrdreg s29;
	s31 =	sshrl.u32 s1, $0x1  }
0x11: {  	vm6 =	vcmask $0x1F1C;
	v11 =	vimm.f32 $0.0e+00;
	s28 =	simm.s32 $0x0;
	[dreg:$0x6] =	wrdreg s30;
	v12 =	vor.u32 $0xFFFFF800, v3;
	s13 =	ssub.s32 s1, s31  }
.LBB2_2:
0x12: {  	s0 =	rddreg [dreg:$0x2]  }
0x13: {  	[tilespmem:s14], [sflag:$0x1] =	stream.linear.gather [hbm4b:s0+s14], $0x800, $0x38;
	[tilespmem:$0x7380] =	vst v63  }
0x14: {  	_ =	swait.ge [sflag:s15], $0x800  }
0x15: {  	[sflag:s15] =	ssyncset.done $0x0  }
0x16: {  	s1 =	simm.s32 $0x800;
	s16 =	rddreg [dreg:$0x3];
	[sflag:s15] =	ssyncadd.s32 $0xFFFFF800  }
0x17: {  	[tilespmem:s1], [sflag:$0x1] =	stream.linear.gather [hbm4b:s16+s14], $0x800, $0x38;
	[tilespmem:$0x7380] =	vst v63  }
0x18: {  	_ =	swait.ge [sflag:s15], $0x800  }
0x19: {  	[sflag:s15] =	ssyncset.done $0x0  }
0x1a: {  	s18 =	simm.s32 $0x1000;
	s17 =	rddreg [dreg:$0x4];
	[sflag:s15] =	ssyncadd.s32 $0xFFFFF800  }
0x1b: {  	[tilespmem:s18], [sflag:$0x1] =	stream.linear.gather [hbm4b:s17+s14], $0x800, $0x38;
	[tilespmem:$0x7380] =	vst v63  }
0x1c: {  	_ =	swait.ge [sflag:s15], $0x800  }
0x1d: {  	[sflag:s15] =	ssyncset.done $0x0  }
0x1e: {  	s26 =	simm.s32 $0x1800;
	s25 =	rddreg [dreg:$0x5];
	[sflag:s15] =	ssyncadd.s32 $0xFFFFF800  }
0x1f: {  	[tilespmem:s26], [sflag:$0x1] =	stream.linear.gather [hbm4b:s25+s14], $0x800, $0x38;
	[tilespmem:$0x7380] =	vst v63  }
0x20: {  	_ =	swait.ge [sflag:s15], $0x800  }
0x21: {  	[sflag:s15] =	ssyncset.done $0x0  }
0x22: {  	s29 =	simm.s32 $0x0;
	[sflag:s15] =	ssyncadd.s32 $0xFFFFF800  }
0x23: {  	v13 =	vld [tilespmem:s29+$0x0];
	_ =	sdelay $0x4  }
0x24: {  	vm7 =	veq.s32 v13, $0x7  }
0x25: {  	vm12 =	veq.s32 v13, $0x0;
	v14 =	vsel vm7, $0x1, v0  }
0x26: {  	vm9 =	veq.s32 v13, $0x1;
	v15 =	vsel vm12, $0x1, v0;
	(xrf0) =	vadd.scan.msk.s32 $0xffff, v14  }
0x27: {  	vm10 =	veq.s32 v13, $0x2;
	v14 =	vsel vm9, $0x1, v0;
	(xrf0) =	vadd.scan.msk.s32 $0xffff, v15  }
0x28: {  	vm8 =	veq.s32 v13, $0x3;
	v15 =	vsel vm10, $0x1, v0;
	(xrf0) =	vadd.scan.msk.s32 $0xffff, v14  }
0x29: {  	vm11 =	veq.s32 v13, $0x4;
	v14 =	vsel vm8, $0x1, v0;
	(xrf0) =	vadd.scan.msk.s32 $0xffff, v15  }
0x2a: {  	(xrf0) =	vadd.scan.msk.s32 $0xffff, v14;
	v14 =	vsel vm11, $0x1, v0;
	_ =	sdelay $0x2  }
0x2b: {  	v16 =	vmov s14;
	(xrf0) =	vadd.scan.msk.s32 $0xffff, v14;
	v14, _, _ =	vpop (xrf0)  }
0x2c: {  	v15, _, _ =	vpop (xrf0);
	(v2sf) =	vpush v14, $0xF  }
0x2d: {  	vm13 =	veq.s32 v13, $0x5;
	(v2sf) =	vpush v15, $0xF;
	v18, _, _ =	vpop (xrf0)  }
0x2e: {  	vm14 =	veq.s32 v13, $0x6;
	v13 =	vadd.s32 $0xFFFFFFFF, v16;
	(v2sf) =	vpush v18, $0xF;
	v16, _, _ =	vpop (xrf0)  }
0x2f: {  	(v2sf) =	vpush v16, $0xF;
	v19, _, _ =	vpop (xrf0)  }
0x30: {  	v17 =	vsel vm13, $0x1, v0;
	v13 =	vbroadcast v13, $0x0;
	(v2sf) =	vpush v19, $0xF  }
0x31: {  	(xrf0) =	vadd.scan.msk.s32 $0xffff, v17;
	v17 =	vsel vm14, $0x1, v0  }
0x32: {  	v15 =	vadd.s32 v15, v13;
	(xrf0) =	vadd.scan.msk.s32 $0xffff, v17  }
0x33: {  	v15 =	vnsel vm12, $0x0, v15;
	v18 =	vadd.s32 v18, v13  }
0x34: {  	s30 =	simm.s32 $0x10;
	v15 =	vsel vm9, v18, v15;
	v16 =	vadd.s32 v16, v13  }
0x35: {  	v17, _, _ =	vpop (xrf0);
	v15 =	vsel vm10, v16, v15;
	v16 =	vadd.s32 v19, v13;
	v19 =	vld [tilespmem:s30+$0x0]  }
0x36: {  	(v2sf) =	vpush v17, $0xF  }
0x37: {  	v15 =	vsel vm8, v16, v15;
	v18, _, _ =	vpop (xrf0)  }
0x38: {  	v16 =	vadd.s32 v17, v13;
	vm8 =	vmmov vm7;
	(v2sf) =	vpush v18, $0xF;
	v17, _, _ =	vpop (xrf0)  }
0x39: {  	v15 =	vsel vm11, v16, v15;
	v16 =	vadd.s32 v18, v13;
	(v2sf) =	vpush v17, $0xF  }
0x3a: {  	v15 =	vsel vm13, v16, v15;
	v16 =	vadd.s32 v17, v13;
	vm7 =	veq.s32 v19, $0x7  }
0x3b: {  	v13 =	vadd.s32 v14, v13;
	vm15 =	veq.s32 v19, $0x0;
	v17 =	vsel vm7, $0x1, v0;
	s2 =	spop (v2sf)  }
0x3c: {  	v14 =	vsel vm14, v16, v15;
	vm14 =	veq.s32 v19, $0x1;
	v15 =	vsel vm15, $0x1, v0;
	(xrf0) =	vadd.scan.msk.s32 $0xffff, v17;
	s3 =	spop (v2sf)  }
0x3d: {  	vm13 =	veq.s32 v19, $0x2;
	v16 =	vsel vm14, $0x1, v0;
	(xrf0) =	vadd.scan.msk.s32 $0xffff, v15;
	s16 =	sadd.s32 $0x0, s3;
	s4 =	spop (v2sf)  }
0x3e: {  	vm12 =	veq.s32 v19, $0x3;
	v17 =	vsel vm13, $0x1, v0;
	(xrf0) =	vadd.scan.msk.s32 $0xffff, v16;
	v16 =	vmov s16;
	s17 =	sadd.s32 $0x0, s4;
	s5 =	spop (v2sf)  }
0x3f: {  	v18 =	vsel vm12, $0x1, v0;
	(xrf0) =	vadd.scan.msk.s32 $0xffff, v17;
	v16 =	vadd.s32 $0xFFFFFFFF, v16;
	v17 =	vmov s17;
	s6 =	spop (v2sf)  }
0x40: {  	(xrf0) =	vadd.scan.msk.s32 $0xffff, v18;
	v18 =	vbroadcast v16, $0x0;
	v16 =	vadd.s32 $0xFFFFFFFF, v17;
	s0 =	sadd.s32 $0x0, s6  }
0x41: {  	vm9 =	veq.s32 v19, $0x4;
	vm11 =	veq.s32 v19, $0x5;
	v22 =	vmov s0  }
0x42: {  	vm10 =	veq.s32 v19, $0x6;
	v20 =	vsel vm9, $0x1, v0;
	v19 =	vsel vm11, $0x1, v0;
	s1 =	sadd.s32 $0x0, s2  }
0x43: {  	v21 =	vsel vm10, $0x1, v0;
	(xrf0) =	vadd.scan.msk.s32 $0xffff, v20;
	v15 =	vmov s1;
	s18 =	sadd.s32 $0x0, s5;
	v20 =	vbroadcast v16, $0x0;
	v16, _, _ =	vpop (xrf0)  }
0x44: {  	(xrf0) =	vadd.scan.msk.s32 $0xffff, v19;
	v15 =	vadd.s32 $0xFFFFFFFF, v15;
	v17 =	vmov s18;
	v19 =	vadd.s32 $0xFFFFFFFF, v22;
	v22, _, _ =	vpop (xrf0)  }
0x45: {  	s2 =	spop (v2sf);
	v17 =	vadd.s32 $0xFFFFFFFF, v17;
	(xrf0) =	vadd.scan.msk.s32 $0xffff, v21;
	(v2sf) =	vpush v16, $0xF;
	v18 =	vadd.s32 v22, v18  }
0x46: {  	s31 =	sadd.s32 $0x0, s2;
	v17 =	vbroadcast v17, $0x0;
	(v2sf) =	vpush v22, $0xF;
	v22, _, _ =	vpop (xrf0);
	v18 =	vnsel vm15, $0x0, v18  }
0x47: {  	v21 =	vmov s31;
	s25 =	spop (v2sf);
	v20 =	vadd.s32 v22, v20;
	(v2sf) =	vpush v22, $0xF;
	v22, _, _ =	vpop (xrf0)  }
0x48: {  	v24 =	vbroadcast v19, $0x0;
	s25 =	sadd.s32 $0x0, s25;
	v19 =	vadd.s32 $0xFFFFFFFF, v21;
	(v2sf) =	vpush v22, $0xF;
	v25, _, _ =	vpop (xrf0)  }
0x49: {  	s26 =	spop (v2sf);
	v21 =	vmov s25;
	v23 =	vsel vm14, v20, v18;
	(v2sf) =	vpush v25, $0xF;
	v18, _, _ =	vpop (xrf0)  }
0x4a: {  	s26 =	sadd.s32 $0x0, s26;
	v26 =	vadd.s32 v22, v17;
	v20 =	vbroadcast v19, $0x0;
	(v2sf) =	vpush v18, $0xF;
	v17, _, _ =	vpop (xrf0)  }
0x4b: {  	v22 =	vadd.s32 $0xFFFFFFFF, v21;
	v21 =	vmov s26;
	(v2sf) =	vpush v17, $0xF;
	v19, _, _ =	vpop (xrf0)  }
0x4c: {  	s3 =	simm.s32 $0xC0;
	s2 =	simm.s32 $0x20;
	v23 =	vsel vm13, v26, v23;
	v24 =	vadd.s32 v25, v24;
	(v2sf) =	vpush v19, $0xF  }
.LBB2_3:
0x4d: {  	p0 =	sne.s32 s3, $0x3FC0;
	v25 =	vld [tilespmem:s2+$0x0];
	v23 =	vsel vm12, v24, v23;
	v22 =	vbroadcast v22, $0x0;
	v21 =	vadd.s32 $0xFFFFFFFF, v21  }
0x4e: {  	v18 =	vadd.s32 v18, v20;
	v15 =	vbroadcast v15, $0x0;
	v20 =	vbroadcast v21, $0x0  }
0x4f: {  	v14 =	vsel vm8, v13, v14;
	v18 =	vsel vm9, v18, v23;
	v17 =	vadd.s32 v17, v22  }
0x50: {  	v13 =	vadd.s32 v16, v15;
	v17 =	vsel vm11, v17, v18;
	v18 =	vadd.s32 v19, v20;
	[tilespmem:s29+$0x2000] =	vst v14;
	s29 =	smov.u32 s30;
	s30 =	smov.u32 s2  }
0x51: {  	vm8 =	vmmov vm7;
	v14 =	vsel vm10, v18, v17  }
0x52: {  	vm15 =	veq.s32 v25, $0x0;
	vm14 =	veq.s32 v25, $0x1;
	vm7 =	veq.s32 v25, $0x7  }
0x53: {  	v15 =	vsel vm15, $0x1, v0;
	v16 =	vsel vm14, $0x1, v0;
	v17 =	vsel vm7, $0x1, v0  }
0x54: {  	vm13 =	veq.s32 v25, $0x2;
	vm12 =	veq.s32 v25, $0x3;
	vm9 =	veq.s32 v25, $0x4;
	(xrf0) =	vadd.scan.msk.s32 $0xffff, v17;
	s2 =	spop (v2sf)  }
0x55: {  	v18 =	vsel vm12, $0x1, v0;
	v19 =	vsel vm9, $0x1, v0;
	v17 =	vsel vm13, $0x1, v0;
	(xrf0) =	vadd.scan.msk.s32 $0xffff, v15;
	s1 =	sadd.s32 s1, s2;
	s2 =	spop (v2sf)  }
0x56: {  	vm11 =	veq.s32 v25, $0x5;
	vm10 =	veq.s32 v25, $0x6;
	v15 =	vmov s1;
	(xrf0) =	vadd.scan.msk.s32 $0xffff, v16;
	s16 =	sadd.s32 s16, s2;
	s2 =	spop (v2sf)  }
0x57: {  	v20 =	vsel vm11, $0x1, v0;
	v21 =	vsel vm10, $0x1, v0;
	v16 =	vmov s16;
	(xrf0) =	vadd.scan.msk.s32 $0xffff, v17;
	s17 =	sadd.s32 s17, s2;
	s2 =	spop (v2sf)  }
0x58: {  	v15 =	vadd.s32 $0xFFFFFFFF, v15;
	v22 =	vadd.s32 $0xFFFFFFFF, v16;
	v17 =	vmov s17;
	(xrf0) =	vadd.scan.msk.s32 $0xffff, v18;
	s18 =	sadd.s32 s18, s2;
	s2 =	spop (v2sf)  }
0x59: {  	v18 =	vbroadcast v22, $0x0;
	v23 =	vadd.s32 $0xFFFFFFFF, v17;
	v17 =	vmov s18;
	(xrf0) =	vadd.scan.msk.s32 $0xffff, v19;
	s0 =	sadd.s32 s0, s2;
	s2 =	spop (v2sf)  }
0x5a: {  	v19 =	vbroadcast v23, $0x0;
	v17 =	vadd.s32 $0xFFFFFFFF, v17;
	v23 =	vmov s0;
	(xrf0) =	vadd.scan.msk.s32 $0xffff, v20;
	v16, _, _ =	vpop (xrf0);
	s31 =	sadd.s32 s31, s2;
	s2 =	spop (v2sf)  }
0x5b: {  	v17 =	vbroadcast v17, $0x0;
	v20 =	vadd.s32 $0xFFFFFFFF, v23;
	v22, _, _ =	vpop (xrf0);
	(xrf0) =	vadd.scan.msk.s32 $0xffff, v21;
	(v2sf) =	vpush v16, $0xF;
	s25 =	sadd.s32 s25, s2;
	s2 =	spop (v2sf)  }
0x5c: {  	v21 =	vmov s31;
	v18 =	vadd.s32 v22, v18;
	(v2sf) =	vpush v22, $0xF;
	v22, _, _ =	vpop (xrf0);
	s26 =	sadd.s32 s26, s2  }
0x5d: {  	v26 =	vnsel vm15, $0x0, v18;
	v19 =	vadd.s32 v22, v19;
	(v2sf) =	vpush v22, $0xF;
	v22, _, _ =	vpop (xrf0)  }
.Ltmp1:
0x5e: {  	v24 =	vbroadcast v20, $0x0;
	v20 =	vadd.s32 $0xFFFFFFFF, v21;
	(v2sf) =	vpush v22, $0xF;
	v25, _, _ =	vpop (xrf0);
	(pc) =	sbr.rel @p0 .LBB2_3-.Ltmp1, $4  }
0x5f: {  	v27 =	vmov s25;
	v23 =	vsel vm14, v19, v26;
	(v2sf) =	vpush v25, $0xF;
	v18, _, _ =	vpop (xrf0)  }
0x60: {  	v20 =	vbroadcast v20, $0x0;
	v26 =	vadd.s32 v22, v17;
	(v2sf) =	vpush v18, $0xF;
	v17, _, _ =	vpop (xrf0)  }
0x61: {  	v21 =	vmov s26;
	v22 =	vadd.s32 $0xFFFFFFFF, v27;
	(v2sf) =	vpush v17, $0xF;
	v19, _, _ =	vpop (xrf0)  }
0x62: {  	s2 =	sshra.s32 s3, $0x2;
	s3 =	sadd.s32 $0x40, s3;
	v23 =	vsel vm13, v26, v23;
	v24 =	vadd.s32 v25, v24;
	(v2sf) =	vpush v19, $0xF  }
0x63: {  	v25 =	vld [tilespmem:s2+$0x0];
	_ =	sdelay $0x4  }
0x64: {  	vm13 =	veq.s32 v25, $0x7  }
0x65: {  	vm14 =	veq.s32 v25, $0x0;
	v26 =	vsel vm13, $0x1, v0  }
0x66: {  	v32 =	vsel vm14, $0x1, v0;
	(xrf0) =	vadd.scan.msk.s32 $0xffff, v26  }
0x67: {  	v23 =	vsel vm12, v24, v23;
	v22 =	vbroadcast v22, $0x0;
	(xrf0) =	vadd.scan.msk.s32 $0xffff, v32  }
0x68: {  	v21 =	vadd.s32 $0xFFFFFFFF, v21;
	v18 =	vadd.s32 v18, v20;
	vm12 =	veq.s32 v25, $0x1  }
0x69: {  	v15 =	vbroadcast v15, $0x0;
	v13 =	vsel vm8, v13, v14;
	v34 =	vsel vm12, $0x1, v0  }
0x6a: {  	vm7 =	vmmov vm7;
	v33 =	vbroadcast v21, $0x0;
	v18 =	vsel vm9, v18, v23;
	(xrf0) =	vadd.scan.msk.s32 $0xffff, v34  }
0x6b: {  	v17 =	vadd.s32 v17, v22;
	v15 =	vadd.s32 v16, v15;
	vm9 =	veq.s32 v25, $0x2  }
0x6c: {  	v14 =	vsel vm11, v17, v18;
	v35 =	vadd.s32 v19, v33;
	v36 =	vsel vm9, $0x1, v0;
	v37, _, _ =	vpop (xrf0)  }
0x6d: {  	v14 =	vsel vm10, v35, v14;
	vm11 =	veq.s32 v25, $0x3;
	s3 =	spop (v2sf);
	(xrf0) =	vadd.scan.msk.s32 $0xffff, v36;
	v38, _, _ =	vpop (xrf0);
	(v2sf) =	vpush v37, $0xF  }
0x6e: {  	vm10 =	veq.s32 v25, $0x4;
	vm15 =	veq.s32 v25, $0x5;
	s4 =	spop (v2sf);
	(v2sf) =	vpush v38, $0xF  }
0x6f: {  	vm8 =	veq.s32 v25, $0x6;
	v39 =	vsel vm11, $0x1, v0;
	v40 =	vsel vm10, $0x1, v0;
	s1 =	sadd.s32 s1, s3  }
0x70: {  	v43 =	vsel vm15, $0x1, v0;
	v47 =	vsel vm8, $0x1, v0;
	s6 =	sadd.s32 s16, s4;
	s16 =	spop (v2sf);
	v41 =	vmov s1;
	(xrf0) =	vadd.scan.msk.s32 $0xffff, v39;
	v44, _, _ =	vpop (xrf0)  }
0x71: {  	v42 =	vmov s6;
	s5 =	sadd.s32 s17, s16;
	s17 =	spop (v2sf);
	v20 =	vadd.s32 $0xFFFFFFFF, v41;
	(v2sf) =	vpush v44, $0xF  }
0x72: {  	v21 =	vadd.s32 $0xFFFFFFFF, v42;
	v45 =	vmov s5;
	s4 =	sadd.s32 s18, s17;
	s18 =	spop (v2sf);
	v20 =	vbroadcast v20, $0x0  }
0x73: {  	v21 =	vbroadcast v21, $0x0;
	v23 =	vadd.s32 $0xFFFFFFFF, v45;
	v46 =	vmov s4;
	s3 =	spop (v2sf);
	(xrf0) =	vadd.scan.msk.s32 $0xffff, v40;
	v48, _, _ =	vpop (xrf0)  }
0x74: {  	s18 =	sadd.s32 s0, s18;
	v23 =	vbroadcast v23, $0x0;
	v24 =	vadd.s32 $0xFFFFFFFF, v46;
	s17 =	sadd.s32 s31, s3;
	(v2sf) =	vpush v48, $0xF  }
0x75: {  	v49 =	vmov s18;
	s16 =	spop (v2sf);
	v24 =	vbroadcast v24, $0x0;
	v50 =	vmov s17  }
0x76: {  	s3 =	sadd.s32 s25, s16;
	v16 =	vadd.s32 v38, v21;
	v21 =	vadd.s32 $0xFFFFFFFF, v49;
	v53 =	vadd.s32 $0xFFFFFFFF, v50;
	(xrf0) =	vadd.scan.msk.s32 $0xffff, v43;
	v51, _, _ =	vpop (xrf0)  }
0x77: {  	s25 =	spop (v2sf);
	v54 =	vmov s3;
	v16 =	vnsel vm14, $0x0, v16;
	(xrf0) =	vadd.scan.msk.s32 $0xffff, v47;
	(v2sf) =	vpush v51, $0xF  }
0x78: {  	s0 =	sadd.s32 s26, s25;
	v18 =	vadd.s32 v44, v23;
	v52 =	vbroadcast v21, $0x0;
	v21 =	vbroadcast v53, $0x0  }
0x79: {  	v57 =	vmov s0;
	v16 =	vsel vm12, v18, v16;
	v18 =	vadd.s32 $0xFFFFFFFF, v54;
	v55, _, _ =	vpop (xrf0)  }
0x7a: {  	v58 =	vadd.s32 $0xFFFFFFFF, v57;
	v22 =	vadd.s32 v48, v24;
	(v2sf) =	vpush v55, $0xF  }
0x7b: {  	v18 =	vbroadcast v18, $0x0;
	v16 =	vsel vm9, v22, v16;
	v19 =	vadd.s32 v51, v52  }
0x7c: {  	v60 =	vbroadcast v58, $0x0;
	v56, _, _ =	vpop (xrf0);
	v16 =	vsel vm11, v19, v16;
	v59 =	vadd.s32 v55, v21;
	s16 =	spop (v2sf)  }
0x7d: {  	(v2sf) =	vpush v56, $0xF;
	v16 =	vsel vm10, v59, v16;
	v18 =	vadd.s32 v56, v18;
	v61, _, _ =	vpop (xrf0);
	s26 =	spop (v2sf)  }
0x7e: {  	v14 =	vsel vm7, v15, v14;
	v15 =	vsel vm15, v18, v16;
	v62 =	vadd.s32 v61, v60;
	s6 =	sadd.s32 s6, s26  }
0x7f: {  	[tilespmem:s29+$0x2000] =	vst v13;
	vm7 =	vmmov vm13;
	v13 =	vadd.s32 v37, v20;
	v15 =	vsel vm8, v62, v15;
	s25 =	sadd.s32 $0xFF, s6  }
0x80: {  	[tilespmem:s30+$0x2000] =	vst v14;
	(v2sf) =	vpush v61, $0xF;
	v13 =	vsel vm7, v13, v15;
	s30 =	spop (v2sf);
	s31 =	sshra.s32 s25, $0x8  }
0x81: {  	[tilespmem:s2+$0x2000] =	vst v13;
	s5 =	sadd.s32 s5, s30;
	v13 =	vmov s31  }
0x82: {  	[tilespmem:$0x7180] =	vst v1;
	s5 =	sadd.s32 $0xFF, s5;
	vm7 =	vgt.s32 v13, v3  }
0x83: {  	[tilespmem:$0x7190] =	vst v1;
	s2 =	sshra.s32 s5, $0x8;
	s6 =	spop (v2sf)  }
0x84: {  	[tilespmem:$0x7200] =	vst v0;
	v13 =	vmov s2;
	s4 =	sadd.s32 s4, s6  }
0x85: {  	[tilespmem:$0x7210] =	vst v0;
	vm8 =	vgt.s32 v13, v3;
	s4 =	sadd.s32 $0xFF, s4  }
0x86: {  	[tilespmem:$0x7280] =	vst v2;
	s29 =	spop (v2sf);
	v13 =	vadd.s32 s31, v3;
	s4 =	sshra.s32 s4, $0x8  }
0x87: {  	[tilespmem:$0x7290] =	vst v2;
	s5 =	sadd.s32 s18, s29;
	v14 =	vmov s4  }
0x88: {  	s2 =	sadd.s32 s31, s2;
	s5 =	sadd.s32 $0xFF, s5;
	vm14 =	vgt.s32 v14, v3;
	[tilespmem:v3+s19+$0x0] =	vst.idx.msk vm7, v0  }
0x89: {  	s30 =	spop (v2sf);
	s5 =	sshra.s32 s5, $0x8;
	v14 =	vadd.s32 s2, v3;
	[tilespmem:v3+s20+$0x0] =	vst.idx.msk vm7, v3  }
0x8a: {  	s6 =	sadd.s32 s17, s30;
	v15 =	vmov s5;
	[tilespmem:v3+s21+$0x0] =	vst.idx.msk vm7, v3  }
0x8b: {  	s4 =	sadd.s32 s4, s2;
	s6 =	sadd.s32 $0xFF, s6;
	vm7 =	vgt.s32 v15, v3;
	[tilespmem:v13+s19+$0x0] =	vst.idx.msk vm8, v4  }
0x8c: {  	s31 =	spop (v2sf);
	s6 =	sshra.s32 s6, $0x8;
	v15 =	vadd.s32 s4, v3;
	[tilespmem:v13+s20+$0x0] =	vst.idx.msk vm8, v13  }
0x8d: {  	s3 =	sadd.s32 s3, s31;
	[tilespmem:v13+s21+$0x0] =	vst.idx.msk vm8, v13;
	v13 =	vmov s6  }
0x8e: {  	s5 =	sadd.s32 s5, s4;
	s3 =	sadd.s32 $0xFF, s3;
	[tilespmem:v14+s19+$0x0] =	vst.idx.msk vm14, v5;
	vm8 =	vgt.s32 v13, v3  }
0x8f: {  	s18 =	spop (v2sf);
	s3 =	sshra.s32 s3, $0x8;
	v13 =	vadd.s32 s5, v3;
	[tilespmem:v14+s20+$0x0] =	vst.idx.msk vm14, v14  }
0x90: {  	s0 =	sadd.s32 s0, s18;
	[tilespmem:v14+s21+$0x0] =	vst.idx.msk vm14, v14;
	v14 =	vmov s3  }
0x91: {  	s0 =	sadd.s32 $0xFF, s0;
	s6 =	sadd.s32 s6, s5;
	[tilespmem:v15+s19+$0x0] =	vst.idx.msk vm7, v6;
	vm15 =	vgt.s32 v14, v3  }
0x92: {  	s0 =	sshra.s32 s0, $0x8;
	v14 =	vadd.s32 s6, v3;
	[tilespmem:v15+s20+$0x0] =	vst.idx.msk vm7, v15  }
0x93: {  	s1 =	sadd.s32 s1, s16;
	[tilespmem:v15+s21+$0x0] =	vst.idx.msk vm7, v15;
	v15 =	vmov s0  }
0x94: {  	s1 =	sadd.s32 $0xFF, s1;
	s3 =	sadd.s32 s3, s6;
	[tilespmem:v13+s19+$0x0] =	vst.idx.msk vm8, v7;
	vm7 =	vgt.s32 v15, v3  }
0x95: {  	s1 =	sshra.s32 s1, $0x8;
	v15 =	vadd.s32 s3, v3;
	[tilespmem:v13+s20+$0x0] =	vst.idx.msk vm8, v13  }
0x96: {  	[tilespmem:v13+s21+$0x0] =	vst.idx.msk vm8, v13;
	v13 =	vmov s1  }
0x97: {  	s25 =	sand.u32 $0xFFFFFF00, s25;
	s0 =	sadd.s32 s0, s3;
	[tilespmem:v14+s19+$0x0] =	vst.idx.msk vm15, v8;
	vm8 =	vgt.s32 v13, v3  }
0x98: {  	v63 =	vmov s25;
	v13 =	vadd.s32 s0, v3;
	[tilespmem:v14+s20+$0x0] =	vst.idx.msk vm15, v14  }
0x99: {  	s2 =	sshll.u32 s2, $0x8;
	[tilespmem:v14+s21+$0x0] =	vst.idx.msk vm15, v14;
	v14 =	vnsel vm0, $0x0, v63  }
0x9a: {  	s4 =	sshll.u32 s4, $0x8;
	[tilespmem:v15+s19+$0x0] =	vst.idx.msk vm7, v9;
	v14 =	vsel vm1, s2, v14  }
0x9b: {  	s26 =	sshll.u32 s5, $0x8;
	[tilespmem:v15+s20+$0x0] =	vst.idx.msk vm7, v15;
	v14 =	vsel vm2, s4, v14  }
0x9c: {  	s29 =	sshll.u32 s6, $0x8;
	[tilespmem:v15+s21+$0x0] =	vst.idx.msk vm7, v15;
	v14 =	vsel vm3, s26, v14  }
0x9d: {  	s30 =	sshll.u32 s3, $0x8;
	[tilespmem:v13+s19+$0x0] =	vst.idx.msk vm8, v10;
	v14 =	vsel vm4, s29, v14  }
0x9e: {  	s31 =	sshll.u32 s0, $0x8;
	s0 =	sadd.s32 s1, s0;
	[tilespmem:v13+s20+$0x0] =	vst.idx.msk vm8, v13;
	v14 =	vsel vm5, s30, v14  }
0x9f: {  	s0 =	sshll.u32 s0, $0x8;
	[tilespmem:v13+s21+$0x0] =	vst.idx.msk vm8, v13;
	v13 =	vsel vm6, s31, v14  }
0xa0: {  	[tilespmem:$0x7100] =	vst v13;
	v13 =	vmov s0  }
0xa1: {  	s1 =	simm.s32 $0x40;
	s2 =	simm.s32 $0x0;
	s0 =	simm.s32 $0x0;
	[tilespmem:$0x7300] =	vst v13  }
.LBB2_5:
0xa2: {  	p0 =	sne.s32 s1, $0x5FC0;
	[tilespmem:s2+$0x3000] =	vst v0;
	s2 =	smov.u32 s1;
	s1 =	sadd.s32 $0x40, s1  }
.Ltmp2:
0xa3: {  	(pc) =	sbr.rel @p0 .LBB2_5-.Ltmp2, $2  }
0xa4: {  	_ =	sdelay $0x2  }
0xa5: {  	s2 =	sshra.s32 s2, $0x2  }
0xa6: {  	[tilespmem:s2+$0x3000] =	vst v0  }
.LBB2_7:
0xa7: {  	p0 =	sne.s32 s0, $0x63C0  }
.Ltmp3:
0xa8: {  	_ = 	snop;
	(pc) =	sbr.rel @p0 .LBB2_7-.Ltmp3, $3  }
0xa9: {  	_ =	sdelay $0x1  }
0xaa: {  	s1 =	sshra.s32 s0, $0x2  }
0xab: {  	s0 =	sadd.s32 $0x40, s0;
	[tilespmem:s1+$0x4800] =	vst v11  }
0xac: {  	s0 =	simm.s32 $0x0;
	s1 =	simm.s32 $0x2000  }
0xad: {  	s2 =	simm.s32 $0x1000;
	s3 =	simm.s32 $0x6100;
	s4 =	simm.s32 $0x0  }
.LBB2_9:
0xae: {  	v13 =	vld [tilespmem:s0+$0x0];
	_ =	sdelay $0x6  }
0xaf: {  	v14 =	vld [tilespmem:s1+$0x0]  }
0xb0: {  	v13 =	vld.idx.msk [tilespmem:v13+s22+$0x0], $0xffff;
	_ =	sdelay $0x4  }
0xb1: {  	v13 =	vadd.s32 v14, v13;
	_ =	sdelay $0x1  }
0xb2: {  	v14 =	vmov s4  }
0xb3: {  	v15 =	vor.u32 s4, v3;
	vm7 =	vgt.u32 v14, $0x7FF;
	v14 =	vadd.s32 s4, v12  }
0xb4: {  	v14 =	vsel vm7, v14, v15  }
0xb5: {  	[tilespmem:v13+s23+$0x0] =	vst.idx.msk $0xffff, v14  }
0xb6: {  	v14 =	vld [tilespmem:s2+$0x0]  }
0xb7: {  	p0 =	sne.s32 s4, $0xFF0  }
.Ltmp4:
0xb8: {  	_ = 	snop;
	(pc) =	sbr.rel @p0 .LBB2_9-.Ltmp4, $3  }
0xb9: {  	_ =	sdelay $0x1  }
0xba: {  	s0 =	sadd.s32 $0x10, s0;
	s1 =	sadd.s32 $0x10, s1;
	[tilespmem:v13+s24+$0x0] =	vst.idx.msk $0xffff, v14  }
0xbb: {  	s4 =	sadd.s32 $0x10, s4;
	s2 =	sadd.s32 $0x10, s2;
	[tilespmem:s3+$0x0] =	vst v13;
	s3 =	sadd.s32 $0x10, s3  }
0xbc: {  	s0 =	rddreg [dreg:$0x6]  }
0xbd: {  	[hbm4b:s0+s14] =	stream.linear.scatter [tilespmem:s23], [sflag:$0x1], $0x1800, $0x38;
	[tilespmem:$0x7380] =	vst v63  }
0xbe: {  	_ =	swait.ge [sflag:s15], $0x1800  }
0xbf: {  	[sflag:s15] =	ssyncset.done $0x0  }
0xc0: {  	[sflag:s15] =	ssyncadd.s32 $0xFFFFE800  }
0xc1: {  	[hbm4b:s7+s14] =	stream.linear.scatter [tilespmem:s24], [sflag:$0x1], $0x1900, $0x38;
	[tilespmem:$0x7380] =	vst v63  }
0xc2: {  	_ =	swait.ge [sflag:s15], $0x1900  }
0xc3: {  	[sflag:s15] =	ssyncset.done $0x0  }
0xc4: {  	s30 =	simm.s32 $0x6100;
	[sflag:s15] =	ssyncadd.s32 $0xFFFFE700  }
0xc5: {  	[hbm4b:s8+s14] =	stream.linear.scatter [tilespmem:s30], [sflag:$0x1], $0x1000, $0x38;
	[tilespmem:$0x7380] =	vst v63  }
0xc6: {  	_ =	swait.ge [sflag:s15], $0x1000  }
0xc7: {  	[sflag:s15] =	ssyncset.done $0x0  }
0xc8: {  	[sflag:s15] =	ssyncadd.s32 $0xFFFFF000  }
0xc9: {  	[hbm4b:s9+s14] =	stream.linear.scatter [tilespmem:s19], [sflag:$0x1], $0x80, $0x38;
	[tilespmem:$0x7380] =	vst v63  }
0xca: {  	_ =	swait.ge [sflag:s15], $0x80  }
0xcb: {  	[sflag:s15] =	ssyncset.done $0x0  }
0xcc: {  	[sflag:s15] =	ssyncadd.s32 $0xFFFFFF80  }
0xcd: {  	[hbm4b:s10+s14] =	stream.linear.scatter [tilespmem:s20], [sflag:$0x1], $0x80, $0x38;
	[tilespmem:$0x7380] =	vst v63  }
0xce: {  	_ =	swait.ge [sflag:s15], $0x80  }
0xcf: {  	[sflag:s15] =	ssyncset.done $0x0  }
0xd0: {  	[sflag:s15] =	ssyncadd.s32 $0xFFFFFF80  }
0xd1: {  	[hbm4b:s11+s14] =	stream.linear.scatter [tilespmem:s21], [sflag:$0x1], $0x80, $0x38;
	[tilespmem:$0x7380] =	vst v63  }
0xd2: {  	s28 =	sadd.s32 $0x1, s28;
	_ =	swait.ge [sflag:s15], $0x80  }
0xd3: {  	p0 =	sne.s32 s28, s13;
	[sflag:s15] =	ssyncset.done $0x0  }
.Ltmp5:
0xd4: {  	s31 =	simm.s32 $0x7300;
	[sflag:s15] =	ssyncadd.s32 $0xFFFFFF80;
	(pc) =	sbr.rel @p0 .LBB2_2-.Ltmp5, $4  }
0xd5: {  	[hbm4b:s12+s14] =	stream.linear.scatter [tilespmem:s31], [sflag:$0x1], $0x80, $0x38;
	[tilespmem:$0x7380] =	vst v63  }
0xd6: {  	_ =	swait.ge [sflag:s15], $0x80  }
0xd7: {  	[sflag:s15] =	ssyncset.done $0x0  }
0xd8: {  	[sflag:s15] =	ssyncadd.s32 $0xFFFFFF80  }
.LBB2_11:
0xd9: {  	_ =	sfence.sel $0x180000  }
0xda: {  	[bflag:$0x0] =	sbarrier.arrive $0xFFFF  }
0xdb: {  	_ =	strace $0x90000047  }
0xdc: {  	s0 =	stileid.u32;
	[bflag:$0x2] =	sbarrier.arrive $0xFFFF  }
0xdd: {  	p0 =	sne.s32 s0, $0x0;
	s0 =	rddreg [dreg:$0x1]  }
0xde: {  	s0 =	sadd.s32 @!p0 $0x100000, s0  }
0xdf: {  	[sflag:s0] =	ssyncadd.tile.s32 @!p0 $0x1;
	_ =	shalt  }
.Lfunc_end2:
_tile_overlayer_lowered:
.L_overlay_start_2:
0xe0: {  	(tag) =	ssettag $0x2  }
0xe1: {  	s0 =	rddreg [dreg:$0x0];
	s2 =	stileid.u32  }
0xe2: {  	s1 =	rddreg [dreg:$0x1];
	p0 =	sne.s32 s2, $0x0  }
0xe3: {  	s3 =	rddreg [dreg:$0x2];
	[bflag:$0x3] =	sbarrier.arrive $0xFFFF;
	s2 =	simm.s32 @!p0 $0x1C01  }
0xe4: {  	[timem:s3], [sflag:s2] =	dma.local @!p0 [hbm:s0], s1  }
0xe5: {  	s0 =	simm.s32 @!p0 $0x1  }
0xe6: {  	_ =	swait.ge @!p0 [sflag:s0], s1  }
0xe7: {  	s1 =	ssub.s32 @!p0 $0x0, s1;
	[sflag:s0] =	ssyncset.done @!p0 $0x0  }
0xe8: {  	[sflag:s0] =	ssyncadd.s32 @!p0 s1  }
0xe9: {  	[bflag:$0x3] =	sbarrier.arrive $0xFFFF  }
0xea: {  	_ =	shalt  }

</sc_bundles>
